<compile_context>
chip_gen: v7x
topology: tpu7x:2x2x1
jax: 0.10.2.dev20260603
libtpu: 0.0.44.dev20260713+nightly
codegen_flags: <defaults>
</compile_context>

<pallas_src>
import functools

import jax
import jax.numpy as jnp
from jax import lax
from jax.experimental import pallas as pl
from jax.experimental.pallas import tpu as pltpu
from jax.experimental.pallas import tpu_sc as plsc

EMBED_DIM = 64
BATCH = 16384
LANES = 16
NUM_CORES = 2
NUM_SUBCORES = 16
NW = NUM_CORES * NUM_SUBCORES
B_PER_W = BATCH // NW
STEP = LANES
NSTEP = B_PER_W // STEP


def _sc_body(src_hbm, tgt_hbm, emb_hbm, gat_hbm, out_hbm,
             sidx, tidx, ts_t, ts_s, tg_t, tg_s, outv, sem):
    c = lax.axis_index("c")
    s = lax.axis_index("s")
    wid = s * NUM_CORES + c
    base = wid * B_PER_W
    lane = lax.iota(jnp.int32, LANES)

    pltpu.sync_copy(src_hbm.at[pl.ds(base, B_PER_W)], sidx)
    pltpu.sync_copy(tgt_hbm.at[pl.ds(base, B_PER_W)], tidx)

    def step_body(st, carry):
        iv_t = tidx[pl.ds(st * STEP, STEP)]
        iv_s = sidx[pl.ds(st * STEP, STEP)]
        cps = []
        for j in range(STEP):
            m = lane == j
            it = jnp.sum(jnp.where(m, iv_t, 0))
            isrc = jnp.sum(jnp.where(m, iv_s, 0))
            cps.append(pltpu.async_copy(emb_hbm.at[it], ts_t.at[j], sem))
            cps.append(pltpu.async_copy(emb_hbm.at[isrc], ts_s.at[j], sem))
            cps.append(pltpu.async_copy(gat_hbm.at[it], tg_t.at[j], sem))
            cps.append(pltpu.async_copy(gat_hbm.at[isrc], tg_s.at[j], sem))
        for cp in cps:
            cp.wait()

        acc = jnp.zeros((LANES,), jnp.float32)
        for j in range(STEP):
            p = jnp.zeros((LANES,), jnp.float32)
            for k in range(EMBED_DIM // LANES):
                sl = pl.ds(k * LANES, LANES)
                gv = tg_t[j, sl] + tg_s[j, sl]
                gate = 1.0 / (1.0 + jnp.exp(-gv))
                p = p + gate * (ts_t[j, sl] - ts_s[j, sl])
            acc = jnp.where(lane == j, jnp.sum(p), acc)
        outv[pl.ds(st * STEP, STEP)] = acc
        return carry

    lax.fori_loop(0, NSTEP, step_body, 0)
    pltpu.sync_copy(outv, out_hbm.at[pl.ds(base, B_PER_W)])


@jax.jit
def kernel(source_nodes, target_nodes, node_embeddings, gates):
    mesh = plsc.VectorSubcoreMesh(core_axis_name="c", subcore_axis_name="s")
    k = pl.kernel(
        _sc_body,
        mesh=mesh,
        compiler_params=pltpu.CompilerParams(needs_layout_passes=False),
        out_type=jax.ShapeDtypeStruct((BATCH,), jnp.float32),
        scratch_types=[
            pltpu.VMEM((B_PER_W,), jnp.int32),
            pltpu.VMEM((B_PER_W,), jnp.int32),
            pltpu.VMEM((STEP, EMBED_DIM), jnp.float32),
            pltpu.VMEM((STEP, EMBED_DIM), jnp.float32),
            pltpu.VMEM((STEP, EMBED_DIM), jnp.float32),
            pltpu.VMEM((STEP, EMBED_DIM), jnp.float32),
            pltpu.VMEM((B_PER_W,), jnp.float32),
            pltpu.SemaphoreType.DMA,
        ],
    )
    return k(
        jnp.asarray(source_nodes, jnp.int32),
        jnp.asarray(target_nodes, jnp.int32),
        node_embeddings,
        gates,
    )

# --- scband reference (transcript-rebuilt; emitter-appended) ---
"""Pipeline reference for scband-sheaf-flow-plus-plus-33277406609526 (READ-ONLY COPY).

The authoritative reference and input builder live on the scoring server;
editing this copy changes nothing except your own understanding.
"""

import jax, jax.numpy as jnp
import numpy as np

NUM_NODES = 1000000
EMBED_DIM = 64
BATCH = 16384
BETA = 1.0


def setup_inputs(seed: int = 0) -> dict:
    key = jax.random.key(seed)
    k1, k2, k3, k4 = jax.random.split(key, 4)
    source_nodes = jax.random.randint(k1, (BATCH,), 0, NUM_NODES, dtype=jnp.int64 if jax.config.jax_enable_x64 else jnp.int32)
    target_nodes = jax.random.randint(k2, (BATCH,), 0, NUM_NODES, dtype=jnp.int64 if jax.config.jax_enable_x64 else jnp.int32)
    node_embeddings = jax.random.normal(k3, (NUM_NODES, EMBED_DIM), dtype=jnp.float32)
    gates = jax.random.normal(k4, (NUM_NODES, EMBED_DIM), dtype=jnp.float32)
    return {
        "source_nodes": source_nodes,
        "target_nodes": target_nodes,
        "node_embeddings": node_embeddings,
        "gates": gates,
    }


def reference(source_nodes, target_nodes, node_embeddings, gates):
    # gradient_forward: embedding gathers
    w_arriving = jnp.take(node_embeddings, target_nodes, axis=0)
    w_leaving = jnp.take(node_embeddings, source_nodes, axis=0)
    gradient = w_arriving - w_leaving
    # gates_forward (use_simple_gates=True)
    g_t = jnp.take(gates, target_nodes, axis=0)
    g_s = jnp.take(gates, source_nodes, axis=0)
    gate_vals = jax.nn.sigmoid(BETA * (g_t + g_s))
    out = jnp.sum(gate_vals * gradient, axis=-1)
    return out

if __name__ == "__main__":
    import jax
    _d = setup_inputs()
    print(jax.jit(kernel)(*tuple(_d.values())))

</pallas_src>

<mosaic_0001>
#map = affine_map<(d0, d1) -> (0)>
#map1 = affine_map<(d0, d1) -> (0, 0)>
module attributes {stable_mosaic.version = 14 : i64} {
  func.func @_sc_body(%arg0: i32, %arg1: i32, %arg2: memref<16384xi32, #tpu.memory_space<hbm>>, %arg3: memref<16384xi32, #tpu.memory_space<hbm>>, %arg4: memref<1000000x64xf32, #tpu.memory_space<hbm>>, %arg5: memref<1000000x64xf32, #tpu.memory_space<hbm>>, %arg6: memref<16384xf32, #tpu.memory_space<hbm>>, %arg7: memref<512xi32, #tpu.memory_space<vmem>>, %arg8: memref<512xi32, #tpu.memory_space<vmem>>, %arg9: memref<16x64xf32, #tpu.memory_space<vmem>>, %arg10: memref<16x64xf32, #tpu.memory_space<vmem>>, %arg11: memref<16x64xf32, #tpu.memory_space<vmem>>, %arg12: memref<16x64xf32, #tpu.memory_space<vmem>>, %arg13: memref<512xf32, #tpu.memory_space<vmem>>, %arg14: memref<!tpu.dma_semaphore, #tpu.memory_space<semaphore_mem>>) attributes {dimension_semantics = [#tpu.dimension_semantics<core_parallel>, #tpu.dimension_semantics<subcore_parallel>], iteration_bounds = array<i64: 2, 16>, scalar_prefetch = 0 : i64, scratch_operands = 8 : i64, tpu.core_type = #tpu.core_type<sc_vector_subcore>, window_params = [{transform_indices = #map}, {transform_indices = #map}, {transform_indices = #map1}, {transform_indices = #map1}, {transform_indices = #map}]} {
    %mul3A = arith.constant 2 : i32
    %mul3A_0 = arith.muli %arg1, %mul3A : i32
    %add3A = arith.addi %mul3A_0, %arg0 : i32
    %mul3A_1 = arith.constant 512 : i32
    %mul3A_2 = arith.muli %add3A, %mul3A_1 : i32
    %iota3A = tpu.iota {dimensions = array<i32: 0>} : vector<16xi32>
    "tpu.region"() ({
      %run_scoped3A = tpu.sem_alloc : memref<!tpu.dma_semaphore, #tpu.memory_space<semaphore_mem>>
      %dma_start3A = tpu.memref_slice %arg2[%mul3A_2] : memref<16384xi32, #tpu.memory_space<hbm>> -> memref<512xi32, #tpu.memory_space<hbm>>
      %dma_start3A_8 = tpu.memref_slice %arg2[%mul3A_2] : memref<16384xi32, #tpu.memory_space<hbm>> -> memref<512xi32, #tpu.memory_space<hbm>>
      tpu.enqueue_dma source(%dma_start3A_8 : memref<512xi32, #tpu.memory_space<hbm>>) target(%arg7 : memref<512xi32, #tpu.memory_space<vmem>>) target_semaphore(%run_scoped3A : memref<!tpu.dma_semaphore, #tpu.memory_space<semaphore_mem>>)
      %dma_wait3A = tpu.memref_slice %arg2[%mul3A_2] : memref<16384xi32, #tpu.memory_space<hbm>> -> memref<512xi32, #tpu.memory_space<hbm>>
      %dma_wait3A_9 = tpu.memref_slice %arg2[%mul3A_2] : memref<16384xi32, #tpu.memory_space<hbm>> -> memref<512xi32, #tpu.memory_space<hbm>>
      tpu.wait_dma2 semaphore(%run_scoped3A : memref<!tpu.dma_semaphore, #tpu.memory_space<semaphore_mem>>) src(%dma_wait3A_9 : memref<512xi32, #tpu.memory_space<hbm>>) dst(%arg7 : memref<512xi32, #tpu.memory_space<vmem>>)
      tpu.yield
    }) : () -> ()
    "tpu.region"() ({
      %run_scoped3A = tpu.sem_alloc : memref<!tpu.dma_semaphore, #tpu.memory_space<semaphore_mem>>
      %dma_start3A = tpu.memref_slice %arg3[%mul3A_2] : memref<16384xi32, #tpu.memory_space<hbm>> -> memref<512xi32, #tpu.memory_space<hbm>>
      %dma_start3A_8 = tpu.memref_slice %arg3[%mul3A_2] : memref<16384xi32, #tpu.memory_space<hbm>> -> memref<512xi32, #tpu.memory_space<hbm>>
      tpu.enqueue_dma source(%dma_start3A_8 : memref<512xi32, #tpu.memory_space<hbm>>) target(%arg8 : memref<512xi32, #tpu.memory_space<vmem>>) target_semaphore(%run_scoped3A : memref<!tpu.dma_semaphore, #tpu.memory_space<semaphore_mem>>)
      %dma_wait3A = tpu.memref_slice %arg3[%mul3A_2] : memref<16384xi32, #tpu.memory_space<hbm>> -> memref<512xi32, #tpu.memory_space<hbm>>
      %dma_wait3A_9 = tpu.memref_slice %arg3[%mul3A_2] : memref<16384xi32, #tpu.memory_space<hbm>> -> memref<512xi32, #tpu.memory_space<hbm>>
      tpu.wait_dma2 semaphore(%run_scoped3A : memref<!tpu.dma_semaphore, #tpu.memory_space<semaphore_mem>>) src(%dma_wait3A_9 : memref<512xi32, #tpu.memory_space<hbm>>) dst(%arg8 : memref<512xi32, #tpu.memory_space<vmem>>)
      tpu.yield
    }) : () -> ()
    %scan3A = arith.constant 0 : i32
    %scan3A_3 = arith.constant 0 : i32
    %scan3A_4 = arith.constant 32 : i32
    %scan3A_5 = arith.addi %scan3A_3, %scan3A_4 : i32
    %scan3A_6 = arith.constant 1 : i32
    scf.for %scan3A_8 = %scan3A_3 to %scan3A_5 step %scan3A_6  : i32 {
      %mul3A_9 = arith.constant 16 : i32
      %mul3A_10 = arith.muli %scan3A_8, %mul3A_9 : i32
      %get3A = arith.index_cast %mul3A_10 : i32 to index
      %get3A_11 = tpu.vector_load %arg8[%get3A] {strides = array<i32>} : memref<512xi32, #tpu.memory_space<vmem>>, vector<16xi32>,
      %mul3A_12 = arith.constant 16 : i32
      %mul3A_13 = arith.muli %scan3A_8, %mul3A_12 : i32
      %get3A_14 = arith.index_cast %mul3A_13 : i32 to index
      %get3A_15 = tpu.vector_load %arg7[%get3A_14] {strides = array<i32>} : memref<512xi32, #tpu.memory_space<vmem>>, vector<16xi32>,
      %eq3A = arith.constant 0 : i32
      %eq3A_16 = vector.broadcast %eq3A : i32 to vector<16xi32>
      %eq3A_17 = arith.cmpi eq, %iota3A, %eq3A_16 : vector<16xi32>
      %jit3A = arith.constant 0 : i32
      %broadcast_in_dim3A = vector.broadcast %jit3A : i32 to vector<16xi32>
      %select_n3A = arith.select %eq3A_17, %get3A_11, %broadcast_in_dim3A : vector<16xi1>, vector<16xi32>
      %reduce_sum3A = arith.constant true
      %reduce_sum3A_18 = vector.broadcast %reduce_sum3A : i1 to vector<16xi1>
      %reduce_sum3A_19 = tpu.scan <sum>, %select_n3A masked %reduce_sum3A_18 : vector<16xi32>, vector<16xi1> -> vector<16xi32>
      %reduce_sum3A_20 = vector.extract %reduce_sum3A_19[15] : i32 from vector<16xi32>
      %jit3A_21 = arith.constant 0 : i32
      %broadcast_in_dim3A_22 = vector.broadcast %jit3A_21 : i32 to vector<16xi32>
      %select_n3A_23 = arith.select %eq3A_17, %get3A_15, %broadcast_in_dim3A_22 : vector<16xi1>, vector<16xi32>
      %reduce_sum3A_24 = arith.constant true
      %reduce_sum3A_25 = vector.broadcast %reduce_sum3A_24 : i1 to vector<16xi1>
      %reduce_sum3A_26 = tpu.scan <sum>, %select_n3A_23 masked %reduce_sum3A_25 : vector<16xi32>, vector<16xi1> -> vector<16xi32>
      %reduce_sum3A_27 = vector.extract %reduce_sum3A_26[15] : i32 from vector<16xi32>
      %dma_start3A = arith.constant 0 : i32
      %dma_start3A_28 = arith.constant 0 : i32
      %dma_start3A_29 = tpu.memref_slice %arg9[%dma_start3A, %dma_start3A_28] : memref<16x64xf32, #tpu.memory_space<vmem>> -> memref<1x64xf32, #tpu.memory_space<vmem>>
      %dma_start3A_30 = tpu.memref_squeeze %dma_start3A_29 : memref<1x64xf32, #tpu.memory_space<vmem>> -> memref<64xf32, #tpu.memory_space<vmem>>
      %dma_start3A_31 = arith.constant 0 : i32
      %dma_start3A_32 = tpu.memref_slice %arg4[%reduce_sum3A_20, %dma_start3A_31] : memref<1000000x64xf32, #tpu.memory_space<hbm>> -> memref<1x64xf32, #tpu.memory_space<hbm>>
      %dma_start3A_33 = tpu.memref_squeeze %dma_start3A_32 : memref<1x64xf32, #tpu.memory_space<hbm>> -> memref<64xf32, #tpu.memory_space<hbm>>
      %dma_start3A_34 = arith.constant 0 : i32
      %dma_start3A_35 = tpu.memref_slice %arg9[%dma_start3A, %dma_start3A_34] : memref<16x64xf32, #tpu.memory_space<vmem>> -> memref<1x64xf32, #tpu.memory_space<vmem>>
      %dma_start3A_36 = tpu.memref_squeeze %dma_start3A_35 : memref<1x64xf32, #tpu.memory_space<vmem>> -> memref<64xf32, #tpu.memory_space<vmem>>
      %dma_start3A_37 = arith.constant 0 : i32
      %dma_start3A_38 = tpu.memref_slice %arg4[%reduce_sum3A_20, %dma_start3A_37] : memref<1000000x64xf32, #tpu.memory_space<hbm>> -> memref<1x64xf32, #tpu.memory_space<hbm>>
      %dma_start3A_39 = tpu.memref_squeeze %dma_start3A_38 : memref<1x64xf32, #tpu.memory_space<hbm>> -> memref<64xf32, #tpu.memory_space<hbm>>
      tpu.enqueue_dma source(%dma_start3A_39 : memref<64xf32, #tpu.memory_space<hbm>>) target(%dma_start3A_36 : memref<64xf32, #tpu.memory_space<vmem>>) target_semaphore(%arg14 : memref<!tpu.dma_semaphore, #tpu.memory_space<semaphore_mem>>)
      %dma_start3A_40 = arith.constant 0 : i32
      %dma_start3A_41 = arith.constant 0 : i32
      %dma_start3A_42 = tpu.memref_slice %arg10[%dma_start3A_40, %dma_start3A_41] : memref<16x64xf32, #tpu.memory_space<vmem>> -> memref<1x64xf32, #tpu.memory_space<vmem>>
      %dma_start3A_43 = tpu.memref_squeeze %dma_start3A_42 : memref<1x64xf32, #tpu.memory_space<vmem>> -> memref<64xf32, #tpu.memory_space<vmem>>
      %dma_start3A_44 = arith.constant 0 : i32
      %dma_start3A_45 = tpu.memref_slice %arg4[%reduce_sum3A_27, %dma_start3A_44] : memref<1000000x64xf32, #tpu.memory_space<hbm>> -> memref<1x64xf32, #tpu.memory_space<hbm>>
      %dma_start3A_46 = tpu.memref_squeeze %dma_start3A_45 : memref<1x64xf32, #tpu.memory_space<hbm>> -> memref<64xf32, #tpu.memory_space<hbm>>
      %dma_start3A_47 = arith.constant 0 : i32
      %dma_start3A_48 = tpu.memref_slice %arg10[%dma_start3A_40, %dma_start3A_47] : memref<16x64xf32, #tpu.memory_space<vmem>> -> memref<1x64xf32, #tpu.memory_space<vmem>>
      %dma_start3A_49 = tpu.memref_squeeze %dma_start3A_48 : memref<1x64xf32, #tpu.memory_space<vmem>> -> memref<64xf32, #tpu.memory_space<vmem>>
      %dma_start3A_50 = arith.constant 0 : i32
      %dma_start3A_51 = tpu.memref_slice %arg4[%reduce_sum3A_27, %dma_start3A_50] : memref<1000000x64xf32, #tpu.memory_space<hbm>> -> memref<1x64xf32, #tpu.memory_space<hbm>>
      %dma_start3A_52 = tpu.memref_squeeze %dma_start3A_51 : memref<1x64xf32, #tpu.memory_space<hbm>> -> memref<64xf32, #tpu.memory_space<hbm>>
      tpu.enqueue_dma source(%dma_start3A_52 : memref<64xf32, #tpu.memory_space<hbm>>) target(%dma_start3A_49 : memref<64xf32, #tpu.memory_space<vmem>>) target_semaphore(%arg14 : memref<!tpu.dma_semaphore, #tpu.memory_space<semaphore_mem>>)
      %dma_start3A_53 = arith.constant 0 : i32
      %dma_start3A_54 = arith.constant 0 : i32
      %dma_start3A_55 = tpu.memref_slice %arg11[%dma_start3A_53, %dma_start3A_54] : memref<16x64xf32, #tpu.memory_space<vmem>> -> memref<1x64xf32, #tpu.memory_space<vmem>>
      %dma_start3A_56 = tpu.memref_squeeze %dma_start3A_55 : memref<1x64xf32, #tpu.memory_space<vmem>> -> memref<64xf32, #tpu.memory_space<vmem>>
      %dma_start3A_57 = arith.constant 0 : i32
      %dma_start3A_58 = tpu.memref_slice %arg5[%reduce_sum3A_20, %dma_start3A_57] : memref<1000000x64xf32, #tpu.memory_space<hbm>> -> memref<1x64xf32, #tpu.memory_space<hbm>>
      %dma_start3A_59 = tpu.memref_squeeze %dma_start3A_58 : memref<1x64xf32, #tpu.memory_space<hbm>> -> memref<64xf32, #tpu.memory_space<hbm>>
      %dma_start3A_60 = arith.constant 0 : i32
      %dma_start3A_61 = tpu.memref_slice %arg11[%dma_start3A_53, %dma_start3A_60] : memref<16x64xf32, #tpu.memory_space<vmem>> -> memref<1x64xf32, #tpu.memory_space<vmem>>
      %dma_start3A_62 = tpu.memref_squeeze %dma_start3A_61 : memref<1x64xf32, #tpu.memory_space<vmem>> -> memref<64xf32, #tpu.memory_space<vmem>>
      %dma_start3A_63 = arith.constant 0 : i32
      %dma_start3A_64 = tpu.memref_slice %arg5[%reduce_sum3A_20, %dma_start3A_63] : memref<1000000x64xf32, #tpu.memory_space<hbm>> -> memref<1x64xf32, #tpu.memory_space<hbm>>
      %dma_start3A_65 = tpu.memref_squeeze %dma_start3A_64 : memref<1x64xf32, #tpu.memory_space<hbm>> -> memref<64xf32, #tpu.memory_space<hbm>>
      tpu.enqueue_dma source(%dma_start3A_65 : memref<64xf32, #tpu.memory_space<hbm>>) target(%dma_start3A_62 : memref<64xf32, #tpu.memory_space<vmem>>) target_semaphore(%arg14 : memref<!tpu.dma_semaphore, #tpu.memory_space<semaphore_mem>>)
      %dma_start3A_66 = arith.constant 0 : i32
      %dma_start3A_67 = arith.constant 0 : i32
      %dma_start3A_68 = tpu.memref_slice %arg12[%dma_start3A_66, %dma_start3A_67] : memref<16x64xf32, #tpu.memory_space<vmem>> -> memref<1x64xf32, #tpu.memory_space<vmem>>
      %dma_start3A_69 = tpu.memref_squeeze %dma_start3A_68 : memref<1x64xf32, #tpu.memory_space<vmem>> -> memref<64xf32, #tpu.memory_space<vmem>>
      %dma_start3A_70 = arith.constant 0 : i32
      %dma_start3A_71 = tpu.memref_slice %arg5[%reduce_sum3A_27, %dma_start3A_70] : memref<1000000x64xf32, #tpu.memory_space<hbm>> -> memref<1x64xf32, #tpu.memory_space<hbm>>
      %dma_start3A_72 = tpu.memref_squeeze %dma_start3A_71 : memref<1x64xf32, #tpu.memory_space<hbm>> -> memref<64xf32, #tpu.memory_space<hbm>>
      %dma_start3A_73 = arith.constant 0 : i32
      %dma_start3A_74 = tpu.memref_slice %arg12[%dma_start3A_66, %dma_start3A_73] : memref<16x64xf32, #tpu.memory_space<vmem>> -> memref<1x64xf32, #tpu.memory_space<vmem>>
      %dma_start3A_75 = tpu.memref_squeeze %dma_start3A_74 : memref<1x64xf32, #tpu.memory_space<vmem>> -> memref<64xf32, #tpu.memory_space<vmem>>
      %dma_start3A_76 = arith.constant 0 : i32
      %dma_start3A_77 = tpu.memref_slice %arg5[%reduce_sum3A_27, %dma_start3A_76] : memref<1000000x64xf32, #tpu.memory_space<hbm>> -> memref<1x64xf32, #tpu.memory_space<hbm>>
      %dma_start3A_78 = tpu.memref_squeeze %dma_start3A_77 : memref<1x64xf32, #tpu.memory_space<hbm>> -> memref<64xf32, #tpu.memory_space<hbm>>
      tpu.enqueue_dma source(%dma_start3A_78 : memref<64xf32, #tpu.memory_space<hbm>>) target(%dma_start3A_75 : memref<64xf32, #tpu.memory_space<vmem>>) target_semaphore(%arg14 : memref<!tpu.dma_semaphore, #tpu.memory_space<semaphore_mem>>)
      %eq3A_79 = arith.constant 1 : i32
      %eq3A_80 = vector.broadcast %eq3A_79 : i32 to vector<16xi32>
      %eq3A_81 = arith.cmpi eq, %iota3A, %eq3A_80 : vector<16xi32>
      %jit3A_82 = arith.constant 0 : i32
      %broadcast_in_dim3A_83 = vector.broadcast %jit3A_82 : i32 to vector<16xi32>
      %select_n3A_84 = arith.select %eq3A_81, %get3A_11, %broadcast_in_dim3A_83 : vector<16xi1>, vector<16xi32>
      %reduce_sum3A_85 = arith.constant true
      %reduce_sum3A_86 = vector.broadcast %reduce_sum3A_85 : i1 to vector<16xi1>
      %reduce_sum3A_87 = tpu.scan <sum>, %select_n3A_84 masked %reduce_sum3A_86 : vector<16xi32>, vector<16xi1> -> vector<16xi32>
      %reduce_sum3A_88 = vector.extract %reduce_sum3A_87[15] : i32 from vector<16xi32>
      %jit3A_89 = arith.constant 0 : i32
      %broadcast_in_dim3A_90 = vector.broadcast %jit3A_89 : i32 to vector<16xi32>
      %select_n3A_91 = arith.select %eq3A_81, %get3A_15, %broadcast_in_dim3A_90 : vector<16xi1>, vector<16xi32>
      %reduce_sum3A_92 = arith.constant true
      %reduce_sum3A_93 = vector.broadcast %reduce_sum3A_92 : i1 to vector<16xi1>
      %reduce_sum3A_94 = tpu.scan <sum>, %select_n3A_91 masked %reduce_sum3A_93 : vector<16xi32>, vector<16xi1> -> vector<16xi32>
      %reduce_sum3A_95 = vector.extract %reduce_sum3A_94[15] : i32 from vector<16xi32>
      %dma_start3A_96 = arith.constant 1 : i32
      %dma_start3A_97 = arith.constant 0 : i32
      %dma_start3A_98 = tpu.memref_slice %arg9[%dma_start3A_96, %dma_start3A_97] : memref<16x64xf32, #tpu.memory_space<vmem>> -> memref<1x64xf32, #tpu.memory_space<vmem>>
      %dma_start3A_99 = tpu.memref_squeeze %dma_start3A_98 : memref<1x64xf32, #tpu.memory_space<vmem>> -> memref<64xf32, #tpu.memory_space<vmem>>
      %dma_start3A_100 = arith.constant 0 : i32
      %dma_start3A_101 = tpu.memref_slice %arg4[%reduce_sum3A_88, %dma_start3A_100] : memref<1000000x64xf32, #tpu.memory_space<hbm>> -> memref<1x64xf32, #tpu.memory_space<hbm>>
      %dma_start3A_102 = tpu.memref_squeeze %dma_start3A_101 : memref<1x64xf32, #tpu.memory_space<hbm>> -> memref<64xf32, #tpu.memory_space<hbm>>
      %dma_start3A_103 = arith.constant 0 : i32
      %dma_start3A_104 = tpu.memref_slice %arg9[%dma_start3A_96, %dma_start3A_103] : memref<16x64xf32, #tpu.memory_space<vmem>> -> memref<1x64xf32, #tpu.memory_space<vmem>>
      %dma_start3A_105 = tpu.memref_squeeze %dma_start3A_104 : memref<1x64xf32, #tpu.memory_space<vmem>> -> memref<64xf32, #tpu.memory_space<vmem>>
      %dma_start3A_106 = arith.constant 0 : i32
      %dma_start3A_107 = tpu.memref_slice %arg4[%reduce_sum3A_88, %dma_start3A_106] : memref<1000000x64xf32, #tpu.memory_space<hbm>> -> memref<1x64xf32, #tpu.memory_space<hbm>>
      %dma_start3A_108 = tpu.memref_squeeze %dma_start3A_107 : memref<1x64xf32, #tpu.memory_space<hbm>> -> memref<64xf32, #tpu.memory_space<hbm>>
      tpu.enqueue_dma source(%dma_start3A_108 : memref<64xf32, #tpu.memory_space<hbm>>) target(%dma_start3A_105 : memref<64xf32, #tpu.memory_space<vmem>>) target_semaphore(%arg14 : memref<!tpu.dma_semaphore, #tpu.memory_space<semaphore_mem>>)
      %dma_start3A_109 = arith.constant 1 : i32
      %dma_start3A_110 = arith.constant 0 : i32
      %dma_start3A_111 = tpu.memref_slice %arg10[%dma_start3A_109, %dma_start3A_110] : memref<16x64xf32, #tpu.memory_space<vmem>> -> memref<1x64xf32, #tpu.memory_space<vmem>>
      %dma_start3A_112 = tpu.memref_squeeze %dma_start3A_111 : memref<1x64xf32, #tpu.memory_space<vmem>> -> memref<64xf32, #tpu.memory_space<vmem>>
      %dma_start3A_113 = arith.constant 0 : i32
      %dma_start3A_114 = tpu.memref_slice %arg4[%reduce_sum3A_95, %dma_start3A_113] : memref<1000000x64xf32, #tpu.memory_space<hbm>> -> memref<1x64xf32, #tpu.memory_space<hbm>>
      %dma_start3A_115 = tpu.memref_squeeze %dma_start3A_114 : memref<1x64xf32, #tpu.memory_space<hbm>> -> memref<64xf32, #tpu.memory_space<hbm>>
      %dma_start3A_116 = arith.constant 0 : i32
      %dma_start3A_117 = tpu.memref_slice %arg10[%dma_start3A_109, %dma_start3A_116] : memref<16x64xf32, #tpu.memory_space<vmem>> -> memref<1x64xf32, #tpu.memory_space<vmem>>
      %dma_start3A_118 = tpu.memref_squeeze %dma_start3A_117 : memref<1x64xf32, #tpu.memory_space<vmem>> -> memref<64xf32, #tpu.memory_space<vmem>>
      %dma_start3A_119 = arith.constant 0 : i32
      %dma_start3A_120 = tpu.memref_slice %arg4[%reduce_sum3A_95, %dma_start3A_119] : memref<1000000x64xf32, #tpu.memory_space<hbm>> -> memref<1x64xf32, #tpu.memory_space<hbm>>
      %dma_start3A_121 = tpu.memref_squeeze %dma_start3A_120 : memref<1x64xf32, #tpu.memory_space<hbm>> -> memref<64xf32, #tpu.memory_space<hbm>>
      tpu.enqueue_dma source(%dma_start3A_121 : memref<64xf32, #tpu.memory_space<hbm>>) target(%dma_start3A_118 : memref<64xf32, #tpu.memory_space<vmem>>) target_semaphore(%arg14 : memref<!tpu.dma_semaphore, #tpu.memory_space<semaphore_mem>>)
      %dma_start3A_122 = arith.constant 1 : i32
      %dma_start3A_123 = arith.constant 0 : i32
      %dma_start3A_124 = tpu.memref_slice %arg11[%dma_start3A_122, %dma_start3A_123] : memref<16x64xf32, #tpu.memory_space<vmem>> -> memref<1x64xf32, #tpu.memory_space<vmem>>
      %dma_start3A_125 = tpu.memref_squeeze %dma_start3A_124 : memref<1x64xf32, #tpu.memory_space<vmem>> -> memref<64xf32, #tpu.memory_space<vmem>>
      %dma_start3A_126 = arith.constant 0 : i32
      %dma_start3A_127 = tpu.memref_slice %arg5[%reduce_sum3A_88, %dma_start3A_126] : memref<1000000x64xf32, #tpu.memory_space<hbm>> -> memref<1x64xf32, #tpu.memory_space<hbm>>
      %dma_start3A_128 = tpu.memref_squeeze %dma_start3A_127 : memref<1x64xf32, #tpu.memory_space<hbm>> -> memref<64xf32, #tpu.memory_space<hbm>>
      %dma_start3A_129 = arith.constant 0 : i32
      %dma_start3A_130 = tpu.memref_slice %arg11[%dma_start3A_122, %dma_start3A_129] : memref<16x64xf32, #tpu.memory_space<vmem>> -> memref<1x64xf32, #tpu.memory_space<vmem>>
      %dma_start3A_131 = tpu.memref_squeeze %dma_start3A_130 : memref<1x64xf32, #tpu.memory_space<vmem>> -> memref<64xf32, #tpu.memory_space<vmem>>
      %dma_start3A_132 = arith.constant 0 : i32
      %dma_start3A_133 = tpu.memref_slice %arg5[%reduce_sum3A_88, %dma_start3A_132] : memref<1000000x64xf32, #tpu.memory_space<hbm>> -> memref<1x64xf32, #tpu.memory_space<hbm>>
      %dma_start3A_134 = tpu.memref_squeeze %dma_start3A_133 : memref<1x64xf32, #tpu.memory_space<hbm>> -> memref<64xf32, #tpu.memory_space<hbm>>
      tpu.enqueue_dma source(%dma_start3A_134 : memref<64xf32, #tpu.memory_space<hbm>>) target(%dma_start3A_131 : memref<64xf32, #tpu.memory_space<vmem>>) target_semaphore(%arg14 : memref<!tpu.dma_semaphore, #tpu.memory_space<semaphore_mem>>)
      %dma_start3A_135 = arith.constant 1 : i32
      %dma_start3A_136 = arith.constant 0 : i32
      %dma_start3A_137 = tpu.memref_slice %arg12[%dma_start3A_135, %dma_start3A_136] : memref<16x64xf32, #tpu.memory_space<vmem>> -> memref<1x64xf32, #tpu.memory_space<vmem>>
      %dma_start3A_138 = tpu.memref_squeeze %dma_start3A_137 : memref<1x64xf32, #tpu.memory_space<vmem>> -> memref<64xf32, #tpu.memory_space<vmem>>
      %dma_start3A_139 = arith.constant 0 : i32
      %dma_start3A_140 = tpu.memref_slice %arg5[%reduce_sum3A_95, %dma_start3A_139] : memref<1000000x64xf32, #tpu.memory_space<hbm>> -> memref<1x64xf32, #tpu.memory_space<hbm>>
      %dma_start3A_141 = tpu.memref_squeeze %dma_start3A_140 : memref<1x64xf32, #tpu.memory_space<hbm>> -> memref<64xf32, #tpu.memory_space<hbm>>
      %dma_start3A_142 = arith.constant 0 : i32
      %dma_start3A_143 = tpu.memref_slice %arg12[%dma_start3A_135, %dma_start3A_142] : memref<16x64xf32, #tpu.memory_space<vmem>> -> memref<1x64xf32, #tpu.memory_space<vmem>>
      %dma_start3A_144 = tpu.memref_squeeze %dma_start3A_143 : memref<1x64xf32, #tpu.memory_space<vmem>> -> memref<64xf32, #tpu.memory_space<vmem>>
      %dma_start3A_145 = arith.constant 0 : i32
      %dma_start3A_146 = tpu.memref_slice %arg5[%reduce_sum3A_95, %dma_start3A_145] : memref<1000000x64xf32, #tpu.memory_space<hbm>> -> memref<1x64xf32, #tpu.memory_space<hbm>>
      %dma_start3A_147 = tpu.memref_squeeze %dma_start3A_146 : memref<1x64xf32, #tpu.memory_space<hbm>> -> memref<64xf32, #tpu.memory_space<hbm>>
      tpu.enqueue_dma source(%dma_start3A_147 : memref<64xf32, #tpu.memory_space<hbm>>) target(%dma_start3A_144 : memref<64xf32, #tpu.memory_space<vmem>>) target_semaphore(%arg14 : memref<!tpu.dma_semaphore, #tpu.memory_space<semaphore_mem>>)
      %eq3A_148 = arith.constant 2 : i32
      %eq3A_149 = vector.broadcast %eq3A_148 : i32 to vector<16xi32>
      %eq3A_150 = arith.cmpi eq, %iota3A, %eq3A_149 : vector<16xi32>
      %jit3A_151 = arith.constant 0 : i32
      %broadcast_in_dim3A_152 = vector.broadcast %jit3A_151 : i32 to vector<16xi32>
      %select_n3A_153 = arith.select %eq3A_150, %get3A_11, %broadcast_in_dim3A_152 : vector<16xi1>, vector<16xi32>
      %reduce_sum3A_154 = arith.constant true
      %reduce_sum3A_155 = vector.broadcast %reduce_sum3A_154 : i1 to vector<16xi1>
      %reduce_sum3A_156 = tpu.scan <sum>, %select_n3A_153 masked %reduce_sum3A_155 : vector<16xi32>, vector<16xi1> -> vector<16xi32>
      %reduce_sum3A_157 = vector.extract %reduce_sum3A_156[15] : i32 from vector<16xi32>
      %jit3A_158 = arith.constant 0 : i32
      %broadcast_in_dim3A_159 = vector.broadcast %jit3A_158 : i32 to vector<16xi32>
      %select_n3A_160 = arith.select %eq3A_150, %get3A_15, %broadcast_in_dim3A_159 : vector<16xi1>, vector<16xi32>
      %reduce_sum3A_161 = arith.constant true
      %reduce_sum3A_162 = vector.broadcast %reduce_sum3A_161 : i1 to vector<16xi1>
      %reduce_sum3A_163 = tpu.scan <sum>, %select_n3A_160 masked %reduce_sum3A_162 : vector<16xi32>, vector<16xi1> -> vector<16xi32>
      %reduce_sum3A_164 = vector.extract %reduce_sum3A_163[15] : i32 from vector<16xi32>
      %dma_start3A_165 = arith.constant 2 : i32
      %dma_start3A_166 = arith.constant 0 : i32
      %dma_start3A_167 = tpu.memref_slice %arg9[%dma_start3A_165, %dma_start3A_166] : memref<16x64xf32, #tpu.memory_space<vmem>> -> memref<1x64xf32, #tpu.memory_space<vmem>>
      %dma_start3A_168 = tpu.memref_squeeze %dma_start3A_167 : memref<1x64xf32, #tpu.memory_space<vmem>> -> memref<64xf32, #tpu.memory_space<vmem>>
      %dma_start3A_169 = arith.constant 0 : i32
      %dma_start3A_170 = tpu.memref_slice %arg4[%reduce_sum3A_157, %dma_start3A_169] : memref<1000000x64xf32, #tpu.memory_space<hbm>> -> memref<1x64xf32, #tpu.memory_space<hbm>>
      %dma_start3A_171 = tpu.memref_squeeze %dma_start3A_170 : memref<1x64xf32, #tpu.memory_space<hbm>> -> memref<64xf32, #tpu.memory_space<hbm>>
      %dma_start3A_172 = arith.constant 0 : i32
      %dma_start3A_173 = tpu.memref_slice %arg9[%dma_start3A_165, %dma_start3A_172] : memref<16x64xf32, #tpu.memory_space<vmem>> -> memref<1x64xf32, #tpu.memory_space<vmem>>
      %dma_start3A_174 = tpu.memref_squeeze %dma_start3A_173 : memref<1x64xf32, #tpu.memory_space<vmem>> -> memref<64xf32, #tpu.memory_space<vmem>>
      %dma_start3A_175 = arith.constant 0 : i32
      %dma_start3A_176 = tpu.memref_slice %arg4[%reduce_sum3A_157, %dma_start3A_175] : memref<1000000x64xf32, #tpu.memory_space<hbm>> -> memref<1x64xf32, #tpu.memory_space<hbm>>
      %dma_start3A_177 = tpu.memref_squeeze %dma_start3A_176 : memref<1x64xf32, #tpu.memory_space<hbm>> -> memref<64xf32, #tpu.memory_space<hbm>>
      tpu.enqueue_dma source(%dma_start3A_177 : memref<64xf32, #tpu.memory_space<hbm>>) target(%dma_start3A_174 : memref<64xf32, #tpu.memory_space<vmem>>) target_semaphore(%arg14 : memref<!tpu.dma_semaphore, #tpu.memory_space<semaphore_mem>>)
      %dma_start3A_178 = arith.constant 2 : i32
      %dma_start3A_179 = arith.constant 0 : i32
      %dma_start3A_180 = tpu.memref_slice %arg10[%dma_start3A_178, %dma_start3A_179] : memref<16x64xf32, #tpu.memory_space<vmem>> -> memref<1x64xf32, #tpu.memory_space<vmem>>
      %dma_start3A_181 = tpu.memref_squeeze %dma_start3A_180 : memref<1x64xf32, #tpu.memory_space<vmem>> -> memref<64xf32, #tpu.memory_space<vmem>>
      %dma_start3A_182 = arith.constant 0 : i32
      %dma_start3A_183 = tpu.memref_slice %arg4[%reduce_sum3A_164, %dma_start3A_182] : memref<1000000x64xf32, #tpu.memory_space<hbm>> -> memref<1x64xf32, #tpu.memory_space<hbm>>
      %dma_start3A_184 = tpu.memref_squeeze %dma_start3A_183 : memref<1x64xf32, #tpu.memory_space<hbm>> -> memref<64xf32, #tpu.memory_space<hbm>>
      %dma_start3A_185 = arith.constant 0 : i32
      %dma_start3A_186 = tpu.memref_slice %arg10[%dma_start3A_178, %dma_start3A_185] : memref<16x64xf32, #tpu.memory_space<vmem>> -> memref<1x64xf32, #tpu.memory_space<vmem>>
      %dma_start3A_187 = tpu.memref_squeeze %dma_start3A_186 : memref<1x64xf32, #tpu.memory_space<vmem>> -> memref<64xf32, #tpu.memory_space<vmem>>
      %dma_start3A_188 = arith.constant 0 : i32
      %dma_start3A_189 = tpu.memref_slice %arg4[%reduce_sum3A_164, %dma_start3A_188] : memref<1000000x64xf32, #tpu.memory_space<hbm>> -> memref<1x64xf32, #tpu.memory_space<hbm>>
      %dma_start3A_190 = tpu.memref_squeeze %dma_start3A_189 : memref<1x64xf32, #tpu.memory_space<hbm>> -> memref<64xf32, #tpu.memory_space<hbm>>
      tpu.enqueue_dma source(%dma_start3A_190 : memref<64xf32, #tpu.memory_space<hbm>>) target(%dma_start3A_187 : memref<64xf32, #tpu.memory_space<vmem>>) target_semaphore(%arg14 : memref<!tpu.dma_semaphore, #tpu.memory_space<semaphore_mem>>)
      %dma_start3A_191 = arith.constant 2 : i32
      %dma_start3A_192 = arith.constant 0 : i32
      %dma_start3A_193 = tpu.memref_slice %arg11[%dma_start3A_191, %dma_start3A_192] : memref<16x64xf32, #tpu.memory_space<vmem>> -> memref<1x64xf32, #tpu.memory_space<vmem>>
      %dma_start3A_194 = tpu.memref_squeeze %dma_start3A_193 : memref<1x64xf32, #tpu.memory_space<vmem>> -> memref<64xf32, #tpu.memory_space<vmem>>
      %dma_start3A_195 = arith.constant 0 : i32
      %dma_start3A_196 = tpu.memref_slice %arg5[%reduce_sum3A_157, %dma_start3A_195] : memref<1000000x64xf32, #tpu.memory_space<hbm>> -> memref<1x64xf32, #tpu.memory_space<hbm>>
      %dma_start3A_197 = tpu.memref_squeeze %dma_start3A_196 : memref<1x64xf32, #tpu.memory_space<hbm>> -> memref<64xf32, #tpu.memory_space<hbm>>
      %dma_start3A_198 = arith.constant 0 : i32
      %dma_start3A_199 = tpu.memref_slice %arg11[%dma_start3A_191, %dma_start3A_198] : memref<16x64xf32, #tpu.memory_space<vmem>> -> memref<1x64xf32, #tpu.memory_space<vmem>>
      %dma_start3A_200 = tpu.memref_squeeze %dma_start3A_199 : memref<1x64xf32, #tpu.memory_space<vmem>> -> memref<64xf32, #tpu.memory_space<vmem>>
      %dma_start3A_201 = arith.constant 0 : i32
      %dma_start3A_202 = tpu.memref_slice %arg5[%reduce_sum3A_157, %dma_start3A_201] : memref<1000000x64xf32, #tpu.memory_space<hbm>> -> memref<1x64xf32, #tpu.memory_space<hbm>>
      %dma_start3A_203 = tpu.memref_squeeze %dma_start3A_202 : memref<1x64xf32, #tpu.memory_space<hbm>> -> memref<64xf32, #tpu.memory_space<hbm>>
      tpu.enqueue_dma source(%dma_start3A_203 : memref<64xf32, #tpu.memory_space<hbm>>) target(%dma_start3A_200 : memref<64xf32, #tpu.memory_space<vmem>>) target_semaphore(%arg14 : memref<!tpu.dma_semaphore, #tpu.memory_space<semaphore_mem>>)
      %dma_start3A_204 = arith.constant 2 : i32
      %dma_start3A_205 = arith.constant 0 : i32
      %dma_start3A_206 = tpu.memref_slice %arg12[%dma_start3A_204, %dma_start3A_205] : memref<16x64xf32, #tpu.memory_space<vmem>> -> memref<1x64xf32, #tpu.memory_space<vmem>>
      %dma_start3A_207 = tpu.memref_squeeze %dma_start3A_206 : memref<1x64xf32, #tpu.memory_space<vmem>> -> memref<64xf32, #tpu.memory_space<vmem>>
      %dma_start3A_208 = arith.constant 0 : i32
      %dma_start3A_209 = tpu.memref_slice %arg5[%reduce_sum3A_164, %dma_start3A_208] : memref<1000000x64xf32, #tpu.memory_space<hbm>> -> memref<1x64xf32, #tpu.memory_space<hbm>>
      %dma_start3A_210 = tpu.memref_squeeze %dma_start3A_209 : memref<1x64xf32, #tpu.memory_space<hbm>> -> memref<64xf32, #tpu.memory_space<hbm>>
      %dma_start3A_211 = arith.constant 0 : i32
      %dma_start3A_212 = tpu.memref_slice %arg12[%dma_start3A_204, %dma_start3A_211] : memref<16x64xf32, #tpu.memory_space<vmem>> -> memref<1x64xf32, #tpu.memory_space<vmem>>
      %dma_start3A_213 = tpu.memref_squeeze %dma_start3A_212 : memref<1x64xf32, #tpu.memory_space<vmem>> -> memref<64xf32, #tpu.memory_space<vmem>>
      %dma_start3A_214 = arith.constant 0 : i32
      %dma_start3A_215 = tpu.memref_slice %arg5[%reduce_sum3A_164, %dma_start3A_214] : memref<1000000x64xf32, #tpu.memory_space<hbm>> -> memref<1x64xf32, #tpu.memory_space<hbm>>
      %dma_start3A_216 = tpu.memref_squeeze %dma_start3A_215 : memref<1x64xf32, #tpu.memory_space<hbm>> -> memref<64xf32, #tpu.memory_space<hbm>>
      tpu.enqueue_dma source(%dma_start3A_216 : memref<64xf32, #tpu.memory_space<hbm>>) target(%dma_start3A_213 : memref<64xf32, #tpu.memory_space<vmem>>) target_semaphore(%arg14 : memref<!tpu.dma_semaphore, #tpu.memory_space<semaphore_mem>>)
      %eq3A_217 = arith.constant 3 : i32
      %eq3A_218 = vector.broadcast %eq3A_217 : i32 to vector<16xi32>
      %eq3A_219 = arith.cmpi eq, %iota3A, %eq3A_218 : vector<16xi32>
      %jit3A_220 = arith.constant 0 : i32
      %broadcast_in_dim3A_221 = vector.broadcast %jit3A_220 : i32 to vector<16xi32>
      %select_n3A_222 = arith.select %eq3A_219, %get3A_11, %broadcast_in_dim3A_221 : vector<16xi1>, vector<16xi32>
      %reduce_sum3A_223 = arith.constant true
      %reduce_sum3A_224 = vector.broadcast %reduce_sum3A_223 : i1 to vector<16xi1>
      %reduce_sum3A_225 = tpu.scan <sum>, %select_n3A_222 masked %reduce_sum3A_224 : vector<16xi32>, vector<16xi1> -> vector<16xi32>
      %reduce_sum3A_226 = vector.extract %reduce_sum3A_225[15] : i32 from vector<16xi32>
      %jit3A_227 = arith.constant 0 : i32
      %broadcast_in_dim3A_228 = vector.broadcast %jit3A_227 : i32 to vector<16xi32>
      %select_n3A_229 = arith.select %eq3A_219, %get3A_15, %broadcast_in_dim3A_228 : vector<16xi1>, vector<16xi32>
      %reduce_sum3A_230 = arith.constant true
      %reduce_sum3A_231 = vector.broadcast %reduce_sum3A_230 : i1 to vector<16xi1>
      %reduce_sum3A_232 = tpu.scan <sum>, %select_n3A_229 masked %reduce_sum3A_231 : vector<16xi32>, vector<16xi1> -> vector<16xi32>
      %reduce_sum3A_233 = vector.extract %reduce_sum3A_232[15] : i32 from vector<16xi32>
      %dma_start3A_234 = arith.constant 3 : i32
      %dma_start3A_235 = arith.constant 0 : i32
      %dma_start3A_236 = tpu.memref_slice %arg9[%dma_start3A_234, %dma_start3A_235] : memref<16x64xf32, #tpu.memory_space<vmem>> -> memref<1x64xf32, #tpu.memory_space<vmem>>
      %dma_start3A_237 = tpu.memref_squeeze %dma_start3A_236 : memref<1x64xf32, #tpu.memory_space<vmem>> -> memref<64xf32, #tpu.memory_space<vmem>>
      %dma_start3A_238 = arith.constant 0 : i32
      %dma_start3A_239 = tpu.memref_slice %arg4[%reduce_sum3A_226, %dma_start3A_238] : memref<1000000x64xf32, #tpu.memory_space<hbm>> -> memref<1x64xf32, #tpu.memory_space<hbm>>
      %dma_start3A_240 = tpu.memref_squeeze %dma_start3A_239 : memref<1x64xf32, #tpu.memory_space<hbm>> -> memref<64xf32, #tpu.memory_space<hbm>>
      %dma_start3A_241 = arith.constant 0 : i32
      %dma_start3A_242 = tpu.memref_slice %arg9[%dma_start3A_234, %dma_start3A_241] : memref<16x64xf32, #tpu.memory_space<vmem>> -> memref<1x64xf32, #tpu.memory_space<vmem>>
      %dma_start3A_243 = tpu.memref_squeeze %dma_start3A_242 : memref<1x64xf32, #tpu.memory_space<vmem>> -> memref<64xf32, #tpu.memory_space<vmem>>
      %dma_start3A_244 = arith.constant 0 : i32
      %dma_start3A_245 = tpu.memref_slice %arg4[%reduce_sum3A_226, %dma_start3A_244] : memref<1000000x64xf32, #tpu.memory_space<hbm>> -> memref<1x64xf32, #tpu.memory_space<hbm>>
      %dma_start3A_246 = tpu.memref_squeeze %dma_start3A_245 : memref<1x64xf32, #tpu.memory_space<hbm>> -> memref<64xf32, #tpu.memory_space<hbm>>
      tpu.enqueue_dma source(%dma_start3A_246 : memref<64xf32, #tpu.memory_space<hbm>>) target(%dma_start3A_243 : memref<64xf32, #tpu.memory_space<vmem>>) target_semaphore(%arg14 : memref<!tpu.dma_semaphore, #tpu.memory_space<semaphore_mem>>)
      %dma_start3A_247 = arith.constant 3 : i32
      %dma_start3A_248 = arith.constant 0 : i32
      %dma_start3A_249 = tpu.memref_slice %arg10[%dma_start3A_247, %dma_start3A_248] : memref<16x64xf32, #tpu.memory_space<vmem>> -> memref<1x64xf32, #tpu.memory_space<vmem>>
      %dma_start3A_250 = tpu.memref_squeeze %dma_start3A_249 : memref<1x64xf32, #tpu.memory_space<vmem>> -> memref<64xf32, #tpu.memory_space<vmem>>
      %dma_start3A_251 = arith.constant 0 : i32
      %dma_start3A_252 = tpu.memref_slice %arg4[%reduce_sum3A_233, %dma_start3A_251] : memref<1000000x64xf32, #tpu.memory_space<hbm>> -> memref<1x64xf32, #tpu.memory_space<hbm>>
      %dma_start3A_253 = tpu.memref_squeeze %dma_start3A_252 : memref<1x64xf32, #tpu.memory_space<hbm>> -> memref<64xf32, #tpu.memory_space<hbm>>
      %dma_start3A_254 = arith.constant 0 : i32
      %dma_start3A_255 = tpu.memref_slice %arg10[%dma_start3A_247, %dma_start3A_254] : memref<16x64xf32, #tpu.memory_space<vmem>> -> memref<1x64xf32, #tpu.memory_space<vmem>>
      %dma_start3A_256 = tpu.memref_squeeze %dma_start3A_255 : memref<1x64xf32, #tpu.memory_space<vmem>> -> memref<64xf32, #tpu.memory_space<vmem>>
      %dma_start3A_257 = arith.constant 0 : i32
      %dma_start3A_258 = tpu.memref_slice %arg4[%reduce_sum3A_233, %dma_start3A_257] : memref<1000000x64xf32, #tpu.memory_space<hbm>> -> memref<1x64xf32, #tpu.memory_space<hbm>>
      %dma_start3A_259 = tpu.memref_squeeze %dma_start3A_258 : memref<1x64xf32, #tpu.memory_space<hbm>> -> memref<64xf32, #tpu.memory_space<hbm>>
      tpu.enqueue_dma source(%dma_start3A_259 : memref<64xf32, #tpu.memory_space<hbm>>) target(%dma_start3A_256 : memref<64xf32, #tpu.memory_space<vmem>>) target_semaphore(%arg14 : memref<!tpu.dma_semaphore, #tpu.memory_space<semaphore_mem>>)
      %dma_start3A_260 = arith.constant 3 : i32
      %dma_start3A_261 = arith.constant 0 : i32
      %dma_start3A_262 = tpu.memref_slice %arg11[%dma_start3A_260, %dma_start3A_261] : memref<16x64xf32, #tpu.memory_space<vmem>> -> memref<1x64xf32, #tpu.memory_space<vmem>>
      %dma_start3A_263 = tpu.memref_squeeze %dma_start3A_262 : memref<1x64xf32, #tpu.memory_space<vmem>> -> memref<64xf32, #tpu.memory_space<vmem>>
      %dma_start3A_264 = arith.constant 0 : i32
      %dma_start3A_265 = tpu.memref_slice %arg5[%reduce_sum3A_226, %dma_start3A_264] : memref<1000000x64xf32, #tpu.memory_space<hbm>> -> memref<1x64xf32, #tpu.memory_space<hbm>>
      %dma_start3A_266 = tpu.memref_squeeze %dma_start3A_265 : memref<1x64xf32, #tpu.memory_space<hbm>> -> memref<64xf32, #tpu.memory_space<hbm>>
      %dma_start3A_267 = arith.constant 0 : i32
      %dma_start3A_268 = tpu.memref_slice %arg11[%dma_start3A_260, %dma_start3A_267] : memref<16x64xf32, #tpu.memory_space<vmem>> -> memref<1x64xf32, #tpu.memory_space<vmem>>
      %dma_start3A_269 = tpu.memref_squeeze %dma_start3A_268 : memref<1x64xf32, #tpu.memory_space<vmem>> -> memref<64xf32, #tpu.memory_space<vmem>>
      %dma_start3A_270 = arith.constant 0 : i32
      %dma_start3A_271 = tpu.memref_slice %arg5[%reduce_sum3A_226, %dma_start3A_270] : memref<1000000x64xf32, #tpu.memory_space<hbm>> -> memref<1x64xf32, #tpu.memory_space<hbm>>
      %dma_start3A_272 = tpu.memref_squeeze %dma_start3A_271 : memref<1x64xf32, #tpu.memory_space<hbm>> -> memref<64xf32, #tpu.memory_space<hbm>>
      tpu.enqueue_dma source(%dma_start3A_272 : memref<64xf32, #tpu.memory_space<hbm>>) target(%dma_start3A_269 : memref<64xf32, #tpu.memory_space<vmem>>) target_semaphore(%arg14 : memref<!tpu.dma_semaphore, #tpu.memory_space<semaphore_mem>>)
      %dma_start3A_273 = arith.constant 3 : i32
      %dma_start3A_274 = arith.constant 0 : i32
      %dma_start3A_275 = tpu.memref_slice %arg12[%dma_start3A_273, %dma_start3A_274] : memref<16x64xf32, #tpu.memory_space<vmem>> -> memref<1x64xf32, #tpu.memory_space<vmem>>
      %dma_start3A_276 = tpu.memref_squeeze %dma_start3A_275 : memref<1x64xf32, #tpu.memory_space<vmem>> -> memref<64xf32, #tpu.memory_space<vmem>>
      %dma_start3A_277 = arith.constant 0 : i32
      %dma_start3A_278 = tpu.memref_slice %arg5[%reduce_sum3A_233, %dma_start3A_277] : memref<1000000x64xf32, #tpu.memory_space<hbm>> -> memref<1x64xf32, #tpu.memory_space<hbm>>
      %dma_start3A_279 = tpu.memref_squeeze %dma_start3A_278 : memref<1x64xf32, #tpu.memory_space<hbm>> -> memref<64xf32, #tpu.memory_space<hbm>>
      %dma_start3A_280 = arith.constant 0 : i32
      %dma_start3A_281 = tpu.memref_slice %arg12[%dma_start3A_273, %dma_start3A_280] : memref<16x64xf32, #tpu.memory_space<vmem>> -> memref<1x64xf32, #tpu.memory_space<vmem>>
      %dma_start3A_282 = tpu.memref_squeeze %dma_start3A_281 : memref<1x64xf32, #tpu.memory_space<vmem>> -> memref<64xf32, #tpu.memory_space<vmem>>
      %dma_start3A_283 = arith.constant 0 : i32
      %dma_start3A_284 = tpu.memref_slice %arg5[%reduce_sum3A_233, %dma_start3A_283] : memref<1000000x64xf32, #tpu.memory_space<hbm>> -> memref<1x64xf32, #tpu.memory_space<hbm>>
      %dma_start3A_285 = tpu.memref_squeeze %dma_start3A_284 : memref<1x64xf32, #tpu.memory_space<hbm>> -> memref<64xf32, #tpu.memory_space<hbm>>
      tpu.enqueue_dma source(%dma_start3A_285 : memref<64xf32, #tpu.memory_space<hbm>>) target(%dma_start3A_282 : memref<64xf32, #tpu.memory_space<vmem>>) target_semaphore(%arg14 : memref<!tpu.dma_semaphore, #tpu.memory_space<semaphore_mem>>)
      %eq3A_286 = arith.constant 4 : i32
      %eq3A_287 = vector.broadcast %eq3A_286 : i32 to vector<16xi32>
      %eq3A_288 = arith.cmpi eq, %iota3A, %eq3A_287 : vector<16xi32>
      %jit3A_289 = arith.constant 0 : i32
      %broadcast_in_dim3A_290 = vector.broadcast %jit3A_289 : i32 to vector<16xi32>
      %select_n3A_291 = arith.select %eq3A_288, %get3A_11, %broadcast_in_dim3A_290 : vector<16xi1>, vector<16xi32>
      %reduce_sum3A_292 = arith.constant true
      %reduce_sum3A_293 = vector.broadcast %reduce_sum3A_292 : i1 to vector<16xi1>
      %reduce_sum3A_294 = tpu.scan <sum>, %select_n3A_291 masked %reduce_sum3A_293 : vector<16xi32>, vector<16xi1> -> vector<16xi32>
      %reduce_sum3A_295 = vector.extract %reduce_sum3A_294[15] : i32 from vector<16xi32>
      %jit3A_296 = arith.constant 0 : i32
      %broadcast_in_dim3A_297 = vector.broadcast %jit3A_296 : i32 to vector<16xi32>
      %select_n3A_298 = arith.select %eq3A_288, %get3A_15, %broadcast_in_dim3A_297 : vector<16xi1>, vector<16xi32>
      %reduce_sum3A_299 = arith.constant true
      %reduce_sum3A_300 = vector.broadcast %reduce_sum3A_299 : i1 to vector<16xi1>
      %reduce_sum3A_301 = tpu.scan <sum>, %select_n3A_298 masked %reduce_sum3A_300 : vector<16xi32>, vector<16xi1> -> vector<16xi32>
      %reduce_sum3A_302 = vector.extract %reduce_sum3A_301[15] : i32 from vector<16xi32>
      %dma_start3A_303 = arith.constant 4 : i32
      %dma_start3A_304 = arith.constant 0 : i32
      %dma_start3A_305 = tpu.memref_slice %arg9[%dma_start3A_303, %dma_start3A_304] : memref<16x64xf32, #tpu.memory_space<vmem>> -> memref<1x64xf32, #tpu.memory_space<vmem>>
      %dma_start3A_306 = tpu.memref_squeeze %dma_start3A_305 : memref<1x64xf32, #tpu.memory_space<vmem>> -> memref<64xf32, #tpu.memory_space<vmem>>
      %dma_start3A_307 = arith.constant 0 : i32
      %dma_start3A_308 = tpu.memref_slice %arg4[%reduce_sum3A_295, %dma_start3A_307] : memref<1000000x64xf32, #tpu.memory_space<hbm>> -> memref<1x64xf32, #tpu.memory_space<hbm>>
      %dma_start3A_309 = tpu.memref_squeeze %dma_start3A_308 : memref<1x64xf32, #tpu.memory_space<hbm>> -> memref<64xf32, #tpu.memory_space<hbm>>
      %dma_start3A_310 = arith.constant 0 : i32
      %dma_start3A_311 = tpu.memref_slice %arg9[%dma_start3A_303, %dma_start3A_310] : memref<16x64xf32, #tpu.memory_space<vmem>> -> memref<1x64xf32, #tpu.memory_space<vmem>>
      %dma_start3A_312 = tpu.memref_squeeze %dma_start3A_311 : memref<1x64xf32, #tpu.memory_space<vmem>> -> memref<64xf32, #tpu.memory_space<vmem>>
      %dma_start3A_313 = arith.constant 0 : i32
      %dma_start3A_314 = tpu.memref_slice %arg4[%reduce_sum3A_295, %dma_start3A_313] : memref<1000000x64xf32, #tpu.memory_space<hbm>> -> memref<1x64xf32, #tpu.memory_space<hbm>>
      %dma_start3A_315 = tpu.memref_squeeze %dma_start3A_314 : memref<1x64xf32, #tpu.memory_space<hbm>> -> memref<64xf32, #tpu.memory_space<hbm>>
      tpu.enqueue_dma source(%dma_start3A_315 : memref<64xf32, #tpu.memory_space<hbm>>) target(%dma_start3A_312 : memref<64xf32, #tpu.memory_space<vmem>>) target_semaphore(%arg14 : memref<!tpu.dma_semaphore, #tpu.memory_space<semaphore_mem>>)
      %dma_start3A_316 = arith.constant 4 : i32
      %dma_start3A_317 = arith.constant 0 : i32
      %dma_start3A_318 = tpu.memref_slice %arg10[%dma_start3A_316, %dma_start3A_317] : memref<16x64xf32, #tpu.memory_space<vmem>> -> memref<1x64xf32, #tpu.memory_space<vmem>>
      %dma_start3A_319 = tpu.memref_squeeze %dma_start3A_318 : memref<1x64xf32, #tpu.memory_space<vmem>> -> memref<64xf32, #tpu.memory_space<vmem>>
      %dma_start3A_320 = arith.constant 0 : i32
      %dma_start3A_321 = tpu.memref_slice %arg4[%reduce_sum3A_302, %dma_start3A_320] : memref<1000000x64xf32, #tpu.memory_space<hbm>> -> memref<1x64xf32, #tpu.memory_space<hbm>>
      %dma_start3A_322 = tpu.memref_squeeze %dma_start3A_321 : memref<1x64xf32, #tpu.memory_space<hbm>> -> memref<64xf32, #tpu.memory_space<hbm>>
      %dma_start3A_323 = arith.constant 0 : i32
      %dma_start3A_324 = tpu.memref_slice %arg10[%dma_start3A_316, %dma_start3A_323] : memref<16x64xf32, #tpu.memory_space<vmem>> -> memref<1x64xf32, #tpu.memory_space<vmem>>
      %dma_start3A_325 = tpu.memref_squeeze %dma_start3A_324 : memref<1x64xf32, #tpu.memory_space<vmem>> -> memref<64xf32, #tpu.memory_space<vmem>>
      %dma_start3A_326 = arith.constant 0 : i32
      %dma_start3A_327 = tpu.memref_slice %arg4[%reduce_sum3A_302, %dma_start3A_326] : memref<1000000x64xf32, #tpu.memory_space<hbm>> -> memref<1x64xf32, #tpu.memory_space<hbm>>
      %dma_start3A_328 = tpu.memref_squeeze %dma_start3A_327 : memref<1x64xf32, #tpu.memory_space<hbm>> -> memref<64xf32, #tpu.memory_space<hbm>>
      tpu.enqueue_dma source(%dma_start3A_328 : memref<64xf32, #tpu.memory_space<hbm>>) target(%dma_start3A_325 : memref<64xf32, #tpu.memory_space<vmem>>) target_semaphore(%arg14 : memref<!tpu.dma_semaphore, #tpu.memory_space<semaphore_mem>>)
      %dma_start3A_329 = arith.constant 4 : i32
      %dma_start3A_330 = arith.constant 0 : i32
      %dma_start3A_331 = tpu.memref_slice %arg11[%dma_start3A_329, %dma_start3A_330] : memref<16x64xf32, #tpu.memory_space<vmem>> -> memref<1x64xf32, #tpu.memory_space<vmem>>
      %dma_start3A_332 = tpu.memref_squeeze %dma_start3A_331 : memref<1x64xf32, #tpu.memory_space<vmem>> -> memref<64xf32, #tpu.memory_space<vmem>>
      %dma_start3A_333 = arith.constant 0 : i32
      %dma_start3A_334 = tpu.memref_slice %arg5[%reduce_sum3A_295, %dma_start3A_333] : memref<1000000x64xf32, #tpu.memory_space<hbm>> -> memref<1x64xf32, #tpu.memory_space<hbm>>
      %dma_start3A_335 = tpu.memref_squeeze %dma_start3A_334 : memref<1x64xf32, #tpu.memory_space<hbm>> -> memref<64xf32, #tpu.memory_space<hbm>>
      %dma_start3A_336 = arith.constant 0 : i32
      %dma_start3A_337 = tpu.memref_slice %arg11[%dma_start3A_329, %dma_start3A_336] : memref<16x64xf32, #tpu.memory_space<vmem>> -> memref<1x64xf32, #tpu.memory_space<vmem>>
      %dma_start3A_338 = tpu.memref_squeeze %dma_start3A_337 : memref<1x64xf32, #tpu.memory_space<vmem>> -> memref<64xf32, #tpu.memory_space<vmem>>
      %dma_start3A_339 = arith.constant 0 : i32
      %dma_start3A_340 = tpu.memref_slice %arg5[%reduce_sum3A_295, %dma_start3A_339] : memref<1000000x64xf32, #tpu.memory_space<hbm>> -> memref<1x64xf32, #tpu.memory_space<hbm>>
      %dma_start3A_341 = tpu.memref_squeeze %dma_start3A_340 : memref<1x64xf32, #tpu.memory_space<hbm>> -> memref<64xf32, #tpu.memory_space<hbm>>
      tpu.enqueue_dma source(%dma_start3A_341 : memref<64xf32, #tpu.memory_space<hbm>>) target(%dma_start3A_338 : memref<64xf32, #tpu.memory_space<vmem>>) target_semaphore(%arg14 : memref<!tpu.dma_semaphore, #tpu.memory_space<semaphore_mem>>)
      %dma_start3A_342 = arith.constant 4 : i32
      %dma_start3A_343 = arith.constant 0 : i32
      %dma_start3A_344 = tpu.memref_slice %arg12[%dma_start3A_342, %dma_start3A_343] : memref<16x64xf32, #tpu.memory_space<vmem>> -> memref<1x64xf32, #tpu.memory_space<vmem>>
      %dma_start3A_345 = tpu.memref_squeeze %dma_start3A_344 : memref<1x64xf32, #tpu.memory_space<vmem>> -> memref<64xf32, #tpu.memory_space<vmem>>
      %dma_start3A_346 = arith.constant 0 : i32
      %dma_start3A_347 = tpu.memref_slice %arg5[%reduce_sum3A_302, %dma_start3A_346] : memref<1000000x64xf32, #tpu.memory_space<hbm>> -> memref<1x64xf32, #tpu.memory_space<hbm>>
      %dma_start3A_348 = tpu.memref_squeeze %dma_start3A_347 : memref<1x64xf32, #tpu.memory_space<hbm>> -> memref<64xf32, #tpu.memory_space<hbm>>
      %dma_start3A_349 = arith.constant 0 : i32
      %dma_start3A_350 = tpu.memref_slice %arg12[%dma_start3A_342, %dma_start3A_349] : memref<16x64xf32, #tpu.memory_space<vmem>> -> memref<1x64xf32, #tpu.memory_space<vmem>>
      %dma_start3A_351 = tpu.memref_squeeze %dma_start3A_350 : memref<1x64xf32, #tpu.memory_space<vmem>> -> memref<64xf32, #tpu.memory_space<vmem>>
      %dma_start3A_352 = arith.constant 0 : i32
      %dma_start3A_353 = tpu.memref_slice %arg5[%reduce_sum3A_302, %dma_start3A_352] : memref<1000000x64xf32, #tpu.memory_space<hbm>> -> memref<1x64xf32, #tpu.memory_space<hbm>>
      %dma_start3A_354 = tpu.memref_squeeze %dma_start3A_353 : memref<1x64xf32, #tpu.memory_space<hbm>> -> memref<64xf32, #tpu.memory_space<hbm>>
      tpu.enqueue_dma source(%dma_start3A_354 : memref<64xf32, #tpu.memory_space<hbm>>) target(%dma_start3A_351 : memref<64xf32, #tpu.memory_space<vmem>>) target_semaphore(%arg14 : memref<!tpu.dma_semaphore, #tpu.memory_space<semaphore_mem>>)
      %eq3A_355 = arith.constant 5 : i32
      %eq3A_356 = vector.broadcast %eq3A_355 : i32 to vector<16xi32>
      %eq3A_357 = arith.cmpi eq, %iota3A, %eq3A_356 : vector<16xi32>
      %jit3A_358 = arith.constant 0 : i32
      %broadcast_in_dim3A_359 = vector.broadcast %jit3A_358 : i32 to vector<16xi32>
      %select_n3A_360 = arith.select %eq3A_357, %get3A_11, %broadcast_in_dim3A_359 : vector<16xi1>, vector<16xi32>
      %reduce_sum3A_361 = arith.constant true
      %reduce_sum3A_362 = vector.broadcast %reduce_sum3A_361 : i1 to vector<16xi1>
      %reduce_sum3A_363 = tpu.scan <sum>, %select_n3A_360 masked %reduce_sum3A_362 : vector<16xi32>, vector<16xi1> -> vector<16xi32>
      %reduce_sum3A_364 = vector.extract %reduce_sum3A_363[15] : i32 from vector<16xi32>
      %jit3A_365 = arith.constant 0 : i32
      %broadcast_in_dim3A_366 = vector.broadcast %jit3A_365 : i32 to vector<16xi32>
      %select_n3A_367 = arith.select %eq3A_357, %get3A_15, %broadcast_in_dim3A_366 : vector<16xi1>, vector<16xi32>
      %reduce_sum3A_368 = arith.constant true
      %reduce_sum3A_369 = vector.broadcast %reduce_sum3A_368 : i1 to vector<16xi1>
      %reduce_sum3A_370 = tpu.scan <sum>, %select_n3A_367 masked %reduce_sum3A_369 : vector<16xi32>, vector<16xi1> -> vector<16xi32>
      %reduce_sum3A_371 = vector.extract %reduce_sum3A_370[15] : i32 from vector<16xi32>
      %dma_start3A_372 = arith.constant 5 : i32
      %dma_start3A_373 = arith.constant 0 : i32
      %dma_start3A_374 = tpu.memref_slice %arg9[%dma_start3A_372, %dma_start3A_373] : memref<16x64xf32, #tpu.memory_space<vmem>> -> memref<1x64xf32, #tpu.memory_space<vmem>>
      %dma_start3A_375 = tpu.memref_squeeze %dma_start3A_374 : memref<1x64xf32, #tpu.memory_space<vmem>> -> memref<64xf32, #tpu.memory_space<vmem>>
      %dma_start3A_376 = arith.constant 0 : i32
      %dma_start3A_377 = tpu.memref_slice %arg4[%reduce_sum3A_364, %dma_start3A_376] : memref<1000000x64xf32, #tpu.memory_space<hbm>> -> memref<1x64xf32, #tpu.memory_space<hbm>>
      %dma_start3A_378 = tpu.memref_squeeze %dma_start3A_377 : memref<1x64xf32, #tpu.memory_space<hbm>> -> memref<64xf32, #tpu.memory_space<hbm>>
      %dma_start3A_379 = arith.constant 0 : i32
      %dma_start3A_380 = tpu.memref_slice %arg9[%dma_start3A_372, %dma_start3A_379] : memref<16x64xf32, #tpu.memory_space<vmem>> -> memref<1x64xf32, #tpu.memory_space<vmem>>
      %dma_start3A_381 = tpu.memref_squeeze %dma_start3A_380 : memref<1x64xf32, #tpu.memory_space<vmem>> -> memref<64xf32, #tpu.memory_space<vmem>>
      %dma_start3A_382 = arith.constant 0 : i32
      %dma_start3A_383 = tpu.memref_slice %arg4[%reduce_sum3A_364, %dma_start3A_382] : memref<1000000x64xf32, #tpu.memory_space<hbm>> -> memref<1x64xf32, #tpu.memory_space<hbm>>
      %dma_start3A_384 = tpu.memref_squeeze %dma_start3A_383 : memref<1x64xf32, #tpu.memory_space<hbm>> -> memref<64xf32, #tpu.memory_space<hbm>>
      tpu.enqueue_dma source(%dma_start3A_384 : memref<64xf32, #tpu.memory_space<hbm>>) target(%dma_start3A_381 : memref<64xf32, #tpu.memory_space<vmem>>) target_semaphore(%arg14 : memref<!tpu.dma_semaphore, #tpu.memory_space<semaphore_mem>>)
      %dma_start3A_385 = arith.constant 5 : i32
      %dma_start3A_386 = arith.constant 0 : i32
      %dma_start3A_387 = tpu.memref_slice %arg10[%dma_start3A_385, %dma_start3A_386] : memref<16x64xf32, #tpu.memory_space<vmem>> -> memref<1x64xf32, #tpu.memory_space<vmem>>
      %dma_start3A_388 = tpu.memref_squeeze %dma_start3A_387 : memref<1x64xf32, #tpu.memory_space<vmem>> -> memref<64xf32, #tpu.memory_space<vmem>>
      %dma_start3A_389 = arith.constant 0 : i32
      %dma_start3A_390 = tpu.memref_slice %arg4[%reduce_sum3A_371, %dma_start3A_389] : memref<1000000x64xf32, #tpu.memory_space<hbm>> -> memref<1x64xf32, #tpu.memory_space<hbm>>
      %dma_start3A_391 = tpu.memref_squeeze %dma_start3A_390 : memref<1x64xf32, #tpu.memory_space<hbm>> -> memref<64xf32, #tpu.memory_space<hbm>>
      %dma_start3A_392 = arith.constant 0 : i32
      %dma_start3A_393 = tpu.memref_slice %arg10[%dma_start3A_385, %dma_start3A_392] : memref<16x64xf32, #tpu.memory_space<vmem>> -> memref<1x64xf32, #tpu.memory_space<vmem>>
      %dma_start3A_394 = tpu.memref_squeeze %dma_start3A_393 : memref<1x64xf32, #tpu.memory_space<vmem>> -> memref<64xf32, #tpu.memory_space<vmem>>
      %dma_start3A_395 = arith.constant 0 : i32
      %dma_start3A_396 = tpu.memref_slice %arg4[%reduce_sum3A_371, %dma_start3A_395] : memref<1000000x64xf32, #tpu.memory_space<hbm>> -> memref<1x64xf32, #tpu.memory_space<hbm>>
      %dma_start3A_397 = tpu.memref_squeeze %dma_start3A_396 : memref<1x64xf32, #tpu.memory_space<hbm>> -> memref<64xf32, #tpu.memory_space<hbm>>
      tpu.enqueue_dma source(%dma_start3A_397 : memref<64xf32, #tpu.memory_space<hbm>>) target(%dma_start3A_394 : memref<64xf32, #tpu.memory_space<vmem>>) target_semaphore(%arg14 : memref<!tpu.dma_semaphore, #tpu.memory_space<semaphore_mem>>)
      %dma_start3A_398 = arith.constant 5 : i32
      %dma_start3A_399 = arith.constant 0 : i32
      %dma_start3A_400 = tpu.memref_slice %arg11[%dma_start3A_398, %dma_start3A_399] : memref<16x64xf32, #tpu.memory_space<vmem>> -> memref<1x64xf32, #tpu.memory_space<vmem>>
      %dma_start3A_401 = tpu.memref_squeeze %dma_start3A_400 : memref<1x64xf32, #tpu.memory_space<vmem>> -> memref<64xf32, #tpu.memory_space<vmem>>
      %dma_start3A_402 = arith.constant 0 : i32
      %dma_start3A_403 = tpu.memref_slice %arg5[%reduce_sum3A_364, %dma_start3A_402] : memref<1000000x64xf32, #tpu.memory_space<hbm>> -> memref<1x64xf32, #tpu.memory_space<hbm>>
      %dma_start3A_404 = tpu.memref_squeeze %dma_start3A_403 : memref<1x64xf32, #tpu.memory_space<hbm>> -> memref<64xf32, #tpu.memory_space<hbm>>
      %dma_start3A_405 = arith.constant 0 : i32
      %dma_start3A_406 = tpu.memref_slice %arg11[%dma_start3A_398, %dma_start3A_405] : memref<16x64xf32, #tpu.memory_space<vmem>> -> memref<1x64xf32, #tpu.memory_space<vmem>>
      %dma_start3A_407 = tpu.memref_squeeze %dma_start3A_406 : memref<1x64xf32, #tpu.memory_space<vmem>> -> memref<64xf32, #tpu.memory_space<vmem>>
      %dma_start3A_408 = arith.constant 0 : i32
      %dma_start3A_409 = tpu.memref_slice %arg5[%reduce_sum3A_364, %dma_start3A_408] : memref<1000000x64xf32, #tpu.memory_space<hbm>> -> memref<1x64xf32, #tpu.memory_space<hbm>>
      %dma_start3A_410 = tpu.memref_squeeze %dma_start3A_409 : memref<1x64xf32, #tpu.memory_space<hbm>> -> memref<64xf32, #tpu.memory_space<hbm>>
      tpu.enqueue_dma source(%dma_start3A_410 : memref<64xf32, #tpu.memory_space<hbm>>) target(%dma_start3A_407 : memref<64xf32, #tpu.memory_space<vmem>>) target_semaphore(%arg14 : memref<!tpu.dma_semaphore, #tpu.memory_space<semaphore_mem>>)
      %dma_start3A_411 = arith.constant 5 : i32
      %dma_start3A_412 = arith.constant 0 : i32
      %dma_start3A_413 = tpu.memref_slice %arg12[%dma_start3A_411, %dma_start3A_412] : memref<16x64xf32, #tpu.memory_space<vmem>> -> memref<1x64xf32, #tpu.memory_space<vmem>>
      %dma_start3A_414 = tpu.memref_squeeze %dma_start3A_413 : memref<1x64xf32, #tpu.memory_space<vmem>> -> memref<64xf32, #tpu.memory_space<vmem>>
      %dma_start3A_415 = arith.constant 0 : i32
      %dma_start3A_416 = tpu.memref_slice %arg5[%reduce_sum3A_371, %dma_start3A_415] : memref<1000000x64xf32, #tpu.memory_space<hbm>> -> memref<1x64xf32, #tpu.memory_space<hbm>>
      %dma_start3A_417 = tpu.memref_squeeze %dma_start3A_416 : memref<1x64xf32, #tpu.memory_space<hbm>> -> memref<64xf32, #tpu.memory_space<hbm>>
      %dma_start3A_418 = arith.constant 0 : i32
      %dma_start3A_419 = tpu.memref_slice %arg12[%dma_start3A_411, %dma_start3A_418] : memref<16x64xf32, #tpu.memory_space<vmem>> -> memref<1x64xf32, #tpu.memory_space<vmem>>
      %dma_start3A_420 = tpu.memref_squeeze %dma_start3A_419 : memref<1x64xf32, #tpu.memory_space<vmem>> -> memref<64xf32, #tpu.memory_space<vmem>>
      %dma_start3A_421 = arith.constant 0 : i32
      %dma_start3A_422 = tpu.memref_slice %arg5[%reduce_sum3A_371, %dma_start3A_421] : memref<1000000x64xf32, #tpu.memory_space<hbm>> -> memref<1x64xf32, #tpu.memory_space<hbm>>
      %dma_start3A_423 = tpu.memref_squeeze %dma_start3A_422 : memref<1x64xf32, #tpu.memory_space<hbm>> -> memref<64xf32, #tpu.memory_space<hbm>>
      tpu.enqueue_dma source(%dma_start3A_423 : memref<64xf32, #tpu.memory_space<hbm>>) target(%dma_start3A_420 : memref<64xf32, #tpu.memory_space<vmem>>) target_semaphore(%arg14 : memref<!tpu.dma_semaphore, #tpu.memory_space<semaphore_mem>>)
      %eq3A_424 = arith.constant 6 : i32
      %eq3A_425 = vector.broadcast %eq3A_424 : i32 to vector<16xi32>
      %eq3A_426 = arith.cmpi eq, %iota3A, %eq3A_425 : vector<16xi32>
      %jit3A_427 = arith.constant 0 : i32
      %broadcast_in_dim3A_428 = vector.broadcast %jit3A_427 : i32 to vector<16xi32>
      %select_n3A_429 = arith.select %eq3A_426, %get3A_11, %broadcast_in_dim3A_428 : vector<16xi1>, vector<16xi32>
      %reduce_sum3A_430 = arith.constant true
      %reduce_sum3A_431 = vector.broadcast %reduce_sum3A_430 : i1 to vector<16xi1>
      %reduce_sum3A_432 = tpu.scan <sum>, %select_n3A_429 masked %reduce_sum3A_431 : vector<16xi32>, vector<16xi1> -> vector<16xi32>
      %reduce_sum3A_433 = vector.extract %reduce_sum3A_432[15] : i32 from vector<16xi32>
      %jit3A_434 = arith.constant 0 : i32
      %broadcast_in_dim3A_435 = vector.broadcast %jit3A_434 : i32 to vector<16xi32>
      %select_n3A_436 = arith.select %eq3A_426, %get3A_15, %broadcast_in_dim3A_435 : vector<16xi1>, vector<16xi32>
      %reduce_sum3A_437 = arith.constant true
      %reduce_sum3A_438 = vector.broadcast %reduce_sum3A_437 : i1 to vector<16xi1>
      %reduce_sum3A_439 = tpu.scan <sum>, %select_n3A_436 masked %reduce_sum3A_438 : vector<16xi32>, vector<16xi1> -> vector<16xi32>
      %reduce_sum3A_440 = vector.extract %reduce_sum3A_439[15] : i32 from vector<16xi32>
      %dma_start3A_441 = arith.constant 6 : i32
      %dma_start3A_442 = arith.constant 0 : i32
      %dma_start3A_443 = tpu.memref_slice %arg9[%dma_start3A_441, %dma_start3A_442] : memref<16x64xf32, #tpu.memory_space<vmem>> -> memref<1x64xf32, #tpu.memory_space<vmem>>
      %dma_start3A_444 = tpu.memref_squeeze %dma_start3A_443 : memref<1x64xf32, #tpu.memory_space<vmem>> -> memref<64xf32, #tpu.memory_space<vmem>>
      %dma_start3A_445 = arith.constant 0 : i32
      %dma_start3A_446 = tpu.memref_slice %arg4[%reduce_sum3A_433, %dma_start3A_445] : memref<1000000x64xf32, #tpu.memory_space<hbm>> -> memref<1x64xf32, #tpu.memory_space<hbm>>
      %dma_start3A_447 = tpu.memref_squeeze %dma_start3A_446 : memref<1x64xf32, #tpu.memory_space<hbm>> -> memref<64xf32, #tpu.memory_space<hbm>>
      %dma_start3A_448 = arith.constant 0 : i32
      %dma_start3A_449 = tpu.memref_slice %arg9[%dma_start3A_441, %dma_start3A_448] : memref<16x64xf32, #tpu.memory_space<vmem>> -> memref<1x64xf32, #tpu.memory_space<vmem>>
      %dma_start3A_450 = tpu.memref_squeeze %dma_start3A_449 : memref<1x64xf32, #tpu.memory_space<vmem>> -> memref<64xf32, #tpu.memory_space<vmem>>
      %dma_start3A_451 = arith.constant 0 : i32
      %dma_start3A_452 = tpu.memref_slice %arg4[%reduce_sum3A_433, %dma_start3A_451] : memref<1000000x64xf32, #tpu.memory_space<hbm>> -> memref<1x64xf32, #tpu.memory_space<hbm>>
      %dma_start3A_453 = tpu.memref_squeeze %dma_start3A_452 : memref<1x64xf32, #tpu.memory_space<hbm>> -> memref<64xf32, #tpu.memory_space<hbm>>
      tpu.enqueue_dma source(%dma_start3A_453 : memref<64xf32, #tpu.memory_space<hbm>>) target(%dma_start3A_450 : memref<64xf32, #tpu.memory_space<vmem>>) target_semaphore(%arg14 : memref<!tpu.dma_semaphore, #tpu.memory_space<semaphore_mem>>)
      %dma_start3A_454 = arith.constant 6 : i32
      %dma_start3A_455 = arith.constant 0 : i32
      %dma_start3A_456 = tpu.memref_slice %arg10[%dma_start3A_454, %dma_start3A_455] : memref<16x64xf32, #tpu.memory_space<vmem>> -> memref<1x64xf32, #tpu.memory_space<vmem>>
      %dma_start3A_457 = tpu.memref_squeeze %dma_start3A_456 : memref<1x64xf32, #tpu.memory_space<vmem>> -> memref<64xf32, #tpu.memory_space<vmem>>
      %dma_start3A_458 = arith.constant 0 : i32
      %dma_start3A_459 = tpu.memref_slice %arg4[%reduce_sum3A_440, %dma_start3A_458] : memref<1000000x64xf32, #tpu.memory_space<hbm>> -> memref<1x64xf32, #tpu.memory_space<hbm>>
      %dma_start3A_460 = tpu.memref_squeeze %dma_start3A_459 : memref<1x64xf32, #tpu.memory_space<hbm>> -> memref<64xf32, #tpu.memory_space<hbm>>
      %dma_start3A_461 = arith.constant 0 : i32
      %dma_start3A_462 = tpu.memref_slice %arg10[%dma_start3A_454, %dma_start3A_461] : memref<16x64xf32, #tpu.memory_space<vmem>> -> memref<1x64xf32, #tpu.memory_space<vmem>>
      %dma_start3A_463 = tpu.memref_squeeze %dma_start3A_462 : memref<1x64xf32, #tpu.memory_space<vmem>> -> memref<64xf32, #tpu.memory_space<vmem>>
      %dma_start3A_464 = arith.constant 0 : i32
      %dma_start3A_465 = tpu.memref_slice %arg4[%reduce_sum3A_440, %dma_start3A_464] : memref<1000000x64xf32, #tpu.memory_space<hbm>> -> memref<1x64xf32, #tpu.memory_space<hbm>>
      %dma_start3A_466 = tpu.memref_squeeze %dma_start3A_465 : memref<1x64xf32, #tpu.memory_space<hbm>> -> memref<64xf32, #tpu.memory_space<hbm>>
      tpu.enqueue_dma source(%dma_start3A_466 : memref<64xf32, #tpu.memory_space<hbm>>) target(%dma_start3A_463 : memref<64xf32, #tpu.memory_space<vmem>>) target_semaphore(%arg14 : memref<!tpu.dma_semaphore, #tpu.memory_space<semaphore_mem>>)
      %dma_start3A_467 = arith.constant 6 : i32
      %dma_start3A_468 = arith.constant 0 : i32
      %dma_start3A_469 = tpu.memref_slice %arg11[%dma_start3A_467, %dma_start3A_468] : memref<16x64xf32, #tpu.memory_space<vmem>> -> memref<1x64xf32, #tpu.memory_space<vmem>>
      %dma_start3A_470 = tpu.memref_squeeze %dma_start3A_469 : memref<1x64xf32, #tpu.memory_space<vmem>> -> memref<64xf32, #tpu.memory_space<vmem>>
      %dma_start3A_471 = arith.constant 0 : i32
      %dma_start3A_472 = tpu.memref_slice %arg5[%reduce_sum3A_433, %dma_start3A_471] : memref<1000000x64xf32, #tpu.memory_space<hbm>> -> memref<1x64xf32, #tpu.memory_space<hbm>>
      %dma_start3A_473 = tpu.memref_squeeze %dma_start3A_472 : memref<1x64xf32, #tpu.memory_space<hbm>> -> memref<64xf32, #tpu.memory_space<hbm>>
      %dma_start3A_474 = arith.constant 0 : i32
      %dma_start3A_475 = tpu.memref_slice %arg11[%dma_start3A_467, %dma_start3A_474] : memref<16x64xf32, #tpu.memory_space<vmem>> -> memref<1x64xf32, #tpu.memory_space<vmem>>
      %dma_start3A_476 = tpu.memref_squeeze %dma_start3A_475 : memref<1x64xf32, #tpu.memory_space<vmem>> -> memref<64xf32, #tpu.memory_space<vmem>>
      %dma_start3A_477 = arith.constant 0 : i32
      %dma_start3A_478 = tpu.memref_slice %arg5[%reduce_sum3A_433, %dma_start3A_477] : memref<1000000x64xf32, #tpu.memory_space<hbm>> -> memref<1x64xf32, #tpu.memory_space<hbm>>
      %dma_start3A_479 = tpu.memref_squeeze %dma_start3A_478 : memref<1x64xf32, #tpu.memory_space<hbm>> -> memref<64xf32, #tpu.memory_space<hbm>>
      tpu.enqueue_dma source(%dma_start3A_479 : memref<64xf32, #tpu.memory_space<hbm>>) target(%dma_start3A_476 : memref<64xf32, #tpu.memory_space<vmem>>) target_semaphore(%arg14 : memref<!tpu.dma_semaphore, #tpu.memory_space<semaphore_mem>>)
      %dma_start3A_480 = arith.constant 6 : i32
      %dma_start3A_481 = arith.constant 0 : i32
      %dma_start3A_482 = tpu.memref_slice %arg12[%dma_start3A_480, %dma_start3A_481] : memref<16x64xf32, #tpu.memory_space<vmem>> -> memref<1x64xf32, #tpu.memory_space<vmem>>
      %dma_start3A_483 = tpu.memref_squeeze %dma_start3A_482 : memref<1x64xf32, #tpu.memory_space<vmem>> -> memref<64xf32, #tpu.memory_space<vmem>>
      %dma_start3A_484 = arith.constant 0 : i32
      %dma_start3A_485 = tpu.memref_slice %arg5[%reduce_sum3A_440, %dma_start3A_484] : memref<1000000x64xf32, #tpu.memory_space<hbm>> -> memref<1x64xf32, #tpu.memory_space<hbm>>
      %dma_start3A_486 = tpu.memref_squeeze %dma_start3A_485 : memref<1x64xf32, #tpu.memory_space<hbm>> -> memref<64xf32, #tpu.memory_space<hbm>>
      %dma_start3A_487 = arith.constant 0 : i32
      %dma_start3A_488 = tpu.memref_slice %arg12[%dma_start3A_480, %dma_start3A_487] : memref<16x64xf32, #tpu.memory_space<vmem>> -> memref<1x64xf32, #tpu.memory_space<vmem>>
      %dma_start3A_489 = tpu.memref_squeeze %dma_start3A_488 : memref<1x64xf32, #tpu.memory_space<vmem>> -> memref<64xf32, #tpu.memory_space<vmem>>
      %dma_start3A_490 = arith.constant 0 : i32
      %dma_start3A_491 = tpu.memref_slice %arg5[%reduce_sum3A_440, %dma_start3A_490] : memref<1000000x64xf32, #tpu.memory_space<hbm>> -> memref<1x64xf32, #tpu.memory_space<hbm>>
      %dma_start3A_492 = tpu.memref_squeeze %dma_start3A_491 : memref<1x64xf32, #tpu.memory_space<hbm>> -> memref<64xf32, #tpu.memory_space<hbm>>
      tpu.enqueue_dma source(%dma_start3A_492 : memref<64xf32, #tpu.memory_space<hbm>>) target(%dma_start3A_489 : memref<64xf32, #tpu.memory_space<vmem>>) target_semaphore(%arg14 : memref<!tpu.dma_semaphore, #tpu.memory_space<semaphore_mem>>)
      %eq3A_493 = arith.constant 7 : i32
      %eq3A_494 = vector.broadcast %eq3A_493 : i32 to vector<16xi32>
      %eq3A_495 = arith.cmpi eq, %iota3A, %eq3A_494 : vector<16xi32>
      %jit3A_496 = arith.constant 0 : i32
      %broadcast_in_dim3A_497 = vector.broadcast %jit3A_496 : i32 to vector<16xi32>
      %select_n3A_498 = arith.select %eq3A_495, %get3A_11, %broadcast_in_dim3A_497 : vector<16xi1>, vector<16xi32>
      %reduce_sum3A_499 = arith.constant true
      %reduce_sum3A_500 = vector.broadcast %reduce_sum3A_499 : i1 to vector<16xi1>
      %reduce_sum3A_501 = tpu.scan <sum>, %select_n3A_498 masked %reduce_sum3A_500 : vector<16xi32>, vector<16xi1> -> vector<16xi32>
      %reduce_sum3A_502 = vector.extract %reduce_sum3A_501[15] : i32 from vector<16xi32>
      %jit3A_503 = arith.constant 0 : i32
      %broadcast_in_dim3A_504 = vector.broadcast %jit3A_503 : i32 to vector<16xi32>
      %select_n3A_505 = arith.select %eq3A_495, %get3A_15, %broadcast_in_dim3A_504 : vector<16xi1>, vector<16xi32>
      %reduce_sum3A_506 = arith.constant true
      %reduce_sum3A_507 = vector.broadcast %reduce_sum3A_506 : i1 to vector<16xi1>
      %reduce_sum3A_508 = tpu.scan <sum>, %select_n3A_505 masked %reduce_sum3A_507 : vector<16xi32>, vector<16xi1> -> vector<16xi32>
      %reduce_sum3A_509 = vector.extract %reduce_sum3A_508[15] : i32 from vector<16xi32>
      %dma_start3A_510 = arith.constant 7 : i32
      %dma_start3A_511 = arith.constant 0 : i32
      %dma_start3A_512 = tpu.memref_slice %arg9[%dma_start3A_510, %dma_start3A_511] : memref<16x64xf32, #tpu.memory_space<vmem>> -> memref<1x64xf32, #tpu.memory_space<vmem>>
      %dma_start3A_513 = tpu.memref_squeeze %dma_start3A_512 : memref<1x64xf32, #tpu.memory_space<vmem>> -> memref<64xf32, #tpu.memory_space<vmem>>
      %dma_start3A_514 = arith.constant 0 : i32
      %dma_start3A_515 = tpu.memref_slice %arg4[%reduce_sum3A_502, %dma_start3A_514] : memref<1000000x64xf32, #tpu.memory_space<hbm>> -> memref<1x64xf32, #tpu.memory_space<hbm>>
      %dma_start3A_516 = tpu.memref_squeeze %dma_start3A_515 : memref<1x64xf32, #tpu.memory_space<hbm>> -> memref<64xf32, #tpu.memory_space<hbm>>
      %dma_start3A_517 = arith.constant 0 : i32
      %dma_start3A_518 = tpu.memref_slice %arg9[%dma_start3A_510, %dma_start3A_517] : memref<16x64xf32, #tpu.memory_space<vmem>> -> memref<1x64xf32, #tpu.memory_space<vmem>>
      %dma_start3A_519 = tpu.memref_squeeze %dma_start3A_518 : memref<1x64xf32, #tpu.memory_space<vmem>> -> memref<64xf32, #tpu.memory_space<vmem>>
      %dma_start3A_520 = arith.constant 0 : i32
      %dma_start3A_521 = tpu.memref_slice %arg4[%reduce_sum3A_502, %dma_start3A_520] : memref<1000000x64xf32, #tpu.memory_space<hbm>> -> memref<1x64xf32, #tpu.memory_space<hbm>>
      %dma_start3A_522 = tpu.memref_squeeze %dma_start3A_521 : memref<1x64xf32, #tpu.memory_space<hbm>> -> memref<64xf32, #tpu.memory_space<hbm>>
      tpu.enqueue_dma source(%dma_start3A_522 : memref<64xf32, #tpu.memory_space<hbm>>) target(%dma_start3A_519 : memref<64xf32, #tpu.memory_space<vmem>>) target_semaphore(%arg14 : memref<!tpu.dma_semaphore, #tpu.memory_space<semaphore_mem>>)
      %dma_start3A_523 = arith.constant 7 : i32
      %dma_start3A_524 = arith.constant 0 : i32
      %dma_start3A_525 = tpu.memref_slice %arg10[%dma_start3A_523, %dma_start3A_524] : memref<16x64xf32, #tpu.memory_space<vmem>> -> memref<1x64xf32, #tpu.memory_space<vmem>>
      %dma_start3A_526 = tpu.memref_squeeze %dma_start3A_525 : memref<1x64xf32, #tpu.memory_space<vmem>> -> memref<64xf32, #tpu.memory_space<vmem>>
      %dma_start3A_527 = arith.constant 0 : i32
      %dma_start3A_528 = tpu.memref_slice %arg4[%reduce_sum3A_509, %dma_start3A_527] : memref<1000000x64xf32, #tpu.memory_space<hbm>> -> memref<1x64xf32, #tpu.memory_space<hbm>>
      %dma_start3A_529 = tpu.memref_squeeze %dma_start3A_528 : memref<1x64xf32, #tpu.memory_space<hbm>> -> memref<64xf32, #tpu.memory_space<hbm>>
      %dma_start3A_530 = arith.constant 0 : i32
      %dma_start3A_531 = tpu.memref_slice %arg10[%dma_start3A_523, %dma_start3A_530] : memref<16x64xf32, #tpu.memory_space<vmem>> -> memref<1x64xf32, #tpu.memory_space<vmem>>
      %dma_start3A_532 = tpu.memref_squeeze %dma_start3A_531 : memref<1x64xf32, #tpu.memory_space<vmem>> -> memref<64xf32, #tpu.memory_space<vmem>>
      %dma_start3A_533 = arith.constant 0 : i32
      %dma_start3A_534 = tpu.memref_slice %arg4[%reduce_sum3A_509, %dma_start3A_533] : memref<1000000x64xf32, #tpu.memory_space<hbm>> -> memref<1x64xf32, #tpu.memory_space<hbm>>
      %dma_start3A_535 = tpu.memref_squeeze %dma_start3A_534 : memref<1x64xf32, #tpu.memory_space<hbm>> -> memref<64xf32, #tpu.memory_space<hbm>>
      tpu.enqueue_dma source(%dma_start3A_535 : memref<64xf32, #tpu.memory_space<hbm>>) target(%dma_start3A_532 : memref<64xf32, #tpu.memory_space<vmem>>) target_semaphore(%arg14 : memref<!tpu.dma_semaphore, #tpu.memory_space<semaphore_mem>>)
      %dma_start3A_536 = arith.constant 7 : i32
      %dma_start3A_537 = arith.constant 0 : i32
      %dma_start3A_538 = tpu.memref_slice %arg11[%dma_start3A_536, %dma_start3A_537] : memref<16x64xf32, #tpu.memory_space<vmem>> -> memref<1x64xf32, #tpu.memory_space<vmem>>
      %dma_start3A_539 = tpu.memref_squeeze %dma_start3A_538 : memref<1x64xf32, #tpu.memory_space<vmem>> -> memref<64xf32, #tpu.memory_space<vmem>>
      %dma_start3A_540 = arith.constant 0 : i32
      %dma_start3A_541 = tpu.memref_slice %arg5[%reduce_sum3A_502, %dma_start3A_540] : memref<1000000x64xf32, #tpu.memory_space<hbm>> -> memref<1x64xf32, #tpu.memory_space<hbm>>
      %dma_start3A_542 = tpu.memref_squeeze %dma_start3A_541 : memref<1x64xf32, #tpu.memory_space<hbm>> -> memref<64xf32, #tpu.memory_space<hbm>>
      %dma_start3A_543 = arith.constant 0 : i32
      %dma_start3A_544 = tpu.memref_slice %arg11[%dma_start3A_536, %dma_start3A_543] : memref<16x64xf32, #tpu.memory_space<vmem>> -> memref<1x64xf32, #tpu.memory_space<vmem>>
      %dma_start3A_545 = tpu.memref_squeeze %dma_start3A_544 : memref<1x64xf32, #tpu.memory_space<vmem>> -> memref<64xf32, #tpu.memory_space<vmem>>
      %dma_start3A_546 = arith.constant 0 : i32
      %dma_start3A_547 = tpu.memref_slice %arg5[%reduce_sum3A_502, %dma_start3A_546] : memref<1000000x64xf32, #tpu.memory_space<hbm>> -> memref<1x64xf32, #tpu.memory_space<hbm>>
      %dma_start3A_548 = tpu.memref_squeeze %dma_start3A_547 : memref<1x64xf32, #tpu.memory_space<hbm>> -> memref<64xf32, #tpu.memory_space<hbm>>
      tpu.enqueue_dma source(%dma_start3A_548 : memref<64xf32, #tpu.memory_space<hbm>>) target(%dma_start3A_545 : memref<64xf32, #tpu.memory_space<vmem>>) target_semaphore(%arg14 : memref<!tpu.dma_semaphore, #tpu.memory_space<semaphore_mem>>)
      %dma_start3A_549 = arith.constant 7 : i32
      %dma_start3A_550 = arith.constant 0 : i32
      %dma_start3A_551 = tpu.memref_slice %arg12[%dma_start3A_549, %dma_start3A_550] : memref<16x64xf32, #tpu.memory_space<vmem>> -> memref<1x64xf32, #tpu.memory_space<vmem>>
      %dma_start3A_552 = tpu.memref_squeeze %dma_start3A_551 : memref<1x64xf32, #tpu.memory_space<vmem>> -> memref<64xf32, #tpu.memory_space<vmem>>
      %dma_start3A_553 = arith.constant 0 : i32
      %dma_start3A_554 = tpu.memref_slice %arg5[%reduce_sum3A_509, %dma_start3A_553] : memref<1000000x64xf32, #tpu.memory_space<hbm>> -> memref<1x64xf32, #tpu.memory_space<hbm>>
      %dma_start3A_555 = tpu.memref_squeeze %dma_start3A_554 : memref<1x64xf32, #tpu.memory_space<hbm>> -> memref<64xf32, #tpu.memory_space<hbm>>
      %dma_start3A_556 = arith.constant 0 : i32
      %dma_start3A_557 = tpu.memref_slice %arg12[%dma_start3A_549, %dma_start3A_556] : memref<16x64xf32, #tpu.memory_space<vmem>> -> memref<1x64xf32, #tpu.memory_space<vmem>>
      %dma_start3A_558 = tpu.memref_squeeze %dma_start3A_557 : memref<1x64xf32, #tpu.memory_space<vmem>> -> memref<64xf32, #tpu.memory_space<vmem>>
      %dma_start3A_559 = arith.constant 0 : i32
      %dma_start3A_560 = tpu.memref_slice %arg5[%reduce_sum3A_509, %dma_start3A_559] : memref<1000000x64xf32, #tpu.memory_space<hbm>> -> memref<1x64xf32, #tpu.memory_space<hbm>>
      %dma_start3A_561 = tpu.memref_squeeze %dma_start3A_560 : memref<1x64xf32, #tpu.memory_space<hbm>> -> memref<64xf32, #tpu.memory_space<hbm>>
      tpu.enqueue_dma source(%dma_start3A_561 : memref<64xf32, #tpu.memory_space<hbm>>) target(%dma_start3A_558 : memref<64xf32, #tpu.memory_space<vmem>>) target_semaphore(%arg14 : memref<!tpu.dma_semaphore, #tpu.memory_space<semaphore_mem>>)
      %eq3A_562 = arith.constant 8 : i32
      %eq3A_563 = vector.broadcast %eq3A_562 : i32 to vector<16xi32>
      %eq3A_564 = arith.cmpi eq, %iota3A, %eq3A_563 : vector<16xi32>
      %jit3A_565 = arith.constant 0 : i32
      %broadcast_in_dim3A_566 = vector.broadcast %jit3A_565 : i32 to vector<16xi32>
      %select_n3A_567 = arith.select %eq3A_564, %get3A_11, %broadcast_in_dim3A_566 : vector<16xi1>, vector<16xi32>
      %reduce_sum3A_568 = arith.constant true
      %reduce_sum3A_569 = vector.broadcast %reduce_sum3A_568 : i1 to vector<16xi1>
      %reduce_sum3A_570 = tpu.scan <sum>, %select_n3A_567 masked %reduce_sum3A_569 : vector<16xi32>, vector<16xi1> -> vector<16xi32>
      %reduce_sum3A_571 = vector.extract %reduce_sum3A_570[15] : i32 from vector<16xi32>
      %jit3A_572 = arith.constant 0 : i32
      %broadcast_in_dim3A_573 = vector.broadcast %jit3A_572 : i32 to vector<16xi32>
      %select_n3A_574 = arith.select %eq3A_564, %get3A_15, %broadcast_in_dim3A_573 : vector<16xi1>, vector<16xi32>
      %reduce_sum3A_575 = arith.constant true
      %reduce_sum3A_576 = vector.broadcast %reduce_sum3A_575 : i1 to vector<16xi1>
      %reduce_sum3A_577 = tpu.scan <sum>, %select_n3A_574 masked %reduce_sum3A_576 : vector<16xi32>, vector<16xi1> -> vector<16xi32>
      %reduce_sum3A_578 = vector.extract %reduce_sum3A_577[15] : i32 from vector<16xi32>
      %dma_start3A_579 = arith.constant 8 : i32
      %dma_start3A_580 = arith.constant 0 : i32
      %dma_start3A_581 = tpu.memref_slice %arg9[%dma_start3A_579, %dma_start3A_580] : memref<16x64xf32, #tpu.memory_space<vmem>> -> memref<1x64xf32, #tpu.memory_space<vmem>>
      %dma_start3A_582 = tpu.memref_squeeze %dma_start3A_581 : memref<1x64xf32, #tpu.memory_space<vmem>> -> memref<64xf32, #tpu.memory_space<vmem>>
      %dma_start3A_583 = arith.constant 0 : i32
      %dma_start3A_584 = tpu.memref_slice %arg4[%reduce_sum3A_571, %dma_start3A_583] : memref<1000000x64xf32, #tpu.memory_space<hbm>> -> memref<1x64xf32, #tpu.memory_space<hbm>>
      %dma_start3A_585 = tpu.memref_squeeze %dma_start3A_584 : memref<1x64xf32, #tpu.memory_space<hbm>> -> memref<64xf32, #tpu.memory_space<hbm>>
      %dma_start3A_586 = arith.constant 0 : i32
      %dma_start3A_587 = tpu.memref_slice %arg9[%dma_start3A_579, %dma_start3A_586] : memref<16x64xf32, #tpu.memory_space<vmem>> -> memref<1x64xf32, #tpu.memory_space<vmem>>
      %dma_start3A_588 = tpu.memref_squeeze %dma_start3A_587 : memref<1x64xf32, #tpu.memory_space<vmem>> -> memref<64xf32, #tpu.memory_space<vmem>>
      %dma_start3A_589 = arith.constant 0 : i32
      %dma_start3A_590 = tpu.memref_slice %arg4[%reduce_sum3A_571, %dma_start3A_589] : memref<1000000x64xf32, #tpu.memory_space<hbm>> -> memref<1x64xf32, #tpu.memory_space<hbm>>
      %dma_start3A_591 = tpu.memref_squeeze %dma_start3A_590 : memref<1x64xf32, #tpu.memory_space<hbm>> -> memref<64xf32, #tpu.memory_space<hbm>>
      tpu.enqueue_dma source(%dma_start3A_591 : memref<64xf32, #tpu.memory_space<hbm>>) target(%dma_start3A_588 : memref<64xf32, #tpu.memory_space<vmem>>) target_semaphore(%arg14 : memref<!tpu.dma_semaphore, #tpu.memory_space<semaphore_mem>>)
      %dma_start3A_592 = arith.constant 8 : i32
      %dma_start3A_593 = arith.constant 0 : i32
      %dma_start3A_594 = tpu.memref_slice %arg10[%dma_start3A_592, %dma_start3A_593] : memref<16x64xf32, #tpu.memory_space<vmem>> -> memref<1x64xf32, #tpu.memory_space<vmem>>
      %dma_start3A_595 = tpu.memref_squeeze %dma_start3A_594 : memref<1x64xf32, #tpu.memory_space<vmem>> -> memref<64xf32, #tpu.memory_space<vmem>>
      %dma_start3A_596 = arith.constant 0 : i32
      %dma_start3A_597 = tpu.memref_slice %arg4[%reduce_sum3A_578, %dma_start3A_596] : memref<1000000x64xf32, #tpu.memory_space<hbm>> -> memref<1x64xf32, #tpu.memory_space<hbm>>
      %dma_start3A_598 = tpu.memref_squeeze %dma_start3A_597 : memref<1x64xf32, #tpu.memory_space<hbm>> -> memref<64xf32, #tpu.memory_space<hbm>>
      %dma_start3A_599 = arith.constant 0 : i32
      %dma_start3A_600 = tpu.memref_slice %arg10[%dma_start3A_592, %dma_start3A_599] : memref<16x64xf32, #tpu.memory_space<vmem>> -> memref<1x64xf32, #tpu.memory_space<vmem>>
      %dma_start3A_601 = tpu.memref_squeeze %dma_start3A_600 : memref<1x64xf32, #tpu.memory_space<vmem>> -> memref<64xf32, #tpu.memory_space<vmem>>
      %dma_start3A_602 = arith.constant 0 : i32
      %dma_start3A_603 = tpu.memref_slice %arg4[%reduce_sum3A_578, %dma_start3A_602] : memref<1000000x64xf32, #tpu.memory_space<hbm>> -> memref<1x64xf32, #tpu.memory_space<hbm>>
      %dma_start3A_604 = tpu.memref_squeeze %dma_start3A_603 : memref<1x64xf32, #tpu.memory_space<hbm>> -> memref<64xf32, #tpu.memory_space<hbm>>
      tpu.enqueue_dma source(%dma_start3A_604 : memref<64xf32, #tpu.memory_space<hbm>>) target(%dma_start3A_601 : memref<64xf32, #tpu.memory_space<vmem>>) target_semaphore(%arg14 : memref<!tpu.dma_semaphore, #tpu.memory_space<semaphore_mem>>)
      %dma_start3A_605 = arith.constant 8 : i32
      %dma_start3A_606 = arith.constant 0 : i32
      %dma_start3A_607 = tpu.memref_slice %arg11[%dma_start3A_605, %dma_start3A_606] : memref<16x64xf32, #tpu.memory_space<vmem>> -> memref<1x64xf32, #tpu.memory_space<vmem>>
      %dma_start3A_608 = tpu.memref_squeeze %dma_start3A_607 : memref<1x64xf32, #tpu.memory_space<vmem>> -> memref<64xf32, #tpu.memory_space<vmem>>
      %dma_start3A_609 = arith.constant 0 : i32
      %dma_start3A_610 = tpu.memref_slice %arg5[%reduce_sum3A_571, %dma_start3A_609] : memref<1000000x64xf32, #tpu.memory_space<hbm>> -> memref<1x64xf32, #tpu.memory_space<hbm>>
      %dma_start3A_611 = tpu.memref_squeeze %dma_start3A_610 : memref<1x64xf32, #tpu.memory_space<hbm>> -> memref<64xf32, #tpu.memory_space<hbm>>
      %dma_start3A_612 = arith.constant 0 : i32
      %dma_start3A_613 = tpu.memref_slice %arg11[%dma_start3A_605, %dma_start3A_612] : memref<16x64xf32, #tpu.memory_space<vmem>> -> memref<1x64xf32, #tpu.memory_space<vmem>>
      %dma_start3A_614 = tpu.memref_squeeze %dma_start3A_613 : memref<1x64xf32, #tpu.memory_space<vmem>> -> memref<64xf32, #tpu.memory_space<vmem>>
      %dma_start3A_615 = arith.constant 0 : i32
      %dma_start3A_616 = tpu.memref_slice %arg5[%reduce_sum3A_571, %dma_start3A_615] : memref<1000000x64xf32, #tpu.memory_space<hbm>> -> memref<1x64xf32, #tpu.memory_space<hbm>>
      %dma_start3A_617 = tpu.memref_squeeze %dma_start3A_616 : memref<1x64xf32, #tpu.memory_space<hbm>> -> memref<64xf32, #tpu.memory_space<hbm>>
      tpu.enqueue_dma source(%dma_start3A_617 : memref<64xf32, #tpu.memory_space<hbm>>) target(%dma_start3A_614 : memref<64xf32, #tpu.memory_space<vmem>>) target_semaphore(%arg14 : memref<!tpu.dma_semaphore, #tpu.memory_space<semaphore_mem>>)
      %dma_start3A_618 = arith.constant 8 : i32
      %dma_start3A_619 = arith.constant 0 : i32
      %dma_start3A_620 = tpu.memref_slice %arg12[%dma_start3A_618, %dma_start3A_619] : memref<16x64xf32, #tpu.memory_space<vmem>> -> memref<1x64xf32, #tpu.memory_space<vmem>>
      %dma_start3A_621 = tpu.memref_squeeze %dma_start3A_620 : memref<1x64xf32, #tpu.memory_space<vmem>> -> memref<64xf32, #tpu.memory_space<vmem>>
      %dma_start3A_622 = arith.constant 0 : i32
      %dma_start3A_623 = tpu.memref_slice %arg5[%reduce_sum3A_578, %dma_start3A_622] : memref<1000000x64xf32, #tpu.memory_space<hbm>> -> memref<1x64xf32, #tpu.memory_space<hbm>>
      %dma_start3A_624 = tpu.memref_squeeze %dma_start3A_623 : memref<1x64xf32, #tpu.memory_space<hbm>> -> memref<64xf32, #tpu.memory_space<hbm>>
      %dma_start3A_625 = arith.constant 0 : i32
      %dma_start3A_626 = tpu.memref_slice %arg12[%dma_start3A_618, %dma_start3A_625] : memref<16x64xf32, #tpu.memory_space<vmem>> -> memref<1x64xf32, #tpu.memory_space<vmem>>
      %dma_start3A_627 = tpu.memref_squeeze %dma_start3A_626 : memref<1x64xf32, #tpu.memory_space<vmem>> -> memref<64xf32, #tpu.memory_space<vmem>>
      %dma_start3A_628 = arith.constant 0 : i32
      %dma_start3A_629 = tpu.memref_slice %arg5[%reduce_sum3A_578, %dma_start3A_628] : memref<1000000x64xf32, #tpu.memory_space<hbm>> -> memref<1x64xf32, #tpu.memory_space<hbm>>
      %dma_start3A_630 = tpu.memref_squeeze %dma_start3A_629 : memref<1x64xf32, #tpu.memory_space<hbm>> -> memref<64xf32, #tpu.memory_space<hbm>>
      tpu.enqueue_dma source(%dma_start3A_630 : memref<64xf32, #tpu.memory_space<hbm>>) target(%dma_start3A_627 : memref<64xf32, #tpu.memory_space<vmem>>) target_semaphore(%arg14 : memref<!tpu.dma_semaphore, #tpu.memory_space<semaphore_mem>>)
      %eq3A_631 = arith.constant 9 : i32
      %eq3A_632 = vector.broadcast %eq3A_631 : i32 to vector<16xi32>
      %eq3A_633 = arith.cmpi eq, %iota3A, %eq3A_632 : vector<16xi32>
      %jit3A_634 = arith.constant 0 : i32
      %broadcast_in_dim3A_635 = vector.broadcast %jit3A_634 : i32 to vector<16xi32>
      %select_n3A_636 = arith.select %eq3A_633, %get3A_11, %broadcast_in_dim3A_635 : vector<16xi1>, vector<16xi32>
      %reduce_sum3A_637 = arith.constant true
      %reduce_sum3A_638 = vector.broadcast %reduce_sum3A_637 : i1 to vector<16xi1>
      %reduce_sum3A_639 = tpu.scan <sum>, %select_n3A_636 masked %reduce_sum3A_638 : vector<16xi32>, vector<16xi1> -> vector<16xi32>
      %reduce_sum3A_640 = vector.extract %reduce_sum3A_639[15] : i32 from vector<16xi32>
      %jit3A_641 = arith.constant 0 : i32
      %broadcast_in_dim3A_642 = vector.broadcast %jit3A_641 : i32 to vector<16xi32>
      %select_n3A_643 = arith.select %eq3A_633, %get3A_15, %broadcast_in_dim3A_642 : vector<16xi1>, vector<16xi32>
      %reduce_sum3A_644 = arith.constant true
      %reduce_sum3A_645 = vector.broadcast %reduce_sum3A_644 : i1 to vector<16xi1>
      %reduce_sum3A_646 = tpu.scan <sum>, %select_n3A_643 masked %reduce_sum3A_645 : vector<16xi32>, vector<16xi1> -> vector<16xi32>
      %reduce_sum3A_647 = vector.extract %reduce_sum3A_646[15] : i32 from vector<16xi32>
      %dma_start3A_648 = arith.constant 9 : i32
      %dma_start3A_649 = arith.constant 0 : i32
      %dma_start3A_650 = tpu.memref_slice %arg9[%dma_start3A_648, %dma_start3A_649] : memref<16x64xf32, #tpu.memory_space<vmem>> -> memref<1x64xf32, #tpu.memory_space<vmem>>
      %dma_start3A_651 = tpu.memref_squeeze %dma_start3A_650 : memref<1x64xf32, #tpu.memory_space<vmem>> -> memref<64xf32, #tpu.memory_space<vmem>>
      %dma_start3A_652 = arith.constant 0 : i32
      %dma_start3A_653 = tpu.memref_slice %arg4[%reduce_sum3A_640, %dma_start3A_652] : memref<1000000x64xf32, #tpu.memory_space<hbm>> -> memref<1x64xf32, #tpu.memory_space<hbm>>
      %dma_start3A_654 = tpu.memref_squeeze %dma_start3A_653 : memref<1x64xf32, #tpu.memory_space<hbm>> -> memref<64xf32, #tpu.memory_space<hbm>>
      %dma_start3A_655 = arith.constant 0 : i32
      %dma_start3A_656 = tpu.memref_slice %arg9[%dma_start3A_648, %dma_start3A_655] : memref<16x64xf32, #tpu.memory_space<vmem>> -> memref<1x64xf32, #tpu.memory_space<vmem>>
      %dma_start3A_657 = tpu.memref_squeeze %dma_start3A_656 : memref<1x64xf32, #tpu.memory_space<vmem>> -> memref<64xf32, #tpu.memory_space<vmem>>
      %dma_start3A_658 = arith.constant 0 : i32
      %dma_start3A_659 = tpu.memref_slice %arg4[%reduce_sum3A_640, %dma_start3A_658] : memref<1000000x64xf32, #tpu.memory_space<hbm>> -> memref<1x64xf32, #tpu.memory_space<hbm>>
      %dma_start3A_660 = tpu.memref_squeeze %dma_start3A_659 : memref<1x64xf32, #tpu.memory_space<hbm>> -> memref<64xf32, #tpu.memory_space<hbm>>
      tpu.enqueue_dma source(%dma_start3A_660 : memref<64xf32, #tpu.memory_space<hbm>>) target(%dma_start3A_657 : memref<64xf32, #tpu.memory_space<vmem>>) target_semaphore(%arg14 : memref<!tpu.dma_semaphore, #tpu.memory_space<semaphore_mem>>)
      %dma_start3A_661 = arith.constant 9 : i32
      %dma_start3A_662 = arith.constant 0 : i32
      %dma_start3A_663 = tpu.memref_slice %arg10[%dma_start3A_661, %dma_start3A_662] : memref<16x64xf32, #tpu.memory_space<vmem>> -> memref<1x64xf32, #tpu.memory_space<vmem>>
      %dma_start3A_664 = tpu.memref_squeeze %dma_start3A_663 : memref<1x64xf32, #tpu.memory_space<vmem>> -> memref<64xf32, #tpu.memory_space<vmem>>
      %dma_start3A_665 = arith.constant 0 : i32
      %dma_start3A_666 = tpu.memref_slice %arg4[%reduce_sum3A_647, %dma_start3A_665] : memref<1000000x64xf32, #tpu.memory_space<hbm>> -> memref<1x64xf32, #tpu.memory_space<hbm>>
      %dma_start3A_667 = tpu.memref_squeeze %dma_start3A_666 : memref<1x64xf32, #tpu.memory_space<hbm>> -> memref<64xf32, #tpu.memory_space<hbm>>
      %dma_start3A_668 = arith.constant 0 : i32
      %dma_start3A_669 = tpu.memref_slice %arg10[%dma_start3A_661, %dma_start3A_668] : memref<16x64xf32, #tpu.memory_space<vmem>> -> memref<1x64xf32, #tpu.memory_space<vmem>>
      %dma_start3A_670 = tpu.memref_squeeze %dma_start3A_669 : memref<1x64xf32, #tpu.memory_space<vmem>> -> memref<64xf32, #tpu.memory_space<vmem>>
      %dma_start3A_671 = arith.constant 0 : i32
      %dma_start3A_672 = tpu.memref_slice %arg4[%reduce_sum3A_647, %dma_start3A_671] : memref<1000000x64xf32, #tpu.memory_space<hbm>> -> memref<1x64xf32, #tpu.memory_space<hbm>>
      %dma_start3A_673 = tpu.memref_squeeze %dma_start3A_672 : memref<1x64xf32, #tpu.memory_space<hbm>> -> memref<64xf32, #tpu.memory_space<hbm>>
      tpu.enqueue_dma source(%dma_start3A_673 : memref<64xf32, #tpu.memory_space<hbm>>) target(%dma_start3A_670 : memref<64xf32, #tpu.memory_space<vmem>>) target_semaphore(%arg14 : memref<!tpu.dma_semaphore, #tpu.memory_space<semaphore_mem>>)
      %dma_start3A_674 = arith.constant 9 : i32
      %dma_start3A_675 = arith.constant 0 : i32
      %dma_start3A_676 = tpu.memref_slice %arg11[%dma_start3A_674, %dma_start3A_675] : memref<16x64xf32, #tpu.memory_space<vmem>> -> memref<1x64xf32, #tpu.memory_space<vmem>>
      %dma_start3A_677 = tpu.memref_squeeze %dma_start3A_676 : memref<1x64xf32, #tpu.memory_space<vmem>> -> memref<64xf32, #tpu.memory_space<vmem>>
      %dma_start3A_678 = arith.constant 0 : i32
      %dma_start3A_679 = tpu.memref_slice %arg5[%reduce_sum3A_640, %dma_start3A_678] : memref<1000000x64xf32, #tpu.memory_space<hbm>> -> memref<1x64xf32, #tpu.memory_space<hbm>>
      %dma_start3A_680 = tpu.memref_squeeze %dma_start3A_679 : memref<1x64xf32, #tpu.memory_space<hbm>> -> memref<64xf32, #tpu.memory_space<hbm>>
      %dma_start3A_681 = arith.constant 0 : i32
      %dma_start3A_682 = tpu.memref_slice %arg11[%dma_start3A_674, %dma_start3A_681] : memref<16x64xf32, #tpu.memory_space<vmem>> -> memref<1x64xf32, #tpu.memory_space<vmem>>
      %dma_start3A_683 = tpu.memref_squeeze %dma_start3A_682 : memref<1x64xf32, #tpu.memory_space<vmem>> -> memref<64xf32, #tpu.memory_space<vmem>>
      %dma_start3A_684 = arith.constant 0 : i32
      %dma_start3A_685 = tpu.memref_slice %arg5[%reduce_sum3A_640, %dma_start3A_684] : memref<1000000x64xf32, #tpu.memory_space<hbm>> -> memref<1x64xf32, #tpu.memory_space<hbm>>
      %dma_start3A_686 = tpu.memref_squeeze %dma_start3A_685 : memref<1x64xf32, #tpu.memory_space<hbm>> -> memref<64xf32, #tpu.memory_space<hbm>>
      tpu.enqueue_dma source(%dma_start3A_686 : memref<64xf32, #tpu.memory_space<hbm>>) target(%dma_start3A_683 : memref<64xf32, #tpu.memory_space<vmem>>) target_semaphore(%arg14 : memref<!tpu.dma_semaphore, #tpu.memory_space<semaphore_mem>>)
      %dma_start3A_687 = arith.constant 9 : i32
      %dma_start3A_688 = arith.constant 0 : i32
      %dma_start3A_689 = tpu.memref_slice %arg12[%dma_start3A_687, %dma_start3A_688] : memref<16x64xf32, #tpu.memory_space<vmem>> -> memref<1x64xf32, #tpu.memory_space<vmem>>
      %dma_start3A_690 = tpu.memref_squeeze %dma_start3A_689 : memref<1x64xf32, #tpu.memory_space<vmem>> -> memref<64xf32, #tpu.memory_space<vmem>>
      %dma_start3A_691 = arith.constant 0 : i32
      %dma_start3A_692 = tpu.memref_slice %arg5[%reduce_sum3A_647, %dma_start3A_691] : memref<1000000x64xf32, #tpu.memory_space<hbm>> -> memref<1x64xf32, #tpu.memory_space<hbm>>
      %dma_start3A_693 = tpu.memref_squeeze %dma_start3A_692 : memref<1x64xf32, #tpu.memory_space<hbm>> -> memref<64xf32, #tpu.memory_space<hbm>>
      %dma_start3A_694 = arith.constant 0 : i32
      %dma_start3A_695 = tpu.memref_slice %arg12[%dma_start3A_687, %dma_start3A_694] : memref<16x64xf32, #tpu.memory_space<vmem>> -> memref<1x64xf32, #tpu.memory_space<vmem>>
      %dma_start3A_696 = tpu.memref_squeeze %dma_start3A_695 : memref<1x64xf32, #tpu.memory_space<vmem>> -> memref<64xf32, #tpu.memory_space<vmem>>
      %dma_start3A_697 = arith.constant 0 : i32
      %dma_start3A_698 = tpu.memref_slice %arg5[%reduce_sum3A_647, %dma_start3A_697] : memref<1000000x64xf32, #tpu.memory_space<hbm>> -> memref<1x64xf32, #tpu.memory_space<hbm>>
      %dma_start3A_699 = tpu.memref_squeeze %dma_start3A_698 : memref<1x64xf32, #tpu.memory_space<hbm>> -> memref<64xf32, #tpu.memory_space<hbm>>
      tpu.enqueue_dma source(%dma_start3A_699 : memref<64xf32, #tpu.memory_space<hbm>>) target(%dma_start3A_696 : memref<64xf32, #tpu.memory_space<vmem>>) target_semaphore(%arg14 : memref<!tpu.dma_semaphore, #tpu.memory_space<semaphore_mem>>)
      %eq3A_700 = arith.constant 10 : i32
      %eq3A_701 = vector.broadcast %eq3A_700 : i32 to vector<16xi32>
      %eq3A_702 = arith.cmpi eq, %iota3A, %eq3A_701 : vector<16xi32>
      %jit3A_703 = arith.constant 0 : i32
      %broadcast_in_dim3A_704 = vector.broadcast %jit3A_703 : i32 to vector<16xi32>
      %select_n3A_705 = arith.select %eq3A_702, %get3A_11, %broadcast_in_dim3A_704 : vector<16xi1>, vector<16xi32>
      %reduce_sum3A_706 = arith.constant true
      %reduce_sum3A_707 = vector.broadcast %reduce_sum3A_706 : i1 to vector<16xi1>
      %reduce_sum3A_708 = tpu.scan <sum>, %select_n3A_705 masked %reduce_sum3A_707 : vector<16xi32>, vector<16xi1> -> vector<16xi32>
      %reduce_sum3A_709 = vector.extract %reduce_sum3A_708[15] : i32 from vector<16xi32>
      %jit3A_710 = arith.constant 0 : i32
      %broadcast_in_dim3A_711 = vector.broadcast %jit3A_710 : i32 to vector<16xi32>
      %select_n3A_712 = arith.select %eq3A_702, %get3A_15, %broadcast_in_dim3A_711 : vector<16xi1>, vector<16xi32>
      %reduce_sum3A_713 = arith.constant true
      %reduce_sum3A_714 = vector.broadcast %reduce_sum3A_713 : i1 to vector<16xi1>
      %reduce_sum3A_715 = tpu.scan <sum>, %select_n3A_712 masked %reduce_sum3A_714 : vector<16xi32>, vector<16xi1> -> vector<16xi32>
      %reduce_sum3A_716 = vector.extract %reduce_sum3A_715[15] : i32 from vector<16xi32>
      %dma_start3A_717 = arith.constant 10 : i32
      %dma_start3A_718 = arith.constant 0 : i32
      %dma_start3A_719 = tpu.memref_slice %arg9[%dma_start3A_717, %dma_start3A_718] : memref<16x64xf32, #tpu.memory_space<vmem>> -> memref<1x64xf32, #tpu.memory_space<vmem>>
      %dma_start3A_720 = tpu.memref_squeeze %dma_start3A_719 : memref<1x64xf32, #tpu.memory_space<vmem>> -> memref<64xf32, #tpu.memory_space<vmem>>
      %dma_start3A_721 = arith.constant 0 : i32
      %dma_start3A_722 = tpu.memref_slice %arg4[%reduce_sum3A_709, %dma_start3A_721] : memref<1000000x64xf32, #tpu.memory_space<hbm>> -> memref<1x64xf32, #tpu.memory_space<hbm>>
      %dma_start3A_723 = tpu.memref_squeeze %dma_start3A_722 : memref<1x64xf32, #tpu.memory_space<hbm>> -> memref<64xf32, #tpu.memory_space<hbm>>
      %dma_start3A_724 = arith.constant 0 : i32
      %dma_start3A_725 = tpu.memref_slice %arg9[%dma_start3A_717, %dma_start3A_724] : memref<16x64xf32, #tpu.memory_space<vmem>> -> memref<1x64xf32, #tpu.memory_space<vmem>>
      %dma_start3A_726 = tpu.memref_squeeze %dma_start3A_725 : memref<1x64xf32, #tpu.memory_space<vmem>> -> memref<64xf32, #tpu.memory_space<vmem>>
      %dma_start3A_727 = arith.constant 0 : i32
      %dma_start3A_728 = tpu.memref_slice %arg4[%reduce_sum3A_709, %dma_start3A_727] : memref<1000000x64xf32, #tpu.memory_space<hbm>> -> memref<1x64xf32, #tpu.memory_space<hbm>>
      %dma_start3A_729 = tpu.memref_squeeze %dma_start3A_728 : memref<1x64xf32, #tpu.memory_space<hbm>> -> memref<64xf32, #tpu.memory_space<hbm>>
      tpu.enqueue_dma source(%dma_start3A_729 : memref<64xf32, #tpu.memory_space<hbm>>) target(%dma_start3A_726 : memref<64xf32, #tpu.memory_space<vmem>>) target_semaphore(%arg14 : memref<!tpu.dma_semaphore, #tpu.memory_space<semaphore_mem>>)
      %dma_start3A_730 = arith.constant 10 : i32
      %dma_start3A_731 = arith.constant 0 : i32
      %dma_start3A_732 = tpu.memref_slice %arg10[%dma_start3A_730, %dma_start3A_731] : memref<16x64xf32, #tpu.memory_space<vmem>> -> memref<1x64xf32, #tpu.memory_space<vmem>>
      %dma_start3A_733 = tpu.memref_squeeze %dma_start3A_732 : memref<1x64xf32, #tpu.memory_space<vmem>> -> memref<64xf32, #tpu.memory_space<vmem>>
      %dma_start3A_734 = arith.constant 0 : i32
      %dma_start3A_735 = tpu.memref_slice %arg4[%reduce_sum3A_716, %dma_start3A_734] : memref<1000000x64xf32, #tpu.memory_space<hbm>> -> memref<1x64xf32, #tpu.memory_space<hbm>>
      %dma_start3A_736 = tpu.memref_squeeze %dma_start3A_735 : memref<1x64xf32, #tpu.memory_space<hbm>> -> memref<64xf32, #tpu.memory_space<hbm>>
      %dma_start3A_737 = arith.constant 0 : i32
      %dma_start3A_738 = tpu.memref_slice %arg10[%dma_start3A_730, %dma_start3A_737] : memref<16x64xf32, #tpu.memory_space<vmem>> -> memref<1x64xf32, #tpu.memory_space<vmem>>
      %dma_start3A_739 = tpu.memref_squeeze %dma_start3A_738 : memref<1x64xf32, #tpu.memory_space<vmem>> -> memref<64xf32, #tpu.memory_space<vmem>>
      %dma_start3A_740 = arith.constant 0 : i32
      %dma_start3A_741 = tpu.memref_slice %arg4[%reduce_sum3A_716, %dma_start3A_740] : memref<1000000x64xf32, #tpu.memory_space<hbm>> -> memref<1x64xf32, #tpu.memory_space<hbm>>
      %dma_start3A_742 = tpu.memref_squeeze %dma_start3A_741 : memref<1x64xf32, #tpu.memory_space<hbm>> -> memref<64xf32, #tpu.memory_space<hbm>>
      tpu.enqueue_dma source(%dma_start3A_742 : memref<64xf32, #tpu.memory_space<hbm>>) target(%dma_start3A_739 : memref<64xf32, #tpu.memory_space<vmem>>) target_semaphore(%arg14 : memref<!tpu.dma_semaphore, #tpu.memory_space<semaphore_mem>>)
      %dma_start3A_743 = arith.constant 10 : i32
      %dma_start3A_744 = arith.constant 0 : i32
      %dma_start3A_745 = tpu.memref_slice %arg11[%dma_start3A_743, %dma_start3A_744] : memref<16x64xf32, #tpu.memory_space<vmem>> -> memref<1x64xf32, #tpu.memory_space<vmem>>
      %dma_start3A_746 = tpu.memref_squeeze %dma_start3A_745 : memref<1x64xf32, #tpu.memory_space<vmem>> -> memref<64xf32, #tpu.memory_space<vmem>>
      %dma_start3A_747 = arith.constant 0 : i32
      %dma_start3A_748 = tpu.memref_slice %arg5[%reduce_sum3A_709, %dma_start3A_747] : memref<1000000x64xf32, #tpu.memory_space<hbm>> -> memref<1x64xf32, #tpu.memory_space<hbm>>
      %dma_start3A_749 = tpu.memref_squeeze %dma_start3A_748 : memref<1x64xf32, #tpu.memory_space<hbm>> -> memref<64xf32, #tpu.memory_space<hbm>>
      %dma_start3A_750 = arith.constant 0 : i32
      %dma_start3A_751 = tpu.memref_slice %arg11[%dma_start3A_743, %dma_start3A_750] : memref<16x64xf32, #tpu.memory_space<vmem>> -> memref<1x64xf32, #tpu.memory_space<vmem>>
      %dma_start3A_752 = tpu.memref_squeeze %dma_start3A_751 : memref<1x64xf32, #tpu.memory_space<vmem>> -> memref<64xf32, #tpu.memory_space<vmem>>
      %dma_start3A_753 = arith.constant 0 : i32
      %dma_start3A_754 = tpu.memref_slice %arg5[%reduce_sum3A_709, %dma_start3A_753] : memref<1000000x64xf32, #tpu.memory_space<hbm>> -> memref<1x64xf32, #tpu.memory_space<hbm>>
      %dma_start3A_755 = tpu.memref_squeeze %dma_start3A_754 : memref<1x64xf32, #tpu.memory_space<hbm>> -> memref<64xf32, #tpu.memory_space<hbm>>
      tpu.enqueue_dma source(%dma_start3A_755 : memref<64xf32, #tpu.memory_space<hbm>>) target(%dma_start3A_752 : memref<64xf32, #tpu.memory_space<vmem>>) target_semaphore(%arg14 : memref<!tpu.dma_semaphore, #tpu.memory_space<semaphore_mem>>)
      %dma_start3A_756 = arith.constant 10 : i32
      %dma_start3A_757 = arith.constant 0 : i32
      %dma_start3A_758 = tpu.memref_slice %arg12[%dma_start3A_756, %dma_start3A_757] : memref<16x64xf32, #tpu.memory_space<vmem>> -> memref<1x64xf32, #tpu.memory_space<vmem>>
      %dma_start3A_759 = tpu.memref_squeeze %dma_start3A_758 : memref<1x64xf32, #tpu.memory_space<vmem>> -> memref<64xf32, #tpu.memory_space<vmem>>
      %dma_start3A_760 = arith.constant 0 : i32
      %dma_start3A_761 = tpu.memref_slice %arg5[%reduce_sum3A_716, %dma_start3A_760] : memref<1000000x64xf32, #tpu.memory_space<hbm>> -> memref<1x64xf32, #tpu.memory_space<hbm>>
      %dma_start3A_762 = tpu.memref_squeeze %dma_start3A_761 : memref<1x64xf32, #tpu.memory_space<hbm>> -> memref<64xf32, #tpu.memory_space<hbm>>
      %dma_start3A_763 = arith.constant 0 : i32
      %dma_start3A_764 = tpu.memref_slice %arg12[%dma_start3A_756, %dma_start3A_763] : memref<16x64xf32, #tpu.memory_space<vmem>> -> memref<1x64xf32, #tpu.memory_space<vmem>>
      %dma_start3A_765 = tpu.memref_squeeze %dma_start3A_764 : memref<1x64xf32, #tpu.memory_space<vmem>> -> memref<64xf32, #tpu.memory_space<vmem>>
      %dma_start3A_766 = arith.constant 0 : i32
      %dma_start3A_767 = tpu.memref_slice %arg5[%reduce_sum3A_716, %dma_start3A_766] : memref<1000000x64xf32, #tpu.memory_space<hbm>> -> memref<1x64xf32, #tpu.memory_space<hbm>>
      %dma_start3A_768 = tpu.memref_squeeze %dma_start3A_767 : memref<1x64xf32, #tpu.memory_space<hbm>> -> memref<64xf32, #tpu.memory_space<hbm>>
      tpu.enqueue_dma source(%dma_start3A_768 : memref<64xf32, #tpu.memory_space<hbm>>) target(%dma_start3A_765 : memref<64xf32, #tpu.memory_space<vmem>>) target_semaphore(%arg14 : memref<!tpu.dma_semaphore, #tpu.memory_space<semaphore_mem>>)
      %eq3A_769 = arith.constant 11 : i32
      %eq3A_770 = vector.broadcast %eq3A_769 : i32 to vector<16xi32>
      %eq3A_771 = arith.cmpi eq, %iota3A, %eq3A_770 : vector<16xi32>
      %jit3A_772 = arith.constant 0 : i32
      %broadcast_in_dim3A_773 = vector.broadcast %jit3A_772 : i32 to vector<16xi32>
      %select_n3A_774 = arith.select %eq3A_771, %get3A_11, %broadcast_in_dim3A_773 : vector<16xi1>, vector<16xi32>
      %reduce_sum3A_775 = arith.constant true
      %reduce_sum3A_776 = vector.broadcast %reduce_sum3A_775 : i1 to vector<16xi1>
      %reduce_sum3A_777 = tpu.scan <sum>, %select_n3A_774 masked %reduce_sum3A_776 : vector<16xi32>, vector<16xi1> -> vector<16xi32>
      %reduce_sum3A_778 = vector.extract %reduce_sum3A_777[15] : i32 from vector<16xi32>
      %jit3A_779 = arith.constant 0 : i32
      %broadcast_in_dim3A_780 = vector.broadcast %jit3A_779 : i32 to vector<16xi32>
      %select_n3A_781 = arith.select %eq3A_771, %get3A_15, %broadcast_in_dim3A_780 : vector<16xi1>, vector<16xi32>
      %reduce_sum3A_782 = arith.constant true
      %reduce_sum3A_783 = vector.broadcast %reduce_sum3A_782 : i1 to vector<16xi1>
      %reduce_sum3A_784 = tpu.scan <sum>, %select_n3A_781 masked %reduce_sum3A_783 : vector<16xi32>, vector<16xi1> -> vector<16xi32>
      %reduce_sum3A_785 = vector.extract %reduce_sum3A_784[15] : i32 from vector<16xi32>
      %dma_start3A_786 = arith.constant 11 : i32
      %dma_start3A_787 = arith.constant 0 : i32
      %dma_start3A_788 = tpu.memref_slice %arg9[%dma_start3A_786, %dma_start3A_787] : memref<16x64xf32, #tpu.memory_space<vmem>> -> memref<1x64xf32, #tpu.memory_space<vmem>>
      %dma_start3A_789 = tpu.memref_squeeze %dma_start3A_788 : memref<1x64xf32, #tpu.memory_space<vmem>> -> memref<64xf32, #tpu.memory_space<vmem>>
      %dma_start3A_790 = arith.constant 0 : i32
      %dma_start3A_791 = tpu.memref_slice %arg4[%reduce_sum3A_778, %dma_start3A_790] : memref<1000000x64xf32, #tpu.memory_space<hbm>> -> memref<1x64xf32, #tpu.memory_space<hbm>>
      %dma_start3A_792 = tpu.memref_squeeze %dma_start3A_791 : memref<1x64xf32, #tpu.memory_space<hbm>> -> memref<64xf32, #tpu.memory_space<hbm>>
      %dma_start3A_793 = arith.constant 0 : i32
      %dma_start3A_794 = tpu.memref_slice %arg9[%dma_start3A_786, %dma_start3A_793] : memref<16x64xf32, #tpu.memory_space<vmem>> -> memref<1x64xf32, #tpu.memory_space<vmem>>
      %dma_start3A_795 = tpu.memref_squeeze %dma_start3A_794 : memref<1x64xf32, #tpu.memory_space<vmem>> -> memref<64xf32, #tpu.memory_space<vmem>>
      %dma_start3A_796 = arith.constant 0 : i32
      %dma_start3A_797 = tpu.memref_slice %arg4[%reduce_sum3A_778, %dma_start3A_796] : memref<1000000x64xf32, #tpu.memory_space<hbm>> -> memref<1x64xf32, #tpu.memory_space<hbm>>
      %dma_start3A_798 = tpu.memref_squeeze %dma_start3A_797 : memref<1x64xf32, #tpu.memory_space<hbm>> -> memref<64xf32, #tpu.memory_space<hbm>>
      tpu.enqueue_dma source(%dma_start3A_798 : memref<64xf32, #tpu.memory_space<hbm>>) target(%dma_start3A_795 : memref<64xf32, #tpu.memory_space<vmem>>) target_semaphore(%arg14 : memref<!tpu.dma_semaphore, #tpu.memory_space<semaphore_mem>>)
      %dma_start3A_799 = arith.constant 11 : i32
      %dma_start3A_800 = arith.constant 0 : i32
      %dma_start3A_801 = tpu.memref_slice %arg10[%dma_start3A_799, %dma_start3A_800] : memref<16x64xf32, #tpu.memory_space<vmem>> -> memref<1x64xf32, #tpu.memory_space<vmem>>
      %dma_start3A_802 = tpu.memref_squeeze %dma_start3A_801 : memref<1x64xf32, #tpu.memory_space<vmem>> -> memref<64xf32, #tpu.memory_space<vmem>>
      %dma_start3A_803 = arith.constant 0 : i32
      %dma_start3A_804 = tpu.memref_slice %arg4[%reduce_sum3A_785, %dma_start3A_803] : memref<1000000x64xf32, #tpu.memory_space<hbm>> -> memref<1x64xf32, #tpu.memory_space<hbm>>
      %dma_start3A_805 = tpu.memref_squeeze %dma_start3A_804 : memref<1x64xf32, #tpu.memory_space<hbm>> -> memref<64xf32, #tpu.memory_space<hbm>>
      %dma_start3A_806 = arith.constant 0 : i32
      %dma_start3A_807 = tpu.memref_slice %arg10[%dma_start3A_799, %dma_start3A_806] : memref<16x64xf32, #tpu.memory_space<vmem>> -> memref<1x64xf32, #tpu.memory_space<vmem>>
      %dma_start3A_808 = tpu.memref_squeeze %dma_start3A_807 : memref<1x64xf32, #tpu.memory_space<vmem>> -> memref<64xf32, #tpu.memory_space<vmem>>
      %dma_start3A_809 = arith.constant 0 : i32
      %dma_start3A_810 = tpu.memref_slice %arg4[%reduce_sum3A_785, %dma_start3A_809] : memref<1000000x64xf32, #tpu.memory_space<hbm>> -> memref<1x64xf32, #tpu.memory_space<hbm>>
      %dma_start3A_811 = tpu.memref_squeeze %dma_start3A_810 : memref<1x64xf32, #tpu.memory_space<hbm>> -> memref<64xf32, #tpu.memory_space<hbm>>
      tpu.enqueue_dma source(%dma_start3A_811 : memref<64xf32, #tpu.memory_space<hbm>>) target(%dma_start3A_808 : memref<64xf32, #tpu.memory_space<vmem>>) target_semaphore(%arg14 : memref<!tpu.dma_semaphore, #tpu.memory_space<semaphore_mem>>)
      %dma_start3A_812 = arith.constant 11 : i32
      %dma_start3A_813 = arith.constant 0 : i32
      %dma_start3A_814 = tpu.memref_slice %arg11[%dma_start3A_812, %dma_start3A_813] : memref<16x64xf32, #tpu.memory_space<vmem>> -> memref<1x64xf32, #tpu.memory_space<vmem>>
      %dma_start3A_815 = tpu.memref_squeeze %dma_start3A_814 : memref<1x64xf32, #tpu.memory_space<vmem>> -> memref<64xf32, #tpu.memory_space<vmem>>
      %dma_start3A_816 = arith.constant 0 : i32
      %dma_start3A_817 = tpu.memref_slice %arg5[%reduce_sum3A_778, %dma_start3A_816] : memref<1000000x64xf32, #tpu.memory_space<hbm>> -> memref<1x64xf32, #tpu.memory_space<hbm>>
      %dma_start3A_818 = tpu.memref_squeeze %dma_start3A_817 : memref<1x64xf32, #tpu.memory_space<hbm>> -> memref<64xf32, #tpu.memory_space<hbm>>
      %dma_start3A_819 = arith.constant 0 : i32
      %dma_start3A_820 = tpu.memref_slice %arg11[%dma_start3A_812, %dma_start3A_819] : memref<16x64xf32, #tpu.memory_space<vmem>> -> memref<1x64xf32, #tpu.memory_space<vmem>>
      %dma_start3A_821 = tpu.memref_squeeze %dma_start3A_820 : memref<1x64xf32, #tpu.memory_space<vmem>> -> memref<64xf32, #tpu.memory_space<vmem>>
      %dma_start3A_822 = arith.constant 0 : i32
      %dma_start3A_823 = tpu.memref_slice %arg5[%reduce_sum3A_778, %dma_start3A_822] : memref<1000000x64xf32, #tpu.memory_space<hbm>> -> memref<1x64xf32, #tpu.memory_space<hbm>>
      %dma_start3A_824 = tpu.memref_squeeze %dma_start3A_823 : memref<1x64xf32, #tpu.memory_space<hbm>> -> memref<64xf32, #tpu.memory_space<hbm>>
      tpu.enqueue_dma source(%dma_start3A_824 : memref<64xf32, #tpu.memory_space<hbm>>) target(%dma_start3A_821 : memref<64xf32, #tpu.memory_space<vmem>>) target_semaphore(%arg14 : memref<!tpu.dma_semaphore, #tpu.memory_space<semaphore_mem>>)
      %dma_start3A_825 = arith.constant 11 : i32
      %dma_start3A_826 = arith.constant 0 : i32
      %dma_start3A_827 = tpu.memref_slice %arg12[%dma_start3A_825, %dma_start3A_826] : memref<16x64xf32, #tpu.memory_space<vmem>> -> memref<1x64xf32, #tpu.memory_space<vmem>>
      %dma_start3A_828 = tpu.memref_squeeze %dma_start3A_827 : memref<1x64xf32, #tpu.memory_space<vmem>> -> memref<64xf32, #tpu.memory_space<vmem>>
      %dma_start3A_829 = arith.constant 0 : i32
      %dma_start3A_830 = tpu.memref_slice %arg5[%reduce_sum3A_785, %dma_start3A_829] : memref<1000000x64xf32, #tpu.memory_space<hbm>> -> memref<1x64xf32, #tpu.memory_space<hbm>>
      %dma_start3A_831 = tpu.memref_squeeze %dma_start3A_830 : memref<1x64xf32, #tpu.memory_space<hbm>> -> memref<64xf32, #tpu.memory_space<hbm>>
      %dma_start3A_832 = arith.constant 0 : i32
      %dma_start3A_833 = tpu.memref_slice %arg12[%dma_start3A_825, %dma_start3A_832] : memref<16x64xf32, #tpu.memory_space<vmem>> -> memref<1x64xf32, #tpu.memory_space<vmem>>
      %dma_start3A_834 = tpu.memref_squeeze %dma_start3A_833 : memref<1x64xf32, #tpu.memory_space<vmem>> -> memref<64xf32, #tpu.memory_space<vmem>>
      %dma_start3A_835 = arith.constant 0 : i32
      %dma_start3A_836 = tpu.memref_slice %arg5[%reduce_sum3A_785, %dma_start3A_835] : memref<1000000x64xf32, #tpu.memory_space<hbm>> -> memref<1x64xf32, #tpu.memory_space<hbm>>
      %dma_start3A_837 = tpu.memref_squeeze %dma_start3A_836 : memref<1x64xf32, #tpu.memory_space<hbm>> -> memref<64xf32, #tpu.memory_space<hbm>>
      tpu.enqueue_dma source(%dma_start3A_837 : memref<64xf32, #tpu.memory_space<hbm>>) target(%dma_start3A_834 : memref<64xf32, #tpu.memory_space<vmem>>) target_semaphore(%arg14 : memref<!tpu.dma_semaphore, #tpu.memory_space<semaphore_mem>>)
      %eq3A_838 = arith.constant 12 : i32
      %eq3A_839 = vector.broadcast %eq3A_838 : i32 to vector<16xi32>
      %eq3A_840 = arith.cmpi eq, %iota3A, %eq3A_839 : vector<16xi32>
      %jit3A_841 = arith.constant 0 : i32
      %broadcast_in_dim3A_842 = vector.broadcast %jit3A_841 : i32 to vector<16xi32>
      %select_n3A_843 = arith.select %eq3A_840, %get3A_11, %broadcast_in_dim3A_842 : vector<16xi1>, vector<16xi32>
      %reduce_sum3A_844 = arith.constant true
      %reduce_sum3A_845 = vector.broadcast %reduce_sum3A_844 : i1 to vector<16xi1>
      %reduce_sum3A_846 = tpu.scan <sum>, %select_n3A_843 masked %reduce_sum3A_845 : vector<16xi32>, vector<16xi1> -> vector<16xi32>
      %reduce_sum3A_847 = vector.extract %reduce_sum3A_846[15] : i32 from vector<16xi32>
      %jit3A_848 = arith.constant 0 : i32
      %broadcast_in_dim3A_849 = vector.broadcast %jit3A_848 : i32 to vector<16xi32>
      %select_n3A_850 = arith.select %eq3A_840, %get3A_15, %broadcast_in_dim3A_849 : vector<16xi1>, vector<16xi32>
      %reduce_sum3A_851 = arith.constant true
      %reduce_sum3A_852 = vector.broadcast %reduce_sum3A_851 : i1 to vector<16xi1>
      %reduce_sum3A_853 = tpu.scan <sum>, %select_n3A_850 masked %reduce_sum3A_852 : vector<16xi32>, vector<16xi1> -> vector<16xi32>
      %reduce_sum3A_854 = vector.extract %reduce_sum3A_853[15] : i32 from vector<16xi32>
      %dma_start3A_855 = arith.constant 12 : i32
      %dma_start3A_856 = arith.constant 0 : i32
      %dma_start3A_857 = tpu.memref_slice %arg9[%dma_start3A_855, %dma_start3A_856] : memref<16x64xf32, #tpu.memory_space<vmem>> -> memref<1x64xf32, #tpu.memory_space<vmem>>
      %dma_start3A_858 = tpu.memref_squeeze %dma_start3A_857 : memref<1x64xf32, #tpu.memory_space<vmem>> -> memref<64xf32, #tpu.memory_space<vmem>>
      %dma_start3A_859 = arith.constant 0 : i32
      %dma_start3A_860 = tpu.memref_slice %arg4[%reduce_sum3A_847, %dma_start3A_859] : memref<1000000x64xf32, #tpu.memory_space<hbm>> -> memref<1x64xf32, #tpu.memory_space<hbm>>
      %dma_start3A_861 = tpu.memref_squeeze %dma_start3A_860 : memref<1x64xf32, #tpu.memory_space<hbm>> -> memref<64xf32, #tpu.memory_space<hbm>>
      %dma_start3A_862 = arith.constant 0 : i32
      %dma_start3A_863 = tpu.memref_slice %arg9[%dma_start3A_855, %dma_start3A_862] : memref<16x64xf32, #tpu.memory_space<vmem>> -> memref<1x64xf32, #tpu.memory_space<vmem>>
      %dma_start3A_864 = tpu.memref_squeeze %dma_start3A_863 : memref<1x64xf32, #tpu.memory_space<vmem>> -> memref<64xf32, #tpu.memory_space<vmem>>
      %dma_start3A_865 = arith.constant 0 : i32
      %dma_start3A_866 = tpu.memref_slice %arg4[%reduce_sum3A_847, %dma_start3A_865] : memref<1000000x64xf32, #tpu.memory_space<hbm>> -> memref<1x64xf32, #tpu.memory_space<hbm>>
      %dma_start3A_867 = tpu.memref_squeeze %dma_start3A_866 : memref<1x64xf32, #tpu.memory_space<hbm>> -> memref<64xf32, #tpu.memory_space<hbm>>
      tpu.enqueue_dma source(%dma_start3A_867 : memref<64xf32, #tpu.memory_space<hbm>>) target(%dma_start3A_864 : memref<64xf32, #tpu.memory_space<vmem>>) target_semaphore(%arg14 : memref<!tpu.dma_semaphore, #tpu.memory_space<semaphore_mem>>)
      %dma_start3A_868 = arith.constant 12 : i32
      %dma_start3A_869 = arith.constant 0 : i32
      %dma_start3A_870 = tpu.memref_slice %arg10[%dma_start3A_868, %dma_start3A_869] : memref<16x64xf32, #tpu.memory_space<vmem>> -> memref<1x64xf32, #tpu.memory_space<vmem>>
      %dma_start3A_871 = tpu.memref_squeeze %dma_start3A_870 : memref<1x64xf32, #tpu.memory_space<vmem>> -> memref<64xf32, #tpu.memory_space<vmem>>
      %dma_start3A_872 = arith.constant 0 : i32
      %dma_start3A_873 = tpu.memref_slice %arg4[%reduce_sum3A_854, %dma_start3A_872] : memref<1000000x64xf32, #tpu.memory_space<hbm>> -> memref<1x64xf32, #tpu.memory_space<hbm>>
      %dma_start3A_874 = tpu.memref_squeeze %dma_start3A_873 : memref<1x64xf32, #tpu.memory_space<hbm>> -> memref<64xf32, #tpu.memory_space<hbm>>
      %dma_start3A_875 = arith.constant 0 : i32
      %dma_start3A_876 = tpu.memref_slice %arg10[%dma_start3A_868, %dma_start3A_875] : memref<16x64xf32, #tpu.memory_space<vmem>> -> memref<1x64xf32, #tpu.memory_space<vmem>>
      %dma_start3A_877 = tpu.memref_squeeze %dma_start3A_876 : memref<1x64xf32, #tpu.memory_space<vmem>> -> memref<64xf32, #tpu.memory_space<vmem>>
      %dma_start3A_878 = arith.constant 0 : i32
      %dma_start3A_879 = tpu.memref_slice %arg4[%reduce_sum3A_854, %dma_start3A_878] : memref<1000000x64xf32, #tpu.memory_space<hbm>> -> memref<1x64xf32, #tpu.memory_space<hbm>>
      %dma_start3A_880 = tpu.memref_squeeze %dma_start3A_879 : memref<1x64xf32, #tpu.memory_space<hbm>> -> memref<64xf32, #tpu.memory_space<hbm>>
      tpu.enqueue_dma source(%dma_start3A_880 : memref<64xf32, #tpu.memory_space<hbm>>) target(%dma_start3A_877 : memref<64xf32, #tpu.memory_space<vmem>>) target_semaphore(%arg14 : memref<!tpu.dma_semaphore, #tpu.memory_space<semaphore_mem>>)
      %dma_start3A_881 = arith.constant 12 : i32
      %dma_start3A_882 = arith.constant 0 : i32
      %dma_start3A_883 = tpu.memref_slice %arg11[%dma_start3A_881, %dma_start3A_882] : memref<16x64xf32, #tpu.memory_space<vmem>> -> memref<1x64xf32, #tpu.memory_space<vmem>>
      %dma_start3A_884 = tpu.memref_squeeze %dma_start3A_883 : memref<1x64xf32, #tpu.memory_space<vmem>> -> memref<64xf32, #tpu.memory_space<vmem>>
      %dma_start3A_885 = arith.constant 0 : i32
      %dma_start3A_886 = tpu.memref_slice %arg5[%reduce_sum3A_847, %dma_start3A_885] : memref<1000000x64xf32, #tpu.memory_space<hbm>> -> memref<1x64xf32, #tpu.memory_space<hbm>>
      %dma_start3A_887 = tpu.memref_squeeze %dma_start3A_886 : memref<1x64xf32, #tpu.memory_space<hbm>> -> memref<64xf32, #tpu.memory_space<hbm>>
      %dma_start3A_888 = arith.constant 0 : i32
      %dma_start3A_889 = tpu.memref_slice %arg11[%dma_start3A_881, %dma_start3A_888] : memref<16x64xf32, #tpu.memory_space<vmem>> -> memref<1x64xf32, #tpu.memory_space<vmem>>
      %dma_start3A_890 = tpu.memref_squeeze %dma_start3A_889 : memref<1x64xf32, #tpu.memory_space<vmem>> -> memref<64xf32, #tpu.memory_space<vmem>>
      %dma_start3A_891 = arith.constant 0 : i32
      %dma_start3A_892 = tpu.memref_slice %arg5[%reduce_sum3A_847, %dma_start3A_891] : memref<1000000x64xf32, #tpu.memory_space<hbm>> -> memref<1x64xf32, #tpu.memory_space<hbm>>
      %dma_start3A_893 = tpu.memref_squeeze %dma_start3A_892 : memref<1x64xf32, #tpu.memory_space<hbm>> -> memref<64xf32, #tpu.memory_space<hbm>>
      tpu.enqueue_dma source(%dma_start3A_893 : memref<64xf32, #tpu.memory_space<hbm>>) target(%dma_start3A_890 : memref<64xf32, #tpu.memory_space<vmem>>) target_semaphore(%arg14 : memref<!tpu.dma_semaphore, #tpu.memory_space<semaphore_mem>>)
      %dma_start3A_894 = arith.constant 12 : i32
      %dma_start3A_895 = arith.constant 0 : i32
      %dma_start3A_896 = tpu.memref_slice %arg12[%dma_start3A_894, %dma_start3A_895] : memref<16x64xf32, #tpu.memory_space<vmem>> -> memref<1x64xf32, #tpu.memory_space<vmem>>
      %dma_start3A_897 = tpu.memref_squeeze %dma_start3A_896 : memref<1x64xf32, #tpu.memory_space<vmem>> -> memref<64xf32, #tpu.memory_space<vmem>>
      %dma_start3A_898 = arith.constant 0 : i32
      %dma_start3A_899 = tpu.memref_slice %arg5[%reduce_sum3A_854, %dma_start3A_898] : memref<1000000x64xf32, #tpu.memory_space<hbm>> -> memref<1x64xf32, #tpu.memory_space<hbm>>
      %dma_start3A_900 = tpu.memref_squeeze %dma_start3A_899 : memref<1x64xf32, #tpu.memory_space<hbm>> -> memref<64xf32, #tpu.memory_space<hbm>>
      %dma_start3A_901 = arith.constant 0 : i32
      %dma_start3A_902 = tpu.memref_slice %arg12[%dma_start3A_894, %dma_start3A_901] : memref<16x64xf32, #tpu.memory_space<vmem>> -> memref<1x64xf32, #tpu.memory_space<vmem>>
      %dma_start3A_903 = tpu.memref_squeeze %dma_start3A_902 : memref<1x64xf32, #tpu.memory_space<vmem>> -> memref<64xf32, #tpu.memory_space<vmem>>
      %dma_start3A_904 = arith.constant 0 : i32
      %dma_start3A_905 = tpu.memref_slice %arg5[%reduce_sum3A_854, %dma_start3A_904] : memref<1000000x64xf32, #tpu.memory_space<hbm>> -> memref<1x64xf32, #tpu.memory_space<hbm>>
      %dma_start3A_906 = tpu.memref_squeeze %dma_start3A_905 : memref<1x64xf32, #tpu.memory_space<hbm>> -> memref<64xf32, #tpu.memory_space<hbm>>
      tpu.enqueue_dma source(%dma_start3A_906 : memref<64xf32, #tpu.memory_space<hbm>>) target(%dma_start3A_903 : memref<64xf32, #tpu.memory_space<vmem>>) target_semaphore(%arg14 : memref<!tpu.dma_semaphore, #tpu.memory_space<semaphore_mem>>)
      %eq3A_907 = arith.constant 13 : i32
      %eq3A_908 = vector.broadcast %eq3A_907 : i32 to vector<16xi32>
      %eq3A_909 = arith.cmpi eq, %iota3A, %eq3A_908 : vector<16xi32>
      %jit3A_910 = arith.constant 0 : i32
      %broadcast_in_dim3A_911 = vector.broadcast %jit3A_910 : i32 to vector<16xi32>
      %select_n3A_912 = arith.select %eq3A_909, %get3A_11, %broadcast_in_dim3A_911 : vector<16xi1>, vector<16xi32>
      %reduce_sum3A_913 = arith.constant true
      %reduce_sum3A_914 = vector.broadcast %reduce_sum3A_913 : i1 to vector<16xi1>
      %reduce_sum3A_915 = tpu.scan <sum>, %select_n3A_912 masked %reduce_sum3A_914 : vector<16xi32>, vector<16xi1> -> vector<16xi32>
      %reduce_sum3A_916 = vector.extract %reduce_sum3A_915[15] : i32 from vector<16xi32>
      %jit3A_917 = arith.constant 0 : i32
      %broadcast_in_dim3A_918 = vector.broadcast %jit3A_917 : i32 to vector<16xi32>
      %select_n3A_919 = arith.select %eq3A_909, %get3A_15, %broadcast_in_dim3A_918 : vector<16xi1>, vector<16xi32>
      %reduce_sum3A_920 = arith.constant true
      %reduce_sum3A_921 = vector.broadcast %reduce_sum3A_920 : i1 to vector<16xi1>
      %reduce_sum3A_922 = tpu.scan <sum>, %select_n3A_919 masked %reduce_sum3A_921 : vector<16xi32>, vector<16xi1> -> vector<16xi32>
      %reduce_sum3A_923 = vector.extract %reduce_sum3A_922[15] : i32 from vector<16xi32>
      %dma_start3A_924 = arith.constant 13 : i32
      %dma_start3A_925 = arith.constant 0 : i32
      %dma_start3A_926 = tpu.memref_slice %arg9[%dma_start3A_924, %dma_start3A_925] : memref<16x64xf32, #tpu.memory_space<vmem>> -> memref<1x64xf32, #tpu.memory_space<vmem>>
      %dma_start3A_927 = tpu.memref_squeeze %dma_start3A_926 : memref<1x64xf32, #tpu.memory_space<vmem>> -> memref<64xf32, #tpu.memory_space<vmem>>
      %dma_start3A_928 = arith.constant 0 : i32
      %dma_start3A_929 = tpu.memref_slice %arg4[%reduce_sum3A_916, %dma_start3A_928] : memref<1000000x64xf32, #tpu.memory_space<hbm>> -> memref<1x64xf32, #tpu.memory_space<hbm>>
      %dma_start3A_930 = tpu.memref_squeeze %dma_start3A_929 : memref<1x64xf32, #tpu.memory_space<hbm>> -> memref<64xf32, #tpu.memory_space<hbm>>
      %dma_start3A_931 = arith.constant 0 : i32
      %dma_start3A_932 = tpu.memref_slice %arg9[%dma_start3A_924, %dma_start3A_931] : memref<16x64xf32, #tpu.memory_space<vmem>> -> memref<1x64xf32, #tpu.memory_space<vmem>>
      %dma_start3A_933 = tpu.memref_squeeze %dma_start3A_932 : memref<1x64xf32, #tpu.memory_space<vmem>> -> memref<64xf32, #tpu.memory_space<vmem>>
      %dma_start3A_934 = arith.constant 0 : i32
      %dma_start3A_935 = tpu.memref_slice %arg4[%reduce_sum3A_916, %dma_start3A_934] : memref<1000000x64xf32, #tpu.memory_space<hbm>> -> memref<1x64xf32, #tpu.memory_space<hbm>>
      %dma_start3A_936 = tpu.memref_squeeze %dma_start3A_935 : memref<1x64xf32, #tpu.memory_space<hbm>> -> memref<64xf32, #tpu.memory_space<hbm>>
      tpu.enqueue_dma source(%dma_start3A_936 : memref<64xf32, #tpu.memory_space<hbm>>) target(%dma_start3A_933 : memref<64xf32, #tpu.memory_space<vmem>>) target_semaphore(%arg14 : memref<!tpu.dma_semaphore, #tpu.memory_space<semaphore_mem>>)
      %dma_start3A_937 = arith.constant 13 : i32
      %dma_start3A_938 = arith.constant 0 : i32
      %dma_start3A_939 = tpu.memref_slice %arg10[%dma_start3A_937, %dma_start3A_938] : memref<16x64xf32, #tpu.memory_space<vmem>> -> memref<1x64xf32, #tpu.memory_space<vmem>>
      %dma_start3A_940 = tpu.memref_squeeze %dma_start3A_939 : memref<1x64xf32, #tpu.memory_space<vmem>> -> memref<64xf32, #tpu.memory_space<vmem>>
      %dma_start3A_941 = arith.constant 0 : i32
      %dma_start3A_942 = tpu.memref_slice %arg4[%reduce_sum3A_923, %dma_start3A_941] : memref<1000000x64xf32, #tpu.memory_space<hbm>> -> memref<1x64xf32, #tpu.memory_space<hbm>>
      %dma_start3A_943 = tpu.memref_squeeze %dma_start3A_942 : memref<1x64xf32, #tpu.memory_space<hbm>> -> memref<64xf32, #tpu.memory_space<hbm>>
      %dma_start3A_944 = arith.constant 0 : i32
      %dma_start3A_945 = tpu.memref_slice %arg10[%dma_start3A_937, %dma_start3A_944] : memref<16x64xf32, #tpu.memory_space<vmem>> -> memref<1x64xf32, #tpu.memory_space<vmem>>
      %dma_start3A_946 = tpu.memref_squeeze %dma_start3A_945 : memref<1x64xf32, #tpu.memory_space<vmem>> -> memref<64xf32, #tpu.memory_space<vmem>>
      %dma_start3A_947 = arith.constant 0 : i32
      %dma_start3A_948 = tpu.memref_slice %arg4[%reduce_sum3A_923, %dma_start3A_947] : memref<1000000x64xf32, #tpu.memory_space<hbm>> -> memref<1x64xf32, #tpu.memory_space<hbm>>
      %dma_start3A_949 = tpu.memref_squeeze %dma_start3A_948 : memref<1x64xf32, #tpu.memory_space<hbm>> -> memref<64xf32, #tpu.memory_space<hbm>>
      tpu.enqueue_dma source(%dma_start3A_949 : memref<64xf32, #tpu.memory_space<hbm>>) target(%dma_start3A_946 : memref<64xf32, #tpu.memory_space<vmem>>) target_semaphore(%arg14 : memref<!tpu.dma_semaphore, #tpu.memory_space<semaphore_mem>>)
      %dma_start3A_950 = arith.constant 13 : i32
      %dma_start3A_951 = arith.constant 0 : i32
      %dma_start3A_952 = tpu.memref_slice %arg11[%dma_start3A_950, %dma_start3A_951] : memref<16x64xf32, #tpu.memory_space<vmem>> -> memref<1x64xf32, #tpu.memory_space<vmem>>
      %dma_start3A_953 = tpu.memref_squeeze %dma_start3A_952 : memref<1x64xf32, #tpu.memory_space<vmem>> -> memref<64xf32, #tpu.memory_space<vmem>>
      %dma_start3A_954 = arith.constant 0 : i32
      %dma_start3A_955 = tpu.memref_slice %arg5[%reduce_sum3A_916, %dma_start3A_954] : memref<1000000x64xf32, #tpu.memory_space<hbm>> -> memref<1x64xf32, #tpu.memory_space<hbm>>
      %dma_start3A_956 = tpu.memref_squeeze %dma_start3A_955 : memref<1x64xf32, #tpu.memory_space<hbm>> -> memref<64xf32, #tpu.memory_space<hbm>>
      %dma_start3A_957 = arith.constant 0 : i32
      %dma_start3A_958 = tpu.memref_slice %arg11[%dma_start3A_950, %dma_start3A_957] : memref<16x64xf32, #tpu.memory_space<vmem>> -> memref<1x64xf32, #tpu.memory_space<vmem>>
      %dma_start3A_959 = tpu.memref_squeeze %dma_start3A_958 : memref<1x64xf32, #tpu.memory_space<vmem>> -> memref<64xf32, #tpu.memory_space<vmem>>
      %dma_start3A_960 = arith.constant 0 : i32
      %dma_start3A_961 = tpu.memref_slice %arg5[%reduce_sum3A_916, %dma_start3A_960] : memref<1000000x64xf32, #tpu.memory_space<hbm>> -> memref<1x64xf32, #tpu.memory_space<hbm>>
      %dma_start3A_962 = tpu.memref_squeeze %dma_start3A_961 : memref<1x64xf32, #tpu.memory_space<hbm>> -> memref<64xf32, #tpu.memory_space<hbm>>
      tpu.enqueue_dma source(%dma_start3A_962 : memref<64xf32, #tpu.memory_space<hbm>>) target(%dma_start3A_959 : memref<64xf32, #tpu.memory_space<vmem>>) target_semaphore(%arg14 : memref<!tpu.dma_semaphore, #tpu.memory_space<semaphore_mem>>)
      %dma_start3A_963 = arith.constant 13 : i32
      %dma_start3A_964 = arith.constant 0 : i32
      %dma_start3A_965 = tpu.memref_slice %arg12[%dma_start3A_963, %dma_start3A_964] : memref<16x64xf32, #tpu.memory_space<vmem>> -> memref<1x64xf32, #tpu.memory_space<vmem>>
      %dma_start3A_966 = tpu.memref_squeeze %dma_start3A_965 : memref<1x64xf32, #tpu.memory_space<vmem>> -> memref<64xf32, #tpu.memory_space<vmem>>
      %dma_start3A_967 = arith.constant 0 : i32
      %dma_start3A_968 = tpu.memref_slice %arg5[%reduce_sum3A_923, %dma_start3A_967] : memref<1000000x64xf32, #tpu.memory_space<hbm>> -> memref<1x64xf32, #tpu.memory_space<hbm>>
      %dma_start3A_969 = tpu.memref_squeeze %dma_start3A_968 : memref<1x64xf32, #tpu.memory_space<hbm>> -> memref<64xf32, #tpu.memory_space<hbm>>
      %dma_start3A_970 = arith.constant 0 : i32
      %dma_start3A_971 = tpu.memref_slice %arg12[%dma_start3A_963, %dma_start3A_970] : memref<16x64xf32, #tpu.memory_space<vmem>> -> memref<1x64xf32, #tpu.memory_space<vmem>>
      %dma_start3A_972 = tpu.memref_squeeze %dma_start3A_971 : memref<1x64xf32, #tpu.memory_space<vmem>> -> memref<64xf32, #tpu.memory_space<vmem>>
      %dma_start3A_973 = arith.constant 0 : i32
      %dma_start3A_974 = tpu.memref_slice %arg5[%reduce_sum3A_923, %dma_start3A_973] : memref<1000000x64xf32, #tpu.memory_space<hbm>> -> memref<1x64xf32, #tpu.memory_space<hbm>>
      %dma_start3A_975 = tpu.memref_squeeze %dma_start3A_974 : memref<1x64xf32, #tpu.memory_space<hbm>> -> memref<64xf32, #tpu.memory_space<hbm>>
      tpu.enqueue_dma source(%dma_start3A_975 : memref<64xf32, #tpu.memory_space<hbm>>) target(%dma_start3A_972 : memref<64xf32, #tpu.memory_space<vmem>>) target_semaphore(%arg14 : memref<!tpu.dma_semaphore, #tpu.memory_space<semaphore_mem>>)
      %eq3A_976 = arith.constant 14 : i32
      %eq3A_977 = vector.broadcast %eq3A_976 : i32 to vector<16xi32>
      %eq3A_978 = arith.cmpi eq, %iota3A, %eq3A_977 : vector<16xi32>
      %jit3A_979 = arith.constant 0 : i32
      %broadcast_in_dim3A_980 = vector.broadcast %jit3A_979 : i32 to vector<16xi32>
      %select_n3A_981 = arith.select %eq3A_978, %get3A_11, %broadcast_in_dim3A_980 : vector<16xi1>, vector<16xi32>
      %reduce_sum3A_982 = arith.constant true
      %reduce_sum3A_983 = vector.broadcast %reduce_sum3A_982 : i1 to vector<16xi1>
      %reduce_sum3A_984 = tpu.scan <sum>, %select_n3A_981 masked %reduce_sum3A_983 : vector<16xi32>, vector<16xi1> -> vector<16xi32>
      %reduce_sum3A_985 = vector.extract %reduce_sum3A_984[15] : i32 from vector<16xi32>
      %jit3A_986 = arith.constant 0 : i32
      %broadcast_in_dim3A_987 = vector.broadcast %jit3A_986 : i32 to vector<16xi32>
      %select_n3A_988 = arith.select %eq3A_978, %get3A_15, %broadcast_in_dim3A_987 : vector<16xi1>, vector<16xi32>
      %reduce_sum3A_989 = arith.constant true
      %reduce_sum3A_990 = vector.broadcast %reduce_sum3A_989 : i1 to vector<16xi1>
      %reduce_sum3A_991 = tpu.scan <sum>, %select_n3A_988 masked %reduce_sum3A_990 : vector<16xi32>, vector<16xi1> -> vector<16xi32>
      %reduce_sum3A_992 = vector.extract %reduce_sum3A_991[15] : i32 from vector<16xi32>
      %dma_start3A_993 = arith.constant 14 : i32
      %dma_start3A_994 = arith.constant 0 : i32
      %dma_start3A_995 = tpu.memref_slice %arg9[%dma_start3A_993, %dma_start3A_994] : memref<16x64xf32, #tpu.memory_space<vmem>> -> memref<1x64xf32, #tpu.memory_space<vmem>>
      %dma_start3A_996 = tpu.memref_squeeze %dma_start3A_995 : memref<1x64xf32, #tpu.memory_space<vmem>> -> memref<64xf32, #tpu.memory_space<vmem>>
      %dma_start3A_997 = arith.constant 0 : i32
      %dma_start3A_998 = tpu.memref_slice %arg4[%reduce_sum3A_985, %dma_start3A_997] : memref<1000000x64xf32, #tpu.memory_space<hbm>> -> memref<1x64xf32, #tpu.memory_space<hbm>>
      %dma_start3A_999 = tpu.memref_squeeze %dma_start3A_998 : memref<1x64xf32, #tpu.memory_space<hbm>> -> memref<64xf32, #tpu.memory_space<hbm>>
      %dma_start3A_1000 = arith.constant 0 : i32
      %dma_start3A_1001 = tpu.memref_slice %arg9[%dma_start3A_993, %dma_start3A_1000] : memref<16x64xf32, #tpu.memory_space<vmem>> -> memref<1x64xf32, #tpu.memory_space<vmem>>
      %dma_start3A_1002 = tpu.memref_squeeze %dma_start3A_1001 : memref<1x64xf32, #tpu.memory_space<vmem>> -> memref<64xf32, #tpu.memory_space<vmem>>
      %dma_start3A_1003 = arith.constant 0 : i32
      %dma_start3A_1004 = tpu.memref_slice %arg4[%reduce_sum3A_985, %dma_start3A_1003] : memref<1000000x64xf32, #tpu.memory_space<hbm>> -> memref<1x64xf32, #tpu.memory_space<hbm>>
      %dma_start3A_1005 = tpu.memref_squeeze %dma_start3A_1004 : memref<1x64xf32, #tpu.memory_space<hbm>> -> memref<64xf32, #tpu.memory_space<hbm>>
      tpu.enqueue_dma source(%dma_start3A_1005 : memref<64xf32, #tpu.memory_space<hbm>>) target(%dma_start3A_1002 : memref<64xf32, #tpu.memory_space<vmem>>) target_semaphore(%arg14 : memref<!tpu.dma_semaphore, #tpu.memory_space<semaphore_mem>>)
      %dma_start3A_1006 = arith.constant 14 : i32
      %dma_start3A_1007 = arith.constant 0 : i32
      %dma_start3A_1008 = tpu.memref_slice %arg10[%dma_start3A_1006, %dma_start3A_1007] : memref<16x64xf32, #tpu.memory_space<vmem>> -> memref<1x64xf32, #tpu.memory_space<vmem>>
      %dma_start3A_1009 = tpu.memref_squeeze %dma_start3A_1008 : memref<1x64xf32, #tpu.memory_space<vmem>> -> memref<64xf32, #tpu.memory_space<vmem>>
      %dma_start3A_1010 = arith.constant 0 : i32
      %dma_start3A_1011 = tpu.memref_slice %arg4[%reduce_sum3A_992, %dma_start3A_1010] : memref<1000000x64xf32, #tpu.memory_space<hbm>> -> memref<1x64xf32, #tpu.memory_space<hbm>>
      %dma_start3A_1012 = tpu.memref_squeeze %dma_start3A_1011 : memref<1x64xf32, #tpu.memory_space<hbm>> -> memref<64xf32, #tpu.memory_space<hbm>>
      %dma_start3A_1013 = arith.constant 0 : i32
      %dma_start3A_1014 = tpu.memref_slice %arg10[%dma_start3A_1006, %dma_start3A_1013] : memref<16x64xf32, #tpu.memory_space<vmem>> -> memref<1x64xf32, #tpu.memory_space<vmem>>
      %dma_start3A_1015 = tpu.memref_squeeze %dma_start3A_1014 : memref<1x64xf32, #tpu.memory_space<vmem>> -> memref<64xf32, #tpu.memory_space<vmem>>
      %dma_start3A_1016 = arith.constant 0 : i32
      %dma_start3A_1017 = tpu.memref_slice %arg4[%reduce_sum3A_992, %dma_start3A_1016] : memref<1000000x64xf32, #tpu.memory_space<hbm>> -> memref<1x64xf32, #tpu.memory_space<hbm>>
      %dma_start3A_1018 = tpu.memref_squeeze %dma_start3A_1017 : memref<1x64xf32, #tpu.memory_space<hbm>> -> memref<64xf32, #tpu.memory_space<hbm>>
      tpu.enqueue_dma source(%dma_start3A_1018 : memref<64xf32, #tpu.memory_space<hbm>>) target(%dma_start3A_1015 : memref<64xf32, #tpu.memory_space<vmem>>) target_semaphore(%arg14 : memref<!tpu.dma_semaphore, #tpu.memory_space<semaphore_mem>>)
      %dma_start3A_1019 = arith.constant 14 : i32
      %dma_start3A_1020 = arith.constant 0 : i32
      %dma_start3A_1021 = tpu.memref_slice %arg11[%dma_start3A_1019, %dma_start3A_1020] : memref<16x64xf32, #tpu.memory_space<vmem>> -> memref<1x64xf32, #tpu.memory_space<vmem>>
      %dma_start3A_1022 = tpu.memref_squeeze %dma_start3A_1021 : memref<1x64xf32, #tpu.memory_space<vmem>> -> memref<64xf32, #tpu.memory_space<vmem>>
      %dma_start3A_1023 = arith.constant 0 : i32
      %dma_start3A_1024 = tpu.memref_slice %arg5[%reduce_sum3A_985, %dma_start3A_1023] : memref<1000000x64xf32, #tpu.memory_space<hbm>> -> memref<1x64xf32, #tpu.memory_space<hbm>>
      %dma_start3A_1025 = tpu.memref_squeeze %dma_start3A_1024 : memref<1x64xf32, #tpu.memory_space<hbm>> -> memref<64xf32, #tpu.memory_space<hbm>>
      %dma_start3A_1026 = arith.constant 0 : i32
      %dma_start3A_1027 = tpu.memref_slice %arg11[%dma_start3A_1019, %dma_start3A_1026] : memref<16x64xf32, #tpu.memory_space<vmem>> -> memref<1x64xf32, #tpu.memory_space<vmem>>
      %dma_start3A_1028 = tpu.memref_squeeze %dma_start3A_1027 : memref<1x64xf32, #tpu.memory_space<vmem>> -> memref<64xf32, #tpu.memory_space<vmem>>
      %dma_start3A_1029 = arith.constant 0 : i32
      %dma_start3A_1030 = tpu.memref_slice %arg5[%reduce_sum3A_985, %dma_start3A_1029] : memref<1000000x64xf32, #tpu.memory_space<hbm>> -> memref<1x64xf32, #tpu.memory_space<hbm>>
      %dma_start3A_1031 = tpu.memref_squeeze %dma_start3A_1030 : memref<1x64xf32, #tpu.memory_space<hbm>> -> memref<64xf32, #tpu.memory_space<hbm>>
      tpu.enqueue_dma source(%dma_start3A_1031 : memref<64xf32, #tpu.memory_space<hbm>>) target(%dma_start3A_1028 : memref<64xf32, #tpu.memory_space<vmem>>) target_semaphore(%arg14 : memref<!tpu.dma_semaphore, #tpu.memory_space<semaphore_mem>>)
      %dma_start3A_1032 = arith.constant 14 : i32
      %dma_start3A_1033 = arith.constant 0 : i32
      %dma_start3A_1034 = tpu.memref_slice %arg12[%dma_start3A_1032, %dma_start3A_1033] : memref<16x64xf32, #tpu.memory_space<vmem>> -> memref<1x64xf32, #tpu.memory_space<vmem>>
      %dma_start3A_1035 = tpu.memref_squeeze %dma_start3A_1034 : memref<1x64xf32, #tpu.memory_space<vmem>> -> memref<64xf32, #tpu.memory_space<vmem>>
      %dma_start3A_1036 = arith.constant 0 : i32
      %dma_start3A_1037 = tpu.memref_slice %arg5[%reduce_sum3A_992, %dma_start3A_1036] : memref<1000000x64xf32, #tpu.memory_space<hbm>> -> memref<1x64xf32, #tpu.memory_space<hbm>>
      %dma_start3A_1038 = tpu.memref_squeeze %dma_start3A_1037 : memref<1x64xf32, #tpu.memory_space<hbm>> -> memref<64xf32, #tpu.memory_space<hbm>>
      %dma_start3A_1039 = arith.constant 0 : i32
      %dma_start3A_1040 = tpu.memref_slice %arg12[%dma_start3A_1032, %dma_start3A_1039] : memref<16x64xf32, #tpu.memory_space<vmem>> -> memref<1x64xf32, #tpu.memory_space<vmem>>
      %dma_start3A_1041 = tpu.memref_squeeze %dma_start3A_1040 : memref<1x64xf32, #tpu.memory_space<vmem>> -> memref<64xf32, #tpu.memory_space<vmem>>
      %dma_start3A_1042 = arith.constant 0 : i32
      %dma_start3A_1043 = tpu.memref_slice %arg5[%reduce_sum3A_992, %dma_start3A_1042] : memref<1000000x64xf32, #tpu.memory_space<hbm>> -> memref<1x64xf32, #tpu.memory_space<hbm>>
      %dma_start3A_1044 = tpu.memref_squeeze %dma_start3A_1043 : memref<1x64xf32, #tpu.memory_space<hbm>> -> memref<64xf32, #tpu.memory_space<hbm>>
      tpu.enqueue_dma source(%dma_start3A_1044 : memref<64xf32, #tpu.memory_space<hbm>>) target(%dma_start3A_1041 : memref<64xf32, #tpu.memory_space<vmem>>) target_semaphore(%arg14 : memref<!tpu.dma_semaphore, #tpu.memory_space<semaphore_mem>>)
      %eq3A_1045 = arith.constant 15 : i32
      %eq3A_1046 = vector.broadcast %eq3A_1045 : i32 to vector<16xi32>
      %eq3A_1047 = arith.cmpi eq, %iota3A, %eq3A_1046 : vector<16xi32>
      %jit3A_1048 = arith.constant 0 : i32
      %broadcast_in_dim3A_1049 = vector.broadcast %jit3A_1048 : i32 to vector<16xi32>
      %select_n3A_1050 = arith.select %eq3A_1047, %get3A_11, %broadcast_in_dim3A_1049 : vector<16xi1>, vector<16xi32>
      %reduce_sum3A_1051 = arith.constant true
      %reduce_sum3A_1052 = vector.broadcast %reduce_sum3A_1051 : i1 to vector<16xi1>
      %reduce_sum3A_1053 = tpu.scan <sum>, %select_n3A_1050 masked %reduce_sum3A_1052 : vector<16xi32>, vector<16xi1> -> vector<16xi32>
      %reduce_sum3A_1054 = vector.extract %reduce_sum3A_1053[15] : i32 from vector<16xi32>
      %jit3A_1055 = arith.constant 0 : i32
      %broadcast_in_dim3A_1056 = vector.broadcast %jit3A_1055 : i32 to vector<16xi32>
      %select_n3A_1057 = arith.select %eq3A_1047, %get3A_15, %broadcast_in_dim3A_1056 : vector<16xi1>, vector<16xi32>
      %reduce_sum3A_1058 = arith.constant true
      %reduce_sum3A_1059 = vector.broadcast %reduce_sum3A_1058 : i1 to vector<16xi1>
      %reduce_sum3A_1060 = tpu.scan <sum>, %select_n3A_1057 masked %reduce_sum3A_1059 : vector<16xi32>, vector<16xi1> -> vector<16xi32>
      %reduce_sum3A_1061 = vector.extract %reduce_sum3A_1060[15] : i32 from vector<16xi32>
      %dma_start3A_1062 = arith.constant 15 : i32
      %dma_start3A_1063 = arith.constant 0 : i32
      %dma_start3A_1064 = tpu.memref_slice %arg9[%dma_start3A_1062, %dma_start3A_1063] : memref<16x64xf32, #tpu.memory_space<vmem>> -> memref<1x64xf32, #tpu.memory_space<vmem>>
      %dma_start3A_1065 = tpu.memref_squeeze %dma_start3A_1064 : memref<1x64xf32, #tpu.memory_space<vmem>> -> memref<64xf32, #tpu.memory_space<vmem>>
      %dma_start3A_1066 = arith.constant 0 : i32
      %dma_start3A_1067 = tpu.memref_slice %arg4[%reduce_sum3A_1054, %dma_start3A_1066] : memref<1000000x64xf32, #tpu.memory_space<hbm>> -> memref<1x64xf32, #tpu.memory_space<hbm>>
      %dma_start3A_1068 = tpu.memref_squeeze %dma_start3A_1067 : memref<1x64xf32, #tpu.memory_space<hbm>> -> memref<64xf32, #tpu.memory_space<hbm>>
      %dma_start3A_1069 = arith.constant 0 : i32
      %dma_start3A_1070 = tpu.memref_slice %arg9[%dma_start3A_1062, %dma_start3A_1069] : memref<16x64xf32, #tpu.memory_space<vmem>> -> memref<1x64xf32, #tpu.memory_space<vmem>>
      %dma_start3A_1071 = tpu.memref_squeeze %dma_start3A_1070 : memref<1x64xf32, #tpu.memory_space<vmem>> -> memref<64xf32, #tpu.memory_space<vmem>>
      %dma_start3A_1072 = arith.constant 0 : i32
      %dma_start3A_1073 = tpu.memref_slice %arg4[%reduce_sum3A_1054, %dma_start3A_1072] : memref<1000000x64xf32, #tpu.memory_space<hbm>> -> memref<1x64xf32, #tpu.memory_space<hbm>>
      %dma_start3A_1074 = tpu.memref_squeeze %dma_start3A_1073 : memref<1x64xf32, #tpu.memory_space<hbm>> -> memref<64xf32, #tpu.memory_space<hbm>>
      tpu.enqueue_dma source(%dma_start3A_1074 : memref<64xf32, #tpu.memory_space<hbm>>) target(%dma_start3A_1071 : memref<64xf32, #tpu.memory_space<vmem>>) target_semaphore(%arg14 : memref<!tpu.dma_semaphore, #tpu.memory_space<semaphore_mem>>)
      %dma_start3A_1075 = arith.constant 15 : i32
      %dma_start3A_1076 = arith.constant 0 : i32
      %dma_start3A_1077 = tpu.memref_slice %arg10[%dma_start3A_1075, %dma_start3A_1076] : memref<16x64xf32, #tpu.memory_space<vmem>> -> memref<1x64xf32, #tpu.memory_space<vmem>>
      %dma_start3A_1078 = tpu.memref_squeeze %dma_start3A_1077 : memref<1x64xf32, #tpu.memory_space<vmem>> -> memref<64xf32, #tpu.memory_space<vmem>>
      %dma_start3A_1079 = arith.constant 0 : i32
      %dma_start3A_1080 = tpu.memref_slice %arg4[%reduce_sum3A_1061, %dma_start3A_1079] : memref<1000000x64xf32, #tpu.memory_space<hbm>> -> memref<1x64xf32, #tpu.memory_space<hbm>>
      %dma_start3A_1081 = tpu.memref_squeeze %dma_start3A_1080 : memref<1x64xf32, #tpu.memory_space<hbm>> -> memref<64xf32, #tpu.memory_space<hbm>>
      %dma_start3A_1082 = arith.constant 0 : i32
      %dma_start3A_1083 = tpu.memref_slice %arg10[%dma_start3A_1075, %dma_start3A_1082] : memref<16x64xf32, #tpu.memory_space<vmem>> -> memref<1x64xf32, #tpu.memory_space<vmem>>
      %dma_start3A_1084 = tpu.memref_squeeze %dma_start3A_1083 : memref<1x64xf32, #tpu.memory_space<vmem>> -> memref<64xf32, #tpu.memory_space<vmem>>
      %dma_start3A_1085 = arith.constant 0 : i32
      %dma_start3A_1086 = tpu.memref_slice %arg4[%reduce_sum3A_1061, %dma_start3A_1085] : memref<1000000x64xf32, #tpu.memory_space<hbm>> -> memref<1x64xf32, #tpu.memory_space<hbm>>
      %dma_start3A_1087 = tpu.memref_squeeze %dma_start3A_1086 : memref<1x64xf32, #tpu.memory_space<hbm>> -> memref<64xf32, #tpu.memory_space<hbm>>
      tpu.enqueue_dma source(%dma_start3A_1087 : memref<64xf32, #tpu.memory_space<hbm>>) target(%dma_start3A_1084 : memref<64xf32, #tpu.memory_space<vmem>>) target_semaphore(%arg14 : memref<!tpu.dma_semaphore, #tpu.memory_space<semaphore_mem>>)
      %dma_start3A_1088 = arith.constant 15 : i32
      %dma_start3A_1089 = arith.constant 0 : i32
      %dma_start3A_1090 = tpu.memref_slice %arg11[%dma_start3A_1088, %dma_start3A_1089] : memref<16x64xf32, #tpu.memory_space<vmem>> -> memref<1x64xf32, #tpu.memory_space<vmem>>
      %dma_start3A_1091 = tpu.memref_squeeze %dma_start3A_1090 : memref<1x64xf32, #tpu.memory_space<vmem>> -> memref<64xf32, #tpu.memory_space<vmem>>
      %dma_start3A_1092 = arith.constant 0 : i32
      %dma_start3A_1093 = tpu.memref_slice %arg5[%reduce_sum3A_1054, %dma_start3A_1092] : memref<1000000x64xf32, #tpu.memory_space<hbm>> -> memref<1x64xf32, #tpu.memory_space<hbm>>
      %dma_start3A_1094 = tpu.memref_squeeze %dma_start3A_1093 : memref<1x64xf32, #tpu.memory_space<hbm>> -> memref<64xf32, #tpu.memory_space<hbm>>
      %dma_start3A_1095 = arith.constant 0 : i32
      %dma_start3A_1096 = tpu.memref_slice %arg11[%dma_start3A_1088, %dma_start3A_1095] : memref<16x64xf32, #tpu.memory_space<vmem>> -> memref<1x64xf32, #tpu.memory_space<vmem>>
      %dma_start3A_1097 = tpu.memref_squeeze %dma_start3A_1096 : memref<1x64xf32, #tpu.memory_space<vmem>> -> memref<64xf32, #tpu.memory_space<vmem>>
      %dma_start3A_1098 = arith.constant 0 : i32
      %dma_start3A_1099 = tpu.memref_slice %arg5[%reduce_sum3A_1054, %dma_start3A_1098] : memref<1000000x64xf32, #tpu.memory_space<hbm>> -> memref<1x64xf32, #tpu.memory_space<hbm>>
      %dma_start3A_1100 = tpu.memref_squeeze %dma_start3A_1099 : memref<1x64xf32, #tpu.memory_space<hbm>> -> memref<64xf32, #tpu.memory_space<hbm>>
      tpu.enqueue_dma source(%dma_start3A_1100 : memref<64xf32, #tpu.memory_space<hbm>>) target(%dma_start3A_1097 : memref<64xf32, #tpu.memory_space<vmem>>) target_semaphore(%arg14 : memref<!tpu.dma_semaphore, #tpu.memory_space<semaphore_mem>>)
      %dma_start3A_1101 = arith.constant 15 : i32
      %dma_start3A_1102 = arith.constant 0 : i32
      %dma_start3A_1103 = tpu.memref_slice %arg12[%dma_start3A_1101, %dma_start3A_1102] : memref<16x64xf32, #tpu.memory_space<vmem>> -> memref<1x64xf32, #tpu.memory_space<vmem>>
      %dma_start3A_1104 = tpu.memref_squeeze %dma_start3A_1103 : memref<1x64xf32, #tpu.memory_space<vmem>> -> memref<64xf32, #tpu.memory_space<vmem>>
      %dma_start3A_1105 = arith.constant 0 : i32
      %dma_start3A_1106 = tpu.memref_slice %arg5[%reduce_sum3A_1061, %dma_start3A_1105] : memref<1000000x64xf32, #tpu.memory_space<hbm>> -> memref<1x64xf32, #tpu.memory_space<hbm>>
      %dma_start3A_1107 = tpu.memref_squeeze %dma_start3A_1106 : memref<1x64xf32, #tpu.memory_space<hbm>> -> memref<64xf32, #tpu.memory_space<hbm>>
      %dma_start3A_1108 = arith.constant 0 : i32
      %dma_start3A_1109 = tpu.memref_slice %arg12[%dma_start3A_1101, %dma_start3A_1108] : memref<16x64xf32, #tpu.memory_space<vmem>> -> memref<1x64xf32, #tpu.memory_space<vmem>>
      %dma_start3A_1110 = tpu.memref_squeeze %dma_start3A_1109 : memref<1x64xf32, #tpu.memory_space<vmem>> -> memref<64xf32, #tpu.memory_space<vmem>>
      %dma_start3A_1111 = arith.constant 0 : i32
      %dma_start3A_1112 = tpu.memref_slice %arg5[%reduce_sum3A_1061, %dma_start3A_1111] : memref<1000000x64xf32, #tpu.memory_space<hbm>> -> memref<1x64xf32, #tpu.memory_space<hbm>>
      %dma_start3A_1113 = tpu.memref_squeeze %dma_start3A_1112 : memref<1x64xf32, #tpu.memory_space<hbm>> -> memref<64xf32, #tpu.memory_space<hbm>>
      tpu.enqueue_dma source(%dma_start3A_1113 : memref<64xf32, #tpu.memory_space<hbm>>) target(%dma_start3A_1110 : memref<64xf32, #tpu.memory_space<vmem>>) target_semaphore(%arg14 : memref<!tpu.dma_semaphore, #tpu.memory_space<semaphore_mem>>)
      %dma_wait3A = arith.constant 0 : i32
      %dma_wait3A_1114 = arith.constant 0 : i32
      %dma_wait3A_1115 = tpu.memref_slice %arg9[%dma_wait3A, %dma_wait3A_1114] : memref<16x64xf32, #tpu.memory_space<vmem>> -> memref<1x64xf32, #tpu.memory_space<vmem>>
      %dma_wait3A_1116 = tpu.memref_squeeze %dma_wait3A_1115 : memref<1x64xf32, #tpu.memory_space<vmem>> -> memref<64xf32, #tpu.memory_space<vmem>>
      %dma_wait3A_1117 = arith.constant 0 : i32
      %dma_wait3A_1118 = tpu.memref_slice %arg4[%reduce_sum3A_20, %dma_wait3A_1117] : memref<1000000x64xf32, #tpu.memory_space<hbm>> -> memref<1x64xf32, #tpu.memory_space<hbm>>
      %dma_wait3A_1119 = tpu.memref_squeeze %dma_wait3A_1118 : memref<1x64xf32, #tpu.memory_space<hbm>> -> memref<64xf32, #tpu.memory_space<hbm>>
      %dma_wait3A_1120 = arith.constant 0 : i32
      %dma_wait3A_1121 = tpu.memref_slice %arg9[%dma_wait3A, %dma_wait3A_1120] : memref<16x64xf32, #tpu.memory_space<vmem>> -> memref<1x64xf32, #tpu.memory_space<vmem>>
      %dma_wait3A_1122 = tpu.memref_squeeze %dma_wait3A_1121 : memref<1x64xf32, #tpu.memory_space<vmem>> -> memref<64xf32, #tpu.memory_space<vmem>>
      %dma_wait3A_1123 = arith.constant 0 : i32
      %dma_wait3A_1124 = tpu.memref_slice %arg4[%reduce_sum3A_20, %dma_wait3A_1123] : memref<1000000x64xf32, #tpu.memory_space<hbm>> -> memref<1x64xf32, #tpu.memory_space<hbm>>
      %dma_wait3A_1125 = tpu.memref_squeeze %dma_wait3A_1124 : memref<1x64xf32, #tpu.memory_space<hbm>> -> memref<64xf32, #tpu.memory_space<hbm>>
      tpu.wait_dma2 semaphore(%arg14 : memref<!tpu.dma_semaphore, #tpu.memory_space<semaphore_mem>>) src(%dma_wait3A_1125 : memref<64xf32, #tpu.memory_space<hbm>>) dst(%dma_wait3A_1122 : memref<64xf32, #tpu.memory_space<vmem>>)
      %dma_wait3A_1126 = arith.constant 0 : i32
      %dma_wait3A_1127 = arith.constant 0 : i32
      %dma_wait3A_1128 = tpu.memref_slice %arg10[%dma_wait3A_1126, %dma_wait3A_1127] : memref<16x64xf32, #tpu.memory_space<vmem>> -> memref<1x64xf32, #tpu.memory_space<vmem>>
      %dma_wait3A_1129 = tpu.memref_squeeze %dma_wait3A_1128 : memref<1x64xf32, #tpu.memory_space<vmem>> -> memref<64xf32, #tpu.memory_space<vmem>>
      %dma_wait3A_1130 = arith.constant 0 : i32
      %dma_wait3A_1131 = tpu.memref_slice %arg4[%reduce_sum3A_27, %dma_wait3A_1130] : memref<1000000x64xf32, #tpu.memory_space<hbm>> -> memref<1x64xf32, #tpu.memory_space<hbm>>
      %dma_wait3A_1132 = tpu.memref_squeeze %dma_wait3A_1131 : memref<1x64xf32, #tpu.memory_space<hbm>> -> memref<64xf32, #tpu.memory_space<hbm>>
      %dma_wait3A_1133 = arith.constant 0 : i32
      %dma_wait3A_1134 = tpu.memref_slice %arg10[%dma_wait3A_1126, %dma_wait3A_1133] : memref<16x64xf32, #tpu.memory_space<vmem>> -> memref<1x64xf32, #tpu.memory_space<vmem>>
      %dma_wait3A_1135 = tpu.memref_squeeze %dma_wait3A_1134 : memref<1x64xf32, #tpu.memory_space<vmem>> -> memref<64xf32, #tpu.memory_space<vmem>>
      %dma_wait3A_1136 = arith.constant 0 : i32
      %dma_wait3A_1137 = tpu.memref_slice %arg4[%reduce_sum3A_27, %dma_wait3A_1136] : memref<1000000x64xf32, #tpu.memory_space<hbm>> -> memref<1x64xf32, #tpu.memory_space<hbm>>
      %dma_wait3A_1138 = tpu.memref_squeeze %dma_wait3A_1137 : memref<1x64xf32, #tpu.memory_space<hbm>> -> memref<64xf32, #tpu.memory_space<hbm>>
      tpu.wait_dma2 semaphore(%arg14 : memref<!tpu.dma_semaphore, #tpu.memory_space<semaphore_mem>>) src(%dma_wait3A_1138 : memref<64xf32, #tpu.memory_space<hbm>>) dst(%dma_wait3A_1135 : memref<64xf32, #tpu.memory_space<vmem>>)
      %dma_wait3A_1139 = arith.constant 0 : i32
      %dma_wait3A_1140 = arith.constant 0 : i32
      %dma_wait3A_1141 = tpu.memref_slice %arg11[%dma_wait3A_1139, %dma_wait3A_1140] : memref<16x64xf32, #tpu.memory_space<vmem>> -> memref<1x64xf32, #tpu.memory_space<vmem>>
      %dma_wait3A_1142 = tpu.memref_squeeze %dma_wait3A_1141 : memref<1x64xf32, #tpu.memory_space<vmem>> -> memref<64xf32, #tpu.memory_space<vmem>>
      %dma_wait3A_1143 = arith.constant 0 : i32
      %dma_wait3A_1144 = tpu.memref_slice %arg5[%reduce_sum3A_20, %dma_wait3A_1143] : memref<1000000x64xf32, #tpu.memory_space<hbm>> -> memref<1x64xf32, #tpu.memory_space<hbm>>
      %dma_wait3A_1145 = tpu.memref_squeeze %dma_wait3A_1144 : memref<1x64xf32, #tpu.memory_space<hbm>> -> memref<64xf32, #tpu.memory_space<hbm>>
      %dma_wait3A_1146 = arith.constant 0 : i32
      %dma_wait3A_1147 = tpu.memref_slice %arg11[%dma_wait3A_1139, %dma_wait3A_1146] : memref<16x64xf32, #tpu.memory_space<vmem>> -> memref<1x64xf32, #tpu.memory_space<vmem>>
      %dma_wait3A_1148 = tpu.memref_squeeze %dma_wait3A_1147 : memref<1x64xf32, #tpu.memory_space<vmem>> -> memref<64xf32, #tpu.memory_space<vmem>>
      %dma_wait3A_1149 = arith.constant 0 : i32
      %dma_wait3A_1150 = tpu.memref_slice %arg5[%reduce_sum3A_20, %dma_wait3A_1149] : memref<1000000x64xf32, #tpu.memory_space<hbm>> -> memref<1x64xf32, #tpu.memory_space<hbm>>
      %dma_wait3A_1151 = tpu.memref_squeeze %dma_wait3A_1150 : memref<1x64xf32, #tpu.memory_space<hbm>> -> memref<64xf32, #tpu.memory_space<hbm>>
      tpu.wait_dma2 semaphore(%arg14 : memref<!tpu.dma_semaphore, #tpu.memory_space<semaphore_mem>>) src(%dma_wait3A_1151 : memref<64xf32, #tpu.memory_space<hbm>>) dst(%dma_wait3A_1148 : memref<64xf32, #tpu.memory_space<vmem>>)
      %dma_wait3A_1152 = arith.constant 0 : i32
      %dma_wait3A_1153 = arith.constant 0 : i32
      %dma_wait3A_1154 = tpu.memref_slice %arg12[%dma_wait3A_1152, %dma_wait3A_1153] : memref<16x64xf32, #tpu.memory_space<vmem>> -> memref<1x64xf32, #tpu.memory_space<vmem>>
      %dma_wait3A_1155 = tpu.memref_squeeze %dma_wait3A_1154 : memref<1x64xf32, #tpu.memory_space<vmem>> -> memref<64xf32, #tpu.memory_space<vmem>>
      %dma_wait3A_1156 = arith.constant 0 : i32
      %dma_wait3A_1157 = tpu.memref_slice %arg5[%reduce_sum3A_27, %dma_wait3A_1156] : memref<1000000x64xf32, #tpu.memory_space<hbm>> -> memref<1x64xf32, #tpu.memory_space<hbm>>
      %dma_wait3A_1158 = tpu.memref_squeeze %dma_wait3A_1157 : memref<1x64xf32, #tpu.memory_space<hbm>> -> memref<64xf32, #tpu.memory_space<hbm>>
      %dma_wait3A_1159 = arith.constant 0 : i32
      %dma_wait3A_1160 = tpu.memref_slice %arg12[%dma_wait3A_1152, %dma_wait3A_1159] : memref<16x64xf32, #tpu.memory_space<vmem>> -> memref<1x64xf32, #tpu.memory_space<vmem>>
      %dma_wait3A_1161 = tpu.memref_squeeze %dma_wait3A_1160 : memref<1x64xf32, #tpu.memory_space<vmem>> -> memref<64xf32, #tpu.memory_space<vmem>>
      %dma_wait3A_1162 = arith.constant 0 : i32
      %dma_wait3A_1163 = tpu.memref_slice %arg5[%reduce_sum3A_27, %dma_wait3A_1162] : memref<1000000x64xf32, #tpu.memory_space<hbm>> -> memref<1x64xf32, #tpu.memory_space<hbm>>
      %dma_wait3A_1164 = tpu.memref_squeeze %dma_wait3A_1163 : memref<1x64xf32, #tpu.memory_space<hbm>> -> memref<64xf32, #tpu.memory_space<hbm>>
      tpu.wait_dma2 semaphore(%arg14 : memref<!tpu.dma_semaphore, #tpu.memory_space<semaphore_mem>>) src(%dma_wait3A_1164 : memref<64xf32, #tpu.memory_space<hbm>>) dst(%dma_wait3A_1161 : memref<64xf32, #tpu.memory_space<vmem>>)
      %dma_wait3A_1165 = arith.constant 1 : i32
      %dma_wait3A_1166 = arith.constant 0 : i32
      %dma_wait3A_1167 = tpu.memref_slice %arg9[%dma_wait3A_1165, %dma_wait3A_1166] : memref<16x64xf32, #tpu.memory_space<vmem>> -> memref<1x64xf32, #tpu.memory_space<vmem>>
      %dma_wait3A_1168 = tpu.memref_squeeze %dma_wait3A_1167 : memref<1x64xf32, #tpu.memory_space<vmem>> -> memref<64xf32, #tpu.memory_space<vmem>>
      %dma_wait3A_1169 = arith.constant 0 : i32
      %dma_wait3A_1170 = tpu.memref_slice %arg4[%reduce_sum3A_88, %dma_wait3A_1169] : memref<1000000x64xf32, #tpu.memory_space<hbm>> -> memref<1x64xf32, #tpu.memory_space<hbm>>
      %dma_wait3A_1171 = tpu.memref_squeeze %dma_wait3A_1170 : memref<1x64xf32, #tpu.memory_space<hbm>> -> memref<64xf32, #tpu.memory_space<hbm>>
      %dma_wait3A_1172 = arith.constant 0 : i32
      %dma_wait3A_1173 = tpu.memref_slice %arg9[%dma_wait3A_1165, %dma_wait3A_1172] : memref<16x64xf32, #tpu.memory_space<vmem>> -> memref<1x64xf32, #tpu.memory_space<vmem>>
      %dma_wait3A_1174 = tpu.memref_squeeze %dma_wait3A_1173 : memref<1x64xf32, #tpu.memory_space<vmem>> -> memref<64xf32, #tpu.memory_space<vmem>>
      %dma_wait3A_1175 = arith.constant 0 : i32
      %dma_wait3A_1176 = tpu.memref_slice %arg4[%reduce_sum3A_88, %dma_wait3A_1175] : memref<1000000x64xf32, #tpu.memory_space<hbm>> -> memref<1x64xf32, #tpu.memory_space<hbm>>
      %dma_wait3A_1177 = tpu.memref_squeeze %dma_wait3A_1176 : memref<1x64xf32, #tpu.memory_space<hbm>> -> memref<64xf32, #tpu.memory_space<hbm>>
      tpu.wait_dma2 semaphore(%arg14 : memref<!tpu.dma_semaphore, #tpu.memory_space<semaphore_mem>>) src(%dma_wait3A_1177 : memref<64xf32, #tpu.memory_space<hbm>>) dst(%dma_wait3A_1174 : memref<64xf32, #tpu.memory_space<vmem>>)
      %dma_wait3A_1178 = arith.constant 1 : i32
      %dma_wait3A_1179 = arith.constant 0 : i32
      %dma_wait3A_1180 = tpu.memref_slice %arg10[%dma_wait3A_1178, %dma_wait3A_1179] : memref<16x64xf32, #tpu.memory_space<vmem>> -> memref<1x64xf32, #tpu.memory_space<vmem>>
      %dma_wait3A_1181 = tpu.memref_squeeze %dma_wait3A_1180 : memref<1x64xf32, #tpu.memory_space<vmem>> -> memref<64xf32, #tpu.memory_space<vmem>>
      %dma_wait3A_1182 = arith.constant 0 : i32
      %dma_wait3A_1183 = tpu.memref_slice %arg4[%reduce_sum3A_95, %dma_wait3A_1182] : memref<1000000x64xf32, #tpu.memory_space<hbm>> -> memref<1x64xf32, #tpu.memory_space<hbm>>
      %dma_wait3A_1184 = tpu.memref_squeeze %dma_wait3A_1183 : memref<1x64xf32, #tpu.memory_space<hbm>> -> memref<64xf32, #tpu.memory_space<hbm>>
      %dma_wait3A_1185 = arith.constant 0 : i32
      %dma_wait3A_1186 = tpu.memref_slice %arg10[%dma_wait3A_1178, %dma_wait3A_1185] : memref<16x64xf32, #tpu.memory_space<vmem>> -> memref<1x64xf32, #tpu.memory_space<vmem>>
      %dma_wait3A_1187 = tpu.memref_squeeze %dma_wait3A_1186 : memref<1x64xf32, #tpu.memory_space<vmem>> -> memref<64xf32, #tpu.memory_space<vmem>>
      %dma_wait3A_1188 = arith.constant 0 : i32
      %dma_wait3A_1189 = tpu.memref_slice %arg4[%reduce_sum3A_95, %dma_wait3A_1188] : memref<1000000x64xf32, #tpu.memory_space<hbm>> -> memref<1x64xf32, #tpu.memory_space<hbm>>
      %dma_wait3A_1190 = tpu.memref_squeeze %dma_wait3A_1189 : memref<1x64xf32, #tpu.memory_space<hbm>> -> memref<64xf32, #tpu.memory_space<hbm>>
      tpu.wait_dma2 semaphore(%arg14 : memref<!tpu.dma_semaphore, #tpu.memory_space<semaphore_mem>>) src(%dma_wait3A_1190 : memref<64xf32, #tpu.memory_space<hbm>>) dst(%dma_wait3A_1187 : memref<64xf32, #tpu.memory_space<vmem>>)
      %dma_wait3A_1191 = arith.constant 1 : i32
      %dma_wait3A_1192 = arith.constant 0 : i32
      %dma_wait3A_1193 = tpu.memref_slice %arg11[%dma_wait3A_1191, %dma_wait3A_1192] : memref<16x64xf32, #tpu.memory_space<vmem>> -> memref<1x64xf32, #tpu.memory_space<vmem>>
      %dma_wait3A_1194 = tpu.memref_squeeze %dma_wait3A_1193 : memref<1x64xf32, #tpu.memory_space<vmem>> -> memref<64xf32, #tpu.memory_space<vmem>>
      %dma_wait3A_1195 = arith.constant 0 : i32
      %dma_wait3A_1196 = tpu.memref_slice %arg5[%reduce_sum3A_88, %dma_wait3A_1195] : memref<1000000x64xf32, #tpu.memory_space<hbm>> -> memref<1x64xf32, #tpu.memory_space<hbm>>
      %dma_wait3A_1197 = tpu.memref_squeeze %dma_wait3A_1196 : memref<1x64xf32, #tpu.memory_space<hbm>> -> memref<64xf32, #tpu.memory_space<hbm>>
      %dma_wait3A_1198 = arith.constant 0 : i32
      %dma_wait3A_1199 = tpu.memref_slice %arg11[%dma_wait3A_1191, %dma_wait3A_1198] : memref<16x64xf32, #tpu.memory_space<vmem>> -> memref<1x64xf32, #tpu.memory_space<vmem>>
      %dma_wait3A_1200 = tpu.memref_squeeze %dma_wait3A_1199 : memref<1x64xf32, #tpu.memory_space<vmem>> -> memref<64xf32, #tpu.memory_space<vmem>>
      %dma_wait3A_1201 = arith.constant 0 : i32
      %dma_wait3A_1202 = tpu.memref_slice %arg5[%reduce_sum3A_88, %dma_wait3A_1201] : memref<1000000x64xf32, #tpu.memory_space<hbm>> -> memref<1x64xf32, #tpu.memory_space<hbm>>
      %dma_wait3A_1203 = tpu.memref_squeeze %dma_wait3A_1202 : memref<1x64xf32, #tpu.memory_space<hbm>> -> memref<64xf32, #tpu.memory_space<hbm>>
      tpu.wait_dma2 semaphore(%arg14 : memref<!tpu.dma_semaphore, #tpu.memory_space<semaphore_mem>>) src(%dma_wait3A_1203 : memref<64xf32, #tpu.memory_space<hbm>>) dst(%dma_wait3A_1200 : memref<64xf32, #tpu.memory_space<vmem>>)
      %dma_wait3A_1204 = arith.constant 1 : i32
      %dma_wait3A_1205 = arith.constant 0 : i32
      %dma_wait3A_1206 = tpu.memref_slice %arg12[%dma_wait3A_1204, %dma_wait3A_1205] : memref<16x64xf32, #tpu.memory_space<vmem>> -> memref<1x64xf32, #tpu.memory_space<vmem>>
      %dma_wait3A_1207 = tpu.memref_squeeze %dma_wait3A_1206 : memref<1x64xf32, #tpu.memory_space<vmem>> -> memref<64xf32, #tpu.memory_space<vmem>>
      %dma_wait3A_1208 = arith.constant 0 : i32
      %dma_wait3A_1209 = tpu.memref_slice %arg5[%reduce_sum3A_95, %dma_wait3A_1208] : memref<1000000x64xf32, #tpu.memory_space<hbm>> -> memref<1x64xf32, #tpu.memory_space<hbm>>
      %dma_wait3A_1210 = tpu.memref_squeeze %dma_wait3A_1209 : memref<1x64xf32, #tpu.memory_space<hbm>> -> memref<64xf32, #tpu.memory_space<hbm>>
      %dma_wait3A_1211 = arith.constant 0 : i32
      %dma_wait3A_1212 = tpu.memref_slice %arg12[%dma_wait3A_1204, %dma_wait3A_1211] : memref<16x64xf32, #tpu.memory_space<vmem>> -> memref<1x64xf32, #tpu.memory_space<vmem>>
      %dma_wait3A_1213 = tpu.memref_squeeze %dma_wait3A_1212 : memref<1x64xf32, #tpu.memory_space<vmem>> -> memref<64xf32, #tpu.memory_space<vmem>>
      %dma_wait3A_1214 = arith.constant 0 : i32
      %dma_wait3A_1215 = tpu.memref_slice %arg5[%reduce_sum3A_95, %dma_wait3A_1214] : memref<1000000x64xf32, #tpu.memory_space<hbm>> -> memref<1x64xf32, #tpu.memory_space<hbm>>
      %dma_wait3A_1216 = tpu.memref_squeeze %dma_wait3A_1215 : memref<1x64xf32, #tpu.memory_space<hbm>> -> memref<64xf32, #tpu.memory_space<hbm>>
      tpu.wait_dma2 semaphore(%arg14 : memref<!tpu.dma_semaphore, #tpu.memory_space<semaphore_mem>>) src(%dma_wait3A_1216 : memref<64xf32, #tpu.memory_space<hbm>>) dst(%dma_wait3A_1213 : memref<64xf32, #tpu.memory_space<vmem>>)
      %dma_wait3A_1217 = arith.constant 2 : i32
      %dma_wait3A_1218 = arith.constant 0 : i32
      %dma_wait3A_1219 = tpu.memref_slice %arg9[%dma_wait3A_1217, %dma_wait3A_1218] : memref<16x64xf32, #tpu.memory_space<vmem>> -> memref<1x64xf32, #tpu.memory_space<vmem>>
      %dma_wait3A_1220 = tpu.memref_squeeze %dma_wait3A_1219 : memref<1x64xf32, #tpu.memory_space<vmem>> -> memref<64xf32, #tpu.memory_space<vmem>>
      %dma_wait3A_1221 = arith.constant 0 : i32
      %dma_wait3A_1222 = tpu.memref_slice %arg4[%reduce_sum3A_157, %dma_wait3A_1221] : memref<1000000x64xf32, #tpu.memory_space<hbm>> -> memref<1x64xf32, #tpu.memory_space<hbm>>
      %dma_wait3A_1223 = tpu.memref_squeeze %dma_wait3A_1222 : memref<1x64xf32, #tpu.memory_space<hbm>> -> memref<64xf32, #tpu.memory_space<hbm>>
      %dma_wait3A_1224 = arith.constant 0 : i32
      %dma_wait3A_1225 = tpu.memref_slice %arg9[%dma_wait3A_1217, %dma_wait3A_1224] : memref<16x64xf32, #tpu.memory_space<vmem>> -> memref<1x64xf32, #tpu.memory_space<vmem>>
      %dma_wait3A_1226 = tpu.memref_squeeze %dma_wait3A_1225 : memref<1x64xf32, #tpu.memory_space<vmem>> -> memref<64xf32, #tpu.memory_space<vmem>>
      %dma_wait3A_1227 = arith.constant 0 : i32
      %dma_wait3A_1228 = tpu.memref_slice %arg4[%reduce_sum3A_157, %dma_wait3A_1227] : memref<1000000x64xf32, #tpu.memory_space<hbm>> -> memref<1x64xf32, #tpu.memory_space<hbm>>
      %dma_wait3A_1229 = tpu.memref_squeeze %dma_wait3A_1228 : memref<1x64xf32, #tpu.memory_space<hbm>> -> memref<64xf32, #tpu.memory_space<hbm>>
      tpu.wait_dma2 semaphore(%arg14 : memref<!tpu.dma_semaphore, #tpu.memory_space<semaphore_mem>>) src(%dma_wait3A_1229 : memref<64xf32, #tpu.memory_space<hbm>>) dst(%dma_wait3A_1226 : memref<64xf32, #tpu.memory_space<vmem>>)
      %dma_wait3A_1230 = arith.constant 2 : i32
      %dma_wait3A_1231 = arith.constant 0 : i32
      %dma_wait3A_1232 = tpu.memref_slice %arg10[%dma_wait3A_1230, %dma_wait3A_1231] : memref<16x64xf32, #tpu.memory_space<vmem>> -> memref<1x64xf32, #tpu.memory_space<vmem>>
      %dma_wait3A_1233 = tpu.memref_squeeze %dma_wait3A_1232 : memref<1x64xf32, #tpu.memory_space<vmem>> -> memref<64xf32, #tpu.memory_space<vmem>>
      %dma_wait3A_1234 = arith.constant 0 : i32
      %dma_wait3A_1235 = tpu.memref_slice %arg4[%reduce_sum3A_164, %dma_wait3A_1234] : memref<1000000x64xf32, #tpu.memory_space<hbm>> -> memref<1x64xf32, #tpu.memory_space<hbm>>
      %dma_wait3A_1236 = tpu.memref_squeeze %dma_wait3A_1235 : memref<1x64xf32, #tpu.memory_space<hbm>> -> memref<64xf32, #tpu.memory_space<hbm>>
      %dma_wait3A_1237 = arith.constant 0 : i32
      %dma_wait3A_1238 = tpu.memref_slice %arg10[%dma_wait3A_1230, %dma_wait3A_1237] : memref<16x64xf32, #tpu.memory_space<vmem>> -> memref<1x64xf32, #tpu.memory_space<vmem>>
      %dma_wait3A_1239 = tpu.memref_squeeze %dma_wait3A_1238 : memref<1x64xf32, #tpu.memory_space<vmem>> -> memref<64xf32, #tpu.memory_space<vmem>>
      %dma_wait3A_1240 = arith.constant 0 : i32
      %dma_wait3A_1241 = tpu.memref_slice %arg4[%reduce_sum3A_164, %dma_wait3A_1240] : memref<1000000x64xf32, #tpu.memory_space<hbm>> -> memref<1x64xf32, #tpu.memory_space<hbm>>
      %dma_wait3A_1242 = tpu.memref_squeeze %dma_wait3A_1241 : memref<1x64xf32, #tpu.memory_space<hbm>> -> memref<64xf32, #tpu.memory_space<hbm>>
      tpu.wait_dma2 semaphore(%arg14 : memref<!tpu.dma_semaphore, #tpu.memory_space<semaphore_mem>>) src(%dma_wait3A_1242 : memref<64xf32, #tpu.memory_space<hbm>>) dst(%dma_wait3A_1239 : memref<64xf32, #tpu.memory_space<vmem>>)
      %dma_wait3A_1243 = arith.constant 2 : i32
      %dma_wait3A_1244 = arith.constant 0 : i32
      %dma_wait3A_1245 = tpu.memref_slice %arg11[%dma_wait3A_1243, %dma_wait3A_1244] : memref<16x64xf32, #tpu.memory_space<vmem>> -> memref<1x64xf32, #tpu.memory_space<vmem>>
      %dma_wait3A_1246 = tpu.memref_squeeze %dma_wait3A_1245 : memref<1x64xf32, #tpu.memory_space<vmem>> -> memref<64xf32, #tpu.memory_space<vmem>>
      %dma_wait3A_1247 = arith.constant 0 : i32
      %dma_wait3A_1248 = tpu.memref_slice %arg5[%reduce_sum3A_157, %dma_wait3A_1247] : memref<1000000x64xf32, #tpu.memory_space<hbm>> -> memref<1x64xf32, #tpu.memory_space<hbm>>
      %dma_wait3A_1249 = tpu.memref_squeeze %dma_wait3A_1248 : memref<1x64xf32, #tpu.memory_space<hbm>> -> memref<64xf32, #tpu.memory_space<hbm>>
      %dma_wait3A_1250 = arith.constant 0 : i32
      %dma_wait3A_1251 = tpu.memref_slice %arg11[%dma_wait3A_1243, %dma_wait3A_1250] : memref<16x64xf32, #tpu.memory_space<vmem>> -> memref<1x64xf32, #tpu.memory_space<vmem>>
      %dma_wait3A_1252 = tpu.memref_squeeze %dma_wait3A_1251 : memref<1x64xf32, #tpu.memory_space<vmem>> -> memref<64xf32, #tpu.memory_space<vmem>>
      %dma_wait3A_1253 = arith.constant 0 : i32
      %dma_wait3A_1254 = tpu.memref_slice %arg5[%reduce_sum3A_157, %dma_wait3A_1253] : memref<1000000x64xf32, #tpu.memory_space<hbm>> -> memref<1x64xf32, #tpu.memory_space<hbm>>
      %dma_wait3A_1255 = tpu.memref_squeeze %dma_wait3A_1254 : memref<1x64xf32, #tpu.memory_space<hbm>> -> memref<64xf32, #tpu.memory_space<hbm>>
      tpu.wait_dma2 semaphore(%arg14 : memref<!tpu.dma_semaphore, #tpu.memory_space<semaphore_mem>>) src(%dma_wait3A_1255 : memref<64xf32, #tpu.memory_space<hbm>>) dst(%dma_wait3A_1252 : memref<64xf32, #tpu.memory_space<vmem>>)
      %dma_wait3A_1256 = arith.constant 2 : i32
      %dma_wait3A_1257 = arith.constant 0 : i32
      %dma_wait3A_1258 = tpu.memref_slice %arg12[%dma_wait3A_1256, %dma_wait3A_1257] : memref<16x64xf32, #tpu.memory_space<vmem>> -> memref<1x64xf32, #tpu.memory_space<vmem>>
      %dma_wait3A_1259 = tpu.memref_squeeze %dma_wait3A_1258 : memref<1x64xf32, #tpu.memory_space<vmem>> -> memref<64xf32, #tpu.memory_space<vmem>>
      %dma_wait3A_1260 = arith.constant 0 : i32
      %dma_wait3A_1261 = tpu.memref_slice %arg5[%reduce_sum3A_164, %dma_wait3A_1260] : memref<1000000x64xf32, #tpu.memory_space<hbm>> -> memref<1x64xf32, #tpu.memory_space<hbm>>
      %dma_wait3A_1262 = tpu.memref_squeeze %dma_wait3A_1261 : memref<1x64xf32, #tpu.memory_space<hbm>> -> memref<64xf32, #tpu.memory_space<hbm>>
      %dma_wait3A_1263 = arith.constant 0 : i32
      %dma_wait3A_1264 = tpu.memref_slice %arg12[%dma_wait3A_1256, %dma_wait3A_1263] : memref<16x64xf32, #tpu.memory_space<vmem>> -> memref<1x64xf32, #tpu.memory_space<vmem>>
      %dma_wait3A_1265 = tpu.memref_squeeze %dma_wait3A_1264 : memref<1x64xf32, #tpu.memory_space<vmem>> -> memref<64xf32, #tpu.memory_space<vmem>>
      %dma_wait3A_1266 = arith.constant 0 : i32
      %dma_wait3A_1267 = tpu.memref_slice %arg5[%reduce_sum3A_164, %dma_wait3A_1266] : memref<1000000x64xf32, #tpu.memory_space<hbm>> -> memref<1x64xf32, #tpu.memory_space<hbm>>
      %dma_wait3A_1268 = tpu.memref_squeeze %dma_wait3A_1267 : memref<1x64xf32, #tpu.memory_space<hbm>> -> memref<64xf32, #tpu.memory_space<hbm>>
      tpu.wait_dma2 semaphore(%arg14 : memref<!tpu.dma_semaphore, #tpu.memory_space<semaphore_mem>>) src(%dma_wait3A_1268 : memref<64xf32, #tpu.memory_space<hbm>>) dst(%dma_wait3A_1265 : memref<64xf32, #tpu.memory_space<vmem>>)
      %dma_wait3A_1269 = arith.constant 3 : i32
      %dma_wait3A_1270 = arith.constant 0 : i32
      %dma_wait3A_1271 = tpu.memref_slice %arg9[%dma_wait3A_1269, %dma_wait3A_1270] : memref<16x64xf32, #tpu.memory_space<vmem>> -> memref<1x64xf32, #tpu.memory_space<vmem>>
      %dma_wait3A_1272 = tpu.memref_squeeze %dma_wait3A_1271 : memref<1x64xf32, #tpu.memory_space<vmem>> -> memref<64xf32, #tpu.memory_space<vmem>>
      %dma_wait3A_1273 = arith.constant 0 : i32
      %dma_wait3A_1274 = tpu.memref_slice %arg4[%reduce_sum3A_226, %dma_wait3A_1273] : memref<1000000x64xf32, #tpu.memory_space<hbm>> -> memref<1x64xf32, #tpu.memory_space<hbm>>
      %dma_wait3A_1275 = tpu.memref_squeeze %dma_wait3A_1274 : memref<1x64xf32, #tpu.memory_space<hbm>> -> memref<64xf32, #tpu.memory_space<hbm>>
      %dma_wait3A_1276 = arith.constant 0 : i32
      %dma_wait3A_1277 = tpu.memref_slice %arg9[%dma_wait3A_1269, %dma_wait3A_1276] : memref<16x64xf32, #tpu.memory_space<vmem>> -> memref<1x64xf32, #tpu.memory_space<vmem>>
      %dma_wait3A_1278 = tpu.memref_squeeze %dma_wait3A_1277 : memref<1x64xf32, #tpu.memory_space<vmem>> -> memref<64xf32, #tpu.memory_space<vmem>>
      %dma_wait3A_1279 = arith.constant 0 : i32
      %dma_wait3A_1280 = tpu.memref_slice %arg4[%reduce_sum3A_226, %dma_wait3A_1279] : memref<1000000x64xf32, #tpu.memory_space<hbm>> -> memref<1x64xf32, #tpu.memory_space<hbm>>
      %dma_wait3A_1281 = tpu.memref_squeeze %dma_wait3A_1280 : memref<1x64xf32, #tpu.memory_space<hbm>> -> memref<64xf32, #tpu.memory_space<hbm>>
      tpu.wait_dma2 semaphore(%arg14 : memref<!tpu.dma_semaphore, #tpu.memory_space<semaphore_mem>>) src(%dma_wait3A_1281 : memref<64xf32, #tpu.memory_space<hbm>>) dst(%dma_wait3A_1278 : memref<64xf32, #tpu.memory_space<vmem>>)
      %dma_wait3A_1282 = arith.constant 3 : i32
      %dma_wait3A_1283 = arith.constant 0 : i32
      %dma_wait3A_1284 = tpu.memref_slice %arg10[%dma_wait3A_1282, %dma_wait3A_1283] : memref<16x64xf32, #tpu.memory_space<vmem>> -> memref<1x64xf32, #tpu.memory_space<vmem>>
      %dma_wait3A_1285 = tpu.memref_squeeze %dma_wait3A_1284 : memref<1x64xf32, #tpu.memory_space<vmem>> -> memref<64xf32, #tpu.memory_space<vmem>>
      %dma_wait3A_1286 = arith.constant 0 : i32
      %dma_wait3A_1287 = tpu.memref_slice %arg4[%reduce_sum3A_233, %dma_wait3A_1286] : memref<1000000x64xf32, #tpu.memory_space<hbm>> -> memref<1x64xf32, #tpu.memory_space<hbm>>
      %dma_wait3A_1288 = tpu.memref_squeeze %dma_wait3A_1287 : memref<1x64xf32, #tpu.memory_space<hbm>> -> memref<64xf32, #tpu.memory_space<hbm>>
      %dma_wait3A_1289 = arith.constant 0 : i32
      %dma_wait3A_1290 = tpu.memref_slice %arg10[%dma_wait3A_1282, %dma_wait3A_1289] : memref<16x64xf32, #tpu.memory_space<vmem>> -> memref<1x64xf32, #tpu.memory_space<vmem>>
      %dma_wait3A_1291 = tpu.memref_squeeze %dma_wait3A_1290 : memref<1x64xf32, #tpu.memory_space<vmem>> -> memref<64xf32, #tpu.memory_space<vmem>>
      %dma_wait3A_1292 = arith.constant 0 : i32
      %dma_wait3A_1293 = tpu.memref_slice %arg4[%reduce_sum3A_233, %dma_wait3A_1292] : memref<1000000x64xf32, #tpu.memory_space<hbm>> -> memref<1x64xf32, #tpu.memory_space<hbm>>
      %dma_wait3A_1294 = tpu.memref_squeeze %dma_wait3A_1293 : memref<1x64xf32, #tpu.memory_space<hbm>> -> memref<64xf32, #tpu.memory_space<hbm>>
      tpu.wait_dma2 semaphore(%arg14 : memref<!tpu.dma_semaphore, #tpu.memory_space<semaphore_mem>>) src(%dma_wait3A_1294 : memref<64xf32, #tpu.memory_space<hbm>>) dst(%dma_wait3A_1291 : memref<64xf32, #tpu.memory_space<vmem>>)
      %dma_wait3A_1295 = arith.constant 3 : i32
      %dma_wait3A_1296 = arith.constant 0 : i32
      %dma_wait3A_1297 = tpu.memref_slice %arg11[%dma_wait3A_1295, %dma_wait3A_1296] : memref<16x64xf32, #tpu.memory_space<vmem>> -> memref<1x64xf32, #tpu.memory_space<vmem>>
      %dma_wait3A_1298 = tpu.memref_squeeze %dma_wait3A_1297 : memref<1x64xf32, #tpu.memory_space<vmem>> -> memref<64xf32, #tpu.memory_space<vmem>>
      %dma_wait3A_1299 = arith.constant 0 : i32
      %dma_wait3A_1300 = tpu.memref_slice %arg5[%reduce_sum3A_226, %dma_wait3A_1299] : memref<1000000x64xf32, #tpu.memory_space<hbm>> -> memref<1x64xf32, #tpu.memory_space<hbm>>
      %dma_wait3A_1301 = tpu.memref_squeeze %dma_wait3A_1300 : memref<1x64xf32, #tpu.memory_space<hbm>> -> memref<64xf32, #tpu.memory_space<hbm>>
      %dma_wait3A_1302 = arith.constant 0 : i32
      %dma_wait3A_1303 = tpu.memref_slice %arg11[%dma_wait3A_1295, %dma_wait3A_1302] : memref<16x64xf32, #tpu.memory_space<vmem>> -> memref<1x64xf32, #tpu.memory_space<vmem>>
      %dma_wait3A_1304 = tpu.memref_squeeze %dma_wait3A_1303 : memref<1x64xf32, #tpu.memory_space<vmem>> -> memref<64xf32, #tpu.memory_space<vmem>>
      %dma_wait3A_1305 = arith.constant 0 : i32
      %dma_wait3A_1306 = tpu.memref_slice %arg5[%reduce_sum3A_226, %dma_wait3A_1305] : memref<1000000x64xf32, #tpu.memory_space<hbm>> -> memref<1x64xf32, #tpu.memory_space<hbm>>
      %dma_wait3A_1307 = tpu.memref_squeeze %dma_wait3A_1306 : memref<1x64xf32, #tpu.memory_space<hbm>> -> memref<64xf32, #tpu.memory_space<hbm>>
      tpu.wait_dma2 semaphore(%arg14 : memref<!tpu.dma_semaphore, #tpu.memory_space<semaphore_mem>>) src(%dma_wait3A_1307 : memref<64xf32, #tpu.memory_space<hbm>>) dst(%dma_wait3A_1304 : memref<64xf32, #tpu.memory_space<vmem>>)
      %dma_wait3A_1308 = arith.constant 3 : i32
      %dma_wait3A_1309 = arith.constant 0 : i32
      %dma_wait3A_1310 = tpu.memref_slice %arg12[%dma_wait3A_1308, %dma_wait3A_1309] : memref<16x64xf32, #tpu.memory_space<vmem>> -> memref<1x64xf32, #tpu.memory_space<vmem>>
      %dma_wait3A_1311 = tpu.memref_squeeze %dma_wait3A_1310 : memref<1x64xf32, #tpu.memory_space<vmem>> -> memref<64xf32, #tpu.memory_space<vmem>>
      %dma_wait3A_1312 = arith.constant 0 : i32
      %dma_wait3A_1313 = tpu.memref_slice %arg5[%reduce_sum3A_233, %dma_wait3A_1312] : memref<1000000x64xf32, #tpu.memory_space<hbm>> -> memref<1x64xf32, #tpu.memory_space<hbm>>
      %dma_wait3A_1314 = tpu.memref_squeeze %dma_wait3A_1313 : memref<1x64xf32, #tpu.memory_space<hbm>> -> memref<64xf32, #tpu.memory_space<hbm>>
      %dma_wait3A_1315 = arith.constant 0 : i32
      %dma_wait3A_1316 = tpu.memref_slice %arg12[%dma_wait3A_1308, %dma_wait3A_1315] : memref<16x64xf32, #tpu.memory_space<vmem>> -> memref<1x64xf32, #tpu.memory_space<vmem>>
      %dma_wait3A_1317 = tpu.memref_squeeze %dma_wait3A_1316 : memref<1x64xf32, #tpu.memory_space<vmem>> -> memref<64xf32, #tpu.memory_space<vmem>>
      %dma_wait3A_1318 = arith.constant 0 : i32
      %dma_wait3A_1319 = tpu.memref_slice %arg5[%reduce_sum3A_233, %dma_wait3A_1318] : memref<1000000x64xf32, #tpu.memory_space<hbm>> -> memref<1x64xf32, #tpu.memory_space<hbm>>
      %dma_wait3A_1320 = tpu.memref_squeeze %dma_wait3A_1319 : memref<1x64xf32, #tpu.memory_space<hbm>> -> memref<64xf32, #tpu.memory_space<hbm>>
      tpu.wait_dma2 semaphore(%arg14 : memref<!tpu.dma_semaphore, #tpu.memory_space<semaphore_mem>>) src(%dma_wait3A_1320 : memref<64xf32, #tpu.memory_space<hbm>>) dst(%dma_wait3A_1317 : memref<64xf32, #tpu.memory_space<vmem>>)
      %dma_wait3A_1321 = arith.constant 4 : i32
      %dma_wait3A_1322 = arith.constant 0 : i32
      %dma_wait3A_1323 = tpu.memref_slice %arg9[%dma_wait3A_1321, %dma_wait3A_1322] : memref<16x64xf32, #tpu.memory_space<vmem>> -> memref<1x64xf32, #tpu.memory_space<vmem>>
      %dma_wait3A_1324 = tpu.memref_squeeze %dma_wait3A_1323 : memref<1x64xf32, #tpu.memory_space<vmem>> -> memref<64xf32, #tpu.memory_space<vmem>>
      %dma_wait3A_1325 = arith.constant 0 : i32
      %dma_wait3A_1326 = tpu.memref_slice %arg4[%reduce_sum3A_295, %dma_wait3A_1325] : memref<1000000x64xf32, #tpu.memory_space<hbm>> -> memref<1x64xf32, #tpu.memory_space<hbm>>
      %dma_wait3A_1327 = tpu.memref_squeeze %dma_wait3A_1326 : memref<1x64xf32, #tpu.memory_space<hbm>> -> memref<64xf32, #tpu.memory_space<hbm>>
      %dma_wait3A_1328 = arith.constant 0 : i32
      %dma_wait3A_1329 = tpu.memref_slice %arg9[%dma_wait3A_1321, %dma_wait3A_1328] : memref<16x64xf32, #tpu.memory_space<vmem>> -> memref<1x64xf32, #tpu.memory_space<vmem>>
      %dma_wait3A_1330 = tpu.memref_squeeze %dma_wait3A_1329 : memref<1x64xf32, #tpu.memory_space<vmem>> -> memref<64xf32, #tpu.memory_space<vmem>>
      %dma_wait3A_1331 = arith.constant 0 : i32
      %dma_wait3A_1332 = tpu.memref_slice %arg4[%reduce_sum3A_295, %dma_wait3A_1331] : memref<1000000x64xf32, #tpu.memory_space<hbm>> -> memref<1x64xf32, #tpu.memory_space<hbm>>
      %dma_wait3A_1333 = tpu.memref_squeeze %dma_wait3A_1332 : memref<1x64xf32, #tpu.memory_space<hbm>> -> memref<64xf32, #tpu.memory_space<hbm>>
      tpu.wait_dma2 semaphore(%arg14 : memref<!tpu.dma_semaphore, #tpu.memory_space<semaphore_mem>>) src(%dma_wait3A_1333 : memref<64xf32, #tpu.memory_space<hbm>>) dst(%dma_wait3A_1330 : memref<64xf32, #tpu.memory_space<vmem>>)
      %dma_wait3A_1334 = arith.constant 4 : i32
      %dma_wait3A_1335 = arith.constant 0 : i32
      %dma_wait3A_1336 = tpu.memref_slice %arg10[%dma_wait3A_1334, %dma_wait3A_1335] : memref<16x64xf32, #tpu.memory_space<vmem>> -> memref<1x64xf32, #tpu.memory_space<vmem>>
      %dma_wait3A_1337 = tpu.memref_squeeze %dma_wait3A_1336 : memref<1x64xf32, #tpu.memory_space<vmem>> -> memref<64xf32, #tpu.memory_space<vmem>>
      %dma_wait3A_1338 = arith.constant 0 : i32
      %dma_wait3A_1339 = tpu.memref_slice %arg4[%reduce_sum3A_302, %dma_wait3A_1338] : memref<1000000x64xf32, #tpu.memory_space<hbm>> -> memref<1x64xf32, #tpu.memory_space<hbm>>
      %dma_wait3A_1340 = tpu.memref_squeeze %dma_wait3A_1339 : memref<1x64xf32, #tpu.memory_space<hbm>> -> memref<64xf32, #tpu.memory_space<hbm>>
      %dma_wait3A_1341 = arith.constant 0 : i32
      %dma_wait3A_1342 = tpu.memref_slice %arg10[%dma_wait3A_1334, %dma_wait3A_1341] : memref<16x64xf32, #tpu.memory_space<vmem>> -> memref<1x64xf32, #tpu.memory_space<vmem>>
      %dma_wait3A_1343 = tpu.memref_squeeze %dma_wait3A_1342 : memref<1x64xf32, #tpu.memory_space<vmem>> -> memref<64xf32, #tpu.memory_space<vmem>>
      %dma_wait3A_1344 = arith.constant 0 : i32
      %dma_wait3A_1345 = tpu.memref_slice %arg4[%reduce_sum3A_302, %dma_wait3A_1344] : memref<1000000x64xf32, #tpu.memory_space<hbm>> -> memref<1x64xf32, #tpu.memory_space<hbm>>
      %dma_wait3A_1346 = tpu.memref_squeeze %dma_wait3A_1345 : memref<1x64xf32, #tpu.memory_space<hbm>> -> memref<64xf32, #tpu.memory_space<hbm>>
      tpu.wait_dma2 semaphore(%arg14 : memref<!tpu.dma_semaphore, #tpu.memory_space<semaphore_mem>>) src(%dma_wait3A_1346 : memref<64xf32, #tpu.memory_space<hbm>>) dst(%dma_wait3A_1343 : memref<64xf32, #tpu.memory_space<vmem>>)
      %dma_wait3A_1347 = arith.constant 4 : i32
      %dma_wait3A_1348 = arith.constant 0 : i32
      %dma_wait3A_1349 = tpu.memref_slice %arg11[%dma_wait3A_1347, %dma_wait3A_1348] : memref<16x64xf32, #tpu.memory_space<vmem>> -> memref<1x64xf32, #tpu.memory_space<vmem>>
      %dma_wait3A_1350 = tpu.memref_squeeze %dma_wait3A_1349 : memref<1x64xf32, #tpu.memory_space<vmem>> -> memref<64xf32, #tpu.memory_space<vmem>>
      %dma_wait3A_1351 = arith.constant 0 : i32
      %dma_wait3A_1352 = tpu.memref_slice %arg5[%reduce_sum3A_295, %dma_wait3A_1351] : memref<1000000x64xf32, #tpu.memory_space<hbm>> -> memref<1x64xf32, #tpu.memory_space<hbm>>
      %dma_wait3A_1353 = tpu.memref_squeeze %dma_wait3A_1352 : memref<1x64xf32, #tpu.memory_space<hbm>> -> memref<64xf32, #tpu.memory_space<hbm>>
      %dma_wait3A_1354 = arith.constant 0 : i32
      %dma_wait3A_1355 = tpu.memref_slice %arg11[%dma_wait3A_1347, %dma_wait3A_1354] : memref<16x64xf32, #tpu.memory_space<vmem>> -> memref<1x64xf32, #tpu.memory_space<vmem>>
      %dma_wait3A_1356 = tpu.memref_squeeze %dma_wait3A_1355 : memref<1x64xf32, #tpu.memory_space<vmem>> -> memref<64xf32, #tpu.memory_space<vmem>>
      %dma_wait3A_1357 = arith.constant 0 : i32
      %dma_wait3A_1358 = tpu.memref_slice %arg5[%reduce_sum3A_295, %dma_wait3A_1357] : memref<1000000x64xf32, #tpu.memory_space<hbm>> -> memref<1x64xf32, #tpu.memory_space<hbm>>
      %dma_wait3A_1359 = tpu.memref_squeeze %dma_wait3A_1358 : memref<1x64xf32, #tpu.memory_space<hbm>> -> memref<64xf32, #tpu.memory_space<hbm>>
      tpu.wait_dma2 semaphore(%arg14 : memref<!tpu.dma_semaphore, #tpu.memory_space<semaphore_mem>>) src(%dma_wait3A_1359 : memref<64xf32, #tpu.memory_space<hbm>>) dst(%dma_wait3A_1356 : memref<64xf32, #tpu.memory_space<vmem>>)
      %dma_wait3A_1360 = arith.constant 4 : i32
      %dma_wait3A_1361 = arith.constant 0 : i32
      %dma_wait3A_1362 = tpu.memref_slice %arg12[%dma_wait3A_1360, %dma_wait3A_1361] : memref<16x64xf32, #tpu.memory_space<vmem>> -> memref<1x64xf32, #tpu.memory_space<vmem>>
      %dma_wait3A_1363 = tpu.memref_squeeze %dma_wait3A_1362 : memref<1x64xf32, #tpu.memory_space<vmem>> -> memref<64xf32, #tpu.memory_space<vmem>>
      %dma_wait3A_1364 = arith.constant 0 : i32
      %dma_wait3A_1365 = tpu.memref_slice %arg5[%reduce_sum3A_302, %dma_wait3A_1364] : memref<1000000x64xf32, #tpu.memory_space<hbm>> -> memref<1x64xf32, #tpu.memory_space<hbm>>
      %dma_wait3A_1366 = tpu.memref_squeeze %dma_wait3A_1365 : memref<1x64xf32, #tpu.memory_space<hbm>> -> memref<64xf32, #tpu.memory_space<hbm>>
      %dma_wait3A_1367 = arith.constant 0 : i32
      %dma_wait3A_1368 = tpu.memref_slice %arg12[%dma_wait3A_1360, %dma_wait3A_1367] : memref<16x64xf32, #tpu.memory_space<vmem>> -> memref<1x64xf32, #tpu.memory_space<vmem>>
      %dma_wait3A_1369 = tpu.memref_squeeze %dma_wait3A_1368 : memref<1x64xf32, #tpu.memory_space<vmem>> -> memref<64xf32, #tpu.memory_space<vmem>>
      %dma_wait3A_1370 = arith.constant 0 : i32
      %dma_wait3A_1371 = tpu.memref_slice %arg5[%reduce_sum3A_302, %dma_wait3A_1370] : memref<1000000x64xf32, #tpu.memory_space<hbm>> -> memref<1x64xf32, #tpu.memory_space<hbm>>
      %dma_wait3A_1372 = tpu.memref_squeeze %dma_wait3A_1371 : memref<1x64xf32, #tpu.memory_space<hbm>> -> memref<64xf32, #tpu.memory_space<hbm>>
      tpu.wait_dma2 semaphore(%arg14 : memref<!tpu.dma_semaphore, #tpu.memory_space<semaphore_mem>>) src(%dma_wait3A_1372 : memref<64xf32, #tpu.memory_space<hbm>>) dst(%dma_wait3A_1369 : memref<64xf32, #tpu.memory_space<vmem>>)
      %dma_wait3A_1373 = arith.constant 5 : i32
      %dma_wait3A_1374 = arith.constant 0 : i32
      %dma_wait3A_1375 = tpu.memref_slice %arg9[%dma_wait3A_1373, %dma_wait3A_1374] : memref<16x64xf32, #tpu.memory_space<vmem>> -> memref<1x64xf32, #tpu.memory_space<vmem>>
      %dma_wait3A_1376 = tpu.memref_squeeze %dma_wait3A_1375 : memref<1x64xf32, #tpu.memory_space<vmem>> -> memref<64xf32, #tpu.memory_space<vmem>>
      %dma_wait3A_1377 = arith.constant 0 : i32
      %dma_wait3A_1378 = tpu.memref_slice %arg4[%reduce_sum3A_364, %dma_wait3A_1377] : memref<1000000x64xf32, #tpu.memory_space<hbm>> -> memref<1x64xf32, #tpu.memory_space<hbm>>
      %dma_wait3A_1379 = tpu.memref_squeeze %dma_wait3A_1378 : memref<1x64xf32, #tpu.memory_space<hbm>> -> memref<64xf32, #tpu.memory_space<hbm>>
      %dma_wait3A_1380 = arith.constant 0 : i32
      %dma_wait3A_1381 = tpu.memref_slice %arg9[%dma_wait3A_1373, %dma_wait3A_1380] : memref<16x64xf32, #tpu.memory_space<vmem>> -> memref<1x64xf32, #tpu.memory_space<vmem>>
      %dma_wait3A_1382 = tpu.memref_squeeze %dma_wait3A_1381 : memref<1x64xf32, #tpu.memory_space<vmem>> -> memref<64xf32, #tpu.memory_space<vmem>>
      %dma_wait3A_1383 = arith.constant 0 : i32
      %dma_wait3A_1384 = tpu.memref_slice %arg4[%reduce_sum3A_364, %dma_wait3A_1383] : memref<1000000x64xf32, #tpu.memory_space<hbm>> -> memref<1x64xf32, #tpu.memory_space<hbm>>
      %dma_wait3A_1385 = tpu.memref_squeeze %dma_wait3A_1384 : memref<1x64xf32, #tpu.memory_space<hbm>> -> memref<64xf32, #tpu.memory_space<hbm>>
      tpu.wait_dma2 semaphore(%arg14 : memref<!tpu.dma_semaphore, #tpu.memory_space<semaphore_mem>>) src(%dma_wait3A_1385 : memref<64xf32, #tpu.memory_space<hbm>>) dst(%dma_wait3A_1382 : memref<64xf32, #tpu.memory_space<vmem>>)
      %dma_wait3A_1386 = arith.constant 5 : i32
      %dma_wait3A_1387 = arith.constant 0 : i32
      %dma_wait3A_1388 = tpu.memref_slice %arg10[%dma_wait3A_1386, %dma_wait3A_1387] : memref<16x64xf32, #tpu.memory_space<vmem>> -> memref<1x64xf32, #tpu.memory_space<vmem>>
      %dma_wait3A_1389 = tpu.memref_squeeze %dma_wait3A_1388 : memref<1x64xf32, #tpu.memory_space<vmem>> -> memref<64xf32, #tpu.memory_space<vmem>>
      %dma_wait3A_1390 = arith.constant 0 : i32
      %dma_wait3A_1391 = tpu.memref_slice %arg4[%reduce_sum3A_371, %dma_wait3A_1390] : memref<1000000x64xf32, #tpu.memory_space<hbm>> -> memref<1x64xf32, #tpu.memory_space<hbm>>
      %dma_wait3A_1392 = tpu.memref_squeeze %dma_wait3A_1391 : memref<1x64xf32, #tpu.memory_space<hbm>> -> memref<64xf32, #tpu.memory_space<hbm>>
      %dma_wait3A_1393 = arith.constant 0 : i32
      %dma_wait3A_1394 = tpu.memref_slice %arg10[%dma_wait3A_1386, %dma_wait3A_1393] : memref<16x64xf32, #tpu.memory_space<vmem>> -> memref<1x64xf32, #tpu.memory_space<vmem>>
      %dma_wait3A_1395 = tpu.memref_squeeze %dma_wait3A_1394 : memref<1x64xf32, #tpu.memory_space<vmem>> -> memref<64xf32, #tpu.memory_space<vmem>>
      %dma_wait3A_1396 = arith.constant 0 : i32
      %dma_wait3A_1397 = tpu.memref_slice %arg4[%reduce_sum3A_371, %dma_wait3A_1396] : memref<1000000x64xf32, #tpu.memory_space<hbm>> -> memref<1x64xf32, #tpu.memory_space<hbm>>
      %dma_wait3A_1398 = tpu.memref_squeeze %dma_wait3A_1397 : memref<1x64xf32, #tpu.memory_space<hbm>> -> memref<64xf32, #tpu.memory_space<hbm>>
      tpu.wait_dma2 semaphore(%arg14 : memref<!tpu.dma_semaphore, #tpu.memory_space<semaphore_mem>>) src(%dma_wait3A_1398 : memref<64xf32, #tpu.memory_space<hbm>>) dst(%dma_wait3A_1395 : memref<64xf32, #tpu.memory_space<vmem>>)
      %dma_wait3A_1399 = arith.constant 5 : i32
      %dma_wait3A_1400 = arith.constant 0 : i32
      %dma_wait3A_1401 = tpu.memref_slice %arg11[%dma_wait3A_1399, %dma_wait3A_1400] : memref<16x64xf32, #tpu.memory_space<vmem>> -> memref<1x64xf32, #tpu.memory_space<vmem>>
      %dma_wait3A_1402 = tpu.memref_squeeze %dma_wait3A_1401 : memref<1x64xf32, #tpu.memory_space<vmem>> -> memref<64xf32, #tpu.memory_space<vmem>>
      %dma_wait3A_1403 = arith.constant 0 : i32
      %dma_wait3A_1404 = tpu.memref_slice %arg5[%reduce_sum3A_364, %dma_wait3A_1403] : memref<1000000x64xf32, #tpu.memory_space<hbm>> -> memref<1x64xf32, #tpu.memory_space<hbm>>
      %dma_wait3A_1405 = tpu.memref_squeeze %dma_wait3A_1404 : memref<1x64xf32, #tpu.memory_space<hbm>> -> memref<64xf32, #tpu.memory_space<hbm>>
      %dma_wait3A_1406 = arith.constant 0 : i32
      %dma_wait3A_1407 = tpu.memref_slice %arg11[%dma_wait3A_1399, %dma_wait3A_1406] : memref<16x64xf32, #tpu.memory_space<vmem>> -> memref<1x64xf32, #tpu.memory_space<vmem>>
      %dma_wait3A_1408 = tpu.memref_squeeze %dma_wait3A_1407 : memref<1x64xf32, #tpu.memory_space<vmem>> -> memref<64xf32, #tpu.memory_space<vmem>>
      %dma_wait3A_1409 = arith.constant 0 : i32
      %dma_wait3A_1410 = tpu.memref_slice %arg5[%reduce_sum3A_364, %dma_wait3A_1409] : memref<1000000x64xf32, #tpu.memory_space<hbm>> -> memref<1x64xf32, #tpu.memory_space<hbm>>
      %dma_wait3A_1411 = tpu.memref_squeeze %dma_wait3A_1410 : memref<1x64xf32, #tpu.memory_space<hbm>> -> memref<64xf32, #tpu.memory_space<hbm>>
      tpu.wait_dma2 semaphore(%arg14 : memref<!tpu.dma_semaphore, #tpu.memory_space<semaphore_mem>>) src(%dma_wait3A_1411 : memref<64xf32, #tpu.memory_space<hbm>>) dst(%dma_wait3A_1408 : memref<64xf32, #tpu.memory_space<vmem>>)
      %dma_wait3A_1412 = arith.constant 5 : i32
      %dma_wait3A_1413 = arith.constant 0 : i32
      %dma_wait3A_1414 = tpu.memref_slice %arg12[%dma_wait3A_1412, %dma_wait3A_1413] : memref<16x64xf32, #tpu.memory_space<vmem>> -> memref<1x64xf32, #tpu.memory_space<vmem>>
      %dma_wait3A_1415 = tpu.memref_squeeze %dma_wait3A_1414 : memref<1x64xf32, #tpu.memory_space<vmem>> -> memref<64xf32, #tpu.memory_space<vmem>>
      %dma_wait3A_1416 = arith.constant 0 : i32
      %dma_wait3A_1417 = tpu.memref_slice %arg5[%reduce_sum3A_371, %dma_wait3A_1416] : memref<1000000x64xf32, #tpu.memory_space<hbm>> -> memref<1x64xf32, #tpu.memory_space<hbm>>
      %dma_wait3A_1418 = tpu.memref_squeeze %dma_wait3A_1417 : memref<1x64xf32, #tpu.memory_space<hbm>> -> memref<64xf32, #tpu.memory_space<hbm>>
      %dma_wait3A_1419 = arith.constant 0 : i32
      %dma_wait3A_1420 = tpu.memref_slice %arg12[%dma_wait3A_1412, %dma_wait3A_1419] : memref<16x64xf32, #tpu.memory_space<vmem>> -> memref<1x64xf32, #tpu.memory_space<vmem>>
      %dma_wait3A_1421 = tpu.memref_squeeze %dma_wait3A_1420 : memref<1x64xf32, #tpu.memory_space<vmem>> -> memref<64xf32, #tpu.memory_space<vmem>>
      %dma_wait3A_1422 = arith.constant 0 : i32
      %dma_wait3A_1423 = tpu.memref_slice %arg5[%reduce_sum3A_371, %dma_wait3A_1422] : memref<1000000x64xf32, #tpu.memory_space<hbm>> -> memref<1x64xf32, #tpu.memory_space<hbm>>
      %dma_wait3A_1424 = tpu.memref_squeeze %dma_wait3A_1423 : memref<1x64xf32, #tpu.memory_space<hbm>> -> memref<64xf32, #tpu.memory_space<hbm>>
      tpu.wait_dma2 semaphore(%arg14 : memref<!tpu.dma_semaphore, #tpu.memory_space<semaphore_mem>>) src(%dma_wait3A_1424 : memref<64xf32, #tpu.memory_space<hbm>>) dst(%dma_wait3A_1421 : memref<64xf32, #tpu.memory_space<vmem>>)
      %dma_wait3A_1425 = arith.constant 6 : i32
      %dma_wait3A_1426 = arith.constant 0 : i32
      %dma_wait3A_1427 = tpu.memref_slice %arg9[%dma_wait3A_1425, %dma_wait3A_1426] : memref<16x64xf32, #tpu.memory_space<vmem>> -> memref<1x64xf32, #tpu.memory_space<vmem>>
      %dma_wait3A_1428 = tpu.memref_squeeze %dma_wait3A_1427 : memref<1x64xf32, #tpu.memory_space<vmem>> -> memref<64xf32, #tpu.memory_space<vmem>>
      %dma_wait3A_1429 = arith.constant 0 : i32
      %dma_wait3A_1430 = tpu.memref_slice %arg4[%reduce_sum3A_433, %dma_wait3A_1429] : memref<1000000x64xf32, #tpu.memory_space<hbm>> -> memref<1x64xf32, #tpu.memory_space<hbm>>
      %dma_wait3A_1431 = tpu.memref_squeeze %dma_wait3A_1430 : memref<1x64xf32, #tpu.memory_space<hbm>> -> memref<64xf32, #tpu.memory_space<hbm>>
      %dma_wait3A_1432 = arith.constant 0 : i32
      %dma_wait3A_1433 = tpu.memref_slice %arg9[%dma_wait3A_1425, %dma_wait3A_1432] : memref<16x64xf32, #tpu.memory_space<vmem>> -> memref<1x64xf32, #tpu.memory_space<vmem>>
      %dma_wait3A_1434 = tpu.memref_squeeze %dma_wait3A_1433 : memref<1x64xf32, #tpu.memory_space<vmem>> -> memref<64xf32, #tpu.memory_space<vmem>>
      %dma_wait3A_1435 = arith.constant 0 : i32
      %dma_wait3A_1436 = tpu.memref_slice %arg4[%reduce_sum3A_433, %dma_wait3A_1435] : memref<1000000x64xf32, #tpu.memory_space<hbm>> -> memref<1x64xf32, #tpu.memory_space<hbm>>
      %dma_wait3A_1437 = tpu.memref_squeeze %dma_wait3A_1436 : memref<1x64xf32, #tpu.memory_space<hbm>> -> memref<64xf32, #tpu.memory_space<hbm>>
      tpu.wait_dma2 semaphore(%arg14 : memref<!tpu.dma_semaphore, #tpu.memory_space<semaphore_mem>>) src(%dma_wait3A_1437 : memref<64xf32, #tpu.memory_space<hbm>>) dst(%dma_wait3A_1434 : memref<64xf32, #tpu.memory_space<vmem>>)
      %dma_wait3A_1438 = arith.constant 6 : i32
      %dma_wait3A_1439 = arith.constant 0 : i32
      %dma_wait3A_1440 = tpu.memref_slice %arg10[%dma_wait3A_1438, %dma_wait3A_1439] : memref<16x64xf32, #tpu.memory_space<vmem>> -> memref<1x64xf32, #tpu.memory_space<vmem>>
      %dma_wait3A_1441 = tpu.memref_squeeze %dma_wait3A_1440 : memref<1x64xf32, #tpu.memory_space<vmem>> -> memref<64xf32, #tpu.memory_space<vmem>>
      %dma_wait3A_1442 = arith.constant 0 : i32
      %dma_wait3A_1443 = tpu.memref_slice %arg4[%reduce_sum3A_440, %dma_wait3A_1442] : memref<1000000x64xf32, #tpu.memory_space<hbm>> -> memref<1x64xf32, #tpu.memory_space<hbm>>
      %dma_wait3A_1444 = tpu.memref_squeeze %dma_wait3A_1443 : memref<1x64xf32, #tpu.memory_space<hbm>> -> memref<64xf32, #tpu.memory_space<hbm>>
      %dma_wait3A_1445 = arith.constant 0 : i32
      %dma_wait3A_1446 = tpu.memref_slice %arg10[%dma_wait3A_1438, %dma_wait3A_1445] : memref<16x64xf32, #tpu.memory_space<vmem>> -> memref<1x64xf32, #tpu.memory_space<vmem>>
      %dma_wait3A_1447 = tpu.memref_squeeze %dma_wait3A_1446 : memref<1x64xf32, #tpu.memory_space<vmem>> -> memref<64xf32, #tpu.memory_space<vmem>>
      %dma_wait3A_1448 = arith.constant 0 : i32
      %dma_wait3A_1449 = tpu.memref_slice %arg4[%reduce_sum3A_440, %dma_wait3A_1448] : memref<1000000x64xf32, #tpu.memory_space<hbm>> -> memref<1x64xf32, #tpu.memory_space<hbm>>
      %dma_wait3A_1450 = tpu.memref_squeeze %dma_wait3A_1449 : memref<1x64xf32, #tpu.memory_space<hbm>> -> memref<64xf32, #tpu.memory_space<hbm>>
      tpu.wait_dma2 semaphore(%arg14 : memref<!tpu.dma_semaphore, #tpu.memory_space<semaphore_mem>>) src(%dma_wait3A_1450 : memref<64xf32, #tpu.memory_space<hbm>>) dst(%dma_wait3A_1447 : memref<64xf32, #tpu.memory_space<vmem>>)
      %dma_wait3A_1451 = arith.constant 6 : i32
      %dma_wait3A_1452 = arith.constant 0 : i32
      %dma_wait3A_1453 = tpu.memref_slice %arg11[%dma_wait3A_1451, %dma_wait3A_1452] : memref<16x64xf32, #tpu.memory_space<vmem>> -> memref<1x64xf32, #tpu.memory_space<vmem>>
      %dma_wait3A_1454 = tpu.memref_squeeze %dma_wait3A_1453 : memref<1x64xf32, #tpu.memory_space<vmem>> -> memref<64xf32, #tpu.memory_space<vmem>>
      %dma_wait3A_1455 = arith.constant 0 : i32
      %dma_wait3A_1456 = tpu.memref_slice %arg5[%reduce_sum3A_433, %dma_wait3A_1455] : memref<1000000x64xf32, #tpu.memory_space<hbm>> -> memref<1x64xf32, #tpu.memory_space<hbm>>
      %dma_wait3A_1457 = tpu.memref_squeeze %dma_wait3A_1456 : memref<1x64xf32, #tpu.memory_space<hbm>> -> memref<64xf32, #tpu.memory_space<hbm>>
      %dma_wait3A_1458 = arith.constant 0 : i32
      %dma_wait3A_1459 = tpu.memref_slice %arg11[%dma_wait3A_1451, %dma_wait3A_1458] : memref<16x64xf32, #tpu.memory_space<vmem>> -> memref<1x64xf32, #tpu.memory_space<vmem>>
      %dma_wait3A_1460 = tpu.memref_squeeze %dma_wait3A_1459 : memref<1x64xf32, #tpu.memory_space<vmem>> -> memref<64xf32, #tpu.memory_space<vmem>>
      %dma_wait3A_1461 = arith.constant 0 : i32
      %dma_wait3A_1462 = tpu.memref_slice %arg5[%reduce_sum3A_433, %dma_wait3A_1461] : memref<1000000x64xf32, #tpu.memory_space<hbm>> -> memref<1x64xf32, #tpu.memory_space<hbm>>
      %dma_wait3A_1463 = tpu.memref_squeeze %dma_wait3A_1462 : memref<1x64xf32, #tpu.memory_space<hbm>> -> memref<64xf32, #tpu.memory_space<hbm>>
      tpu.wait_dma2 semaphore(%arg14 : memref<!tpu.dma_semaphore, #tpu.memory_space<semaphore_mem>>) src(%dma_wait3A_1463 : memref<64xf32, #tpu.memory_space<hbm>>) dst(%dma_wait3A_1460 : memref<64xf32, #tpu.memory_space<vmem>>)
      %dma_wait3A_1464 = arith.constant 6 : i32
      %dma_wait3A_1465 = arith.constant 0 : i32
      %dma_wait3A_1466 = tpu.memref_slice %arg12[%dma_wait3A_1464, %dma_wait3A_1465] : memref<16x64xf32, #tpu.memory_space<vmem>> -> memref<1x64xf32, #tpu.memory_space<vmem>>
      %dma_wait3A_1467 = tpu.memref_squeeze %dma_wait3A_1466 : memref<1x64xf32, #tpu.memory_space<vmem>> -> memref<64xf32, #tpu.memory_space<vmem>>
      %dma_wait3A_1468 = arith.constant 0 : i32
      %dma_wait3A_1469 = tpu.memref_slice %arg5[%reduce_sum3A_440, %dma_wait3A_1468] : memref<1000000x64xf32, #tpu.memory_space<hbm>> -> memref<1x64xf32, #tpu.memory_space<hbm>>
      %dma_wait3A_1470 = tpu.memref_squeeze %dma_wait3A_1469 : memref<1x64xf32, #tpu.memory_space<hbm>> -> memref<64xf32, #tpu.memory_space<hbm>>
      %dma_wait3A_1471 = arith.constant 0 : i32
      %dma_wait3A_1472 = tpu.memref_slice %arg12[%dma_wait3A_1464, %dma_wait3A_1471] : memref<16x64xf32, #tpu.memory_space<vmem>> -> memref<1x64xf32, #tpu.memory_space<vmem>>
      %dma_wait3A_1473 = tpu.memref_squeeze %dma_wait3A_1472 : memref<1x64xf32, #tpu.memory_space<vmem>> -> memref<64xf32, #tpu.memory_space<vmem>>
      %dma_wait3A_1474 = arith.constant 0 : i32
      %dma_wait3A_1475 = tpu.memref_slice %arg5[%reduce_sum3A_440, %dma_wait3A_1474] : memref<1000000x64xf32, #tpu.memory_space<hbm>> -> memref<1x64xf32, #tpu.memory_space<hbm>>
      %dma_wait3A_1476 = tpu.memref_squeeze %dma_wait3A_1475 : memref<1x64xf32, #tpu.memory_space<hbm>> -> memref<64xf32, #tpu.memory_space<hbm>>
      tpu.wait_dma2 semaphore(%arg14 : memref<!tpu.dma_semaphore, #tpu.memory_space<semaphore_mem>>) src(%dma_wait3A_1476 : memref<64xf32, #tpu.memory_space<hbm>>) dst(%dma_wait3A_1473 : memref<64xf32, #tpu.memory_space<vmem>>)
      %dma_wait3A_1477 = arith.constant 7 : i32
      %dma_wait3A_1478 = arith.constant 0 : i32
      %dma_wait3A_1479 = tpu.memref_slice %arg9[%dma_wait3A_1477, %dma_wait3A_1478] : memref<16x64xf32, #tpu.memory_space<vmem>> -> memref<1x64xf32, #tpu.memory_space<vmem>>
      %dma_wait3A_1480 = tpu.memref_squeeze %dma_wait3A_1479 : memref<1x64xf32, #tpu.memory_space<vmem>> -> memref<64xf32, #tpu.memory_space<vmem>>
      %dma_wait3A_1481 = arith.constant 0 : i32
      %dma_wait3A_1482 = tpu.memref_slice %arg4[%reduce_sum3A_502, %dma_wait3A_1481] : memref<1000000x64xf32, #tpu.memory_space<hbm>> -> memref<1x64xf32, #tpu.memory_space<hbm>>
      %dma_wait3A_1483 = tpu.memref_squeeze %dma_wait3A_1482 : memref<1x64xf32, #tpu.memory_space<hbm>> -> memref<64xf32, #tpu.memory_space<hbm>>
      %dma_wait3A_1484 = arith.constant 0 : i32
      %dma_wait3A_1485 = tpu.memref_slice %arg9[%dma_wait3A_1477, %dma_wait3A_1484] : memref<16x64xf32, #tpu.memory_space<vmem>> -> memref<1x64xf32, #tpu.memory_space<vmem>>
      %dma_wait3A_1486 = tpu.memref_squeeze %dma_wait3A_1485 : memref<1x64xf32, #tpu.memory_space<vmem>> -> memref<64xf32, #tpu.memory_space<vmem>>
      %dma_wait3A_1487 = arith.constant 0 : i32
      %dma_wait3A_1488 = tpu.memref_slice %arg4[%reduce_sum3A_502, %dma_wait3A_1487] : memref<1000000x64xf32, #tpu.memory_space<hbm>> -> memref<1x64xf32, #tpu.memory_space<hbm>>
      %dma_wait3A_1489 = tpu.memref_squeeze %dma_wait3A_1488 : memref<1x64xf32, #tpu.memory_space<hbm>> -> memref<64xf32, #tpu.memory_space<hbm>>
      tpu.wait_dma2 semaphore(%arg14 : memref<!tpu.dma_semaphore, #tpu.memory_space<semaphore_mem>>) src(%dma_wait3A_1489 : memref<64xf32, #tpu.memory_space<hbm>>) dst(%dma_wait3A_1486 : memref<64xf32, #tpu.memory_space<vmem>>)
      %dma_wait3A_1490 = arith.constant 7 : i32
      %dma_wait3A_1491 = arith.constant 0 : i32
      %dma_wait3A_1492 = tpu.memref_slice %arg10[%dma_wait3A_1490, %dma_wait3A_1491] : memref<16x64xf32, #tpu.memory_space<vmem>> -> memref<1x64xf32, #tpu.memory_space<vmem>>
      %dma_wait3A_1493 = tpu.memref_squeeze %dma_wait3A_1492 : memref<1x64xf32, #tpu.memory_space<vmem>> -> memref<64xf32, #tpu.memory_space<vmem>>
      %dma_wait3A_1494 = arith.constant 0 : i32
      %dma_wait3A_1495 = tpu.memref_slice %arg4[%reduce_sum3A_509, %dma_wait3A_1494] : memref<1000000x64xf32, #tpu.memory_space<hbm>> -> memref<1x64xf32, #tpu.memory_space<hbm>>
      %dma_wait3A_1496 = tpu.memref_squeeze %dma_wait3A_1495 : memref<1x64xf32, #tpu.memory_space<hbm>> -> memref<64xf32, #tpu.memory_space<hbm>>
      %dma_wait3A_1497 = arith.constant 0 : i32
      %dma_wait3A_1498 = tpu.memref_slice %arg10[%dma_wait3A_1490, %dma_wait3A_1497] : memref<16x64xf32, #tpu.memory_space<vmem>> -> memref<1x64xf32, #tpu.memory_space<vmem>>
      %dma_wait3A_1499 = tpu.memref_squeeze %dma_wait3A_1498 : memref<1x64xf32, #tpu.memory_space<vmem>> -> memref<64xf32, #tpu.memory_space<vmem>>
      %dma_wait3A_1500 = arith.constant 0 : i32
      %dma_wait3A_1501 = tpu.memref_slice %arg4[%reduce_sum3A_509, %dma_wait3A_1500] : memref<1000000x64xf32, #tpu.memory_space<hbm>> -> memref<1x64xf32, #tpu.memory_space<hbm>>
      %dma_wait3A_1502 = tpu.memref_squeeze %dma_wait3A_1501 : memref<1x64xf32, #tpu.memory_space<hbm>> -> memref<64xf32, #tpu.memory_space<hbm>>
      tpu.wait_dma2 semaphore(%arg14 : memref<!tpu.dma_semaphore, #tpu.memory_space<semaphore_mem>>) src(%dma_wait3A_1502 : memref<64xf32, #tpu.memory_space<hbm>>) dst(%dma_wait3A_1499 : memref<64xf32, #tpu.memory_space<vmem>>)
      %dma_wait3A_1503 = arith.constant 7 : i32
      %dma_wait3A_1504 = arith.constant 0 : i32
      %dma_wait3A_1505 = tpu.memref_slice %arg11[%dma_wait3A_1503, %dma_wait3A_1504] : memref<16x64xf32, #tpu.memory_space<vmem>> -> memref<1x64xf32, #tpu.memory_space<vmem>>
      %dma_wait3A_1506 = tpu.memref_squeeze %dma_wait3A_1505 : memref<1x64xf32, #tpu.memory_space<vmem>> -> memref<64xf32, #tpu.memory_space<vmem>>
      %dma_wait3A_1507 = arith.constant 0 : i32
      %dma_wait3A_1508 = tpu.memref_slice %arg5[%reduce_sum3A_502, %dma_wait3A_1507] : memref<1000000x64xf32, #tpu.memory_space<hbm>> -> memref<1x64xf32, #tpu.memory_space<hbm>>
      %dma_wait3A_1509 = tpu.memref_squeeze %dma_wait3A_1508 : memref<1x64xf32, #tpu.memory_space<hbm>> -> memref<64xf32, #tpu.memory_space<hbm>>
      %dma_wait3A_1510 = arith.constant 0 : i32
      %dma_wait3A_1511 = tpu.memref_slice %arg11[%dma_wait3A_1503, %dma_wait3A_1510] : memref<16x64xf32, #tpu.memory_space<vmem>> -> memref<1x64xf32, #tpu.memory_space<vmem>>
      %dma_wait3A_1512 = tpu.memref_squeeze %dma_wait3A_1511 : memref<1x64xf32, #tpu.memory_space<vmem>> -> memref<64xf32, #tpu.memory_space<vmem>>
      %dma_wait3A_1513 = arith.constant 0 : i32
      %dma_wait3A_1514 = tpu.memref_slice %arg5[%reduce_sum3A_502, %dma_wait3A_1513] : memref<1000000x64xf32, #tpu.memory_space<hbm>> -> memref<1x64xf32, #tpu.memory_space<hbm>>
      %dma_wait3A_1515 = tpu.memref_squeeze %dma_wait3A_1514 : memref<1x64xf32, #tpu.memory_space<hbm>> -> memref<64xf32, #tpu.memory_space<hbm>>
      tpu.wait_dma2 semaphore(%arg14 : memref<!tpu.dma_semaphore, #tpu.memory_space<semaphore_mem>>) src(%dma_wait3A_1515 : memref<64xf32, #tpu.memory_space<hbm>>) dst(%dma_wait3A_1512 : memref<64xf32, #tpu.memory_space<vmem>>)
      %dma_wait3A_1516 = arith.constant 7 : i32
      %dma_wait3A_1517 = arith.constant 0 : i32
      %dma_wait3A_1518 = tpu.memref_slice %arg12[%dma_wait3A_1516, %dma_wait3A_1517] : memref<16x64xf32, #tpu.memory_space<vmem>> -> memref<1x64xf32, #tpu.memory_space<vmem>>
      %dma_wait3A_1519 = tpu.memref_squeeze %dma_wait3A_1518 : memref<1x64xf32, #tpu.memory_space<vmem>> -> memref<64xf32, #tpu.memory_space<vmem>>
      %dma_wait3A_1520 = arith.constant 0 : i32
      %dma_wait3A_1521 = tpu.memref_slice %arg5[%reduce_sum3A_509, %dma_wait3A_1520] : memref<1000000x64xf32, #tpu.memory_space<hbm>> -> memref<1x64xf32, #tpu.memory_space<hbm>>
      %dma_wait3A_1522 = tpu.memref_squeeze %dma_wait3A_1521 : memref<1x64xf32, #tpu.memory_space<hbm>> -> memref<64xf32, #tpu.memory_space<hbm>>
      %dma_wait3A_1523 = arith.constant 0 : i32
      %dma_wait3A_1524 = tpu.memref_slice %arg12[%dma_wait3A_1516, %dma_wait3A_1523] : memref<16x64xf32, #tpu.memory_space<vmem>> -> memref<1x64xf32, #tpu.memory_space<vmem>>
      %dma_wait3A_1525 = tpu.memref_squeeze %dma_wait3A_1524 : memref<1x64xf32, #tpu.memory_space<vmem>> -> memref<64xf32, #tpu.memory_space<vmem>>
      %dma_wait3A_1526 = arith.constant 0 : i32
      %dma_wait3A_1527 = tpu.memref_slice %arg5[%reduce_sum3A_509, %dma_wait3A_1526] : memref<1000000x64xf32, #tpu.memory_space<hbm>> -> memref<1x64xf32, #tpu.memory_space<hbm>>
      %dma_wait3A_1528 = tpu.memref_squeeze %dma_wait3A_1527 : memref<1x64xf32, #tpu.memory_space<hbm>> -> memref<64xf32, #tpu.memory_space<hbm>>
      tpu.wait_dma2 semaphore(%arg14 : memref<!tpu.dma_semaphore, #tpu.memory_space<semaphore_mem>>) src(%dma_wait3A_1528 : memref<64xf32, #tpu.memory_space<hbm>>) dst(%dma_wait3A_1525 : memref<64xf32, #tpu.memory_space<vmem>>)
      %dma_wait3A_1529 = arith.constant 8 : i32
      %dma_wait3A_1530 = arith.constant 0 : i32
      %dma_wait3A_1531 = tpu.memref_slice %arg9[%dma_wait3A_1529, %dma_wait3A_1530] : memref<16x64xf32, #tpu.memory_space<vmem>> -> memref<1x64xf32, #tpu.memory_space<vmem>>
      %dma_wait3A_1532 = tpu.memref_squeeze %dma_wait3A_1531 : memref<1x64xf32, #tpu.memory_space<vmem>> -> memref<64xf32, #tpu.memory_space<vmem>>
      %dma_wait3A_1533 = arith.constant 0 : i32
      %dma_wait3A_1534 = tpu.memref_slice %arg4[%reduce_sum3A_571, %dma_wait3A_1533] : memref<1000000x64xf32, #tpu.memory_space<hbm>> -> memref<1x64xf32, #tpu.memory_space<hbm>>
      %dma_wait3A_1535 = tpu.memref_squeeze %dma_wait3A_1534 : memref<1x64xf32, #tpu.memory_space<hbm>> -> memref<64xf32, #tpu.memory_space<hbm>>
      %dma_wait3A_1536 = arith.constant 0 : i32
      %dma_wait3A_1537 = tpu.memref_slice %arg9[%dma_wait3A_1529, %dma_wait3A_1536] : memref<16x64xf32, #tpu.memory_space<vmem>> -> memref<1x64xf32, #tpu.memory_space<vmem>>
      %dma_wait3A_1538 = tpu.memref_squeeze %dma_wait3A_1537 : memref<1x64xf32, #tpu.memory_space<vmem>> -> memref<64xf32, #tpu.memory_space<vmem>>
      %dma_wait3A_1539 = arith.constant 0 : i32
      %dma_wait3A_1540 = tpu.memref_slice %arg4[%reduce_sum3A_571, %dma_wait3A_1539] : memref<1000000x64xf32, #tpu.memory_space<hbm>> -> memref<1x64xf32, #tpu.memory_space<hbm>>
      %dma_wait3A_1541 = tpu.memref_squeeze %dma_wait3A_1540 : memref<1x64xf32, #tpu.memory_space<hbm>> -> memref<64xf32, #tpu.memory_space<hbm>>
      tpu.wait_dma2 semaphore(%arg14 : memref<!tpu.dma_semaphore, #tpu.memory_space<semaphore_mem>>) src(%dma_wait3A_1541 : memref<64xf32, #tpu.memory_space<hbm>>) dst(%dma_wait3A_1538 : memref<64xf32, #tpu.memory_space<vmem>>)
      %dma_wait3A_1542 = arith.constant 8 : i32
      %dma_wait3A_1543 = arith.constant 0 : i32
      %dma_wait3A_1544 = tpu.memref_slice %arg10[%dma_wait3A_1542, %dma_wait3A_1543] : memref<16x64xf32, #tpu.memory_space<vmem>> -> memref<1x64xf32, #tpu.memory_space<vmem>>
      %dma_wait3A_1545 = tpu.memref_squeeze %dma_wait3A_1544 : memref<1x64xf32, #tpu.memory_space<vmem>> -> memref<64xf32, #tpu.memory_space<vmem>>
      %dma_wait3A_1546 = arith.constant 0 : i32
      %dma_wait3A_1547 = tpu.memref_slice %arg4[%reduce_sum3A_578, %dma_wait3A_1546] : memref<1000000x64xf32, #tpu.memory_space<hbm>> -> memref<1x64xf32, #tpu.memory_space<hbm>>
      %dma_wait3A_1548 = tpu.memref_squeeze %dma_wait3A_1547 : memref<1x64xf32, #tpu.memory_space<hbm>> -> memref<64xf32, #tpu.memory_space<hbm>>
      %dma_wait3A_1549 = arith.constant 0 : i32
      %dma_wait3A_1550 = tpu.memref_slice %arg10[%dma_wait3A_1542, %dma_wait3A_1549] : memref<16x64xf32, #tpu.memory_space<vmem>> -> memref<1x64xf32, #tpu.memory_space<vmem>>
      %dma_wait3A_1551 = tpu.memref_squeeze %dma_wait3A_1550 : memref<1x64xf32, #tpu.memory_space<vmem>> -> memref<64xf32, #tpu.memory_space<vmem>>
      %dma_wait3A_1552 = arith.constant 0 : i32
      %dma_wait3A_1553 = tpu.memref_slice %arg4[%reduce_sum3A_578, %dma_wait3A_1552] : memref<1000000x64xf32, #tpu.memory_space<hbm>> -> memref<1x64xf32, #tpu.memory_space<hbm>>
      %dma_wait3A_1554 = tpu.memref_squeeze %dma_wait3A_1553 : memref<1x64xf32, #tpu.memory_space<hbm>> -> memref<64xf32, #tpu.memory_space<hbm>>
      tpu.wait_dma2 semaphore(%arg14 : memref<!tpu.dma_semaphore, #tpu.memory_space<semaphore_mem>>) src(%dma_wait3A_1554 : memref<64xf32, #tpu.memory_space<hbm>>) dst(%dma_wait3A_1551 : memref<64xf32, #tpu.memory_space<vmem>>)
      %dma_wait3A_1555 = arith.constant 8 : i32
      %dma_wait3A_1556 = arith.constant 0 : i32
      %dma_wait3A_1557 = tpu.memref_slice %arg11[%dma_wait3A_1555, %dma_wait3A_1556] : memref<16x64xf32, #tpu.memory_space<vmem>> -> memref<1x64xf32, #tpu.memory_space<vmem>>
      %dma_wait3A_1558 = tpu.memref_squeeze %dma_wait3A_1557 : memref<1x64xf32, #tpu.memory_space<vmem>> -> memref<64xf32, #tpu.memory_space<vmem>>
      %dma_wait3A_1559 = arith.constant 0 : i32
      %dma_wait3A_1560 = tpu.memref_slice %arg5[%reduce_sum3A_571, %dma_wait3A_1559] : memref<1000000x64xf32, #tpu.memory_space<hbm>> -> memref<1x64xf32, #tpu.memory_space<hbm>>
      %dma_wait3A_1561 = tpu.memref_squeeze %dma_wait3A_1560 : memref<1x64xf32, #tpu.memory_space<hbm>> -> memref<64xf32, #tpu.memory_space<hbm>>
      %dma_wait3A_1562 = arith.constant 0 : i32
      %dma_wait3A_1563 = tpu.memref_slice %arg11[%dma_wait3A_1555, %dma_wait3A_1562] : memref<16x64xf32, #tpu.memory_space<vmem>> -> memref<1x64xf32, #tpu.memory_space<vmem>>
      %dma_wait3A_1564 = tpu.memref_squeeze %dma_wait3A_1563 : memref<1x64xf32, #tpu.memory_space<vmem>> -> memref<64xf32, #tpu.memory_space<vmem>>
      %dma_wait3A_1565 = arith.constant 0 : i32
      %dma_wait3A_1566 = tpu.memref_slice %arg5[%reduce_sum3A_571, %dma_wait3A_1565] : memref<1000000x64xf32, #tpu.memory_space<hbm>> -> memref<1x64xf32, #tpu.memory_space<hbm>>
      %dma_wait3A_1567 = tpu.memref_squeeze %dma_wait3A_1566 : memref<1x64xf32, #tpu.memory_space<hbm>> -> memref<64xf32, #tpu.memory_space<hbm>>
      tpu.wait_dma2 semaphore(%arg14 : memref<!tpu.dma_semaphore, #tpu.memory_space<semaphore_mem>>) src(%dma_wait3A_1567 : memref<64xf32, #tpu.memory_space<hbm>>) dst(%dma_wait3A_1564 : memref<64xf32, #tpu.memory_space<vmem>>)
      %dma_wait3A_1568 = arith.constant 8 : i32
      %dma_wait3A_1569 = arith.constant 0 : i32
      %dma_wait3A_1570 = tpu.memref_slice %arg12[%dma_wait3A_1568, %dma_wait3A_1569] : memref<16x64xf32, #tpu.memory_space<vmem>> -> memref<1x64xf32, #tpu.memory_space<vmem>>
      %dma_wait3A_1571 = tpu.memref_squeeze %dma_wait3A_1570 : memref<1x64xf32, #tpu.memory_space<vmem>> -> memref<64xf32, #tpu.memory_space<vmem>>
      %dma_wait3A_1572 = arith.constant 0 : i32
      %dma_wait3A_1573 = tpu.memref_slice %arg5[%reduce_sum3A_578, %dma_wait3A_1572] : memref<1000000x64xf32, #tpu.memory_space<hbm>> -> memref<1x64xf32, #tpu.memory_space<hbm>>
      %dma_wait3A_1574 = tpu.memref_squeeze %dma_wait3A_1573 : memref<1x64xf32, #tpu.memory_space<hbm>> -> memref<64xf32, #tpu.memory_space<hbm>>
      %dma_wait3A_1575 = arith.constant 0 : i32
      %dma_wait3A_1576 = tpu.memref_slice %arg12[%dma_wait3A_1568, %dma_wait3A_1575] : memref<16x64xf32, #tpu.memory_space<vmem>> -> memref<1x64xf32, #tpu.memory_space<vmem>>
      %dma_wait3A_1577 = tpu.memref_squeeze %dma_wait3A_1576 : memref<1x64xf32, #tpu.memory_space<vmem>> -> memref<64xf32, #tpu.memory_space<vmem>>
      %dma_wait3A_1578 = arith.constant 0 : i32
      %dma_wait3A_1579 = tpu.memref_slice %arg5[%reduce_sum3A_578, %dma_wait3A_1578] : memref<1000000x64xf32, #tpu.memory_space<hbm>> -> memref<1x64xf32, #tpu.memory_space<hbm>>
      %dma_wait3A_1580 = tpu.memref_squeeze %dma_wait3A_1579 : memref<1x64xf32, #tpu.memory_space<hbm>> -> memref<64xf32, #tpu.memory_space<hbm>>
      tpu.wait_dma2 semaphore(%arg14 : memref<!tpu.dma_semaphore, #tpu.memory_space<semaphore_mem>>) src(%dma_wait3A_1580 : memref<64xf32, #tpu.memory_space<hbm>>) dst(%dma_wait3A_1577 : memref<64xf32, #tpu.memory_space<vmem>>)
      %dma_wait3A_1581 = arith.constant 9 : i32
      %dma_wait3A_1582 = arith.constant 0 : i32
      %dma_wait3A_1583 = tpu.memref_slice %arg9[%dma_wait3A_1581, %dma_wait3A_1582] : memref<16x64xf32, #tpu.memory_space<vmem>> -> memref<1x64xf32, #tpu.memory_space<vmem>>
      %dma_wait3A_1584 = tpu.memref_squeeze %dma_wait3A_1583 : memref<1x64xf32, #tpu.memory_space<vmem>> -> memref<64xf32, #tpu.memory_space<vmem>>
      %dma_wait3A_1585 = arith.constant 0 : i32
      %dma_wait3A_1586 = tpu.memref_slice %arg4[%reduce_sum3A_640, %dma_wait3A_1585] : memref<1000000x64xf32, #tpu.memory_space<hbm>> -> memref<1x64xf32, #tpu.memory_space<hbm>>
      %dma_wait3A_1587 = tpu.memref_squeeze %dma_wait3A_1586 : memref<1x64xf32, #tpu.memory_space<hbm>> -> memref<64xf32, #tpu.memory_space<hbm>>
      %dma_wait3A_1588 = arith.constant 0 : i32
      %dma_wait3A_1589 = tpu.memref_slice %arg9[%dma_wait3A_1581, %dma_wait3A_1588] : memref<16x64xf32, #tpu.memory_space<vmem>> -> memref<1x64xf32, #tpu.memory_space<vmem>>
      %dma_wait3A_1590 = tpu.memref_squeeze %dma_wait3A_1589 : memref<1x64xf32, #tpu.memory_space<vmem>> -> memref<64xf32, #tpu.memory_space<vmem>>
      %dma_wait3A_1591 = arith.constant 0 : i32
      %dma_wait3A_1592 = tpu.memref_slice %arg4[%reduce_sum3A_640, %dma_wait3A_1591] : memref<1000000x64xf32, #tpu.memory_space<hbm>> -> memref<1x64xf32, #tpu.memory_space<hbm>>
      %dma_wait3A_1593 = tpu.memref_squeeze %dma_wait3A_1592 : memref<1x64xf32, #tpu.memory_space<hbm>> -> memref<64xf32, #tpu.memory_space<hbm>>
      tpu.wait_dma2 semaphore(%arg14 : memref<!tpu.dma_semaphore, #tpu.memory_space<semaphore_mem>>) src(%dma_wait3A_1593 : memref<64xf32, #tpu.memory_space<hbm>>) dst(%dma_wait3A_1590 : memref<64xf32, #tpu.memory_space<vmem>>)
      %dma_wait3A_1594 = arith.constant 9 : i32
      %dma_wait3A_1595 = arith.constant 0 : i32
      %dma_wait3A_1596 = tpu.memref_slice %arg10[%dma_wait3A_1594, %dma_wait3A_1595] : memref<16x64xf32, #tpu.memory_space<vmem>> -> memref<1x64xf32, #tpu.memory_space<vmem>>
      %dma_wait3A_1597 = tpu.memref_squeeze %dma_wait3A_1596 : memref<1x64xf32, #tpu.memory_space<vmem>> -> memref<64xf32, #tpu.memory_space<vmem>>
      %dma_wait3A_1598 = arith.constant 0 : i32
      %dma_wait3A_1599 = tpu.memref_slice %arg4[%reduce_sum3A_647, %dma_wait3A_1598] : memref<1000000x64xf32, #tpu.memory_space<hbm>> -> memref<1x64xf32, #tpu.memory_space<hbm>>
      %dma_wait3A_1600 = tpu.memref_squeeze %dma_wait3A_1599 : memref<1x64xf32, #tpu.memory_space<hbm>> -> memref<64xf32, #tpu.memory_space<hbm>>
      %dma_wait3A_1601 = arith.constant 0 : i32
      %dma_wait3A_1602 = tpu.memref_slice %arg10[%dma_wait3A_1594, %dma_wait3A_1601] : memref<16x64xf32, #tpu.memory_space<vmem>> -> memref<1x64xf32, #tpu.memory_space<vmem>>
      %dma_wait3A_1603 = tpu.memref_squeeze %dma_wait3A_1602 : memref<1x64xf32, #tpu.memory_space<vmem>> -> memref<64xf32, #tpu.memory_space<vmem>>
      %dma_wait3A_1604 = arith.constant 0 : i32
      %dma_wait3A_1605 = tpu.memref_slice %arg4[%reduce_sum3A_647, %dma_wait3A_1604] : memref<1000000x64xf32, #tpu.memory_space<hbm>> -> memref<1x64xf32, #tpu.memory_space<hbm>>
      %dma_wait3A_1606 = tpu.memref_squeeze %dma_wait3A_1605 : memref<1x64xf32, #tpu.memory_space<hbm>> -> memref<64xf32, #tpu.memory_space<hbm>>
      tpu.wait_dma2 semaphore(%arg14 : memref<!tpu.dma_semaphore, #tpu.memory_space<semaphore_mem>>) src(%dma_wait3A_1606 : memref<64xf32, #tpu.memory_space<hbm>>) dst(%dma_wait3A_1603 : memref<64xf32, #tpu.memory_space<vmem>>)
      %dma_wait3A_1607 = arith.constant 9 : i32
      %dma_wait3A_1608 = arith.constant 0 : i32
      %dma_wait3A_1609 = tpu.memref_slice %arg11[%dma_wait3A_1607, %dma_wait3A_1608] : memref<16x64xf32, #tpu.memory_space<vmem>> -> memref<1x64xf32, #tpu.memory_space<vmem>>
      %dma_wait3A_1610 = tpu.memref_squeeze %dma_wait3A_1609 : memref<1x64xf32, #tpu.memory_space<vmem>> -> memref<64xf32, #tpu.memory_space<vmem>>
      %dma_wait3A_1611 = arith.constant 0 : i32
      %dma_wait3A_1612 = tpu.memref_slice %arg5[%reduce_sum3A_640, %dma_wait3A_1611] : memref<1000000x64xf32, #tpu.memory_space<hbm>> -> memref<1x64xf32, #tpu.memory_space<hbm>>
      %dma_wait3A_1613 = tpu.memref_squeeze %dma_wait3A_1612 : memref<1x64xf32, #tpu.memory_space<hbm>> -> memref<64xf32, #tpu.memory_space<hbm>>
      %dma_wait3A_1614 = arith.constant 0 : i32
      %dma_wait3A_1615 = tpu.memref_slice %arg11[%dma_wait3A_1607, %dma_wait3A_1614] : memref<16x64xf32, #tpu.memory_space<vmem>> -> memref<1x64xf32, #tpu.memory_space<vmem>>
      %dma_wait3A_1616 = tpu.memref_squeeze %dma_wait3A_1615 : memref<1x64xf32, #tpu.memory_space<vmem>> -> memref<64xf32, #tpu.memory_space<vmem>>
      %dma_wait3A_1617 = arith.constant 0 : i32
      %dma_wait3A_1618 = tpu.memref_slice %arg5[%reduce_sum3A_640, %dma_wait3A_1617] : memref<1000000x64xf32, #tpu.memory_space<hbm>> -> memref<1x64xf32, #tpu.memory_space<hbm>>
      %dma_wait3A_1619 = tpu.memref_squeeze %dma_wait3A_1618 : memref<1x64xf32, #tpu.memory_space<hbm>> -> memref<64xf32, #tpu.memory_space<hbm>>
      tpu.wait_dma2 semaphore(%arg14 : memref<!tpu.dma_semaphore, #tpu.memory_space<semaphore_mem>>) src(%dma_wait3A_1619 : memref<64xf32, #tpu.memory_space<hbm>>) dst(%dma_wait3A_1616 : memref<64xf32, #tpu.memory_space<vmem>>)
      %dma_wait3A_1620 = arith.constant 9 : i32
      %dma_wait3A_1621 = arith.constant 0 : i32
      %dma_wait3A_1622 = tpu.memref_slice %arg12[%dma_wait3A_1620, %dma_wait3A_1621] : memref<16x64xf32, #tpu.memory_space<vmem>> -> memref<1x64xf32, #tpu.memory_space<vmem>>
      %dma_wait3A_1623 = tpu.memref_squeeze %dma_wait3A_1622 : memref<1x64xf32, #tpu.memory_space<vmem>> -> memref<64xf32, #tpu.memory_space<vmem>>
      %dma_wait3A_1624 = arith.constant 0 : i32
      %dma_wait3A_1625 = tpu.memref_slice %arg5[%reduce_sum3A_647, %dma_wait3A_1624] : memref<1000000x64xf32, #tpu.memory_space<hbm>> -> memref<1x64xf32, #tpu.memory_space<hbm>>
      %dma_wait3A_1626 = tpu.memref_squeeze %dma_wait3A_1625 : memref<1x64xf32, #tpu.memory_space<hbm>> -> memref<64xf32, #tpu.memory_space<hbm>>
      %dma_wait3A_1627 = arith.constant 0 : i32
      %dma_wait3A_1628 = tpu.memref_slice %arg12[%dma_wait3A_1620, %dma_wait3A_1627] : memref<16x64xf32, #tpu.memory_space<vmem>> -> memref<1x64xf32, #tpu.memory_space<vmem>>
      %dma_wait3A_1629 = tpu.memref_squeeze %dma_wait3A_1628 : memref<1x64xf32, #tpu.memory_space<vmem>> -> memref<64xf32, #tpu.memory_space<vmem>>
      %dma_wait3A_1630 = arith.constant 0 : i32
      %dma_wait3A_1631 = tpu.memref_slice %arg5[%reduce_sum3A_647, %dma_wait3A_1630] : memref<1000000x64xf32, #tpu.memory_space<hbm>> -> memref<1x64xf32, #tpu.memory_space<hbm>>
      %dma_wait3A_1632 = tpu.memref_squeeze %dma_wait3A_1631 : memref<1x64xf32, #tpu.memory_space<hbm>> -> memref<64xf32, #tpu.memory_space<hbm>>
      tpu.wait_dma2 semaphore(%arg14 : memref<!tpu.dma_semaphore, #tpu.memory_space<semaphore_mem>>) src(%dma_wait3A_1632 : memref<64xf32, #tpu.memory_space<hbm>>) dst(%dma_wait3A_1629 : memref<64xf32, #tpu.memory_space<vmem>>)
      %dma_wait3A_1633 = arith.constant 10 : i32
      %dma_wait3A_1634 = arith.constant 0 : i32
      %dma_wait3A_1635 = tpu.memref_slice %arg9[%dma_wait3A_1633, %dma_wait3A_1634] : memref<16x64xf32, #tpu.memory_space<vmem>> -> memref<1x64xf32, #tpu.memory_space<vmem>>
      %dma_wait3A_1636 = tpu.memref_squeeze %dma_wait3A_1635 : memref<1x64xf32, #tpu.memory_space<vmem>> -> memref<64xf32, #tpu.memory_space<vmem>>
      %dma_wait3A_1637 = arith.constant 0 : i32
      %dma_wait3A_1638 = tpu.memref_slice %arg4[%reduce_sum3A_709, %dma_wait3A_1637] : memref<1000000x64xf32, #tpu.memory_space<hbm>> -> memref<1x64xf32, #tpu.memory_space<hbm>>
      %dma_wait3A_1639 = tpu.memref_squeeze %dma_wait3A_1638 : memref<1x64xf32, #tpu.memory_space<hbm>> -> memref<64xf32, #tpu.memory_space<hbm>>
      %dma_wait3A_1640 = arith.constant 0 : i32
      %dma_wait3A_1641 = tpu.memref_slice %arg9[%dma_wait3A_1633, %dma_wait3A_1640] : memref<16x64xf32, #tpu.memory_space<vmem>> -> memref<1x64xf32, #tpu.memory_space<vmem>>
      %dma_wait3A_1642 = tpu.memref_squeeze %dma_wait3A_1641 : memref<1x64xf32, #tpu.memory_space<vmem>> -> memref<64xf32, #tpu.memory_space<vmem>>
      %dma_wait3A_1643 = arith.constant 0 : i32
      %dma_wait3A_1644 = tpu.memref_slice %arg4[%reduce_sum3A_709, %dma_wait3A_1643] : memref<1000000x64xf32, #tpu.memory_space<hbm>> -> memref<1x64xf32, #tpu.memory_space<hbm>>
      %dma_wait3A_1645 = tpu.memref_squeeze %dma_wait3A_1644 : memref<1x64xf32, #tpu.memory_space<hbm>> -> memref<64xf32, #tpu.memory_space<hbm>>
      tpu.wait_dma2 semaphore(%arg14 : memref<!tpu.dma_semaphore, #tpu.memory_space<semaphore_mem>>) src(%dma_wait3A_1645 : memref<64xf32, #tpu.memory_space<hbm>>) dst(%dma_wait3A_1642 : memref<64xf32, #tpu.memory_space<vmem>>)
      %dma_wait3A_1646 = arith.constant 10 : i32
      %dma_wait3A_1647 = arith.constant 0 : i32
      %dma_wait3A_1648 = tpu.memref_slice %arg10[%dma_wait3A_1646, %dma_wait3A_1647] : memref<16x64xf32, #tpu.memory_space<vmem>> -> memref<1x64xf32, #tpu.memory_space<vmem>>
      %dma_wait3A_1649 = tpu.memref_squeeze %dma_wait3A_1648 : memref<1x64xf32, #tpu.memory_space<vmem>> -> memref<64xf32, #tpu.memory_space<vmem>>
      %dma_wait3A_1650 = arith.constant 0 : i32
      %dma_wait3A_1651 = tpu.memref_slice %arg4[%reduce_sum3A_716, %dma_wait3A_1650] : memref<1000000x64xf32, #tpu.memory_space<hbm>> -> memref<1x64xf32, #tpu.memory_space<hbm>>
      %dma_wait3A_1652 = tpu.memref_squeeze %dma_wait3A_1651 : memref<1x64xf32, #tpu.memory_space<hbm>> -> memref<64xf32, #tpu.memory_space<hbm>>
      %dma_wait3A_1653 = arith.constant 0 : i32
      %dma_wait3A_1654 = tpu.memref_slice %arg10[%dma_wait3A_1646, %dma_wait3A_1653] : memref<16x64xf32, #tpu.memory_space<vmem>> -> memref<1x64xf32, #tpu.memory_space<vmem>>
      %dma_wait3A_1655 = tpu.memref_squeeze %dma_wait3A_1654 : memref<1x64xf32, #tpu.memory_space<vmem>> -> memref<64xf32, #tpu.memory_space<vmem>>
      %dma_wait3A_1656 = arith.constant 0 : i32
      %dma_wait3A_1657 = tpu.memref_slice %arg4[%reduce_sum3A_716, %dma_wait3A_1656] : memref<1000000x64xf32, #tpu.memory_space<hbm>> -> memref<1x64xf32, #tpu.memory_space<hbm>>
      %dma_wait3A_1658 = tpu.memref_squeeze %dma_wait3A_1657 : memref<1x64xf32, #tpu.memory_space<hbm>> -> memref<64xf32, #tpu.memory_space<hbm>>
      tpu.wait_dma2 semaphore(%arg14 : memref<!tpu.dma_semaphore, #tpu.memory_space<semaphore_mem>>) src(%dma_wait3A_1658 : memref<64xf32, #tpu.memory_space<hbm>>) dst(%dma_wait3A_1655 : memref<64xf32, #tpu.memory_space<vmem>>)
      %dma_wait3A_1659 = arith.constant 10 : i32
      %dma_wait3A_1660 = arith.constant 0 : i32
      %dma_wait3A_1661 = tpu.memref_slice %arg11[%dma_wait3A_1659, %dma_wait3A_1660] : memref<16x64xf32, #tpu.memory_space<vmem>> -> memref<1x64xf32, #tpu.memory_space<vmem>>
      %dma_wait3A_1662 = tpu.memref_squeeze %dma_wait3A_1661 : memref<1x64xf32, #tpu.memory_space<vmem>> -> memref<64xf32, #tpu.memory_space<vmem>>
      %dma_wait3A_1663 = arith.constant 0 : i32
      %dma_wait3A_1664 = tpu.memref_slice %arg5[%reduce_sum3A_709, %dma_wait3A_1663] : memref<1000000x64xf32, #tpu.memory_space<hbm>> -> memref<1x64xf32, #tpu.memory_space<hbm>>
      %dma_wait3A_1665 = tpu.memref_squeeze %dma_wait3A_1664 : memref<1x64xf32, #tpu.memory_space<hbm>> -> memref<64xf32, #tpu.memory_space<hbm>>
      %dma_wait3A_1666 = arith.constant 0 : i32
      %dma_wait3A_1667 = tpu.memref_slice %arg11[%dma_wait3A_1659, %dma_wait3A_1666] : memref<16x64xf32, #tpu.memory_space<vmem>> -> memref<1x64xf32, #tpu.memory_space<vmem>>
      %dma_wait3A_1668 = tpu.memref_squeeze %dma_wait3A_1667 : memref<1x64xf32, #tpu.memory_space<vmem>> -> memref<64xf32, #tpu.memory_space<vmem>>
      %dma_wait3A_1669 = arith.constant 0 : i32
      %dma_wait3A_1670 = tpu.memref_slice %arg5[%reduce_sum3A_709, %dma_wait3A_1669] : memref<1000000x64xf32, #tpu.memory_space<hbm>> -> memref<1x64xf32, #tpu.memory_space<hbm>>
      %dma_wait3A_1671 = tpu.memref_squeeze %dma_wait3A_1670 : memref<1x64xf32, #tpu.memory_space<hbm>> -> memref<64xf32, #tpu.memory_space<hbm>>
      tpu.wait_dma2 semaphore(%arg14 : memref<!tpu.dma_semaphore, #tpu.memory_space<semaphore_mem>>) src(%dma_wait3A_1671 : memref<64xf32, #tpu.memory_space<hbm>>) dst(%dma_wait3A_1668 : memref<64xf32, #tpu.memory_space<vmem>>)
      %dma_wait3A_1672 = arith.constant 10 : i32
      %dma_wait3A_1673 = arith.constant 0 : i32
      %dma_wait3A_1674 = tpu.memref_slice %arg12[%dma_wait3A_1672, %dma_wait3A_1673] : memref<16x64xf32, #tpu.memory_space<vmem>> -> memref<1x64xf32, #tpu.memory_space<vmem>>
      %dma_wait3A_1675 = tpu.memref_squeeze %dma_wait3A_1674 : memref<1x64xf32, #tpu.memory_space<vmem>> -> memref<64xf32, #tpu.memory_space<vmem>>
      %dma_wait3A_1676 = arith.constant 0 : i32
      %dma_wait3A_1677 = tpu.memref_slice %arg5[%reduce_sum3A_716, %dma_wait3A_1676] : memref<1000000x64xf32, #tpu.memory_space<hbm>> -> memref<1x64xf32, #tpu.memory_space<hbm>>
      %dma_wait3A_1678 = tpu.memref_squeeze %dma_wait3A_1677 : memref<1x64xf32, #tpu.memory_space<hbm>> -> memref<64xf32, #tpu.memory_space<hbm>>
      %dma_wait3A_1679 = arith.constant 0 : i32
      %dma_wait3A_1680 = tpu.memref_slice %arg12[%dma_wait3A_1672, %dma_wait3A_1679] : memref<16x64xf32, #tpu.memory_space<vmem>> -> memref<1x64xf32, #tpu.memory_space<vmem>>
      %dma_wait3A_1681 = tpu.memref_squeeze %dma_wait3A_1680 : memref<1x64xf32, #tpu.memory_space<vmem>> -> memref<64xf32, #tpu.memory_space<vmem>>
      %dma_wait3A_1682 = arith.constant 0 : i32
      %dma_wait3A_1683 = tpu.memref_slice %arg5[%reduce_sum3A_716, %dma_wait3A_1682] : memref<1000000x64xf32, #tpu.memory_space<hbm>> -> memref<1x64xf32, #tpu.memory_space<hbm>>
      %dma_wait3A_1684 = tpu.memref_squeeze %dma_wait3A_1683 : memref<1x64xf32, #tpu.memory_space<hbm>> -> memref<64xf32, #tpu.memory_space<hbm>>
      tpu.wait_dma2 semaphore(%arg14 : memref<!tpu.dma_semaphore, #tpu.memory_space<semaphore_mem>>) src(%dma_wait3A_1684 : memref<64xf32, #tpu.memory_space<hbm>>) dst(%dma_wait3A_1681 : memref<64xf32, #tpu.memory_space<vmem>>)
      %dma_wait3A_1685 = arith.constant 11 : i32
      %dma_wait3A_1686 = arith.constant 0 : i32
      %dma_wait3A_1687 = tpu.memref_slice %arg9[%dma_wait3A_1685, %dma_wait3A_1686] : memref<16x64xf32, #tpu.memory_space<vmem>> -> memref<1x64xf32, #tpu.memory_space<vmem>>
      %dma_wait3A_1688 = tpu.memref_squeeze %dma_wait3A_1687 : memref<1x64xf32, #tpu.memory_space<vmem>> -> memref<64xf32, #tpu.memory_space<vmem>>
      %dma_wait3A_1689 = arith.constant 0 : i32
      %dma_wait3A_1690 = tpu.memref_slice %arg4[%reduce_sum3A_778, %dma_wait3A_1689] : memref<1000000x64xf32, #tpu.memory_space<hbm>> -> memref<1x64xf32, #tpu.memory_space<hbm>>
      %dma_wait3A_1691 = tpu.memref_squeeze %dma_wait3A_1690 : memref<1x64xf32, #tpu.memory_space<hbm>> -> memref<64xf32, #tpu.memory_space<hbm>>
      %dma_wait3A_1692 = arith.constant 0 : i32
      %dma_wait3A_1693 = tpu.memref_slice %arg9[%dma_wait3A_1685, %dma_wait3A_1692] : memref<16x64xf32, #tpu.memory_space<vmem>> -> memref<1x64xf32, #tpu.memory_space<vmem>>
      %dma_wait3A_1694 = tpu.memref_squeeze %dma_wait3A_1693 : memref<1x64xf32, #tpu.memory_space<vmem>> -> memref<64xf32, #tpu.memory_space<vmem>>
      %dma_wait3A_1695 = arith.constant 0 : i32
      %dma_wait3A_1696 = tpu.memref_slice %arg4[%reduce_sum3A_778, %dma_wait3A_1695] : memref<1000000x64xf32, #tpu.memory_space<hbm>> -> memref<1x64xf32, #tpu.memory_space<hbm>>
      %dma_wait3A_1697 = tpu.memref_squeeze %dma_wait3A_1696 : memref<1x64xf32, #tpu.memory_space<hbm>> -> memref<64xf32, #tpu.memory_space<hbm>>
      tpu.wait_dma2 semaphore(%arg14 : memref<!tpu.dma_semaphore, #tpu.memory_space<semaphore_mem>>) src(%dma_wait3A_1697 : memref<64xf32, #tpu.memory_space<hbm>>) dst(%dma_wait3A_1694 : memref<64xf32, #tpu.memory_space<vmem>>)
      %dma_wait3A_1698 = arith.constant 11 : i32
      %dma_wait3A_1699 = arith.constant 0 : i32
      %dma_wait3A_1700 = tpu.memref_slice %arg10[%dma_wait3A_1698, %dma_wait3A_1699] : memref<16x64xf32, #tpu.memory_space<vmem>> -> memref<1x64xf32, #tpu.memory_space<vmem>>
      %dma_wait3A_1701 = tpu.memref_squeeze %dma_wait3A_1700 : memref<1x64xf32, #tpu.memory_space<vmem>> -> memref<64xf32, #tpu.memory_space<vmem>>
      %dma_wait3A_1702 = arith.constant 0 : i32
      %dma_wait3A_1703 = tpu.memref_slice %arg4[%reduce_sum3A_785, %dma_wait3A_1702] : memref<1000000x64xf32, #tpu.memory_space<hbm>> -> memref<1x64xf32, #tpu.memory_space<hbm>>
      %dma_wait3A_1704 = tpu.memref_squeeze %dma_wait3A_1703 : memref<1x64xf32, #tpu.memory_space<hbm>> -> memref<64xf32, #tpu.memory_space<hbm>>
      %dma_wait3A_1705 = arith.constant 0 : i32
      %dma_wait3A_1706 = tpu.memref_slice %arg10[%dma_wait3A_1698, %dma_wait3A_1705] : memref<16x64xf32, #tpu.memory_space<vmem>> -> memref<1x64xf32, #tpu.memory_space<vmem>>
      %dma_wait3A_1707 = tpu.memref_squeeze %dma_wait3A_1706 : memref<1x64xf32, #tpu.memory_space<vmem>> -> memref<64xf32, #tpu.memory_space<vmem>>
      %dma_wait3A_1708 = arith.constant 0 : i32
      %dma_wait3A_1709 = tpu.memref_slice %arg4[%reduce_sum3A_785, %dma_wait3A_1708] : memref<1000000x64xf32, #tpu.memory_space<hbm>> -> memref<1x64xf32, #tpu.memory_space<hbm>>
      %dma_wait3A_1710 = tpu.memref_squeeze %dma_wait3A_1709 : memref<1x64xf32, #tpu.memory_space<hbm>> -> memref<64xf32, #tpu.memory_space<hbm>>
      tpu.wait_dma2 semaphore(%arg14 : memref<!tpu.dma_semaphore, #tpu.memory_space<semaphore_mem>>) src(%dma_wait3A_1710 : memref<64xf32, #tpu.memory_space<hbm>>) dst(%dma_wait3A_1707 : memref<64xf32, #tpu.memory_space<vmem>>)
      %dma_wait3A_1711 = arith.constant 11 : i32
      %dma_wait3A_1712 = arith.constant 0 : i32
      %dma_wait3A_1713 = tpu.memref_slice %arg11[%dma_wait3A_1711, %dma_wait3A_1712] : memref<16x64xf32, #tpu.memory_space<vmem>> -> memref<1x64xf32, #tpu.memory_space<vmem>>
      %dma_wait3A_1714 = tpu.memref_squeeze %dma_wait3A_1713 : memref<1x64xf32, #tpu.memory_space<vmem>> -> memref<64xf32, #tpu.memory_space<vmem>>
      %dma_wait3A_1715 = arith.constant 0 : i32
      %dma_wait3A_1716 = tpu.memref_slice %arg5[%reduce_sum3A_778, %dma_wait3A_1715] : memref<1000000x64xf32, #tpu.memory_space<hbm>> -> memref<1x64xf32, #tpu.memory_space<hbm>>
      %dma_wait3A_1717 = tpu.memref_squeeze %dma_wait3A_1716 : memref<1x64xf32, #tpu.memory_space<hbm>> -> memref<64xf32, #tpu.memory_space<hbm>>
      %dma_wait3A_1718 = arith.constant 0 : i32
      %dma_wait3A_1719 = tpu.memref_slice %arg11[%dma_wait3A_1711, %dma_wait3A_1718] : memref<16x64xf32, #tpu.memory_space<vmem>> -> memref<1x64xf32, #tpu.memory_space<vmem>>
      %dma_wait3A_1720 = tpu.memref_squeeze %dma_wait3A_1719 : memref<1x64xf32, #tpu.memory_space<vmem>> -> memref<64xf32, #tpu.memory_space<vmem>>
      %dma_wait3A_1721 = arith.constant 0 : i32
      %dma_wait3A_1722 = tpu.memref_slice %arg5[%reduce_sum3A_778, %dma_wait3A_1721] : memref<1000000x64xf32, #tpu.memory_space<hbm>> -> memref<1x64xf32, #tpu.memory_space<hbm>>
      %dma_wait3A_1723 = tpu.memref_squeeze %dma_wait3A_1722 : memref<1x64xf32, #tpu.memory_space<hbm>> -> memref<64xf32, #tpu.memory_space<hbm>>
      tpu.wait_dma2 semaphore(%arg14 : memref<!tpu.dma_semaphore, #tpu.memory_space<semaphore_mem>>) src(%dma_wait3A_1723 : memref<64xf32, #tpu.memory_space<hbm>>) dst(%dma_wait3A_1720 : memref<64xf32, #tpu.memory_space<vmem>>)
      %dma_wait3A_1724 = arith.constant 11 : i32
      %dma_wait3A_1725 = arith.constant 0 : i32
      %dma_wait3A_1726 = tpu.memref_slice %arg12[%dma_wait3A_1724, %dma_wait3A_1725] : memref<16x64xf32, #tpu.memory_space<vmem>> -> memref<1x64xf32, #tpu.memory_space<vmem>>
      %dma_wait3A_1727 = tpu.memref_squeeze %dma_wait3A_1726 : memref<1x64xf32, #tpu.memory_space<vmem>> -> memref<64xf32, #tpu.memory_space<vmem>>
      %dma_wait3A_1728 = arith.constant 0 : i32
      %dma_wait3A_1729 = tpu.memref_slice %arg5[%reduce_sum3A_785, %dma_wait3A_1728] : memref<1000000x64xf32, #tpu.memory_space<hbm>> -> memref<1x64xf32, #tpu.memory_space<hbm>>
      %dma_wait3A_1730 = tpu.memref_squeeze %dma_wait3A_1729 : memref<1x64xf32, #tpu.memory_space<hbm>> -> memref<64xf32, #tpu.memory_space<hbm>>
      %dma_wait3A_1731 = arith.constant 0 : i32
      %dma_wait3A_1732 = tpu.memref_slice %arg12[%dma_wait3A_1724, %dma_wait3A_1731] : memref<16x64xf32, #tpu.memory_space<vmem>> -> memref<1x64xf32, #tpu.memory_space<vmem>>
      %dma_wait3A_1733 = tpu.memref_squeeze %dma_wait3A_1732 : memref<1x64xf32, #tpu.memory_space<vmem>> -> memref<64xf32, #tpu.memory_space<vmem>>
      %dma_wait3A_1734 = arith.constant 0 : i32
      %dma_wait3A_1735 = tpu.memref_slice %arg5[%reduce_sum3A_785, %dma_wait3A_1734] : memref<1000000x64xf32, #tpu.memory_space<hbm>> -> memref<1x64xf32, #tpu.memory_space<hbm>>
      %dma_wait3A_1736 = tpu.memref_squeeze %dma_wait3A_1735 : memref<1x64xf32, #tpu.memory_space<hbm>> -> memref<64xf32, #tpu.memory_space<hbm>>
      tpu.wait_dma2 semaphore(%arg14 : memref<!tpu.dma_semaphore, #tpu.memory_space<semaphore_mem>>) src(%dma_wait3A_1736 : memref<64xf32, #tpu.memory_space<hbm>>) dst(%dma_wait3A_1733 : memref<64xf32, #tpu.memory_space<vmem>>)
      %dma_wait3A_1737 = arith.constant 12 : i32
      %dma_wait3A_1738 = arith.constant 0 : i32
      %dma_wait3A_1739 = tpu.memref_slice %arg9[%dma_wait3A_1737, %dma_wait3A_1738] : memref<16x64xf32, #tpu.memory_space<vmem>> -> memref<1x64xf32, #tpu.memory_space<vmem>>
      %dma_wait3A_1740 = tpu.memref_squeeze %dma_wait3A_1739 : memref<1x64xf32, #tpu.memory_space<vmem>> -> memref<64xf32, #tpu.memory_space<vmem>>
      %dma_wait3A_1741 = arith.constant 0 : i32
      %dma_wait3A_1742 = tpu.memref_slice %arg4[%reduce_sum3A_847, %dma_wait3A_1741] : memref<1000000x64xf32, #tpu.memory_space<hbm>> -> memref<1x64xf32, #tpu.memory_space<hbm>>
      %dma_wait3A_1743 = tpu.memref_squeeze %dma_wait3A_1742 : memref<1x64xf32, #tpu.memory_space<hbm>> -> memref<64xf32, #tpu.memory_space<hbm>>
      %dma_wait3A_1744 = arith.constant 0 : i32
      %dma_wait3A_1745 = tpu.memref_slice %arg9[%dma_wait3A_1737, %dma_wait3A_1744] : memref<16x64xf32, #tpu.memory_space<vmem>> -> memref<1x64xf32, #tpu.memory_space<vmem>>
      %dma_wait3A_1746 = tpu.memref_squeeze %dma_wait3A_1745 : memref<1x64xf32, #tpu.memory_space<vmem>> -> memref<64xf32, #tpu.memory_space<vmem>>
      %dma_wait3A_1747 = arith.constant 0 : i32
      %dma_wait3A_1748 = tpu.memref_slice %arg4[%reduce_sum3A_847, %dma_wait3A_1747] : memref<1000000x64xf32, #tpu.memory_space<hbm>> -> memref<1x64xf32, #tpu.memory_space<hbm>>
      %dma_wait3A_1749 = tpu.memref_squeeze %dma_wait3A_1748 : memref<1x64xf32, #tpu.memory_space<hbm>> -> memref<64xf32, #tpu.memory_space<hbm>>
      tpu.wait_dma2 semaphore(%arg14 : memref<!tpu.dma_semaphore, #tpu.memory_space<semaphore_mem>>) src(%dma_wait3A_1749 : memref<64xf32, #tpu.memory_space<hbm>>) dst(%dma_wait3A_1746 : memref<64xf32, #tpu.memory_space<vmem>>)
      %dma_wait3A_1750 = arith.constant 12 : i32
      %dma_wait3A_1751 = arith.constant 0 : i32
      %dma_wait3A_1752 = tpu.memref_slice %arg10[%dma_wait3A_1750, %dma_wait3A_1751] : memref<16x64xf32, #tpu.memory_space<vmem>> -> memref<1x64xf32, #tpu.memory_space<vmem>>
      %dma_wait3A_1753 = tpu.memref_squeeze %dma_wait3A_1752 : memref<1x64xf32, #tpu.memory_space<vmem>> -> memref<64xf32, #tpu.memory_space<vmem>>
      %dma_wait3A_1754 = arith.constant 0 : i32
      %dma_wait3A_1755 = tpu.memref_slice %arg4[%reduce_sum3A_854, %dma_wait3A_1754] : memref<1000000x64xf32, #tpu.memory_space<hbm>> -> memref<1x64xf32, #tpu.memory_space<hbm>>
      %dma_wait3A_1756 = tpu.memref_squeeze %dma_wait3A_1755 : memref<1x64xf32, #tpu.memory_space<hbm>> -> memref<64xf32, #tpu.memory_space<hbm>>
      %dma_wait3A_1757 = arith.constant 0 : i32
      %dma_wait3A_1758 = tpu.memref_slice %arg10[%dma_wait3A_1750, %dma_wait3A_1757] : memref<16x64xf32, #tpu.memory_space<vmem>> -> memref<1x64xf32, #tpu.memory_space<vmem>>
      %dma_wait3A_1759 = tpu.memref_squeeze %dma_wait3A_1758 : memref<1x64xf32, #tpu.memory_space<vmem>> -> memref<64xf32, #tpu.memory_space<vmem>>
      %dma_wait3A_1760 = arith.constant 0 : i32
      %dma_wait3A_1761 = tpu.memref_slice %arg4[%reduce_sum3A_854, %dma_wait3A_1760] : memref<1000000x64xf32, #tpu.memory_space<hbm>> -> memref<1x64xf32, #tpu.memory_space<hbm>>
      %dma_wait3A_1762 = tpu.memref_squeeze %dma_wait3A_1761 : memref<1x64xf32, #tpu.memory_space<hbm>> -> memref<64xf32, #tpu.memory_space<hbm>>
      tpu.wait_dma2 semaphore(%arg14 : memref<!tpu.dma_semaphore, #tpu.memory_space<semaphore_mem>>) src(%dma_wait3A_1762 : memref<64xf32, #tpu.memory_space<hbm>>) dst(%dma_wait3A_1759 : memref<64xf32, #tpu.memory_space<vmem>>)
      %dma_wait3A_1763 = arith.constant 12 : i32
      %dma_wait3A_1764 = arith.constant 0 : i32
      %dma_wait3A_1765 = tpu.memref_slice %arg11[%dma_wait3A_1763, %dma_wait3A_1764] : memref<16x64xf32, #tpu.memory_space<vmem>> -> memref<1x64xf32, #tpu.memory_space<vmem>>
      %dma_wait3A_1766 = tpu.memref_squeeze %dma_wait3A_1765 : memref<1x64xf32, #tpu.memory_space<vmem>> -> memref<64xf32, #tpu.memory_space<vmem>>
      %dma_wait3A_1767 = arith.constant 0 : i32
      %dma_wait3A_1768 = tpu.memref_slice %arg5[%reduce_sum3A_847, %dma_wait3A_1767] : memref<1000000x64xf32, #tpu.memory_space<hbm>> -> memref<1x64xf32, #tpu.memory_space<hbm>>
      %dma_wait3A_1769 = tpu.memref_squeeze %dma_wait3A_1768 : memref<1x64xf32, #tpu.memory_space<hbm>> -> memref<64xf32, #tpu.memory_space<hbm>>
      %dma_wait3A_1770 = arith.constant 0 : i32
      %dma_wait3A_1771 = tpu.memref_slice %arg11[%dma_wait3A_1763, %dma_wait3A_1770] : memref<16x64xf32, #tpu.memory_space<vmem>> -> memref<1x64xf32, #tpu.memory_space<vmem>>
      %dma_wait3A_1772 = tpu.memref_squeeze %dma_wait3A_1771 : memref<1x64xf32, #tpu.memory_space<vmem>> -> memref<64xf32, #tpu.memory_space<vmem>>
      %dma_wait3A_1773 = arith.constant 0 : i32
      %dma_wait3A_1774 = tpu.memref_slice %arg5[%reduce_sum3A_847, %dma_wait3A_1773] : memref<1000000x64xf32, #tpu.memory_space<hbm>> -> memref<1x64xf32, #tpu.memory_space<hbm>>
      %dma_wait3A_1775 = tpu.memref_squeeze %dma_wait3A_1774 : memref<1x64xf32, #tpu.memory_space<hbm>> -> memref<64xf32, #tpu.memory_space<hbm>>
      tpu.wait_dma2 semaphore(%arg14 : memref<!tpu.dma_semaphore, #tpu.memory_space<semaphore_mem>>) src(%dma_wait3A_1775 : memref<64xf32, #tpu.memory_space<hbm>>) dst(%dma_wait3A_1772 : memref<64xf32, #tpu.memory_space<vmem>>)
      %dma_wait3A_1776 = arith.constant 12 : i32
      %dma_wait3A_1777 = arith.constant 0 : i32
      %dma_wait3A_1778 = tpu.memref_slice %arg12[%dma_wait3A_1776, %dma_wait3A_1777] : memref<16x64xf32, #tpu.memory_space<vmem>> -> memref<1x64xf32, #tpu.memory_space<vmem>>
      %dma_wait3A_1779 = tpu.memref_squeeze %dma_wait3A_1778 : memref<1x64xf32, #tpu.memory_space<vmem>> -> memref<64xf32, #tpu.memory_space<vmem>>
      %dma_wait3A_1780 = arith.constant 0 : i32
      %dma_wait3A_1781 = tpu.memref_slice %arg5[%reduce_sum3A_854, %dma_wait3A_1780] : memref<1000000x64xf32, #tpu.memory_space<hbm>> -> memref<1x64xf32, #tpu.memory_space<hbm>>
      %dma_wait3A_1782 = tpu.memref_squeeze %dma_wait3A_1781 : memref<1x64xf32, #tpu.memory_space<hbm>> -> memref<64xf32, #tpu.memory_space<hbm>>
      %dma_wait3A_1783 = arith.constant 0 : i32
      %dma_wait3A_1784 = tpu.memref_slice %arg12[%dma_wait3A_1776, %dma_wait3A_1783] : memref<16x64xf32, #tpu.memory_space<vmem>> -> memref<1x64xf32, #tpu.memory_space<vmem>>
      %dma_wait3A_1785 = tpu.memref_squeeze %dma_wait3A_1784 : memref<1x64xf32, #tpu.memory_space<vmem>> -> memref<64xf32, #tpu.memory_space<vmem>>
      %dma_wait3A_1786 = arith.constant 0 : i32
      %dma_wait3A_1787 = tpu.memref_slice %arg5[%reduce_sum3A_854, %dma_wait3A_1786] : memref<1000000x64xf32, #tpu.memory_space<hbm>> -> memref<1x64xf32, #tpu.memory_space<hbm>>
      %dma_wait3A_1788 = tpu.memref_squeeze %dma_wait3A_1787 : memref<1x64xf32, #tpu.memory_space<hbm>> -> memref<64xf32, #tpu.memory_space<hbm>>
      tpu.wait_dma2 semaphore(%arg14 : memref<!tpu.dma_semaphore, #tpu.memory_space<semaphore_mem>>) src(%dma_wait3A_1788 : memref<64xf32, #tpu.memory_space<hbm>>) dst(%dma_wait3A_1785 : memref<64xf32, #tpu.memory_space<vmem>>)
      %dma_wait3A_1789 = arith.constant 13 : i32
      %dma_wait3A_1790 = arith.constant 0 : i32
      %dma_wait3A_1791 = tpu.memref_slice %arg9[%dma_wait3A_1789, %dma_wait3A_1790] : memref<16x64xf32, #tpu.memory_space<vmem>> -> memref<1x64xf32, #tpu.memory_space<vmem>>
      %dma_wait3A_1792 = tpu.memref_squeeze %dma_wait3A_1791 : memref<1x64xf32, #tpu.memory_space<vmem>> -> memref<64xf32, #tpu.memory_space<vmem>>
      %dma_wait3A_1793 = arith.constant 0 : i32
      %dma_wait3A_1794 = tpu.memref_slice %arg4[%reduce_sum3A_916, %dma_wait3A_1793] : memref<1000000x64xf32, #tpu.memory_space<hbm>> -> memref<1x64xf32, #tpu.memory_space<hbm>>
      %dma_wait3A_1795 = tpu.memref_squeeze %dma_wait3A_1794 : memref<1x64xf32, #tpu.memory_space<hbm>> -> memref<64xf32, #tpu.memory_space<hbm>>
      %dma_wait3A_1796 = arith.constant 0 : i32
      %dma_wait3A_1797 = tpu.memref_slice %arg9[%dma_wait3A_1789, %dma_wait3A_1796] : memref<16x64xf32, #tpu.memory_space<vmem>> -> memref<1x64xf32, #tpu.memory_space<vmem>>
      %dma_wait3A_1798 = tpu.memref_squeeze %dma_wait3A_1797 : memref<1x64xf32, #tpu.memory_space<vmem>> -> memref<64xf32, #tpu.memory_space<vmem>>
      %dma_wait3A_1799 = arith.constant 0 : i32
      %dma_wait3A_1800 = tpu.memref_slice %arg4[%reduce_sum3A_916, %dma_wait3A_1799] : memref<1000000x64xf32, #tpu.memory_space<hbm>> -> memref<1x64xf32, #tpu.memory_space<hbm>>
      %dma_wait3A_1801 = tpu.memref_squeeze %dma_wait3A_1800 : memref<1x64xf32, #tpu.memory_space<hbm>> -> memref<64xf32, #tpu.memory_space<hbm>>
      tpu.wait_dma2 semaphore(%arg14 : memref<!tpu.dma_semaphore, #tpu.memory_space<semaphore_mem>>) src(%dma_wait3A_1801 : memref<64xf32, #tpu.memory_space<hbm>>) dst(%dma_wait3A_1798 : memref<64xf32, #tpu.memory_space<vmem>>)
      %dma_wait3A_1802 = arith.constant 13 : i32
      %dma_wait3A_1803 = arith.constant 0 : i32
      %dma_wait3A_1804 = tpu.memref_slice %arg10[%dma_wait3A_1802, %dma_wait3A_1803] : memref<16x64xf32, #tpu.memory_space<vmem>> -> memref<1x64xf32, #tpu.memory_space<vmem>>
      %dma_wait3A_1805 = tpu.memref_squeeze %dma_wait3A_1804 : memref<1x64xf32, #tpu.memory_space<vmem>> -> memref<64xf32, #tpu.memory_space<vmem>>
      %dma_wait3A_1806 = arith.constant 0 : i32
      %dma_wait3A_1807 = tpu.memref_slice %arg4[%reduce_sum3A_923, %dma_wait3A_1806] : memref<1000000x64xf32, #tpu.memory_space<hbm>> -> memref<1x64xf32, #tpu.memory_space<hbm>>
      %dma_wait3A_1808 = tpu.memref_squeeze %dma_wait3A_1807 : memref<1x64xf32, #tpu.memory_space<hbm>> -> memref<64xf32, #tpu.memory_space<hbm>>
      %dma_wait3A_1809 = arith.constant 0 : i32
      %dma_wait3A_1810 = tpu.memref_slice %arg10[%dma_wait3A_1802, %dma_wait3A_1809] : memref<16x64xf32, #tpu.memory_space<vmem>> -> memref<1x64xf32, #tpu.memory_space<vmem>>
      %dma_wait3A_1811 = tpu.memref_squeeze %dma_wait3A_1810 : memref<1x64xf32, #tpu.memory_space<vmem>> -> memref<64xf32, #tpu.memory_space<vmem>>
      %dma_wait3A_1812 = arith.constant 0 : i32
      %dma_wait3A_1813 = tpu.memref_slice %arg4[%reduce_sum3A_923, %dma_wait3A_1812] : memref<1000000x64xf32, #tpu.memory_space<hbm>> -> memref<1x64xf32, #tpu.memory_space<hbm>>
      %dma_wait3A_1814 = tpu.memref_squeeze %dma_wait3A_1813 : memref<1x64xf32, #tpu.memory_space<hbm>> -> memref<64xf32, #tpu.memory_space<hbm>>
      tpu.wait_dma2 semaphore(%arg14 : memref<!tpu.dma_semaphore, #tpu.memory_space<semaphore_mem>>) src(%dma_wait3A_1814 : memref<64xf32, #tpu.memory_space<hbm>>) dst(%dma_wait3A_1811 : memref<64xf32, #tpu.memory_space<vmem>>)
      %dma_wait3A_1815 = arith.constant 13 : i32
      %dma_wait3A_1816 = arith.constant 0 : i32
      %dma_wait3A_1817 = tpu.memref_slice %arg11[%dma_wait3A_1815, %dma_wait3A_1816] : memref<16x64xf32, #tpu.memory_space<vmem>> -> memref<1x64xf32, #tpu.memory_space<vmem>>
      %dma_wait3A_1818 = tpu.memref_squeeze %dma_wait3A_1817 : memref<1x64xf32, #tpu.memory_space<vmem>> -> memref<64xf32, #tpu.memory_space<vmem>>
      %dma_wait3A_1819 = arith.constant 0 : i32
      %dma_wait3A_1820 = tpu.memref_slice %arg5[%reduce_sum3A_916, %dma_wait3A_1819] : memref<1000000x64xf32, #tpu.memory_space<hbm>> -> memref<1x64xf32, #tpu.memory_space<hbm>>
      %dma_wait3A_1821 = tpu.memref_squeeze %dma_wait3A_1820 : memref<1x64xf32, #tpu.memory_space<hbm>> -> memref<64xf32, #tpu.memory_space<hbm>>
      %dma_wait3A_1822 = arith.constant 0 : i32
      %dma_wait3A_1823 = tpu.memref_slice %arg11[%dma_wait3A_1815, %dma_wait3A_1822] : memref<16x64xf32, #tpu.memory_space<vmem>> -> memref<1x64xf32, #tpu.memory_space<vmem>>
      %dma_wait3A_1824 = tpu.memref_squeeze %dma_wait3A_1823 : memref<1x64xf32, #tpu.memory_space<vmem>> -> memref<64xf32, #tpu.memory_space<vmem>>
      %dma_wait3A_1825 = arith.constant 0 : i32
      %dma_wait3A_1826 = tpu.memref_slice %arg5[%reduce_sum3A_916, %dma_wait3A_1825] : memref<1000000x64xf32, #tpu.memory_space<hbm>> -> memref<1x64xf32, #tpu.memory_space<hbm>>
      %dma_wait3A_1827 = tpu.memref_squeeze %dma_wait3A_1826 : memref<1x64xf32, #tpu.memory_space<hbm>> -> memref<64xf32, #tpu.memory_space<hbm>>
      tpu.wait_dma2 semaphore(%arg14 : memref<!tpu.dma_semaphore, #tpu.memory_space<semaphore_mem>>) src(%dma_wait3A_1827 : memref<64xf32, #tpu.memory_space<hbm>>) dst(%dma_wait3A_1824 : memref<64xf32, #tpu.memory_space<vmem>>)
      %dma_wait3A_1828 = arith.constant 13 : i32
      %dma_wait3A_1829 = arith.constant 0 : i32
      %dma_wait3A_1830 = tpu.memref_slice %arg12[%dma_wait3A_1828, %dma_wait3A_1829] : memref<16x64xf32, #tpu.memory_space<vmem>> -> memref<1x64xf32, #tpu.memory_space<vmem>>
      %dma_wait3A_1831 = tpu.memref_squeeze %dma_wait3A_1830 : memref<1x64xf32, #tpu.memory_space<vmem>> -> memref<64xf32, #tpu.memory_space<vmem>>
      %dma_wait3A_1832 = arith.constant 0 : i32
      %dma_wait3A_1833 = tpu.memref_slice %arg5[%reduce_sum3A_923, %dma_wait3A_1832] : memref<1000000x64xf32, #tpu.memory_space<hbm>> -> memref<1x64xf32, #tpu.memory_space<hbm>>
      %dma_wait3A_1834 = tpu.memref_squeeze %dma_wait3A_1833 : memref<1x64xf32, #tpu.memory_space<hbm>> -> memref<64xf32, #tpu.memory_space<hbm>>
      %dma_wait3A_1835 = arith.constant 0 : i32
      %dma_wait3A_1836 = tpu.memref_slice %arg12[%dma_wait3A_1828, %dma_wait3A_1835] : memref<16x64xf32, #tpu.memory_space<vmem>> -> memref<1x64xf32, #tpu.memory_space<vmem>>
      %dma_wait3A_1837 = tpu.memref_squeeze %dma_wait3A_1836 : memref<1x64xf32, #tpu.memory_space<vmem>> -> memref<64xf32, #tpu.memory_space<vmem>>
      %dma_wait3A_1838 = arith.constant 0 : i32
      %dma_wait3A_1839 = tpu.memref_slice %arg5[%reduce_sum3A_923, %dma_wait3A_1838] : memref<1000000x64xf32, #tpu.memory_space<hbm>> -> memref<1x64xf32, #tpu.memory_space<hbm>>
      %dma_wait3A_1840 = tpu.memref_squeeze %dma_wait3A_1839 : memref<1x64xf32, #tpu.memory_space<hbm>> -> memref<64xf32, #tpu.memory_space<hbm>>
      tpu.wait_dma2 semaphore(%arg14 : memref<!tpu.dma_semaphore, #tpu.memory_space<semaphore_mem>>) src(%dma_wait3A_1840 : memref<64xf32, #tpu.memory_space<hbm>>) dst(%dma_wait3A_1837 : memref<64xf32, #tpu.memory_space<vmem>>)
      %dma_wait3A_1841 = arith.constant 14 : i32
      %dma_wait3A_1842 = arith.constant 0 : i32
      %dma_wait3A_1843 = tpu.memref_slice %arg9[%dma_wait3A_1841, %dma_wait3A_1842] : memref<16x64xf32, #tpu.memory_space<vmem>> -> memref<1x64xf32, #tpu.memory_space<vmem>>
      %dma_wait3A_1844 = tpu.memref_squeeze %dma_wait3A_1843 : memref<1x64xf32, #tpu.memory_space<vmem>> -> memref<64xf32, #tpu.memory_space<vmem>>
      %dma_wait3A_1845 = arith.constant 0 : i32
      %dma_wait3A_1846 = tpu.memref_slice %arg4[%reduce_sum3A_985, %dma_wait3A_1845] : memref<1000000x64xf32, #tpu.memory_space<hbm>> -> memref<1x64xf32, #tpu.memory_space<hbm>>
      %dma_wait3A_1847 = tpu.memref_squeeze %dma_wait3A_1846 : memref<1x64xf32, #tpu.memory_space<hbm>> -> memref<64xf32, #tpu.memory_space<hbm>>
      %dma_wait3A_1848 = arith.constant 0 : i32
      %dma_wait3A_1849 = tpu.memref_slice %arg9[%dma_wait3A_1841, %dma_wait3A_1848] : memref<16x64xf32, #tpu.memory_space<vmem>> -> memref<1x64xf32, #tpu.memory_space<vmem>>
      %dma_wait3A_1850 = tpu.memref_squeeze %dma_wait3A_1849 : memref<1x64xf32, #tpu.memory_space<vmem>> -> memref<64xf32, #tpu.memory_space<vmem>>
      %dma_wait3A_1851 = arith.constant 0 : i32
      %dma_wait3A_1852 = tpu.memref_slice %arg4[%reduce_sum3A_985, %dma_wait3A_1851] : memref<1000000x64xf32, #tpu.memory_space<hbm>> -> memref<1x64xf32, #tpu.memory_space<hbm>>
      %dma_wait3A_1853 = tpu.memref_squeeze %dma_wait3A_1852 : memref<1x64xf32, #tpu.memory_space<hbm>> -> memref<64xf32, #tpu.memory_space<hbm>>
      tpu.wait_dma2 semaphore(%arg14 : memref<!tpu.dma_semaphore, #tpu.memory_space<semaphore_mem>>) src(%dma_wait3A_1853 : memref<64xf32, #tpu.memory_space<hbm>>) dst(%dma_wait3A_1850 : memref<64xf32, #tpu.memory_space<vmem>>)
      %dma_wait3A_1854 = arith.constant 14 : i32
      %dma_wait3A_1855 = arith.constant 0 : i32
      %dma_wait3A_1856 = tpu.memref_slice %arg10[%dma_wait3A_1854, %dma_wait3A_1855] : memref<16x64xf32, #tpu.memory_space<vmem>> -> memref<1x64xf32, #tpu.memory_space<vmem>>
      %dma_wait3A_1857 = tpu.memref_squeeze %dma_wait3A_1856 : memref<1x64xf32, #tpu.memory_space<vmem>> -> memref<64xf32, #tpu.memory_space<vmem>>
      %dma_wait3A_1858 = arith.constant 0 : i32
      %dma_wait3A_1859 = tpu.memref_slice %arg4[%reduce_sum3A_992, %dma_wait3A_1858] : memref<1000000x64xf32, #tpu.memory_space<hbm>> -> memref<1x64xf32, #tpu.memory_space<hbm>>
      %dma_wait3A_1860 = tpu.memref_squeeze %dma_wait3A_1859 : memref<1x64xf32, #tpu.memory_space<hbm>> -> memref<64xf32, #tpu.memory_space<hbm>>
      %dma_wait3A_1861 = arith.constant 0 : i32
      %dma_wait3A_1862 = tpu.memref_slice %arg10[%dma_wait3A_1854, %dma_wait3A_1861] : memref<16x64xf32, #tpu.memory_space<vmem>> -> memref<1x64xf32, #tpu.memory_space<vmem>>
      %dma_wait3A_1863 = tpu.memref_squeeze %dma_wait3A_1862 : memref<1x64xf32, #tpu.memory_space<vmem>> -> memref<64xf32, #tpu.memory_space<vmem>>
      %dma_wait3A_1864 = arith.constant 0 : i32
      %dma_wait3A_1865 = tpu.memref_slice %arg4[%reduce_sum3A_992, %dma_wait3A_1864] : memref<1000000x64xf32, #tpu.memory_space<hbm>> -> memref<1x64xf32, #tpu.memory_space<hbm>>
      %dma_wait3A_1866 = tpu.memref_squeeze %dma_wait3A_1865 : memref<1x64xf32, #tpu.memory_space<hbm>> -> memref<64xf32, #tpu.memory_space<hbm>>
      tpu.wait_dma2 semaphore(%arg14 : memref<!tpu.dma_semaphore, #tpu.memory_space<semaphore_mem>>) src(%dma_wait3A_1866 : memref<64xf32, #tpu.memory_space<hbm>>) dst(%dma_wait3A_1863 : memref<64xf32, #tpu.memory_space<vmem>>)
      %dma_wait3A_1867 = arith.constant 14 : i32
      %dma_wait3A_1868 = arith.constant 0 : i32
      %dma_wait3A_1869 = tpu.memref_slice %arg11[%dma_wait3A_1867, %dma_wait3A_1868] : memref<16x64xf32, #tpu.memory_space<vmem>> -> memref<1x64xf32, #tpu.memory_space<vmem>>
      %dma_wait3A_1870 = tpu.memref_squeeze %dma_wait3A_1869 : memref<1x64xf32, #tpu.memory_space<vmem>> -> memref<64xf32, #tpu.memory_space<vmem>>
      %dma_wait3A_1871 = arith.constant 0 : i32
      %dma_wait3A_1872 = tpu.memref_slice %arg5[%reduce_sum3A_985, %dma_wait3A_1871] : memref<1000000x64xf32, #tpu.memory_space<hbm>> -> memref<1x64xf32, #tpu.memory_space<hbm>>
      %dma_wait3A_1873 = tpu.memref_squeeze %dma_wait3A_1872 : memref<1x64xf32, #tpu.memory_space<hbm>> -> memref<64xf32, #tpu.memory_space<hbm>>
      %dma_wait3A_1874 = arith.constant 0 : i32
      %dma_wait3A_1875 = tpu.memref_slice %arg11[%dma_wait3A_1867, %dma_wait3A_1874] : memref<16x64xf32, #tpu.memory_space<vmem>> -> memref<1x64xf32, #tpu.memory_space<vmem>>
      %dma_wait3A_1876 = tpu.memref_squeeze %dma_wait3A_1875 : memref<1x64xf32, #tpu.memory_space<vmem>> -> memref<64xf32, #tpu.memory_space<vmem>>
      %dma_wait3A_1877 = arith.constant 0 : i32
      %dma_wait3A_1878 = tpu.memref_slice %arg5[%reduce_sum3A_985, %dma_wait3A_1877] : memref<1000000x64xf32, #tpu.memory_space<hbm>> -> memref<1x64xf32, #tpu.memory_space<hbm>>
      %dma_wait3A_1879 = tpu.memref_squeeze %dma_wait3A_1878 : memref<1x64xf32, #tpu.memory_space<hbm>> -> memref<64xf32, #tpu.memory_space<hbm>>
      tpu.wait_dma2 semaphore(%arg14 : memref<!tpu.dma_semaphore, #tpu.memory_space<semaphore_mem>>) src(%dma_wait3A_1879 : memref<64xf32, #tpu.memory_space<hbm>>) dst(%dma_wait3A_1876 : memref<64xf32, #tpu.memory_space<vmem>>)
      %dma_wait3A_1880 = arith.constant 14 : i32
      %dma_wait3A_1881 = arith.constant 0 : i32
      %dma_wait3A_1882 = tpu.memref_slice %arg12[%dma_wait3A_1880, %dma_wait3A_1881] : memref<16x64xf32, #tpu.memory_space<vmem>> -> memref<1x64xf32, #tpu.memory_space<vmem>>
      %dma_wait3A_1883 = tpu.memref_squeeze %dma_wait3A_1882 : memref<1x64xf32, #tpu.memory_space<vmem>> -> memref<64xf32, #tpu.memory_space<vmem>>
      %dma_wait3A_1884 = arith.constant 0 : i32
      %dma_wait3A_1885 = tpu.memref_slice %arg5[%reduce_sum3A_992, %dma_wait3A_1884] : memref<1000000x64xf32, #tpu.memory_space<hbm>> -> memref<1x64xf32, #tpu.memory_space<hbm>>
      %dma_wait3A_1886 = tpu.memref_squeeze %dma_wait3A_1885 : memref<1x64xf32, #tpu.memory_space<hbm>> -> memref<64xf32, #tpu.memory_space<hbm>>
      %dma_wait3A_1887 = arith.constant 0 : i32
      %dma_wait3A_1888 = tpu.memref_slice %arg12[%dma_wait3A_1880, %dma_wait3A_1887] : memref<16x64xf32, #tpu.memory_space<vmem>> -> memref<1x64xf32, #tpu.memory_space<vmem>>
      %dma_wait3A_1889 = tpu.memref_squeeze %dma_wait3A_1888 : memref<1x64xf32, #tpu.memory_space<vmem>> -> memref<64xf32, #tpu.memory_space<vmem>>
      %dma_wait3A_1890 = arith.constant 0 : i32
      %dma_wait3A_1891 = tpu.memref_slice %arg5[%reduce_sum3A_992, %dma_wait3A_1890] : memref<1000000x64xf32, #tpu.memory_space<hbm>> -> memref<1x64xf32, #tpu.memory_space<hbm>>
      %dma_wait3A_1892 = tpu.memref_squeeze %dma_wait3A_1891 : memref<1x64xf32, #tpu.memory_space<hbm>> -> memref<64xf32, #tpu.memory_space<hbm>>
      tpu.wait_dma2 semaphore(%arg14 : memref<!tpu.dma_semaphore, #tpu.memory_space<semaphore_mem>>) src(%dma_wait3A_1892 : memref<64xf32, #tpu.memory_space<hbm>>) dst(%dma_wait3A_1889 : memref<64xf32, #tpu.memory_space<vmem>>)
      %dma_wait3A_1893 = arith.constant 15 : i32
      %dma_wait3A_1894 = arith.constant 0 : i32
      %dma_wait3A_1895 = tpu.memref_slice %arg9[%dma_wait3A_1893, %dma_wait3A_1894] : memref<16x64xf32, #tpu.memory_space<vmem>> -> memref<1x64xf32, #tpu.memory_space<vmem>>
      %dma_wait3A_1896 = tpu.memref_squeeze %dma_wait3A_1895 : memref<1x64xf32, #tpu.memory_space<vmem>> -> memref<64xf32, #tpu.memory_space<vmem>>
      %dma_wait3A_1897 = arith.constant 0 : i32
      %dma_wait3A_1898 = tpu.memref_slice %arg4[%reduce_sum3A_1054, %dma_wait3A_1897] : memref<1000000x64xf32, #tpu.memory_space<hbm>> -> memref<1x64xf32, #tpu.memory_space<hbm>>
      %dma_wait3A_1899 = tpu.memref_squeeze %dma_wait3A_1898 : memref<1x64xf32, #tpu.memory_space<hbm>> -> memref<64xf32, #tpu.memory_space<hbm>>
      %dma_wait3A_1900 = arith.constant 0 : i32
      %dma_wait3A_1901 = tpu.memref_slice %arg9[%dma_wait3A_1893, %dma_wait3A_1900] : memref<16x64xf32, #tpu.memory_space<vmem>> -> memref<1x64xf32, #tpu.memory_space<vmem>>
      %dma_wait3A_1902 = tpu.memref_squeeze %dma_wait3A_1901 : memref<1x64xf32, #tpu.memory_space<vmem>> -> memref<64xf32, #tpu.memory_space<vmem>>
      %dma_wait3A_1903 = arith.constant 0 : i32
      %dma_wait3A_1904 = tpu.memref_slice %arg4[%reduce_sum3A_1054, %dma_wait3A_1903] : memref<1000000x64xf32, #tpu.memory_space<hbm>> -> memref<1x64xf32, #tpu.memory_space<hbm>>
      %dma_wait3A_1905 = tpu.memref_squeeze %dma_wait3A_1904 : memref<1x64xf32, #tpu.memory_space<hbm>> -> memref<64xf32, #tpu.memory_space<hbm>>
      tpu.wait_dma2 semaphore(%arg14 : memref<!tpu.dma_semaphore, #tpu.memory_space<semaphore_mem>>) src(%dma_wait3A_1905 : memref<64xf32, #tpu.memory_space<hbm>>) dst(%dma_wait3A_1902 : memref<64xf32, #tpu.memory_space<vmem>>)
      %dma_wait3A_1906 = arith.constant 15 : i32
      %dma_wait3A_1907 = arith.constant 0 : i32
      %dma_wait3A_1908 = tpu.memref_slice %arg10[%dma_wait3A_1906, %dma_wait3A_1907] : memref<16x64xf32, #tpu.memory_space<vmem>> -> memref<1x64xf32, #tpu.memory_space<vmem>>
      %dma_wait3A_1909 = tpu.memref_squeeze %dma_wait3A_1908 : memref<1x64xf32, #tpu.memory_space<vmem>> -> memref<64xf32, #tpu.memory_space<vmem>>
      %dma_wait3A_1910 = arith.constant 0 : i32
      %dma_wait3A_1911 = tpu.memref_slice %arg4[%reduce_sum3A_1061, %dma_wait3A_1910] : memref<1000000x64xf32, #tpu.memory_space<hbm>> -> memref<1x64xf32, #tpu.memory_space<hbm>>
      %dma_wait3A_1912 = tpu.memref_squeeze %dma_wait3A_1911 : memref<1x64xf32, #tpu.memory_space<hbm>> -> memref<64xf32, #tpu.memory_space<hbm>>
      %dma_wait3A_1913 = arith.constant 0 : i32
      %dma_wait3A_1914 = tpu.memref_slice %arg10[%dma_wait3A_1906, %dma_wait3A_1913] : memref<16x64xf32, #tpu.memory_space<vmem>> -> memref<1x64xf32, #tpu.memory_space<vmem>>
      %dma_wait3A_1915 = tpu.memref_squeeze %dma_wait3A_1914 : memref<1x64xf32, #tpu.memory_space<vmem>> -> memref<64xf32, #tpu.memory_space<vmem>>
      %dma_wait3A_1916 = arith.constant 0 : i32
      %dma_wait3A_1917 = tpu.memref_slice %arg4[%reduce_sum3A_1061, %dma_wait3A_1916] : memref<1000000x64xf32, #tpu.memory_space<hbm>> -> memref<1x64xf32, #tpu.memory_space<hbm>>
      %dma_wait3A_1918 = tpu.memref_squeeze %dma_wait3A_1917 : memref<1x64xf32, #tpu.memory_space<hbm>> -> memref<64xf32, #tpu.memory_space<hbm>>
      tpu.wait_dma2 semaphore(%arg14 : memref<!tpu.dma_semaphore, #tpu.memory_space<semaphore_mem>>) src(%dma_wait3A_1918 : memref<64xf32, #tpu.memory_space<hbm>>) dst(%dma_wait3A_1915 : memref<64xf32, #tpu.memory_space<vmem>>)
      %dma_wait3A_1919 = arith.constant 15 : i32
      %dma_wait3A_1920 = arith.constant 0 : i32
      %dma_wait3A_1921 = tpu.memref_slice %arg11[%dma_wait3A_1919, %dma_wait3A_1920] : memref<16x64xf32, #tpu.memory_space<vmem>> -> memref<1x64xf32, #tpu.memory_space<vmem>>
      %dma_wait3A_1922 = tpu.memref_squeeze %dma_wait3A_1921 : memref<1x64xf32, #tpu.memory_space<vmem>> -> memref<64xf32, #tpu.memory_space<vmem>>
      %dma_wait3A_1923 = arith.constant 0 : i32
      %dma_wait3A_1924 = tpu.memref_slice %arg5[%reduce_sum3A_1054, %dma_wait3A_1923] : memref<1000000x64xf32, #tpu.memory_space<hbm>> -> memref<1x64xf32, #tpu.memory_space<hbm>>
      %dma_wait3A_1925 = tpu.memref_squeeze %dma_wait3A_1924 : memref<1x64xf32, #tpu.memory_space<hbm>> -> memref<64xf32, #tpu.memory_space<hbm>>
      %dma_wait3A_1926 = arith.constant 0 : i32
      %dma_wait3A_1927 = tpu.memref_slice %arg11[%dma_wait3A_1919, %dma_wait3A_1926] : memref<16x64xf32, #tpu.memory_space<vmem>> -> memref<1x64xf32, #tpu.memory_space<vmem>>
      %dma_wait3A_1928 = tpu.memref_squeeze %dma_wait3A_1927 : memref<1x64xf32, #tpu.memory_space<vmem>> -> memref<64xf32, #tpu.memory_space<vmem>>
      %dma_wait3A_1929 = arith.constant 0 : i32
      %dma_wait3A_1930 = tpu.memref_slice %arg5[%reduce_sum3A_1054, %dma_wait3A_1929] : memref<1000000x64xf32, #tpu.memory_space<hbm>> -> memref<1x64xf32, #tpu.memory_space<hbm>>
      %dma_wait3A_1931 = tpu.memref_squeeze %dma_wait3A_1930 : memref<1x64xf32, #tpu.memory_space<hbm>> -> memref<64xf32, #tpu.memory_space<hbm>>
      tpu.wait_dma2 semaphore(%arg14 : memref<!tpu.dma_semaphore, #tpu.memory_space<semaphore_mem>>) src(%dma_wait3A_1931 : memref<64xf32, #tpu.memory_space<hbm>>) dst(%dma_wait3A_1928 : memref<64xf32, #tpu.memory_space<vmem>>)
      %dma_wait3A_1932 = arith.constant 15 : i32
      %dma_wait3A_1933 = arith.constant 0 : i32
      %dma_wait3A_1934 = tpu.memref_slice %arg12[%dma_wait3A_1932, %dma_wait3A_1933] : memref<16x64xf32, #tpu.memory_space<vmem>> -> memref<1x64xf32, #tpu.memory_space<vmem>>
      %dma_wait3A_1935 = tpu.memref_squeeze %dma_wait3A_1934 : memref<1x64xf32, #tpu.memory_space<vmem>> -> memref<64xf32, #tpu.memory_space<vmem>>
      %dma_wait3A_1936 = arith.constant 0 : i32
      %dma_wait3A_1937 = tpu.memref_slice %arg5[%reduce_sum3A_1061, %dma_wait3A_1936] : memref<1000000x64xf32, #tpu.memory_space<hbm>> -> memref<1x64xf32, #tpu.memory_space<hbm>>
      %dma_wait3A_1938 = tpu.memref_squeeze %dma_wait3A_1937 : memref<1x64xf32, #tpu.memory_space<hbm>> -> memref<64xf32, #tpu.memory_space<hbm>>
      %dma_wait3A_1939 = arith.constant 0 : i32
      %dma_wait3A_1940 = tpu.memref_slice %arg12[%dma_wait3A_1932, %dma_wait3A_1939] : memref<16x64xf32, #tpu.memory_space<vmem>> -> memref<1x64xf32, #tpu.memory_space<vmem>>
      %dma_wait3A_1941 = tpu.memref_squeeze %dma_wait3A_1940 : memref<1x64xf32, #tpu.memory_space<vmem>> -> memref<64xf32, #tpu.memory_space<vmem>>
      %dma_wait3A_1942 = arith.constant 0 : i32
      %dma_wait3A_1943 = tpu.memref_slice %arg5[%reduce_sum3A_1061, %dma_wait3A_1942] : memref<1000000x64xf32, #tpu.memory_space<hbm>> -> memref<1x64xf32, #tpu.memory_space<hbm>>
      %dma_wait3A_1944 = tpu.memref_squeeze %dma_wait3A_1943 : memref<1x64xf32, #tpu.memory_space<hbm>> -> memref<64xf32, #tpu.memory_space<hbm>>
      tpu.wait_dma2 semaphore(%arg14 : memref<!tpu.dma_semaphore, #tpu.memory_space<semaphore_mem>>) src(%dma_wait3A_1944 : memref<64xf32, #tpu.memory_space<hbm>>) dst(%dma_wait3A_1941 : memref<64xf32, #tpu.memory_space<vmem>>)
      %broadcast_in_dim3A_1945 = arith.constant 0.000000e+00 : f32
      %broadcast_in_dim3A_1946 = vector.broadcast %broadcast_in_dim3A_1945 : f32 to vector<16xf32>
      %broadcast_in_dim3A_1947 = arith.constant 0.000000e+00 : f32
      %broadcast_in_dim3A_1948 = vector.broadcast %broadcast_in_dim3A_1947 : f32 to vector<16xf32>
      %get3A_1949 = arith.constant 0 : i32
      %get3A_1950 = arith.index_cast %get3A_1949 : i32 to index
      %get3A_1951 = arith.constant 0 : index
      %get3A_1952 = tpu.vector_load %arg11[%get3A_1950, %get3A_1951] {strides = array<i32>} : memref<16x64xf32, #tpu.memory_space<vmem>>, vector<16xf32>,
      %get3A_1953 = arith.constant 0 : i32
      %get3A_1954 = arith.index_cast %get3A_1953 : i32 to index
      %get3A_1955 = arith.constant 0 : index
      %get3A_1956 = tpu.vector_load %arg12[%get3A_1954, %get3A_1955] {strides = array<i32>} : memref<16x64xf32, #tpu.memory_space<vmem>>, vector<16xf32>,
      %add3A_1957 = arith.addf %get3A_1952, %get3A_1956 : vector<16xf32>
      %neg3A = arith.constant 0.000000e+00 : f32
      %neg3A_1958 = vector.broadcast %neg3A : f32 to vector<16xf32>
      %neg3A_1959 = arith.subf %neg3A_1958, %add3A_1957 : vector<16xf32>
      %exp3A = math.exp %neg3A_1959 : vector<16xf32>
      %add3A_1960 = arith.constant 1.000000e+00 : f32
      %add3A_1961 = vector.broadcast %add3A_1960 : f32 to vector<16xf32>
      %add3A_1962 = arith.addf %add3A_1961, %exp3A : vector<16xf32>
      %div3A = arith.constant 1.000000e+00 : f32
      %div3A_1963 = vector.broadcast %div3A : f32 to vector<16xf32>
      %div3A_1964 = arith.divf %div3A_1963, %add3A_1962 : vector<16xf32>
      %get3A_1965 = arith.constant 0 : i32
      %get3A_1966 = arith.index_cast %get3A_1965 : i32 to index
      %get3A_1967 = arith.constant 0 : index
      %get3A_1968 = tpu.vector_load %arg9[%get3A_1966, %get3A_1967] {strides = array<i32>} : memref<16x64xf32, #tpu.memory_space<vmem>>, vector<16xf32>,
      %get3A_1969 = arith.constant 0 : i32
      %get3A_1970 = arith.index_cast %get3A_1969 : i32 to index
      %get3A_1971 = arith.constant 0 : index
      %get3A_1972 = tpu.vector_load %arg10[%get3A_1970, %get3A_1971] {strides = array<i32>} : memref<16x64xf32, #tpu.memory_space<vmem>>, vector<16xf32>,
      %sub3A = arith.subf %get3A_1968, %get3A_1972 : vector<16xf32>
      %mul3A_1973 = arith.mulf %div3A_1964, %sub3A : vector<16xf32>
      %add3A_1974 = arith.addf %broadcast_in_dim3A_1948, %mul3A_1973 : vector<16xf32>
      %get3A_1975 = arith.constant 0 : i32
      %get3A_1976 = arith.index_cast %get3A_1975 : i32 to index
      %get3A_1977 = arith.constant 16 : index
      %get3A_1978 = tpu.vector_load %arg11[%get3A_1976, %get3A_1977] {strides = array<i32>} : memref<16x64xf32, #tpu.memory_space<vmem>>, vector<16xf32>,
      %get3A_1979 = arith.constant 0 : i32
      %get3A_1980 = arith.index_cast %get3A_1979 : i32 to index
      %get3A_1981 = arith.constant 16 : index
      %get3A_1982 = tpu.vector_load %arg12[%get3A_1980, %get3A_1981] {strides = array<i32>} : memref<16x64xf32, #tpu.memory_space<vmem>>, vector<16xf32>,
      %add3A_1983 = arith.addf %get3A_1978, %get3A_1982 : vector<16xf32>
      %neg3A_1984 = arith.constant 0.000000e+00 : f32
      %neg3A_1985 = vector.broadcast %neg3A_1984 : f32 to vector<16xf32>
      %neg3A_1986 = arith.subf %neg3A_1985, %add3A_1983 : vector<16xf32>
      %exp3A_1987 = math.exp %neg3A_1986 : vector<16xf32>
      %add3A_1988 = arith.constant 1.000000e+00 : f32
      %add3A_1989 = vector.broadcast %add3A_1988 : f32 to vector<16xf32>
      %add3A_1990 = arith.addf %add3A_1989, %exp3A_1987 : vector<16xf32>
      %div3A_1991 = arith.constant 1.000000e+00 : f32
      %div3A_1992 = vector.broadcast %div3A_1991 : f32 to vector<16xf32>
      %div3A_1993 = arith.divf %div3A_1992, %add3A_1990 : vector<16xf32>
      %get3A_1994 = arith.constant 0 : i32
      %get3A_1995 = arith.index_cast %get3A_1994 : i32 to index
      %get3A_1996 = arith.constant 16 : index
      %get3A_1997 = tpu.vector_load %arg9[%get3A_1995, %get3A_1996] {strides = array<i32>} : memref<16x64xf32, #tpu.memory_space<vmem>>, vector<16xf32>,
      %get3A_1998 = arith.constant 0 : i32
      %get3A_1999 = arith.index_cast %get3A_1998 : i32 to index
      %get3A_2000 = arith.constant 16 : index
      %get3A_2001 = tpu.vector_load %arg10[%get3A_1999, %get3A_2000] {strides = array<i32>} : memref<16x64xf32, #tpu.memory_space<vmem>>, vector<16xf32>,
      %sub3A_2002 = arith.subf %get3A_1997, %get3A_2001 : vector<16xf32>
      %mul3A_2003 = arith.mulf %div3A_1993, %sub3A_2002 : vector<16xf32>
      %add3A_2004 = arith.addf %add3A_1974, %mul3A_2003 : vector<16xf32>
      %get3A_2005 = arith.constant 0 : i32
      %get3A_2006 = arith.index_cast %get3A_2005 : i32 to index
      %get3A_2007 = arith.constant 32 : index
      %get3A_2008 = tpu.vector_load %arg11[%get3A_2006, %get3A_2007] {strides = array<i32>} : memref<16x64xf32, #tpu.memory_space<vmem>>, vector<16xf32>,
      %get3A_2009 = arith.constant 0 : i32
      %get3A_2010 = arith.index_cast %get3A_2009 : i32 to index
      %get3A_2011 = arith.constant 32 : index
      %get3A_2012 = tpu.vector_load %arg12[%get3A_2010, %get3A_2011] {strides = array<i32>} : memref<16x64xf32, #tpu.memory_space<vmem>>, vector<16xf32>,
      %add3A_2013 = arith.addf %get3A_2008, %get3A_2012 : vector<16xf32>
      %neg3A_2014 = arith.constant 0.000000e+00 : f32
      %neg3A_2015 = vector.broadcast %neg3A_2014 : f32 to vector<16xf32>
      %neg3A_2016 = arith.subf %neg3A_2015, %add3A_2013 : vector<16xf32>
      %exp3A_2017 = math.exp %neg3A_2016 : vector<16xf32>
      %add3A_2018 = arith.constant 1.000000e+00 : f32
      %add3A_2019 = vector.broadcast %add3A_2018 : f32 to vector<16xf32>
      %add3A_2020 = arith.addf %add3A_2019, %exp3A_2017 : vector<16xf32>
      %div3A_2021 = arith.constant 1.000000e+00 : f32
      %div3A_2022 = vector.broadcast %div3A_2021 : f32 to vector<16xf32>
      %div3A_2023 = arith.divf %div3A_2022, %add3A_2020 : vector<16xf32>
      %get3A_2024 = arith.constant 0 : i32
      %get3A_2025 = arith.index_cast %get3A_2024 : i32 to index
      %get3A_2026 = arith.constant 32 : index
      %get3A_2027 = tpu.vector_load %arg9[%get3A_2025, %get3A_2026] {strides = array<i32>} : memref<16x64xf32, #tpu.memory_space<vmem>>, vector<16xf32>,
      %get3A_2028 = arith.constant 0 : i32
      %get3A_2029 = arith.index_cast %get3A_2028 : i32 to index
      %get3A_2030 = arith.constant 32 : index
      %get3A_2031 = tpu.vector_load %arg10[%get3A_2029, %get3A_2030] {strides = array<i32>} : memref<16x64xf32, #tpu.memory_space<vmem>>, vector<16xf32>,
      %sub3A_2032 = arith.subf %get3A_2027, %get3A_2031 : vector<16xf32>
      %mul3A_2033 = arith.mulf %div3A_2023, %sub3A_2032 : vector<16xf32>
      %add3A_2034 = arith.addf %add3A_2004, %mul3A_2033 : vector<16xf32>
      %get3A_2035 = arith.constant 0 : i32
      %get3A_2036 = arith.index_cast %get3A_2035 : i32 to index
      %get3A_2037 = arith.constant 48 : index
      %get3A_2038 = tpu.vector_load %arg11[%get3A_2036, %get3A_2037] {strides = array<i32>} : memref<16x64xf32, #tpu.memory_space<vmem>>, vector<16xf32>,
      %get3A_2039 = arith.constant 0 : i32
      %get3A_2040 = arith.index_cast %get3A_2039 : i32 to index
      %get3A_2041 = arith.constant 48 : index
      %get3A_2042 = tpu.vector_load %arg12[%get3A_2040, %get3A_2041] {strides = array<i32>} : memref<16x64xf32, #tpu.memory_space<vmem>>, vector<16xf32>,
      %add3A_2043 = arith.addf %get3A_2038, %get3A_2042 : vector<16xf32>
      %neg3A_2044 = arith.constant 0.000000e+00 : f32
      %neg3A_2045 = vector.broadcast %neg3A_2044 : f32 to vector<16xf32>
      %neg3A_2046 = arith.subf %neg3A_2045, %add3A_2043 : vector<16xf32>
      %exp3A_2047 = math.exp %neg3A_2046 : vector<16xf32>
      %add3A_2048 = arith.constant 1.000000e+00 : f32
      %add3A_2049 = vector.broadcast %add3A_2048 : f32 to vector<16xf32>
      %add3A_2050 = arith.addf %add3A_2049, %exp3A_2047 : vector<16xf32>
      %div3A_2051 = arith.constant 1.000000e+00 : f32
      %div3A_2052 = vector.broadcast %div3A_2051 : f32 to vector<16xf32>
      %div3A_2053 = arith.divf %div3A_2052, %add3A_2050 : vector<16xf32>
      %get3A_2054 = arith.constant 0 : i32
      %get3A_2055 = arith.index_cast %get3A_2054 : i32 to index
      %get3A_2056 = arith.constant 48 : index
      %get3A_2057 = tpu.vector_load %arg9[%get3A_2055, %get3A_2056] {strides = array<i32>} : memref<16x64xf32, #tpu.memory_space<vmem>>, vector<16xf32>,
      %get3A_2058 = arith.constant 0 : i32
      %get3A_2059 = arith.index_cast %get3A_2058 : i32 to index
      %get3A_2060 = arith.constant 48 : index
      %get3A_2061 = tpu.vector_load %arg10[%get3A_2059, %get3A_2060] {strides = array<i32>} : memref<16x64xf32, #tpu.memory_space<vmem>>, vector<16xf32>,
      %sub3A_2062 = arith.subf %get3A_2057, %get3A_2061 : vector<16xf32>
      %mul3A_2063 = arith.mulf %div3A_2053, %sub3A_2062 : vector<16xf32>
      %add3A_2064 = arith.addf %add3A_2034, %mul3A_2063 : vector<16xf32>
      %eq3A_2065 = arith.constant 0 : i32
      %eq3A_2066 = vector.broadcast %eq3A_2065 : i32 to vector<16xi32>
      %eq3A_2067 = arith.cmpi eq, %iota3A, %eq3A_2066 : vector<16xi32>
      %reduce_sum3A_2068 = arith.constant true
      %reduce_sum3A_2069 = vector.broadcast %reduce_sum3A_2068 : i1 to vector<16xi1>
      %reduce_sum3A_2070 = tpu.scan <sum>, %add3A_2064 masked %reduce_sum3A_2069 : vector<16xf32>, vector<16xi1> -> vector<16xf32>
      %reduce_sum3A_2071 = vector.extract %reduce_sum3A_2070[15] : f32 from vector<16xf32>
      %broadcast_in_dim3A_2072 = vector.broadcast %reduce_sum3A_2071 : f32 to vector<16xf32>
      %select_n3A_2073 = arith.select %eq3A_2067, %broadcast_in_dim3A_2072, %broadcast_in_dim3A_1946 : vector<16xi1>, vector<16xf32>
      %broadcast_in_dim3A_2074 = arith.constant 0.000000e+00 : f32
      %broadcast_in_dim3A_2075 = vector.broadcast %broadcast_in_dim3A_2074 : f32 to vector<16xf32>
      %get3A_2076 = arith.constant 1 : i32
      %get3A_2077 = arith.index_cast %get3A_2076 : i32 to index
      %get3A_2078 = arith.constant 0 : index
      %get3A_2079 = tpu.vector_load %arg11[%get3A_2077, %get3A_2078] {strides = array<i32>} : memref<16x64xf32, #tpu.memory_space<vmem>>, vector<16xf32>,
      %get3A_2080 = arith.constant 1 : i32
      %get3A_2081 = arith.index_cast %get3A_2080 : i32 to index
      %get3A_2082 = arith.constant 0 : index
      %get3A_2083 = tpu.vector_load %arg12[%get3A_2081, %get3A_2082] {strides = array<i32>} : memref<16x64xf32, #tpu.memory_space<vmem>>, vector<16xf32>,
      %add3A_2084 = arith.addf %get3A_2079, %get3A_2083 : vector<16xf32>
      %neg3A_2085 = arith.constant 0.000000e+00 : f32
      %neg3A_2086 = vector.broadcast %neg3A_2085 : f32 to vector<16xf32>
      %neg3A_2087 = arith.subf %neg3A_2086, %add3A_2084 : vector<16xf32>
      %exp3A_2088 = math.exp %neg3A_2087 : vector<16xf32>
      %add3A_2089 = arith.constant 1.000000e+00 : f32
      %add3A_2090 = vector.broadcast %add3A_2089 : f32 to vector<16xf32>
      %add3A_2091 = arith.addf %add3A_2090, %exp3A_2088 : vector<16xf32>
      %div3A_2092 = arith.constant 1.000000e+00 : f32
      %div3A_2093 = vector.broadcast %div3A_2092 : f32 to vector<16xf32>
      %div3A_2094 = arith.divf %div3A_2093, %add3A_2091 : vector<16xf32>
      %get3A_2095 = arith.constant 1 : i32
      %get3A_2096 = arith.index_cast %get3A_2095 : i32 to index
      %get3A_2097 = arith.constant 0 : index
      %get3A_2098 = tpu.vector_load %arg9[%get3A_2096, %get3A_2097] {strides = array<i32>} : memref<16x64xf32, #tpu.memory_space<vmem>>, vector<16xf32>,
      %get3A_2099 = arith.constant 1 : i32
      %get3A_2100 = arith.index_cast %get3A_2099 : i32 to index
      %get3A_2101 = arith.constant 0 : index
      %get3A_2102 = tpu.vector_load %arg10[%get3A_2100, %get3A_2101] {strides = array<i32>} : memref<16x64xf32, #tpu.memory_space<vmem>>, vector<16xf32>,
      %sub3A_2103 = arith.subf %get3A_2098, %get3A_2102 : vector<16xf32>
      %mul3A_2104 = arith.mulf %div3A_2094, %sub3A_2103 : vector<16xf32>
      %add3A_2105 = arith.addf %broadcast_in_dim3A_2075, %mul3A_2104 : vector<16xf32>
      %get3A_2106 = arith.constant 1 : i32
      %get3A_2107 = arith.index_cast %get3A_2106 : i32 to index
      %get3A_2108 = arith.constant 16 : index
      %get3A_2109 = tpu.vector_load %arg11[%get3A_2107, %get3A_2108] {strides = array<i32>} : memref<16x64xf32, #tpu.memory_space<vmem>>, vector<16xf32>,
      %get3A_2110 = arith.constant 1 : i32
      %get3A_2111 = arith.index_cast %get3A_2110 : i32 to index
      %get3A_2112 = arith.constant 16 : index
      %get3A_2113 = tpu.vector_load %arg12[%get3A_2111, %get3A_2112] {strides = array<i32>} : memref<16x64xf32, #tpu.memory_space<vmem>>, vector<16xf32>,
      %add3A_2114 = arith.addf %get3A_2109, %get3A_2113 : vector<16xf32>
      %neg3A_2115 = arith.constant 0.000000e+00 : f32
      %neg3A_2116 = vector.broadcast %neg3A_2115 : f32 to vector<16xf32>
      %neg3A_2117 = arith.subf %neg3A_2116, %add3A_2114 : vector<16xf32>
      %exp3A_2118 = math.exp %neg3A_2117 : vector<16xf32>
      %add3A_2119 = arith.constant 1.000000e+00 : f32
      %add3A_2120 = vector.broadcast %add3A_2119 : f32 to vector<16xf32>
      %add3A_2121 = arith.addf %add3A_2120, %exp3A_2118 : vector<16xf32>
      %div3A_2122 = arith.constant 1.000000e+00 : f32
      %div3A_2123 = vector.broadcast %div3A_2122 : f32 to vector<16xf32>
      %div3A_2124 = arith.divf %div3A_2123, %add3A_2121 : vector<16xf32>
      %get3A_2125 = arith.constant 1 : i32
      %get3A_2126 = arith.index_cast %get3A_2125 : i32 to index
      %get3A_2127 = arith.constant 16 : index
      %get3A_2128 = tpu.vector_load %arg9[%get3A_2126, %get3A_2127] {strides = array<i32>} : memref<16x64xf32, #tpu.memory_space<vmem>>, vector<16xf32>,
      %get3A_2129 = arith.constant 1 : i32
      %get3A_2130 = arith.index_cast %get3A_2129 : i32 to index
      %get3A_2131 = arith.constant 16 : index
      %get3A_2132 = tpu.vector_load %arg10[%get3A_2130, %get3A_2131] {strides = array<i32>} : memref<16x64xf32, #tpu.memory_space<vmem>>, vector<16xf32>,
      %sub3A_2133 = arith.subf %get3A_2128, %get3A_2132 : vector<16xf32>
      %mul3A_2134 = arith.mulf %div3A_2124, %sub3A_2133 : vector<16xf32>
      %add3A_2135 = arith.addf %add3A_2105, %mul3A_2134 : vector<16xf32>
      %get3A_2136 = arith.constant 1 : i32
      %get3A_2137 = arith.index_cast %get3A_2136 : i32 to index
      %get3A_2138 = arith.constant 32 : index
      %get3A_2139 = tpu.vector_load %arg11[%get3A_2137, %get3A_2138] {strides = array<i32>} : memref<16x64xf32, #tpu.memory_space<vmem>>, vector<16xf32>,
      %get3A_2140 = arith.constant 1 : i32
      %get3A_2141 = arith.index_cast %get3A_2140 : i32 to index
      %get3A_2142 = arith.constant 32 : index
      %get3A_2143 = tpu.vector_load %arg12[%get3A_2141, %get3A_2142] {strides = array<i32>} : memref<16x64xf32, #tpu.memory_space<vmem>>, vector<16xf32>,
      %add3A_2144 = arith.addf %get3A_2139, %get3A_2143 : vector<16xf32>
      %neg3A_2145 = arith.constant 0.000000e+00 : f32
      %neg3A_2146 = vector.broadcast %neg3A_2145 : f32 to vector<16xf32>
      %neg3A_2147 = arith.subf %neg3A_2146, %add3A_2144 : vector<16xf32>
      %exp3A_2148 = math.exp %neg3A_2147 : vector<16xf32>
      %add3A_2149 = arith.constant 1.000000e+00 : f32
      %add3A_2150 = vector.broadcast %add3A_2149 : f32 to vector<16xf32>
      %add3A_2151 = arith.addf %add3A_2150, %exp3A_2148 : vector<16xf32>
      %div3A_2152 = arith.constant 1.000000e+00 : f32
      %div3A_2153 = vector.broadcast %div3A_2152 : f32 to vector<16xf32>
      %div3A_2154 = arith.divf %div3A_2153, %add3A_2151 : vector<16xf32>
      %get3A_2155 = arith.constant 1 : i32
      %get3A_2156 = arith.index_cast %get3A_2155 : i32 to index
      %get3A_2157 = arith.constant 32 : index
      %get3A_2158 = tpu.vector_load %arg9[%get3A_2156, %get3A_2157] {strides = array<i32>} : memref<16x64xf32, #tpu.memory_space<vmem>>, vector<16xf32>,
      %get3A_2159 = arith.constant 1 : i32
      %get3A_2160 = arith.index_cast %get3A_2159 : i32 to index
      %get3A_2161 = arith.constant 32 : index
      %get3A_2162 = tpu.vector_load %arg10[%get3A_2160, %get3A_2161] {strides = array<i32>} : memref<16x64xf32, #tpu.memory_space<vmem>>, vector<16xf32>,
      %sub3A_2163 = arith.subf %get3A_2158, %get3A_2162 : vector<16xf32>
      %mul3A_2164 = arith.mulf %div3A_2154, %sub3A_2163 : vector<16xf32>
      %add3A_2165 = arith.addf %add3A_2135, %mul3A_2164 : vector<16xf32>
      %get3A_2166 = arith.constant 1 : i32
      %get3A_2167 = arith.index_cast %get3A_2166 : i32 to index
      %get3A_2168 = arith.constant 48 : index
      %get3A_2169 = tpu.vector_load %arg11[%get3A_2167, %get3A_2168] {strides = array<i32>} : memref<16x64xf32, #tpu.memory_space<vmem>>, vector<16xf32>,
      %get3A_2170 = arith.constant 1 : i32
      %get3A_2171 = arith.index_cast %get3A_2170 : i32 to index
      %get3A_2172 = arith.constant 48 : index
      %get3A_2173 = tpu.vector_load %arg12[%get3A_2171, %get3A_2172] {strides = array<i32>} : memref<16x64xf32, #tpu.memory_space<vmem>>, vector<16xf32>,
      %add3A_2174 = arith.addf %get3A_2169, %get3A_2173 : vector<16xf32>
      %neg3A_2175 = arith.constant 0.000000e+00 : f32
      %neg3A_2176 = vector.broadcast %neg3A_2175 : f32 to vector<16xf32>
      %neg3A_2177 = arith.subf %neg3A_2176, %add3A_2174 : vector<16xf32>
      %exp3A_2178 = math.exp %neg3A_2177 : vector<16xf32>
      %add3A_2179 = arith.constant 1.000000e+00 : f32
      %add3A_2180 = vector.broadcast %add3A_2179 : f32 to vector<16xf32>
      %add3A_2181 = arith.addf %add3A_2180, %exp3A_2178 : vector<16xf32>
      %div3A_2182 = arith.constant 1.000000e+00 : f32
      %div3A_2183 = vector.broadcast %div3A_2182 : f32 to vector<16xf32>
      %div3A_2184 = arith.divf %div3A_2183, %add3A_2181 : vector<16xf32>
      %get3A_2185 = arith.constant 1 : i32
      %get3A_2186 = arith.index_cast %get3A_2185 : i32 to index
      %get3A_2187 = arith.constant 48 : index
      %get3A_2188 = tpu.vector_load %arg9[%get3A_2186, %get3A_2187] {strides = array<i32>} : memref<16x64xf32, #tpu.memory_space<vmem>>, vector<16xf32>,
      %get3A_2189 = arith.constant 1 : i32
      %get3A_2190 = arith.index_cast %get3A_2189 : i32 to index
      %get3A_2191 = arith.constant 48 : index
      %get3A_2192 = tpu.vector_load %arg10[%get3A_2190, %get3A_2191] {strides = array<i32>} : memref<16x64xf32, #tpu.memory_space<vmem>>, vector<16xf32>,
      %sub3A_2193 = arith.subf %get3A_2188, %get3A_2192 : vector<16xf32>
      %mul3A_2194 = arith.mulf %div3A_2184, %sub3A_2193 : vector<16xf32>
      %add3A_2195 = arith.addf %add3A_2165, %mul3A_2194 : vector<16xf32>
      %eq3A_2196 = arith.constant 1 : i32
      %eq3A_2197 = vector.broadcast %eq3A_2196 : i32 to vector<16xi32>
      %eq3A_2198 = arith.cmpi eq, %iota3A, %eq3A_2197 : vector<16xi32>
      %reduce_sum3A_2199 = arith.constant true
      %reduce_sum3A_2200 = vector.broadcast %reduce_sum3A_2199 : i1 to vector<16xi1>
      %reduce_sum3A_2201 = tpu.scan <sum>, %add3A_2195 masked %reduce_sum3A_2200 : vector<16xf32>, vector<16xi1> -> vector<16xf32>
      %reduce_sum3A_2202 = vector.extract %reduce_sum3A_2201[15] : f32 from vector<16xf32>
      %broadcast_in_dim3A_2203 = vector.broadcast %reduce_sum3A_2202 : f32 to vector<16xf32>
      %select_n3A_2204 = arith.select %eq3A_2198, %broadcast_in_dim3A_2203, %select_n3A_2073 : vector<16xi1>, vector<16xf32>
      %broadcast_in_dim3A_2205 = arith.constant 0.000000e+00 : f32
      %broadcast_in_dim3A_2206 = vector.broadcast %broadcast_in_dim3A_2205 : f32 to vector<16xf32>
      %get3A_2207 = arith.constant 2 : i32
      %get3A_2208 = arith.index_cast %get3A_2207 : i32 to index
      %get3A_2209 = arith.constant 0 : index
      %get3A_2210 = tpu.vector_load %arg11[%get3A_2208, %get3A_2209] {strides = array<i32>} : memref<16x64xf32, #tpu.memory_space<vmem>>, vector<16xf32>,
      %get3A_2211 = arith.constant 2 : i32
      %get3A_2212 = arith.index_cast %get3A_2211 : i32 to index
      %get3A_2213 = arith.constant 0 : index
      %get3A_2214 = tpu.vector_load %arg12[%get3A_2212, %get3A_2213] {strides = array<i32>} : memref<16x64xf32, #tpu.memory_space<vmem>>, vector<16xf32>,
      %add3A_2215 = arith.addf %get3A_2210, %get3A_2214 : vector<16xf32>
      %neg3A_2216 = arith.constant 0.000000e+00 : f32
      %neg3A_2217 = vector.broadcast %neg3A_2216 : f32 to vector<16xf32>
      %neg3A_2218 = arith.subf %neg3A_2217, %add3A_2215 : vector<16xf32>
      %exp3A_2219 = math.exp %neg3A_2218 : vector<16xf32>
      %add3A_2220 = arith.constant 1.000000e+00 : f32
      %add3A_2221 = vector.broadcast %add3A_2220 : f32 to vector<16xf32>
      %add3A_2222 = arith.addf %add3A_2221, %exp3A_2219 : vector<16xf32>
      %div3A_2223 = arith.constant 1.000000e+00 : f32
      %div3A_2224 = vector.broadcast %div3A_2223 : f32 to vector<16xf32>
      %div3A_2225 = arith.divf %div3A_2224, %add3A_2222 : vector<16xf32>
      %get3A_2226 = arith.constant 2 : i32
      %get3A_2227 = arith.index_cast %get3A_2226 : i32 to index
      %get3A_2228 = arith.constant 0 : index
      %get3A_2229 = tpu.vector_load %arg9[%get3A_2227, %get3A_2228] {strides = array<i32>} : memref<16x64xf32, #tpu.memory_space<vmem>>, vector<16xf32>,
      %get3A_2230 = arith.constant 2 : i32
      %get3A_2231 = arith.index_cast %get3A_2230 : i32 to index
      %get3A_2232 = arith.constant 0 : index
      %get3A_2233 = tpu.vector_load %arg10[%get3A_2231, %get3A_2232] {strides = array<i32>} : memref<16x64xf32, #tpu.memory_space<vmem>>, vector<16xf32>,
      %sub3A_2234 = arith.subf %get3A_2229, %get3A_2233 : vector<16xf32>
      %mul3A_2235 = arith.mulf %div3A_2225, %sub3A_2234 : vector<16xf32>
      %add3A_2236 = arith.addf %broadcast_in_dim3A_2206, %mul3A_2235 : vector<16xf32>
      %get3A_2237 = arith.constant 2 : i32
      %get3A_2238 = arith.index_cast %get3A_2237 : i32 to index
      %get3A_2239 = arith.constant 16 : index
      %get3A_2240 = tpu.vector_load %arg11[%get3A_2238, %get3A_2239] {strides = array<i32>} : memref<16x64xf32, #tpu.memory_space<vmem>>, vector<16xf32>,
      %get3A_2241 = arith.constant 2 : i32
      %get3A_2242 = arith.index_cast %get3A_2241 : i32 to index
      %get3A_2243 = arith.constant 16 : index
      %get3A_2244 = tpu.vector_load %arg12[%get3A_2242, %get3A_2243] {strides = array<i32>} : memref<16x64xf32, #tpu.memory_space<vmem>>, vector<16xf32>,
      %add3A_2245 = arith.addf %get3A_2240, %get3A_2244 : vector<16xf32>
      %neg3A_2246 = arith.constant 0.000000e+00 : f32
      %neg3A_2247 = vector.broadcast %neg3A_2246 : f32 to vector<16xf32>
      %neg3A_2248 = arith.subf %neg3A_2247, %add3A_2245 : vector<16xf32>
      %exp3A_2249 = math.exp %neg3A_2248 : vector<16xf32>
      %add3A_2250 = arith.constant 1.000000e+00 : f32
      %add3A_2251 = vector.broadcast %add3A_2250 : f32 to vector<16xf32>
      %add3A_2252 = arith.addf %add3A_2251, %exp3A_2249 : vector<16xf32>
      %div3A_2253 = arith.constant 1.000000e+00 : f32
      %div3A_2254 = vector.broadcast %div3A_2253 : f32 to vector<16xf32>
      %div3A_2255 = arith.divf %div3A_2254, %add3A_2252 : vector<16xf32>
      %get3A_2256 = arith.constant 2 : i32
      %get3A_2257 = arith.index_cast %get3A_2256 : i32 to index
      %get3A_2258 = arith.constant 16 : index
      %get3A_2259 = tpu.vector_load %arg9[%get3A_2257, %get3A_2258] {strides = array<i32>} : memref<16x64xf32, #tpu.memory_space<vmem>>, vector<16xf32>,
      %get3A_2260 = arith.constant 2 : i32
      %get3A_2261 = arith.index_cast %get3A_2260 : i32 to index
      %get3A_2262 = arith.constant 16 : index
      %get3A_2263 = tpu.vector_load %arg10[%get3A_2261, %get3A_2262] {strides = array<i32>} : memref<16x64xf32, #tpu.memory_space<vmem>>, vector<16xf32>,
      %sub3A_2264 = arith.subf %get3A_2259, %get3A_2263 : vector<16xf32>
      %mul3A_2265 = arith.mulf %div3A_2255, %sub3A_2264 : vector<16xf32>
      %add3A_2266 = arith.addf %add3A_2236, %mul3A_2265 : vector<16xf32>
      %get3A_2267 = arith.constant 2 : i32
      %get3A_2268 = arith.index_cast %get3A_2267 : i32 to index
      %get3A_2269 = arith.constant 32 : index
      %get3A_2270 = tpu.vector_load %arg11[%get3A_2268, %get3A_2269] {strides = array<i32>} : memref<16x64xf32, #tpu.memory_space<vmem>>, vector<16xf32>,
      %get3A_2271 = arith.constant 2 : i32
      %get3A_2272 = arith.index_cast %get3A_2271 : i32 to index
      %get3A_2273 = arith.constant 32 : index
      %get3A_2274 = tpu.vector_load %arg12[%get3A_2272, %get3A_2273] {strides = array<i32>} : memref<16x64xf32, #tpu.memory_space<vmem>>, vector<16xf32>,
      %add3A_2275 = arith.addf %get3A_2270, %get3A_2274 : vector<16xf32>
      %neg3A_2276 = arith.constant 0.000000e+00 : f32
      %neg3A_2277 = vector.broadcast %neg3A_2276 : f32 to vector<16xf32>
      %neg3A_2278 = arith.subf %neg3A_2277, %add3A_2275 : vector<16xf32>
      %exp3A_2279 = math.exp %neg3A_2278 : vector<16xf32>
      %add3A_2280 = arith.constant 1.000000e+00 : f32
      %add3A_2281 = vector.broadcast %add3A_2280 : f32 to vector<16xf32>
      %add3A_2282 = arith.addf %add3A_2281, %exp3A_2279 : vector<16xf32>
      %div3A_2283 = arith.constant 1.000000e+00 : f32
      %div3A_2284 = vector.broadcast %div3A_2283 : f32 to vector<16xf32>
      %div3A_2285 = arith.divf %div3A_2284, %add3A_2282 : vector<16xf32>
      %get3A_2286 = arith.constant 2 : i32
      %get3A_2287 = arith.index_cast %get3A_2286 : i32 to index
      %get3A_2288 = arith.constant 32 : index
      %get3A_2289 = tpu.vector_load %arg9[%get3A_2287, %get3A_2288] {strides = array<i32>} : memref<16x64xf32, #tpu.memory_space<vmem>>, vector<16xf32>,
      %get3A_2290 = arith.constant 2 : i32
      %get3A_2291 = arith.index_cast %get3A_2290 : i32 to index
      %get3A_2292 = arith.constant 32 : index
      %get3A_2293 = tpu.vector_load %arg10[%get3A_2291, %get3A_2292] {strides = array<i32>} : memref<16x64xf32, #tpu.memory_space<vmem>>, vector<16xf32>,
      %sub3A_2294 = arith.subf %get3A_2289, %get3A_2293 : vector<16xf32>
      %mul3A_2295 = arith.mulf %div3A_2285, %sub3A_2294 : vector<16xf32>
      %add3A_2296 = arith.addf %add3A_2266, %mul3A_2295 : vector<16xf32>
      %get3A_2297 = arith.constant 2 : i32
      %get3A_2298 = arith.index_cast %get3A_2297 : i32 to index
      %get3A_2299 = arith.constant 48 : index
      %get3A_2300 = tpu.vector_load %arg11[%get3A_2298, %get3A_2299] {strides = array<i32>} : memref<16x64xf32, #tpu.memory_space<vmem>>, vector<16xf32>,
      %get3A_2301 = arith.constant 2 : i32
      %get3A_2302 = arith.index_cast %get3A_2301 : i32 to index
      %get3A_2303 = arith.constant 48 : index
      %get3A_2304 = tpu.vector_load %arg12[%get3A_2302, %get3A_2303] {strides = array<i32>} : memref<16x64xf32, #tpu.memory_space<vmem>>, vector<16xf32>,
      %add3A_2305 = arith.addf %get3A_2300, %get3A_2304 : vector<16xf32>
      %neg3A_2306 = arith.constant 0.000000e+00 : f32
      %neg3A_2307 = vector.broadcast %neg3A_2306 : f32 to vector<16xf32>
      %neg3A_2308 = arith.subf %neg3A_2307, %add3A_2305 : vector<16xf32>
      %exp3A_2309 = math.exp %neg3A_2308 : vector<16xf32>
      %add3A_2310 = arith.constant 1.000000e+00 : f32
      %add3A_2311 = vector.broadcast %add3A_2310 : f32 to vector<16xf32>
      %add3A_2312 = arith.addf %add3A_2311, %exp3A_2309 : vector<16xf32>
      %div3A_2313 = arith.constant 1.000000e+00 : f32
      %div3A_2314 = vector.broadcast %div3A_2313 : f32 to vector<16xf32>
      %div3A_2315 = arith.divf %div3A_2314, %add3A_2312 : vector<16xf32>
      %get3A_2316 = arith.constant 2 : i32
      %get3A_2317 = arith.index_cast %get3A_2316 : i32 to index
      %get3A_2318 = arith.constant 48 : index
      %get3A_2319 = tpu.vector_load %arg9[%get3A_2317, %get3A_2318] {strides = array<i32>} : memref<16x64xf32, #tpu.memory_space<vmem>>, vector<16xf32>,
      %get3A_2320 = arith.constant 2 : i32
      %get3A_2321 = arith.index_cast %get3A_2320 : i32 to index
      %get3A_2322 = arith.constant 48 : index
      %get3A_2323 = tpu.vector_load %arg10[%get3A_2321, %get3A_2322] {strides = array<i32>} : memref<16x64xf32, #tpu.memory_space<vmem>>, vector<16xf32>,
      %sub3A_2324 = arith.subf %get3A_2319, %get3A_2323 : vector<16xf32>
      %mul3A_2325 = arith.mulf %div3A_2315, %sub3A_2324 : vector<16xf32>
      %add3A_2326 = arith.addf %add3A_2296, %mul3A_2325 : vector<16xf32>
      %eq3A_2327 = arith.constant 2 : i32
      %eq3A_2328 = vector.broadcast %eq3A_2327 : i32 to vector<16xi32>
      %eq3A_2329 = arith.cmpi eq, %iota3A, %eq3A_2328 : vector<16xi32>
      %reduce_sum3A_2330 = arith.constant true
      %reduce_sum3A_2331 = vector.broadcast %reduce_sum3A_2330 : i1 to vector<16xi1>
      %reduce_sum3A_2332 = tpu.scan <sum>, %add3A_2326 masked %reduce_sum3A_2331 : vector<16xf32>, vector<16xi1> -> vector<16xf32>
      %reduce_sum3A_2333 = vector.extract %reduce_sum3A_2332[15] : f32 from vector<16xf32>
      %broadcast_in_dim3A_2334 = vector.broadcast %reduce_sum3A_2333 : f32 to vector<16xf32>
      %select_n3A_2335 = arith.select %eq3A_2329, %broadcast_in_dim3A_2334, %select_n3A_2204 : vector<16xi1>, vector<16xf32>
      %broadcast_in_dim3A_2336 = arith.constant 0.000000e+00 : f32
      %broadcast_in_dim3A_2337 = vector.broadcast %broadcast_in_dim3A_2336 : f32 to vector<16xf32>
      %get3A_2338 = arith.constant 3 : i32
      %get3A_2339 = arith.index_cast %get3A_2338 : i32 to index
      %get3A_2340 = arith.constant 0 : index
      %get3A_2341 = tpu.vector_load %arg11[%get3A_2339, %get3A_2340] {strides = array<i32>} : memref<16x64xf32, #tpu.memory_space<vmem>>, vector<16xf32>,
      %get3A_2342 = arith.constant 3 : i32
      %get3A_2343 = arith.index_cast %get3A_2342 : i32 to index
      %get3A_2344 = arith.constant 0 : index
      %get3A_2345 = tpu.vector_load %arg12[%get3A_2343, %get3A_2344] {strides = array<i32>} : memref<16x64xf32, #tpu.memory_space<vmem>>, vector<16xf32>,
      %add3A_2346 = arith.addf %get3A_2341, %get3A_2345 : vector<16xf32>
      %neg3A_2347 = arith.constant 0.000000e+00 : f32
      %neg3A_2348 = vector.broadcast %neg3A_2347 : f32 to vector<16xf32>
      %neg3A_2349 = arith.subf %neg3A_2348, %add3A_2346 : vector<16xf32>
      %exp3A_2350 = math.exp %neg3A_2349 : vector<16xf32>
      %add3A_2351 = arith.constant 1.000000e+00 : f32
      %add3A_2352 = vector.broadcast %add3A_2351 : f32 to vector<16xf32>
      %add3A_2353 = arith.addf %add3A_2352, %exp3A_2350 : vector<16xf32>
      %div3A_2354 = arith.constant 1.000000e+00 : f32
      %div3A_2355 = vector.broadcast %div3A_2354 : f32 to vector<16xf32>
      %div3A_2356 = arith.divf %div3A_2355, %add3A_2353 : vector<16xf32>
      %get3A_2357 = arith.constant 3 : i32
      %get3A_2358 = arith.index_cast %get3A_2357 : i32 to index
      %get3A_2359 = arith.constant 0 : index
      %get3A_2360 = tpu.vector_load %arg9[%get3A_2358, %get3A_2359] {strides = array<i32>} : memref<16x64xf32, #tpu.memory_space<vmem>>, vector<16xf32>,
      %get3A_2361 = arith.constant 3 : i32
      %get3A_2362 = arith.index_cast %get3A_2361 : i32 to index
      %get3A_2363 = arith.constant 0 : index
      %get3A_2364 = tpu.vector_load %arg10[%get3A_2362, %get3A_2363] {strides = array<i32>} : memref<16x64xf32, #tpu.memory_space<vmem>>, vector<16xf32>,
      %sub3A_2365 = arith.subf %get3A_2360, %get3A_2364 : vector<16xf32>
      %mul3A_2366 = arith.mulf %div3A_2356, %sub3A_2365 : vector<16xf32>
      %add3A_2367 = arith.addf %broadcast_in_dim3A_2337, %mul3A_2366 : vector<16xf32>
      %get3A_2368 = arith.constant 3 : i32
      %get3A_2369 = arith.index_cast %get3A_2368 : i32 to index
      %get3A_2370 = arith.constant 16 : index
      %get3A_2371 = tpu.vector_load %arg11[%get3A_2369, %get3A_2370] {strides = array<i32>} : memref<16x64xf32, #tpu.memory_space<vmem>>, vector<16xf32>,
      %get3A_2372 = arith.constant 3 : i32
      %get3A_2373 = arith.index_cast %get3A_2372 : i32 to index
      %get3A_2374 = arith.constant 16 : index
      %get3A_2375 = tpu.vector_load %arg12[%get3A_2373, %get3A_2374] {strides = array<i32>} : memref<16x64xf32, #tpu.memory_space<vmem>>, vector<16xf32>,
      %add3A_2376 = arith.addf %get3A_2371, %get3A_2375 : vector<16xf32>
      %neg3A_2377 = arith.constant 0.000000e+00 : f32
      %neg3A_2378 = vector.broadcast %neg3A_2377 : f32 to vector<16xf32>
      %neg3A_2379 = arith.subf %neg3A_2378, %add3A_2376 : vector<16xf32>
      %exp3A_2380 = math.exp %neg3A_2379 : vector<16xf32>
      %add3A_2381 = arith.constant 1.000000e+00 : f32
      %add3A_2382 = vector.broadcast %add3A_2381 : f32 to vector<16xf32>
      %add3A_2383 = arith.addf %add3A_2382, %exp3A_2380 : vector<16xf32>
      %div3A_2384 = arith.constant 1.000000e+00 : f32
      %div3A_2385 = vector.broadcast %div3A_2384 : f32 to vector<16xf32>
      %div3A_2386 = arith.divf %div3A_2385, %add3A_2383 : vector<16xf32>
      %get3A_2387 = arith.constant 3 : i32
      %get3A_2388 = arith.index_cast %get3A_2387 : i32 to index
      %get3A_2389 = arith.constant 16 : index
      %get3A_2390 = tpu.vector_load %arg9[%get3A_2388, %get3A_2389] {strides = array<i32>} : memref<16x64xf32, #tpu.memory_space<vmem>>, vector<16xf32>,
      %get3A_2391 = arith.constant 3 : i32
      %get3A_2392 = arith.index_cast %get3A_2391 : i32 to index
      %get3A_2393 = arith.constant 16 : index
      %get3A_2394 = tpu.vector_load %arg10[%get3A_2392, %get3A_2393] {strides = array<i32>} : memref<16x64xf32, #tpu.memory_space<vmem>>, vector<16xf32>,
      %sub3A_2395 = arith.subf %get3A_2390, %get3A_2394 : vector<16xf32>
      %mul3A_2396 = arith.mulf %div3A_2386, %sub3A_2395 : vector<16xf32>
      %add3A_2397 = arith.addf %add3A_2367, %mul3A_2396 : vector<16xf32>
      %get3A_2398 = arith.constant 3 : i32
      %get3A_2399 = arith.index_cast %get3A_2398 : i32 to index
      %get3A_2400 = arith.constant 32 : index
      %get3A_2401 = tpu.vector_load %arg11[%get3A_2399, %get3A_2400] {strides = array<i32>} : memref<16x64xf32, #tpu.memory_space<vmem>>, vector<16xf32>,
      %get3A_2402 = arith.constant 3 : i32
      %get3A_2403 = arith.index_cast %get3A_2402 : i32 to index
      %get3A_2404 = arith.constant 32 : index
      %get3A_2405 = tpu.vector_load %arg12[%get3A_2403, %get3A_2404] {strides = array<i32>} : memref<16x64xf32, #tpu.memory_space<vmem>>, vector<16xf32>,
      %add3A_2406 = arith.addf %get3A_2401, %get3A_2405 : vector<16xf32>
      %neg3A_2407 = arith.constant 0.000000e+00 : f32
      %neg3A_2408 = vector.broadcast %neg3A_2407 : f32 to vector<16xf32>
      %neg3A_2409 = arith.subf %neg3A_2408, %add3A_2406 : vector<16xf32>
      %exp3A_2410 = math.exp %neg3A_2409 : vector<16xf32>
      %add3A_2411 = arith.constant 1.000000e+00 : f32
      %add3A_2412 = vector.broadcast %add3A_2411 : f32 to vector<16xf32>
      %add3A_2413 = arith.addf %add3A_2412, %exp3A_2410 : vector<16xf32>
      %div3A_2414 = arith.constant 1.000000e+00 : f32
      %div3A_2415 = vector.broadcast %div3A_2414 : f32 to vector<16xf32>
      %div3A_2416 = arith.divf %div3A_2415, %add3A_2413 : vector<16xf32>
      %get3A_2417 = arith.constant 3 : i32
      %get3A_2418 = arith.index_cast %get3A_2417 : i32 to index
      %get3A_2419 = arith.constant 32 : index
      %get3A_2420 = tpu.vector_load %arg9[%get3A_2418, %get3A_2419] {strides = array<i32>} : memref<16x64xf32, #tpu.memory_space<vmem>>, vector<16xf32>,
      %get3A_2421 = arith.constant 3 : i32
      %get3A_2422 = arith.index_cast %get3A_2421 : i32 to index
      %get3A_2423 = arith.constant 32 : index
      %get3A_2424 = tpu.vector_load %arg10[%get3A_2422, %get3A_2423] {strides = array<i32>} : memref<16x64xf32, #tpu.memory_space<vmem>>, vector<16xf32>,
      %sub3A_2425 = arith.subf %get3A_2420, %get3A_2424 : vector<16xf32>
      %mul3A_2426 = arith.mulf %div3A_2416, %sub3A_2425 : vector<16xf32>
      %add3A_2427 = arith.addf %add3A_2397, %mul3A_2426 : vector<16xf32>
      %get3A_2428 = arith.constant 3 : i32
      %get3A_2429 = arith.index_cast %get3A_2428 : i32 to index
      %get3A_2430 = arith.constant 48 : index
      %get3A_2431 = tpu.vector_load %arg11[%get3A_2429, %get3A_2430] {strides = array<i32>} : memref<16x64xf32, #tpu.memory_space<vmem>>, vector<16xf32>,
      %get3A_2432 = arith.constant 3 : i32
      %get3A_2433 = arith.index_cast %get3A_2432 : i32 to index
      %get3A_2434 = arith.constant 48 : index
      %get3A_2435 = tpu.vector_load %arg12[%get3A_2433, %get3A_2434] {strides = array<i32>} : memref<16x64xf32, #tpu.memory_space<vmem>>, vector<16xf32>,
      %add3A_2436 = arith.addf %get3A_2431, %get3A_2435 : vector<16xf32>
      %neg3A_2437 = arith.constant 0.000000e+00 : f32
      %neg3A_2438 = vector.broadcast %neg3A_2437 : f32 to vector<16xf32>
      %neg3A_2439 = arith.subf %neg3A_2438, %add3A_2436 : vector<16xf32>
      %exp3A_2440 = math.exp %neg3A_2439 : vector<16xf32>
      %add3A_2441 = arith.constant 1.000000e+00 : f32
      %add3A_2442 = vector.broadcast %add3A_2441 : f32 to vector<16xf32>
      %add3A_2443 = arith.addf %add3A_2442, %exp3A_2440 : vector<16xf32>
      %div3A_2444 = arith.constant 1.000000e+00 : f32
      %div3A_2445 = vector.broadcast %div3A_2444 : f32 to vector<16xf32>
      %div3A_2446 = arith.divf %div3A_2445, %add3A_2443 : vector<16xf32>
      %get3A_2447 = arith.constant 3 : i32
      %get3A_2448 = arith.index_cast %get3A_2447 : i32 to index
      %get3A_2449 = arith.constant 48 : index
      %get3A_2450 = tpu.vector_load %arg9[%get3A_2448, %get3A_2449] {strides = array<i32>} : memref<16x64xf32, #tpu.memory_space<vmem>>, vector<16xf32>,
      %get3A_2451 = arith.constant 3 : i32
      %get3A_2452 = arith.index_cast %get3A_2451 : i32 to index
      %get3A_2453 = arith.constant 48 : index
      %get3A_2454 = tpu.vector_load %arg10[%get3A_2452, %get3A_2453] {strides = array<i32>} : memref<16x64xf32, #tpu.memory_space<vmem>>, vector<16xf32>,
      %sub3A_2455 = arith.subf %get3A_2450, %get3A_2454 : vector<16xf32>
      %mul3A_2456 = arith.mulf %div3A_2446, %sub3A_2455 : vector<16xf32>
      %add3A_2457 = arith.addf %add3A_2427, %mul3A_2456 : vector<16xf32>
      %eq3A_2458 = arith.constant 3 : i32
      %eq3A_2459 = vector.broadcast %eq3A_2458 : i32 to vector<16xi32>
      %eq3A_2460 = arith.cmpi eq, %iota3A, %eq3A_2459 : vector<16xi32>
      %reduce_sum3A_2461 = arith.constant true
      %reduce_sum3A_2462 = vector.broadcast %reduce_sum3A_2461 : i1 to vector<16xi1>
      %reduce_sum3A_2463 = tpu.scan <sum>, %add3A_2457 masked %reduce_sum3A_2462 : vector<16xf32>, vector<16xi1> -> vector<16xf32>
      %reduce_sum3A_2464 = vector.extract %reduce_sum3A_2463[15] : f32 from vector<16xf32>
      %broadcast_in_dim3A_2465 = vector.broadcast %reduce_sum3A_2464 : f32 to vector<16xf32>
      %select_n3A_2466 = arith.select %eq3A_2460, %broadcast_in_dim3A_2465, %select_n3A_2335 : vector<16xi1>, vector<16xf32>
      %broadcast_in_dim3A_2467 = arith.constant 0.000000e+00 : f32
      %broadcast_in_dim3A_2468 = vector.broadcast %broadcast_in_dim3A_2467 : f32 to vector<16xf32>
      %get3A_2469 = arith.constant 4 : i32
      %get3A_2470 = arith.index_cast %get3A_2469 : i32 to index
      %get3A_2471 = arith.constant 0 : index
      %get3A_2472 = tpu.vector_load %arg11[%get3A_2470, %get3A_2471] {strides = array<i32>} : memref<16x64xf32, #tpu.memory_space<vmem>>, vector<16xf32>,
      %get3A_2473 = arith.constant 4 : i32
      %get3A_2474 = arith.index_cast %get3A_2473 : i32 to index
      %get3A_2475 = arith.constant 0 : index
      %get3A_2476 = tpu.vector_load %arg12[%get3A_2474, %get3A_2475] {strides = array<i32>} : memref<16x64xf32, #tpu.memory_space<vmem>>, vector<16xf32>,
      %add3A_2477 = arith.addf %get3A_2472, %get3A_2476 : vector<16xf32>
      %neg3A_2478 = arith.constant 0.000000e+00 : f32
      %neg3A_2479 = vector.broadcast %neg3A_2478 : f32 to vector<16xf32>
      %neg3A_2480 = arith.subf %neg3A_2479, %add3A_2477 : vector<16xf32>
      %exp3A_2481 = math.exp %neg3A_2480 : vector<16xf32>
      %add3A_2482 = arith.constant 1.000000e+00 : f32
      %add3A_2483 = vector.broadcast %add3A_2482 : f32 to vector<16xf32>
      %add3A_2484 = arith.addf %add3A_2483, %exp3A_2481 : vector<16xf32>
      %div3A_2485 = arith.constant 1.000000e+00 : f32
      %div3A_2486 = vector.broadcast %div3A_2485 : f32 to vector<16xf32>
      %div3A_2487 = arith.divf %div3A_2486, %add3A_2484 : vector<16xf32>
      %get3A_2488 = arith.constant 4 : i32
      %get3A_2489 = arith.index_cast %get3A_2488 : i32 to index
      %get3A_2490 = arith.constant 0 : index
      %get3A_2491 = tpu.vector_load %arg9[%get3A_2489, %get3A_2490] {strides = array<i32>} : memref<16x64xf32, #tpu.memory_space<vmem>>, vector<16xf32>,
      %get3A_2492 = arith.constant 4 : i32
      %get3A_2493 = arith.index_cast %get3A_2492 : i32 to index
      %get3A_2494 = arith.constant 0 : index
      %get3A_2495 = tpu.vector_load %arg10[%get3A_2493, %get3A_2494] {strides = array<i32>} : memref<16x64xf32, #tpu.memory_space<vmem>>, vector<16xf32>,
      %sub3A_2496 = arith.subf %get3A_2491, %get3A_2495 : vector<16xf32>
      %mul3A_2497 = arith.mulf %div3A_2487, %sub3A_2496 : vector<16xf32>
      %add3A_2498 = arith.addf %broadcast_in_dim3A_2468, %mul3A_2497 : vector<16xf32>
      %get3A_2499 = arith.constant 4 : i32
      %get3A_2500 = arith.index_cast %get3A_2499 : i32 to index
      %get3A_2501 = arith.constant 16 : index
      %get3A_2502 = tpu.vector_load %arg11[%get3A_2500, %get3A_2501] {strides = array<i32>} : memref<16x64xf32, #tpu.memory_space<vmem>>, vector<16xf32>,
      %get3A_2503 = arith.constant 4 : i32
      %get3A_2504 = arith.index_cast %get3A_2503 : i32 to index
      %get3A_2505 = arith.constant 16 : index
      %get3A_2506 = tpu.vector_load %arg12[%get3A_2504, %get3A_2505] {strides = array<i32>} : memref<16x64xf32, #tpu.memory_space<vmem>>, vector<16xf32>,
      %add3A_2507 = arith.addf %get3A_2502, %get3A_2506 : vector<16xf32>
      %neg3A_2508 = arith.constant 0.000000e+00 : f32
      %neg3A_2509 = vector.broadcast %neg3A_2508 : f32 to vector<16xf32>
      %neg3A_2510 = arith.subf %neg3A_2509, %add3A_2507 : vector<16xf32>
      %exp3A_2511 = math.exp %neg3A_2510 : vector<16xf32>
      %add3A_2512 = arith.constant 1.000000e+00 : f32
      %add3A_2513 = vector.broadcast %add3A_2512 : f32 to vector<16xf32>
      %add3A_2514 = arith.addf %add3A_2513, %exp3A_2511 : vector<16xf32>
      %div3A_2515 = arith.constant 1.000000e+00 : f32
      %div3A_2516 = vector.broadcast %div3A_2515 : f32 to vector<16xf32>
      %div3A_2517 = arith.divf %div3A_2516, %add3A_2514 : vector<16xf32>
      %get3A_2518 = arith.constant 4 : i32
      %get3A_2519 = arith.index_cast %get3A_2518 : i32 to index
      %get3A_2520 = arith.constant 16 : index
      %get3A_2521 = tpu.vector_load %arg9[%get3A_2519, %get3A_2520] {strides = array<i32>} : memref<16x64xf32, #tpu.memory_space<vmem>>, vector<16xf32>,
      %get3A_2522 = arith.constant 4 : i32
      %get3A_2523 = arith.index_cast %get3A_2522 : i32 to index
      %get3A_2524 = arith.constant 16 : index
      %get3A_2525 = tpu.vector_load %arg10[%get3A_2523, %get3A_2524] {strides = array<i32>} : memref<16x64xf32, #tpu.memory_space<vmem>>, vector<16xf32>,
      %sub3A_2526 = arith.subf %get3A_2521, %get3A_2525 : vector<16xf32>
      %mul3A_2527 = arith.mulf %div3A_2517, %sub3A_2526 : vector<16xf32>
      %add3A_2528 = arith.addf %add3A_2498, %mul3A_2527 : vector<16xf32>
      %get3A_2529 = arith.constant 4 : i32
      %get3A_2530 = arith.index_cast %get3A_2529 : i32 to index
      %get3A_2531 = arith.constant 32 : index
      %get3A_2532 = tpu.vector_load %arg11[%get3A_2530, %get3A_2531] {strides = array<i32>} : memref<16x64xf32, #tpu.memory_space<vmem>>, vector<16xf32>,
      %get3A_2533 = arith.constant 4 : i32
      %get3A_2534 = arith.index_cast %get3A_2533 : i32 to index
      %get3A_2535 = arith.constant 32 : index
      %get3A_2536 = tpu.vector_load %arg12[%get3A_2534, %get3A_2535] {strides = array<i32>} : memref<16x64xf32, #tpu.memory_space<vmem>>, vector<16xf32>,
      %add3A_2537 = arith.addf %get3A_2532, %get3A_2536 : vector<16xf32>
      %neg3A_2538 = arith.constant 0.000000e+00 : f32
      %neg3A_2539 = vector.broadcast %neg3A_2538 : f32 to vector<16xf32>
      %neg3A_2540 = arith.subf %neg3A_2539, %add3A_2537 : vector<16xf32>
      %exp3A_2541 = math.exp %neg3A_2540 : vector<16xf32>
      %add3A_2542 = arith.constant 1.000000e+00 : f32
      %add3A_2543 = vector.broadcast %add3A_2542 : f32 to vector<16xf32>
      %add3A_2544 = arith.addf %add3A_2543, %exp3A_2541 : vector<16xf32>
      %div3A_2545 = arith.constant 1.000000e+00 : f32
      %div3A_2546 = vector.broadcast %div3A_2545 : f32 to vector<16xf32>
      %div3A_2547 = arith.divf %div3A_2546, %add3A_2544 : vector<16xf32>
      %get3A_2548 = arith.constant 4 : i32
      %get3A_2549 = arith.index_cast %get3A_2548 : i32 to index
      %get3A_2550 = arith.constant 32 : index
      %get3A_2551 = tpu.vector_load %arg9[%get3A_2549, %get3A_2550] {strides = array<i32>} : memref<16x64xf32, #tpu.memory_space<vmem>>, vector<16xf32>,
      %get3A_2552 = arith.constant 4 : i32
      %get3A_2553 = arith.index_cast %get3A_2552 : i32 to index
      %get3A_2554 = arith.constant 32 : index
      %get3A_2555 = tpu.vector_load %arg10[%get3A_2553, %get3A_2554] {strides = array<i32>} : memref<16x64xf32, #tpu.memory_space<vmem>>, vector<16xf32>,
      %sub3A_2556 = arith.subf %get3A_2551, %get3A_2555 : vector<16xf32>
      %mul3A_2557 = arith.mulf %div3A_2547, %sub3A_2556 : vector<16xf32>
      %add3A_2558 = arith.addf %add3A_2528, %mul3A_2557 : vector<16xf32>
      %get3A_2559 = arith.constant 4 : i32
      %get3A_2560 = arith.index_cast %get3A_2559 : i32 to index
      %get3A_2561 = arith.constant 48 : index
      %get3A_2562 = tpu.vector_load %arg11[%get3A_2560, %get3A_2561] {strides = array<i32>} : memref<16x64xf32, #tpu.memory_space<vmem>>, vector<16xf32>,
      %get3A_2563 = arith.constant 4 : i32
      %get3A_2564 = arith.index_cast %get3A_2563 : i32 to index
      %get3A_2565 = arith.constant 48 : index
      %get3A_2566 = tpu.vector_load %arg12[%get3A_2564, %get3A_2565] {strides = array<i32>} : memref<16x64xf32, #tpu.memory_space<vmem>>, vector<16xf32>,
      %add3A_2567 = arith.addf %get3A_2562, %get3A_2566 : vector<16xf32>
      %neg3A_2568 = arith.constant 0.000000e+00 : f32
      %neg3A_2569 = vector.broadcast %neg3A_2568 : f32 to vector<16xf32>
      %neg3A_2570 = arith.subf %neg3A_2569, %add3A_2567 : vector<16xf32>
      %exp3A_2571 = math.exp %neg3A_2570 : vector<16xf32>
      %add3A_2572 = arith.constant 1.000000e+00 : f32
      %add3A_2573 = vector.broadcast %add3A_2572 : f32 to vector<16xf32>
      %add3A_2574 = arith.addf %add3A_2573, %exp3A_2571 : vector<16xf32>
      %div3A_2575 = arith.constant 1.000000e+00 : f32
      %div3A_2576 = vector.broadcast %div3A_2575 : f32 to vector<16xf32>
      %div3A_2577 = arith.divf %div3A_2576, %add3A_2574 : vector<16xf32>
      %get3A_2578 = arith.constant 4 : i32
      %get3A_2579 = arith.index_cast %get3A_2578 : i32 to index
      %get3A_2580 = arith.constant 48 : index
      %get3A_2581 = tpu.vector_load %arg9[%get3A_2579, %get3A_2580] {strides = array<i32>} : memref<16x64xf32, #tpu.memory_space<vmem>>, vector<16xf32>,
      %get3A_2582 = arith.constant 4 : i32
      %get3A_2583 = arith.index_cast %get3A_2582 : i32 to index
      %get3A_2584 = arith.constant 48 : index
      %get3A_2585 = tpu.vector_load %arg10[%get3A_2583, %get3A_2584] {strides = array<i32>} : memref<16x64xf32, #tpu.memory_space<vmem>>, vector<16xf32>,
      %sub3A_2586 = arith.subf %get3A_2581, %get3A_2585 : vector<16xf32>
      %mul3A_2587 = arith.mulf %div3A_2577, %sub3A_2586 : vector<16xf32>
      %add3A_2588 = arith.addf %add3A_2558, %mul3A_2587 : vector<16xf32>
      %eq3A_2589 = arith.constant 4 : i32
      %eq3A_2590 = vector.broadcast %eq3A_2589 : i32 to vector<16xi32>
      %eq3A_2591 = arith.cmpi eq, %iota3A, %eq3A_2590 : vector<16xi32>
      %reduce_sum3A_2592 = arith.constant true
      %reduce_sum3A_2593 = vector.broadcast %reduce_sum3A_2592 : i1 to vector<16xi1>
      %reduce_sum3A_2594 = tpu.scan <sum>, %add3A_2588 masked %reduce_sum3A_2593 : vector<16xf32>, vector<16xi1> -> vector<16xf32>
      %reduce_sum3A_2595 = vector.extract %reduce_sum3A_2594[15] : f32 from vector<16xf32>
      %broadcast_in_dim3A_2596 = vector.broadcast %reduce_sum3A_2595 : f32 to vector<16xf32>
      %select_n3A_2597 = arith.select %eq3A_2591, %broadcast_in_dim3A_2596, %select_n3A_2466 : vector<16xi1>, vector<16xf32>
      %broadcast_in_dim3A_2598 = arith.constant 0.000000e+00 : f32
      %broadcast_in_dim3A_2599 = vector.broadcast %broadcast_in_dim3A_2598 : f32 to vector<16xf32>
      %get3A_2600 = arith.constant 5 : i32
      %get3A_2601 = arith.index_cast %get3A_2600 : i32 to index
      %get3A_2602 = arith.constant 0 : index
      %get3A_2603 = tpu.vector_load %arg11[%get3A_2601, %get3A_2602] {strides = array<i32>} : memref<16x64xf32, #tpu.memory_space<vmem>>, vector<16xf32>,
      %get3A_2604 = arith.constant 5 : i32
      %get3A_2605 = arith.index_cast %get3A_2604 : i32 to index
      %get3A_2606 = arith.constant 0 : index
      %get3A_2607 = tpu.vector_load %arg12[%get3A_2605, %get3A_2606] {strides = array<i32>} : memref<16x64xf32, #tpu.memory_space<vmem>>, vector<16xf32>,
      %add3A_2608 = arith.addf %get3A_2603, %get3A_2607 : vector<16xf32>
      %neg3A_2609 = arith.constant 0.000000e+00 : f32
      %neg3A_2610 = vector.broadcast %neg3A_2609 : f32 to vector<16xf32>
      %neg3A_2611 = arith.subf %neg3A_2610, %add3A_2608 : vector<16xf32>
      %exp3A_2612 = math.exp %neg3A_2611 : vector<16xf32>
      %add3A_2613 = arith.constant 1.000000e+00 : f32
      %add3A_2614 = vector.broadcast %add3A_2613 : f32 to vector<16xf32>
      %add3A_2615 = arith.addf %add3A_2614, %exp3A_2612 : vector<16xf32>
      %div3A_2616 = arith.constant 1.000000e+00 : f32
      %div3A_2617 = vector.broadcast %div3A_2616 : f32 to vector<16xf32>
      %div3A_2618 = arith.divf %div3A_2617, %add3A_2615 : vector<16xf32>
      %get3A_2619 = arith.constant 5 : i32
      %get3A_2620 = arith.index_cast %get3A_2619 : i32 to index
      %get3A_2621 = arith.constant 0 : index
      %get3A_2622 = tpu.vector_load %arg9[%get3A_2620, %get3A_2621] {strides = array<i32>} : memref<16x64xf32, #tpu.memory_space<vmem>>, vector<16xf32>,
      %get3A_2623 = arith.constant 5 : i32
      %get3A_2624 = arith.index_cast %get3A_2623 : i32 to index
      %get3A_2625 = arith.constant 0 : index
      %get3A_2626 = tpu.vector_load %arg10[%get3A_2624, %get3A_2625] {strides = array<i32>} : memref<16x64xf32, #tpu.memory_space<vmem>>, vector<16xf32>,
      %sub3A_2627 = arith.subf %get3A_2622, %get3A_2626 : vector<16xf32>
      %mul3A_2628 = arith.mulf %div3A_2618, %sub3A_2627 : vector<16xf32>
      %add3A_2629 = arith.addf %broadcast_in_dim3A_2599, %mul3A_2628 : vector<16xf32>
      %get3A_2630 = arith.constant 5 : i32
      %get3A_2631 = arith.index_cast %get3A_2630 : i32 to index
      %get3A_2632 = arith.constant 16 : index
      %get3A_2633 = tpu.vector_load %arg11[%get3A_2631, %get3A_2632] {strides = array<i32>} : memref<16x64xf32, #tpu.memory_space<vmem>>, vector<16xf32>,
      %get3A_2634 = arith.constant 5 : i32
      %get3A_2635 = arith.index_cast %get3A_2634 : i32 to index
      %get3A_2636 = arith.constant 16 : index
      %get3A_2637 = tpu.vector_load %arg12[%get3A_2635, %get3A_2636] {strides = array<i32>} : memref<16x64xf32, #tpu.memory_space<vmem>>, vector<16xf32>,
      %add3A_2638 = arith.addf %get3A_2633, %get3A_2637 : vector<16xf32>
      %neg3A_2639 = arith.constant 0.000000e+00 : f32
      %neg3A_2640 = vector.broadcast %neg3A_2639 : f32 to vector<16xf32>
      %neg3A_2641 = arith.subf %neg3A_2640, %add3A_2638 : vector<16xf32>
      %exp3A_2642 = math.exp %neg3A_2641 : vector<16xf32>
      %add3A_2643 = arith.constant 1.000000e+00 : f32
      %add3A_2644 = vector.broadcast %add3A_2643 : f32 to vector<16xf32>
      %add3A_2645 = arith.addf %add3A_2644, %exp3A_2642 : vector<16xf32>
      %div3A_2646 = arith.constant 1.000000e+00 : f32
      %div3A_2647 = vector.broadcast %div3A_2646 : f32 to vector<16xf32>
      %div3A_2648 = arith.divf %div3A_2647, %add3A_2645 : vector<16xf32>
      %get3A_2649 = arith.constant 5 : i32
      %get3A_2650 = arith.index_cast %get3A_2649 : i32 to index
      %get3A_2651 = arith.constant 16 : index
      %get3A_2652 = tpu.vector_load %arg9[%get3A_2650, %get3A_2651] {strides = array<i32>} : memref<16x64xf32, #tpu.memory_space<vmem>>, vector<16xf32>,
      %get3A_2653 = arith.constant 5 : i32
      %get3A_2654 = arith.index_cast %get3A_2653 : i32 to index
      %get3A_2655 = arith.constant 16 : index
      %get3A_2656 = tpu.vector_load %arg10[%get3A_2654, %get3A_2655] {strides = array<i32>} : memref<16x64xf32, #tpu.memory_space<vmem>>, vector<16xf32>,
      %sub3A_2657 = arith.subf %get3A_2652, %get3A_2656 : vector<16xf32>
      %mul3A_2658 = arith.mulf %div3A_2648, %sub3A_2657 : vector<16xf32>
      %add3A_2659 = arith.addf %add3A_2629, %mul3A_2658 : vector<16xf32>
      %get3A_2660 = arith.constant 5 : i32
      %get3A_2661 = arith.index_cast %get3A_2660 : i32 to index
      %get3A_2662 = arith.constant 32 : index
      %get3A_2663 = tpu.vector_load %arg11[%get3A_2661, %get3A_2662] {strides = array<i32>} : memref<16x64xf32, #tpu.memory_space<vmem>>, vector<16xf32>,
      %get3A_2664 = arith.constant 5 : i32
      %get3A_2665 = arith.index_cast %get3A_2664 : i32 to index
      %get3A_2666 = arith.constant 32 : index
      %get3A_2667 = tpu.vector_load %arg12[%get3A_2665, %get3A_2666] {strides = array<i32>} : memref<16x64xf32, #tpu.memory_space<vmem>>, vector<16xf32>,
      %add3A_2668 = arith.addf %get3A_2663, %get3A_2667 : vector<16xf32>
      %neg3A_2669 = arith.constant 0.000000e+00 : f32
      %neg3A_2670 = vector.broadcast %neg3A_2669 : f32 to vector<16xf32>
      %neg3A_2671 = arith.subf %neg3A_2670, %add3A_2668 : vector<16xf32>
      %exp3A_2672 = math.exp %neg3A_2671 : vector<16xf32>
      %add3A_2673 = arith.constant 1.000000e+00 : f32
      %add3A_2674 = vector.broadcast %add3A_2673 : f32 to vector<16xf32>
      %add3A_2675 = arith.addf %add3A_2674, %exp3A_2672 : vector<16xf32>
      %div3A_2676 = arith.constant 1.000000e+00 : f32
      %div3A_2677 = vector.broadcast %div3A_2676 : f32 to vector<16xf32>
      %div3A_2678 = arith.divf %div3A_2677, %add3A_2675 : vector<16xf32>
      %get3A_2679 = arith.constant 5 : i32
      %get3A_2680 = arith.index_cast %get3A_2679 : i32 to index
      %get3A_2681 = arith.constant 32 : index
      %get3A_2682 = tpu.vector_load %arg9[%get3A_2680, %get3A_2681] {strides = array<i32>} : memref<16x64xf32, #tpu.memory_space<vmem>>, vector<16xf32>,
      %get3A_2683 = arith.constant 5 : i32
      %get3A_2684 = arith.index_cast %get3A_2683 : i32 to index
      %get3A_2685 = arith.constant 32 : index
      %get3A_2686 = tpu.vector_load %arg10[%get3A_2684, %get3A_2685] {strides = array<i32>} : memref<16x64xf32, #tpu.memory_space<vmem>>, vector<16xf32>,
      %sub3A_2687 = arith.subf %get3A_2682, %get3A_2686 : vector<16xf32>
      %mul3A_2688 = arith.mulf %div3A_2678, %sub3A_2687 : vector<16xf32>
      %add3A_2689 = arith.addf %add3A_2659, %mul3A_2688 : vector<16xf32>
      %get3A_2690 = arith.constant 5 : i32
      %get3A_2691 = arith.index_cast %get3A_2690 : i32 to index
      %get3A_2692 = arith.constant 48 : index
      %get3A_2693 = tpu.vector_load %arg11[%get3A_2691, %get3A_2692] {strides = array<i32>} : memref<16x64xf32, #tpu.memory_space<vmem>>, vector<16xf32>,
      %get3A_2694 = arith.constant 5 : i32
      %get3A_2695 = arith.index_cast %get3A_2694 : i32 to index
      %get3A_2696 = arith.constant 48 : index
      %get3A_2697 = tpu.vector_load %arg12[%get3A_2695, %get3A_2696] {strides = array<i32>} : memref<16x64xf32, #tpu.memory_space<vmem>>, vector<16xf32>,
      %add3A_2698 = arith.addf %get3A_2693, %get3A_2697 : vector<16xf32>
      %neg3A_2699 = arith.constant 0.000000e+00 : f32
      %neg3A_2700 = vector.broadcast %neg3A_2699 : f32 to vector<16xf32>
      %neg3A_2701 = arith.subf %neg3A_2700, %add3A_2698 : vector<16xf32>
      %exp3A_2702 = math.exp %neg3A_2701 : vector<16xf32>
      %add3A_2703 = arith.constant 1.000000e+00 : f32
      %add3A_2704 = vector.broadcast %add3A_2703 : f32 to vector<16xf32>
      %add3A_2705 = arith.addf %add3A_2704, %exp3A_2702 : vector<16xf32>
      %div3A_2706 = arith.constant 1.000000e+00 : f32
      %div3A_2707 = vector.broadcast %div3A_2706 : f32 to vector<16xf32>
      %div3A_2708 = arith.divf %div3A_2707, %add3A_2705 : vector<16xf32>
      %get3A_2709 = arith.constant 5 : i32
      %get3A_2710 = arith.index_cast %get3A_2709 : i32 to index
      %get3A_2711 = arith.constant 48 : index
      %get3A_2712 = tpu.vector_load %arg9[%get3A_2710, %get3A_2711] {strides = array<i32>} : memref<16x64xf32, #tpu.memory_space<vmem>>, vector<16xf32>,
      %get3A_2713 = arith.constant 5 : i32
      %get3A_2714 = arith.index_cast %get3A_2713 : i32 to index
      %get3A_2715 = arith.constant 48 : index
      %get3A_2716 = tpu.vector_load %arg10[%get3A_2714, %get3A_2715] {strides = array<i32>} : memref<16x64xf32, #tpu.memory_space<vmem>>, vector<16xf32>,
      %sub3A_2717 = arith.subf %get3A_2712, %get3A_2716 : vector<16xf32>
      %mul3A_2718 = arith.mulf %div3A_2708, %sub3A_2717 : vector<16xf32>
      %add3A_2719 = arith.addf %add3A_2689, %mul3A_2718 : vector<16xf32>
      %eq3A_2720 = arith.constant 5 : i32
      %eq3A_2721 = vector.broadcast %eq3A_2720 : i32 to vector<16xi32>
      %eq3A_2722 = arith.cmpi eq, %iota3A, %eq3A_2721 : vector<16xi32>
      %reduce_sum3A_2723 = arith.constant true
      %reduce_sum3A_2724 = vector.broadcast %reduce_sum3A_2723 : i1 to vector<16xi1>
      %reduce_sum3A_2725 = tpu.scan <sum>, %add3A_2719 masked %reduce_sum3A_2724 : vector<16xf32>, vector<16xi1> -> vector<16xf32>
      %reduce_sum3A_2726 = vector.extract %reduce_sum3A_2725[15] : f32 from vector<16xf32>
      %broadcast_in_dim3A_2727 = vector.broadcast %reduce_sum3A_2726 : f32 to vector<16xf32>
      %select_n3A_2728 = arith.select %eq3A_2722, %broadcast_in_dim3A_2727, %select_n3A_2597 : vector<16xi1>, vector<16xf32>
      %broadcast_in_dim3A_2729 = arith.constant 0.000000e+00 : f32
      %broadcast_in_dim3A_2730 = vector.broadcast %broadcast_in_dim3A_2729 : f32 to vector<16xf32>
      %get3A_2731 = arith.constant 6 : i32
      %get3A_2732 = arith.index_cast %get3A_2731 : i32 to index
      %get3A_2733 = arith.constant 0 : index
      %get3A_2734 = tpu.vector_load %arg11[%get3A_2732, %get3A_2733] {strides = array<i32>} : memref<16x64xf32, #tpu.memory_space<vmem>>, vector<16xf32>,
      %get3A_2735 = arith.constant 6 : i32
      %get3A_2736 = arith.index_cast %get3A_2735 : i32 to index
      %get3A_2737 = arith.constant 0 : index
      %get3A_2738 = tpu.vector_load %arg12[%get3A_2736, %get3A_2737] {strides = array<i32>} : memref<16x64xf32, #tpu.memory_space<vmem>>, vector<16xf32>,
      %add3A_2739 = arith.addf %get3A_2734, %get3A_2738 : vector<16xf32>
      %neg3A_2740 = arith.constant 0.000000e+00 : f32
      %neg3A_2741 = vector.broadcast %neg3A_2740 : f32 to vector<16xf32>
      %neg3A_2742 = arith.subf %neg3A_2741, %add3A_2739 : vector<16xf32>
      %exp3A_2743 = math.exp %neg3A_2742 : vector<16xf32>
      %add3A_2744 = arith.constant 1.000000e+00 : f32
      %add3A_2745 = vector.broadcast %add3A_2744 : f32 to vector<16xf32>
      %add3A_2746 = arith.addf %add3A_2745, %exp3A_2743 : vector<16xf32>
      %div3A_2747 = arith.constant 1.000000e+00 : f32
      %div3A_2748 = vector.broadcast %div3A_2747 : f32 to vector<16xf32>
      %div3A_2749 = arith.divf %div3A_2748, %add3A_2746 : vector<16xf32>
      %get3A_2750 = arith.constant 6 : i32
      %get3A_2751 = arith.index_cast %get3A_2750 : i32 to index
      %get3A_2752 = arith.constant 0 : index
      %get3A_2753 = tpu.vector_load %arg9[%get3A_2751, %get3A_2752] {strides = array<i32>} : memref<16x64xf32, #tpu.memory_space<vmem>>, vector<16xf32>,
      %get3A_2754 = arith.constant 6 : i32
      %get3A_2755 = arith.index_cast %get3A_2754 : i32 to index
      %get3A_2756 = arith.constant 0 : index
      %get3A_2757 = tpu.vector_load %arg10[%get3A_2755, %get3A_2756] {strides = array<i32>} : memref<16x64xf32, #tpu.memory_space<vmem>>, vector<16xf32>,
      %sub3A_2758 = arith.subf %get3A_2753, %get3A_2757 : vector<16xf32>
      %mul3A_2759 = arith.mulf %div3A_2749, %sub3A_2758 : vector<16xf32>
      %add3A_2760 = arith.addf %broadcast_in_dim3A_2730, %mul3A_2759 : vector<16xf32>
      %get3A_2761 = arith.constant 6 : i32
      %get3A_2762 = arith.index_cast %get3A_2761 : i32 to index
      %get3A_2763 = arith.constant 16 : index
      %get3A_2764 = tpu.vector_load %arg11[%get3A_2762, %get3A_2763] {strides = array<i32>} : memref<16x64xf32, #tpu.memory_space<vmem>>, vector<16xf32>,
      %get3A_2765 = arith.constant 6 : i32
      %get3A_2766 = arith.index_cast %get3A_2765 : i32 to index
      %get3A_2767 = arith.constant 16 : index
      %get3A_2768 = tpu.vector_load %arg12[%get3A_2766, %get3A_2767] {strides = array<i32>} : memref<16x64xf32, #tpu.memory_space<vmem>>, vector<16xf32>,
      %add3A_2769 = arith.addf %get3A_2764, %get3A_2768 : vector<16xf32>
      %neg3A_2770 = arith.constant 0.000000e+00 : f32
      %neg3A_2771 = vector.broadcast %neg3A_2770 : f32 to vector<16xf32>
      %neg3A_2772 = arith.subf %neg3A_2771, %add3A_2769 : vector<16xf32>
      %exp3A_2773 = math.exp %neg3A_2772 : vector<16xf32>
      %add3A_2774 = arith.constant 1.000000e+00 : f32
      %add3A_2775 = vector.broadcast %add3A_2774 : f32 to vector<16xf32>
      %add3A_2776 = arith.addf %add3A_2775, %exp3A_2773 : vector<16xf32>
      %div3A_2777 = arith.constant 1.000000e+00 : f32
      %div3A_2778 = vector.broadcast %div3A_2777 : f32 to vector<16xf32>
      %div3A_2779 = arith.divf %div3A_2778, %add3A_2776 : vector<16xf32>
      %get3A_2780 = arith.constant 6 : i32
      %get3A_2781 = arith.index_cast %get3A_2780 : i32 to index
      %get3A_2782 = arith.constant 16 : index
      %get3A_2783 = tpu.vector_load %arg9[%get3A_2781, %get3A_2782] {strides = array<i32>} : memref<16x64xf32, #tpu.memory_space<vmem>>, vector<16xf32>,
      %get3A_2784 = arith.constant 6 : i32
      %get3A_2785 = arith.index_cast %get3A_2784 : i32 to index
      %get3A_2786 = arith.constant 16 : index
      %get3A_2787 = tpu.vector_load %arg10[%get3A_2785, %get3A_2786] {strides = array<i32>} : memref<16x64xf32, #tpu.memory_space<vmem>>, vector<16xf32>,
      %sub3A_2788 = arith.subf %get3A_2783, %get3A_2787 : vector<16xf32>
      %mul3A_2789 = arith.mulf %div3A_2779, %sub3A_2788 : vector<16xf32>
      %add3A_2790 = arith.addf %add3A_2760, %mul3A_2789 : vector<16xf32>
      %get3A_2791 = arith.constant 6 : i32
      %get3A_2792 = arith.index_cast %get3A_2791 : i32 to index
      %get3A_2793 = arith.constant 32 : index
      %get3A_2794 = tpu.vector_load %arg11[%get3A_2792, %get3A_2793] {strides = array<i32>} : memref<16x64xf32, #tpu.memory_space<vmem>>, vector<16xf32>,
      %get3A_2795 = arith.constant 6 : i32
      %get3A_2796 = arith.index_cast %get3A_2795 : i32 to index
      %get3A_2797 = arith.constant 32 : index
      %get3A_2798 = tpu.vector_load %arg12[%get3A_2796, %get3A_2797] {strides = array<i32>} : memref<16x64xf32, #tpu.memory_space<vmem>>, vector<16xf32>,
      %add3A_2799 = arith.addf %get3A_2794, %get3A_2798 : vector<16xf32>
      %neg3A_2800 = arith.constant 0.000000e+00 : f32
      %neg3A_2801 = vector.broadcast %neg3A_2800 : f32 to vector<16xf32>
      %neg3A_2802 = arith.subf %neg3A_2801, %add3A_2799 : vector<16xf32>
      %exp3A_2803 = math.exp %neg3A_2802 : vector<16xf32>
      %add3A_2804 = arith.constant 1.000000e+00 : f32
      %add3A_2805 = vector.broadcast %add3A_2804 : f32 to vector<16xf32>
      %add3A_2806 = arith.addf %add3A_2805, %exp3A_2803 : vector<16xf32>
      %div3A_2807 = arith.constant 1.000000e+00 : f32
      %div3A_2808 = vector.broadcast %div3A_2807 : f32 to vector<16xf32>
      %div3A_2809 = arith.divf %div3A_2808, %add3A_2806 : vector<16xf32>
      %get3A_2810 = arith.constant 6 : i32
      %get3A_2811 = arith.index_cast %get3A_2810 : i32 to index
      %get3A_2812 = arith.constant 32 : index
      %get3A_2813 = tpu.vector_load %arg9[%get3A_2811, %get3A_2812] {strides = array<i32>} : memref<16x64xf32, #tpu.memory_space<vmem>>, vector<16xf32>,
      %get3A_2814 = arith.constant 6 : i32
      %get3A_2815 = arith.index_cast %get3A_2814 : i32 to index
      %get3A_2816 = arith.constant 32 : index
      %get3A_2817 = tpu.vector_load %arg10[%get3A_2815, %get3A_2816] {strides = array<i32>} : memref<16x64xf32, #tpu.memory_space<vmem>>, vector<16xf32>,
      %sub3A_2818 = arith.subf %get3A_2813, %get3A_2817 : vector<16xf32>
      %mul3A_2819 = arith.mulf %div3A_2809, %sub3A_2818 : vector<16xf32>
      %add3A_2820 = arith.addf %add3A_2790, %mul3A_2819 : vector<16xf32>
      %get3A_2821 = arith.constant 6 : i32
      %get3A_2822 = arith.index_cast %get3A_2821 : i32 to index
      %get3A_2823 = arith.constant 48 : index
      %get3A_2824 = tpu.vector_load %arg11[%get3A_2822, %get3A_2823] {strides = array<i32>} : memref<16x64xf32, #tpu.memory_space<vmem>>, vector<16xf32>,
      %get3A_2825 = arith.constant 6 : i32
      %get3A_2826 = arith.index_cast %get3A_2825 : i32 to index
      %get3A_2827 = arith.constant 48 : index
      %get3A_2828 = tpu.vector_load %arg12[%get3A_2826, %get3A_2827] {strides = array<i32>} : memref<16x64xf32, #tpu.memory_space<vmem>>, vector<16xf32>,
      %add3A_2829 = arith.addf %get3A_2824, %get3A_2828 : vector<16xf32>
      %neg3A_2830 = arith.constant 0.000000e+00 : f32
      %neg3A_2831 = vector.broadcast %neg3A_2830 : f32 to vector<16xf32>
      %neg3A_2832 = arith.subf %neg3A_2831, %add3A_2829 : vector<16xf32>
      %exp3A_2833 = math.exp %neg3A_2832 : vector<16xf32>
      %add3A_2834 = arith.constant 1.000000e+00 : f32
      %add3A_2835 = vector.broadcast %add3A_2834 : f32 to vector<16xf32>
      %add3A_2836 = arith.addf %add3A_2835, %exp3A_2833 : vector<16xf32>
      %div3A_2837 = arith.constant 1.000000e+00 : f32
      %div3A_2838 = vector.broadcast %div3A_2837 : f32 to vector<16xf32>
      %div3A_2839 = arith.divf %div3A_2838, %add3A_2836 : vector<16xf32>
      %get3A_2840 = arith.constant 6 : i32
      %get3A_2841 = arith.index_cast %get3A_2840 : i32 to index
      %get3A_2842 = arith.constant 48 : index
      %get3A_2843 = tpu.vector_load %arg9[%get3A_2841, %get3A_2842] {strides = array<i32>} : memref<16x64xf32, #tpu.memory_space<vmem>>, vector<16xf32>,
      %get3A_2844 = arith.constant 6 : i32
      %get3A_2845 = arith.index_cast %get3A_2844 : i32 to index
      %get3A_2846 = arith.constant 48 : index
      %get3A_2847 = tpu.vector_load %arg10[%get3A_2845, %get3A_2846] {strides = array<i32>} : memref<16x64xf32, #tpu.memory_space<vmem>>, vector<16xf32>,
      %sub3A_2848 = arith.subf %get3A_2843, %get3A_2847 : vector<16xf32>
      %mul3A_2849 = arith.mulf %div3A_2839, %sub3A_2848 : vector<16xf32>
      %add3A_2850 = arith.addf %add3A_2820, %mul3A_2849 : vector<16xf32>
      %eq3A_2851 = arith.constant 6 : i32
      %eq3A_2852 = vector.broadcast %eq3A_2851 : i32 to vector<16xi32>
      %eq3A_2853 = arith.cmpi eq, %iota3A, %eq3A_2852 : vector<16xi32>
      %reduce_sum3A_2854 = arith.constant true
      %reduce_sum3A_2855 = vector.broadcast %reduce_sum3A_2854 : i1 to vector<16xi1>
      %reduce_sum3A_2856 = tpu.scan <sum>, %add3A_2850 masked %reduce_sum3A_2855 : vector<16xf32>, vector<16xi1> -> vector<16xf32>
      %reduce_sum3A_2857 = vector.extract %reduce_sum3A_2856[15] : f32 from vector<16xf32>
      %broadcast_in_dim3A_2858 = vector.broadcast %reduce_sum3A_2857 : f32 to vector<16xf32>
      %select_n3A_2859 = arith.select %eq3A_2853, %broadcast_in_dim3A_2858, %select_n3A_2728 : vector<16xi1>, vector<16xf32>
      %broadcast_in_dim3A_2860 = arith.constant 0.000000e+00 : f32
      %broadcast_in_dim3A_2861 = vector.broadcast %broadcast_in_dim3A_2860 : f32 to vector<16xf32>
      %get3A_2862 = arith.constant 7 : i32
      %get3A_2863 = arith.index_cast %get3A_2862 : i32 to index
      %get3A_2864 = arith.constant 0 : index
      %get3A_2865 = tpu.vector_load %arg11[%get3A_2863, %get3A_2864] {strides = array<i32>} : memref<16x64xf32, #tpu.memory_space<vmem>>, vector<16xf32>,
      %get3A_2866 = arith.constant 7 : i32
      %get3A_2867 = arith.index_cast %get3A_2866 : i32 to index
      %get3A_2868 = arith.constant 0 : index
      %get3A_2869 = tpu.vector_load %arg12[%get3A_2867, %get3A_2868] {strides = array<i32>} : memref<16x64xf32, #tpu.memory_space<vmem>>, vector<16xf32>,
      %add3A_2870 = arith.addf %get3A_2865, %get3A_2869 : vector<16xf32>
      %neg3A_2871 = arith.constant 0.000000e+00 : f32
      %neg3A_2872 = vector.broadcast %neg3A_2871 : f32 to vector<16xf32>
      %neg3A_2873 = arith.subf %neg3A_2872, %add3A_2870 : vector<16xf32>
      %exp3A_2874 = math.exp %neg3A_2873 : vector<16xf32>
      %add3A_2875 = arith.constant 1.000000e+00 : f32
      %add3A_2876 = vector.broadcast %add3A_2875 : f32 to vector<16xf32>
      %add3A_2877 = arith.addf %add3A_2876, %exp3A_2874 : vector<16xf32>
      %div3A_2878 = arith.constant 1.000000e+00 : f32
      %div3A_2879 = vector.broadcast %div3A_2878 : f32 to vector<16xf32>
      %div3A_2880 = arith.divf %div3A_2879, %add3A_2877 : vector<16xf32>
      %get3A_2881 = arith.constant 7 : i32
      %get3A_2882 = arith.index_cast %get3A_2881 : i32 to index
      %get3A_2883 = arith.constant 0 : index
      %get3A_2884 = tpu.vector_load %arg9[%get3A_2882, %get3A_2883] {strides = array<i32>} : memref<16x64xf32, #tpu.memory_space<vmem>>, vector<16xf32>,
      %get3A_2885 = arith.constant 7 : i32
      %get3A_2886 = arith.index_cast %get3A_2885 : i32 to index
      %get3A_2887 = arith.constant 0 : index
      %get3A_2888 = tpu.vector_load %arg10[%get3A_2886, %get3A_2887] {strides = array<i32>} : memref<16x64xf32, #tpu.memory_space<vmem>>, vector<16xf32>,
      %sub3A_2889 = arith.subf %get3A_2884, %get3A_2888 : vector<16xf32>
      %mul3A_2890 = arith.mulf %div3A_2880, %sub3A_2889 : vector<16xf32>
      %add3A_2891 = arith.addf %broadcast_in_dim3A_2861, %mul3A_2890 : vector<16xf32>
      %get3A_2892 = arith.constant 7 : i32
      %get3A_2893 = arith.index_cast %get3A_2892 : i32 to index
      %get3A_2894 = arith.constant 16 : index
      %get3A_2895 = tpu.vector_load %arg11[%get3A_2893, %get3A_2894] {strides = array<i32>} : memref<16x64xf32, #tpu.memory_space<vmem>>, vector<16xf32>,
      %get3A_2896 = arith.constant 7 : i32
      %get3A_2897 = arith.index_cast %get3A_2896 : i32 to index
      %get3A_2898 = arith.constant 16 : index
      %get3A_2899 = tpu.vector_load %arg12[%get3A_2897, %get3A_2898] {strides = array<i32>} : memref<16x64xf32, #tpu.memory_space<vmem>>, vector<16xf32>,
      %add3A_2900 = arith.addf %get3A_2895, %get3A_2899 : vector<16xf32>
      %neg3A_2901 = arith.constant 0.000000e+00 : f32
      %neg3A_2902 = vector.broadcast %neg3A_2901 : f32 to vector<16xf32>
      %neg3A_2903 = arith.subf %neg3A_2902, %add3A_2900 : vector<16xf32>
      %exp3A_2904 = math.exp %neg3A_2903 : vector<16xf32>
      %add3A_2905 = arith.constant 1.000000e+00 : f32
      %add3A_2906 = vector.broadcast %add3A_2905 : f32 to vector<16xf32>
      %add3A_2907 = arith.addf %add3A_2906, %exp3A_2904 : vector<16xf32>
      %div3A_2908 = arith.constant 1.000000e+00 : f32
      %div3A_2909 = vector.broadcast %div3A_2908 : f32 to vector<16xf32>
      %div3A_2910 = arith.divf %div3A_2909, %add3A_2907 : vector<16xf32>
      %get3A_2911 = arith.constant 7 : i32
      %get3A_2912 = arith.index_cast %get3A_2911 : i32 to index
      %get3A_2913 = arith.constant 16 : index
      %get3A_2914 = tpu.vector_load %arg9[%get3A_2912, %get3A_2913] {strides = array<i32>} : memref<16x64xf32, #tpu.memory_space<vmem>>, vector<16xf32>,
      %get3A_2915 = arith.constant 7 : i32
      %get3A_2916 = arith.index_cast %get3A_2915 : i32 to index
      %get3A_2917 = arith.constant 16 : index
      %get3A_2918 = tpu.vector_load %arg10[%get3A_2916, %get3A_2917] {strides = array<i32>} : memref<16x64xf32, #tpu.memory_space<vmem>>, vector<16xf32>,
      %sub3A_2919 = arith.subf %get3A_2914, %get3A_2918 : vector<16xf32>
      %mul3A_2920 = arith.mulf %div3A_2910, %sub3A_2919 : vector<16xf32>
      %add3A_2921 = arith.addf %add3A_2891, %mul3A_2920 : vector<16xf32>
      %get3A_2922 = arith.constant 7 : i32
      %get3A_2923 = arith.index_cast %get3A_2922 : i32 to index
      %get3A_2924 = arith.constant 32 : index
      %get3A_2925 = tpu.vector_load %arg11[%get3A_2923, %get3A_2924] {strides = array<i32>} : memref<16x64xf32, #tpu.memory_space<vmem>>, vector<16xf32>,
      %get3A_2926 = arith.constant 7 : i32
      %get3A_2927 = arith.index_cast %get3A_2926 : i32 to index
      %get3A_2928 = arith.constant 32 : index
      %get3A_2929 = tpu.vector_load %arg12[%get3A_2927, %get3A_2928] {strides = array<i32>} : memref<16x64xf32, #tpu.memory_space<vmem>>, vector<16xf32>,
      %add3A_2930 = arith.addf %get3A_2925, %get3A_2929 : vector<16xf32>
      %neg3A_2931 = arith.constant 0.000000e+00 : f32
      %neg3A_2932 = vector.broadcast %neg3A_2931 : f32 to vector<16xf32>
      %neg3A_2933 = arith.subf %neg3A_2932, %add3A_2930 : vector<16xf32>
      %exp3A_2934 = math.exp %neg3A_2933 : vector<16xf32>
      %add3A_2935 = arith.constant 1.000000e+00 : f32
      %add3A_2936 = vector.broadcast %add3A_2935 : f32 to vector<16xf32>
      %add3A_2937 = arith.addf %add3A_2936, %exp3A_2934 : vector<16xf32>
      %div3A_2938 = arith.constant 1.000000e+00 : f32
      %div3A_2939 = vector.broadcast %div3A_2938 : f32 to vector<16xf32>
      %div3A_2940 = arith.divf %div3A_2939, %add3A_2937 : vector<16xf32>
      %get3A_2941 = arith.constant 7 : i32
      %get3A_2942 = arith.index_cast %get3A_2941 : i32 to index
      %get3A_2943 = arith.constant 32 : index
      %get3A_2944 = tpu.vector_load %arg9[%get3A_2942, %get3A_2943] {strides = array<i32>} : memref<16x64xf32, #tpu.memory_space<vmem>>, vector<16xf32>,
      %get3A_2945 = arith.constant 7 : i32
      %get3A_2946 = arith.index_cast %get3A_2945 : i32 to index
      %get3A_2947 = arith.constant 32 : index
      %get3A_2948 = tpu.vector_load %arg10[%get3A_2946, %get3A_2947] {strides = array<i32>} : memref<16x64xf32, #tpu.memory_space<vmem>>, vector<16xf32>,
      %sub3A_2949 = arith.subf %get3A_2944, %get3A_2948 : vector<16xf32>
      %mul3A_2950 = arith.mulf %div3A_2940, %sub3A_2949 : vector<16xf32>
      %add3A_2951 = arith.addf %add3A_2921, %mul3A_2950 : vector<16xf32>
      %get3A_2952 = arith.constant 7 : i32
      %get3A_2953 = arith.index_cast %get3A_2952 : i32 to index
      %get3A_2954 = arith.constant 48 : index
      %get3A_2955 = tpu.vector_load %arg11[%get3A_2953, %get3A_2954] {strides = array<i32>} : memref<16x64xf32, #tpu.memory_space<vmem>>, vector<16xf32>,
      %get3A_2956 = arith.constant 7 : i32
      %get3A_2957 = arith.index_cast %get3A_2956 : i32 to index
      %get3A_2958 = arith.constant 48 : index
      %get3A_2959 = tpu.vector_load %arg12[%get3A_2957, %get3A_2958] {strides = array<i32>} : memref<16x64xf32, #tpu.memory_space<vmem>>, vector<16xf32>,
      %add3A_2960 = arith.addf %get3A_2955, %get3A_2959 : vector<16xf32>
      %neg3A_2961 = arith.constant 0.000000e+00 : f32
      %neg3A_2962 = vector.broadcast %neg3A_2961 : f32 to vector<16xf32>
      %neg3A_2963 = arith.subf %neg3A_2962, %add3A_2960 : vector<16xf32>
      %exp3A_2964 = math.exp %neg3A_2963 : vector<16xf32>
      %add3A_2965 = arith.constant 1.000000e+00 : f32
      %add3A_2966 = vector.broadcast %add3A_2965 : f32 to vector<16xf32>
      %add3A_2967 = arith.addf %add3A_2966, %exp3A_2964 : vector<16xf32>
      %div3A_2968 = arith.constant 1.000000e+00 : f32
      %div3A_2969 = vector.broadcast %div3A_2968 : f32 to vector<16xf32>
      %div3A_2970 = arith.divf %div3A_2969, %add3A_2967 : vector<16xf32>
      %get3A_2971 = arith.constant 7 : i32
      %get3A_2972 = arith.index_cast %get3A_2971 : i32 to index
      %get3A_2973 = arith.constant 48 : index
      %get3A_2974 = tpu.vector_load %arg9[%get3A_2972, %get3A_2973] {strides = array<i32>} : memref<16x64xf32, #tpu.memory_space<vmem>>, vector<16xf32>,
      %get3A_2975 = arith.constant 7 : i32
      %get3A_2976 = arith.index_cast %get3A_2975 : i32 to index
      %get3A_2977 = arith.constant 48 : index
      %get3A_2978 = tpu.vector_load %arg10[%get3A_2976, %get3A_2977] {strides = array<i32>} : memref<16x64xf32, #tpu.memory_space<vmem>>, vector<16xf32>,
      %sub3A_2979 = arith.subf %get3A_2974, %get3A_2978 : vector<16xf32>
      %mul3A_2980 = arith.mulf %div3A_2970, %sub3A_2979 : vector<16xf32>
      %add3A_2981 = arith.addf %add3A_2951, %mul3A_2980 : vector<16xf32>
      %eq3A_2982 = arith.constant 7 : i32
      %eq3A_2983 = vector.broadcast %eq3A_2982 : i32 to vector<16xi32>
      %eq3A_2984 = arith.cmpi eq, %iota3A, %eq3A_2983 : vector<16xi32>
      %reduce_sum3A_2985 = arith.constant true
      %reduce_sum3A_2986 = vector.broadcast %reduce_sum3A_2985 : i1 to vector<16xi1>
      %reduce_sum3A_2987 = tpu.scan <sum>, %add3A_2981 masked %reduce_sum3A_2986 : vector<16xf32>, vector<16xi1> -> vector<16xf32>
      %reduce_sum3A_2988 = vector.extract %reduce_sum3A_2987[15] : f32 from vector<16xf32>
      %broadcast_in_dim3A_2989 = vector.broadcast %reduce_sum3A_2988 : f32 to vector<16xf32>
      %select_n3A_2990 = arith.select %eq3A_2984, %broadcast_in_dim3A_2989, %select_n3A_2859 : vector<16xi1>, vector<16xf32>
      %broadcast_in_dim3A_2991 = arith.constant 0.000000e+00 : f32
      %broadcast_in_dim3A_2992 = vector.broadcast %broadcast_in_dim3A_2991 : f32 to vector<16xf32>
      %get3A_2993 = arith.constant 8 : i32
      %get3A_2994 = arith.index_cast %get3A_2993 : i32 to index
      %get3A_2995 = arith.constant 0 : index
      %get3A_2996 = tpu.vector_load %arg11[%get3A_2994, %get3A_2995] {strides = array<i32>} : memref<16x64xf32, #tpu.memory_space<vmem>>, vector<16xf32>,
      %get3A_2997 = arith.constant 8 : i32
      %get3A_2998 = arith.index_cast %get3A_2997 : i32 to index
      %get3A_2999 = arith.constant 0 : index
      %get3A_3000 = tpu.vector_load %arg12[%get3A_2998, %get3A_2999] {strides = array<i32>} : memref<16x64xf32, #tpu.memory_space<vmem>>, vector<16xf32>,
      %add3A_3001 = arith.addf %get3A_2996, %get3A_3000 : vector<16xf32>
      %neg3A_3002 = arith.constant 0.000000e+00 : f32
      %neg3A_3003 = vector.broadcast %neg3A_3002 : f32 to vector<16xf32>
      %neg3A_3004 = arith.subf %neg3A_3003, %add3A_3001 : vector<16xf32>
      %exp3A_3005 = math.exp %neg3A_3004 : vector<16xf32>
      %add3A_3006 = arith.constant 1.000000e+00 : f32
      %add3A_3007 = vector.broadcast %add3A_3006 : f32 to vector<16xf32>
      %add3A_3008 = arith.addf %add3A_3007, %exp3A_3005 : vector<16xf32>
      %div3A_3009 = arith.constant 1.000000e+00 : f32
      %div3A_3010 = vector.broadcast %div3A_3009 : f32 to vector<16xf32>
      %div3A_3011 = arith.divf %div3A_3010, %add3A_3008 : vector<16xf32>
      %get3A_3012 = arith.constant 8 : i32
      %get3A_3013 = arith.index_cast %get3A_3012 : i32 to index
      %get3A_3014 = arith.constant 0 : index
      %get3A_3015 = tpu.vector_load %arg9[%get3A_3013, %get3A_3014] {strides = array<i32>} : memref<16x64xf32, #tpu.memory_space<vmem>>, vector<16xf32>,
      %get3A_3016 = arith.constant 8 : i32
      %get3A_3017 = arith.index_cast %get3A_3016 : i32 to index
      %get3A_3018 = arith.constant 0 : index
      %get3A_3019 = tpu.vector_load %arg10[%get3A_3017, %get3A_3018] {strides = array<i32>} : memref<16x64xf32, #tpu.memory_space<vmem>>, vector<16xf32>,
      %sub3A_3020 = arith.subf %get3A_3015, %get3A_3019 : vector<16xf32>
      %mul3A_3021 = arith.mulf %div3A_3011, %sub3A_3020 : vector<16xf32>
      %add3A_3022 = arith.addf %broadcast_in_dim3A_2992, %mul3A_3021 : vector<16xf32>
      %get3A_3023 = arith.constant 8 : i32
      %get3A_3024 = arith.index_cast %get3A_3023 : i32 to index
      %get3A_3025 = arith.constant 16 : index
      %get3A_3026 = tpu.vector_load %arg11[%get3A_3024, %get3A_3025] {strides = array<i32>} : memref<16x64xf32, #tpu.memory_space<vmem>>, vector<16xf32>,
      %get3A_3027 = arith.constant 8 : i32
      %get3A_3028 = arith.index_cast %get3A_3027 : i32 to index
      %get3A_3029 = arith.constant 16 : index
      %get3A_3030 = tpu.vector_load %arg12[%get3A_3028, %get3A_3029] {strides = array<i32>} : memref<16x64xf32, #tpu.memory_space<vmem>>, vector<16xf32>,
      %add3A_3031 = arith.addf %get3A_3026, %get3A_3030 : vector<16xf32>
      %neg3A_3032 = arith.constant 0.000000e+00 : f32
      %neg3A_3033 = vector.broadcast %neg3A_3032 : f32 to vector<16xf32>
      %neg3A_3034 = arith.subf %neg3A_3033, %add3A_3031 : vector<16xf32>
      %exp3A_3035 = math.exp %neg3A_3034 : vector<16xf32>
      %add3A_3036 = arith.constant 1.000000e+00 : f32
      %add3A_3037 = vector.broadcast %add3A_3036 : f32 to vector<16xf32>
      %add3A_3038 = arith.addf %add3A_3037, %exp3A_3035 : vector<16xf32>
      %div3A_3039 = arith.constant 1.000000e+00 : f32
      %div3A_3040 = vector.broadcast %div3A_3039 : f32 to vector<16xf32>
      %div3A_3041 = arith.divf %div3A_3040, %add3A_3038 : vector<16xf32>
      %get3A_3042 = arith.constant 8 : i32
      %get3A_3043 = arith.index_cast %get3A_3042 : i32 to index
      %get3A_3044 = arith.constant 16 : index
      %get3A_3045 = tpu.vector_load %arg9[%get3A_3043, %get3A_3044] {strides = array<i32>} : memref<16x64xf32, #tpu.memory_space<vmem>>, vector<16xf32>,
      %get3A_3046 = arith.constant 8 : i32
      %get3A_3047 = arith.index_cast %get3A_3046 : i32 to index
      %get3A_3048 = arith.constant 16 : index
      %get3A_3049 = tpu.vector_load %arg10[%get3A_3047, %get3A_3048] {strides = array<i32>} : memref<16x64xf32, #tpu.memory_space<vmem>>, vector<16xf32>,
      %sub3A_3050 = arith.subf %get3A_3045, %get3A_3049 : vector<16xf32>
      %mul3A_3051 = arith.mulf %div3A_3041, %sub3A_3050 : vector<16xf32>
      %add3A_3052 = arith.addf %add3A_3022, %mul3A_3051 : vector<16xf32>
      %get3A_3053 = arith.constant 8 : i32
      %get3A_3054 = arith.index_cast %get3A_3053 : i32 to index
      %get3A_3055 = arith.constant 32 : index
      %get3A_3056 = tpu.vector_load %arg11[%get3A_3054, %get3A_3055] {strides = array<i32>} : memref<16x64xf32, #tpu.memory_space<vmem>>, vector<16xf32>,
      %get3A_3057 = arith.constant 8 : i32
      %get3A_3058 = arith.index_cast %get3A_3057 : i32 to index
      %get3A_3059 = arith.constant 32 : index
      %get3A_3060 = tpu.vector_load %arg12[%get3A_3058, %get3A_3059] {strides = array<i32>} : memref<16x64xf32, #tpu.memory_space<vmem>>, vector<16xf32>,
      %add3A_3061 = arith.addf %get3A_3056, %get3A_3060 : vector<16xf32>
      %neg3A_3062 = arith.constant 0.000000e+00 : f32
      %neg3A_3063 = vector.broadcast %neg3A_3062 : f32 to vector<16xf32>
      %neg3A_3064 = arith.subf %neg3A_3063, %add3A_3061 : vector<16xf32>
      %exp3A_3065 = math.exp %neg3A_3064 : vector<16xf32>
      %add3A_3066 = arith.constant 1.000000e+00 : f32
      %add3A_3067 = vector.broadcast %add3A_3066 : f32 to vector<16xf32>
      %add3A_3068 = arith.addf %add3A_3067, %exp3A_3065 : vector<16xf32>
      %div3A_3069 = arith.constant 1.000000e+00 : f32
      %div3A_3070 = vector.broadcast %div3A_3069 : f32 to vector<16xf32>
      %div3A_3071 = arith.divf %div3A_3070, %add3A_3068 : vector<16xf32>
      %get3A_3072 = arith.constant 8 : i32
      %get3A_3073 = arith.index_cast %get3A_3072 : i32 to index
      %get3A_3074 = arith.constant 32 : index
      %get3A_3075 = tpu.vector_load %arg9[%get3A_3073, %get3A_3074] {strides = array<i32>} : memref<16x64xf32, #tpu.memory_space<vmem>>, vector<16xf32>,
      %get3A_3076 = arith.constant 8 : i32
      %get3A_3077 = arith.index_cast %get3A_3076 : i32 to index
      %get3A_3078 = arith.constant 32 : index
      %get3A_3079 = tpu.vector_load %arg10[%get3A_3077, %get3A_3078] {strides = array<i32>} : memref<16x64xf32, #tpu.memory_space<vmem>>, vector<16xf32>,
      %sub3A_3080 = arith.subf %get3A_3075, %get3A_3079 : vector<16xf32>
      %mul3A_3081 = arith.mulf %div3A_3071, %sub3A_3080 : vector<16xf32>
      %add3A_3082 = arith.addf %add3A_3052, %mul3A_3081 : vector<16xf32>
      %get3A_3083 = arith.constant 8 : i32
      %get3A_3084 = arith.index_cast %get3A_3083 : i32 to index
      %get3A_3085 = arith.constant 48 : index
      %get3A_3086 = tpu.vector_load %arg11[%get3A_3084, %get3A_3085] {strides = array<i32>} : memref<16x64xf32, #tpu.memory_space<vmem>>, vector<16xf32>,
      %get3A_3087 = arith.constant 8 : i32
      %get3A_3088 = arith.index_cast %get3A_3087 : i32 to index
      %get3A_3089 = arith.constant 48 : index
      %get3A_3090 = tpu.vector_load %arg12[%get3A_3088, %get3A_3089] {strides = array<i32>} : memref<16x64xf32, #tpu.memory_space<vmem>>, vector<16xf32>,
      %add3A_3091 = arith.addf %get3A_3086, %get3A_3090 : vector<16xf32>
      %neg3A_3092 = arith.constant 0.000000e+00 : f32
      %neg3A_3093 = vector.broadcast %neg3A_3092 : f32 to vector<16xf32>
      %neg3A_3094 = arith.subf %neg3A_3093, %add3A_3091 : vector<16xf32>
      %exp3A_3095 = math.exp %neg3A_3094 : vector<16xf32>
      %add3A_3096 = arith.constant 1.000000e+00 : f32
      %add3A_3097 = vector.broadcast %add3A_3096 : f32 to vector<16xf32>
      %add3A_3098 = arith.addf %add3A_3097, %exp3A_3095 : vector<16xf32>
      %div3A_3099 = arith.constant 1.000000e+00 : f32
      %div3A_3100 = vector.broadcast %div3A_3099 : f32 to vector<16xf32>
      %div3A_3101 = arith.divf %div3A_3100, %add3A_3098 : vector<16xf32>
      %get3A_3102 = arith.constant 8 : i32
      %get3A_3103 = arith.index_cast %get3A_3102 : i32 to index
      %get3A_3104 = arith.constant 48 : index
      %get3A_3105 = tpu.vector_load %arg9[%get3A_3103, %get3A_3104] {strides = array<i32>} : memref<16x64xf32, #tpu.memory_space<vmem>>, vector<16xf32>,
      %get3A_3106 = arith.constant 8 : i32
      %get3A_3107 = arith.index_cast %get3A_3106 : i32 to index
      %get3A_3108 = arith.constant 48 : index
      %get3A_3109 = tpu.vector_load %arg10[%get3A_3107, %get3A_3108] {strides = array<i32>} : memref<16x64xf32, #tpu.memory_space<vmem>>, vector<16xf32>,
      %sub3A_3110 = arith.subf %get3A_3105, %get3A_3109 : vector<16xf32>
      %mul3A_3111 = arith.mulf %div3A_3101, %sub3A_3110 : vector<16xf32>
      %add3A_3112 = arith.addf %add3A_3082, %mul3A_3111 : vector<16xf32>
      %eq3A_3113 = arith.constant 8 : i32
      %eq3A_3114 = vector.broadcast %eq3A_3113 : i32 to vector<16xi32>
      %eq3A_3115 = arith.cmpi eq, %iota3A, %eq3A_3114 : vector<16xi32>
      %reduce_sum3A_3116 = arith.constant true
      %reduce_sum3A_3117 = vector.broadcast %reduce_sum3A_3116 : i1 to vector<16xi1>
      %reduce_sum3A_3118 = tpu.scan <sum>, %add3A_3112 masked %reduce_sum3A_3117 : vector<16xf32>, vector<16xi1> -> vector<16xf32>
      %reduce_sum3A_3119 = vector.extract %reduce_sum3A_3118[15] : f32 from vector<16xf32>
      %broadcast_in_dim3A_3120 = vector.broadcast %reduce_sum3A_3119 : f32 to vector<16xf32>
      %select_n3A_3121 = arith.select %eq3A_3115, %broadcast_in_dim3A_3120, %select_n3A_2990 : vector<16xi1>, vector<16xf32>
      %broadcast_in_dim3A_3122 = arith.constant 0.000000e+00 : f32
      %broadcast_in_dim3A_3123 = vector.broadcast %broadcast_in_dim3A_3122 : f32 to vector<16xf32>
      %get3A_3124 = arith.constant 9 : i32
      %get3A_3125 = arith.index_cast %get3A_3124 : i32 to index
      %get3A_3126 = arith.constant 0 : index
      %get3A_3127 = tpu.vector_load %arg11[%get3A_3125, %get3A_3126] {strides = array<i32>} : memref<16x64xf32, #tpu.memory_space<vmem>>, vector<16xf32>,
      %get3A_3128 = arith.constant 9 : i32
      %get3A_3129 = arith.index_cast %get3A_3128 : i32 to index
      %get3A_3130 = arith.constant 0 : index
      %get3A_3131 = tpu.vector_load %arg12[%get3A_3129, %get3A_3130] {strides = array<i32>} : memref<16x64xf32, #tpu.memory_space<vmem>>, vector<16xf32>,
      %add3A_3132 = arith.addf %get3A_3127, %get3A_3131 : vector<16xf32>
      %neg3A_3133 = arith.constant 0.000000e+00 : f32
      %neg3A_3134 = vector.broadcast %neg3A_3133 : f32 to vector<16xf32>
      %neg3A_3135 = arith.subf %neg3A_3134, %add3A_3132 : vector<16xf32>
      %exp3A_3136 = math.exp %neg3A_3135 : vector<16xf32>
      %add3A_3137 = arith.constant 1.000000e+00 : f32
      %add3A_3138 = vector.broadcast %add3A_3137 : f32 to vector<16xf32>
      %add3A_3139 = arith.addf %add3A_3138, %exp3A_3136 : vector<16xf32>
      %div3A_3140 = arith.constant 1.000000e+00 : f32
      %div3A_3141 = vector.broadcast %div3A_3140 : f32 to vector<16xf32>
      %div3A_3142 = arith.divf %div3A_3141, %add3A_3139 : vector<16xf32>
      %get3A_3143 = arith.constant 9 : i32
      %get3A_3144 = arith.index_cast %get3A_3143 : i32 to index
      %get3A_3145 = arith.constant 0 : index
      %get3A_3146 = tpu.vector_load %arg9[%get3A_3144, %get3A_3145] {strides = array<i32>} : memref<16x64xf32, #tpu.memory_space<vmem>>, vector<16xf32>,
      %get3A_3147 = arith.constant 9 : i32
      %get3A_3148 = arith.index_cast %get3A_3147 : i32 to index
      %get3A_3149 = arith.constant 0 : index
      %get3A_3150 = tpu.vector_load %arg10[%get3A_3148, %get3A_3149] {strides = array<i32>} : memref<16x64xf32, #tpu.memory_space<vmem>>, vector<16xf32>,
      %sub3A_3151 = arith.subf %get3A_3146, %get3A_3150 : vector<16xf32>
      %mul3A_3152 = arith.mulf %div3A_3142, %sub3A_3151 : vector<16xf32>
      %add3A_3153 = arith.addf %broadcast_in_dim3A_3123, %mul3A_3152 : vector<16xf32>
      %get3A_3154 = arith.constant 9 : i32
      %get3A_3155 = arith.index_cast %get3A_3154 : i32 to index
      %get3A_3156 = arith.constant 16 : index
      %get3A_3157 = tpu.vector_load %arg11[%get3A_3155, %get3A_3156] {strides = array<i32>} : memref<16x64xf32, #tpu.memory_space<vmem>>, vector<16xf32>,
      %get3A_3158 = arith.constant 9 : i32
      %get3A_3159 = arith.index_cast %get3A_3158 : i32 to index
      %get3A_3160 = arith.constant 16 : index
      %get3A_3161 = tpu.vector_load %arg12[%get3A_3159, %get3A_3160] {strides = array<i32>} : memref<16x64xf32, #tpu.memory_space<vmem>>, vector<16xf32>,
      %add3A_3162 = arith.addf %get3A_3157, %get3A_3161 : vector<16xf32>
      %neg3A_3163 = arith.constant 0.000000e+00 : f32
      %neg3A_3164 = vector.broadcast %neg3A_3163 : f32 to vector<16xf32>
      %neg3A_3165 = arith.subf %neg3A_3164, %add3A_3162 : vector<16xf32>
      %exp3A_3166 = math.exp %neg3A_3165 : vector<16xf32>
      %add3A_3167 = arith.constant 1.000000e+00 : f32
      %add3A_3168 = vector.broadcast %add3A_3167 : f32 to vector<16xf32>
      %add3A_3169 = arith.addf %add3A_3168, %exp3A_3166 : vector<16xf32>
      %div3A_3170 = arith.constant 1.000000e+00 : f32
      %div3A_3171 = vector.broadcast %div3A_3170 : f32 to vector<16xf32>
      %div3A_3172 = arith.divf %div3A_3171, %add3A_3169 : vector<16xf32>
      %get3A_3173 = arith.constant 9 : i32
      %get3A_3174 = arith.index_cast %get3A_3173 : i32 to index
      %get3A_3175 = arith.constant 16 : index
      %get3A_3176 = tpu.vector_load %arg9[%get3A_3174, %get3A_3175] {strides = array<i32>} : memref<16x64xf32, #tpu.memory_space<vmem>>, vector<16xf32>,
      %get3A_3177 = arith.constant 9 : i32
      %get3A_3178 = arith.index_cast %get3A_3177 : i32 to index
      %get3A_3179 = arith.constant 16 : index
      %get3A_3180 = tpu.vector_load %arg10[%get3A_3178, %get3A_3179] {strides = array<i32>} : memref<16x64xf32, #tpu.memory_space<vmem>>, vector<16xf32>,
      %sub3A_3181 = arith.subf %get3A_3176, %get3A_3180 : vector<16xf32>
      %mul3A_3182 = arith.mulf %div3A_3172, %sub3A_3181 : vector<16xf32>
      %add3A_3183 = arith.addf %add3A_3153, %mul3A_3182 : vector<16xf32>
      %get3A_3184 = arith.constant 9 : i32
      %get3A_3185 = arith.index_cast %get3A_3184 : i32 to index
      %get3A_3186 = arith.constant 32 : index
      %get3A_3187 = tpu.vector_load %arg11[%get3A_3185, %get3A_3186] {strides = array<i32>} : memref<16x64xf32, #tpu.memory_space<vmem>>, vector<16xf32>,
      %get3A_3188 = arith.constant 9 : i32
      %get3A_3189 = arith.index_cast %get3A_3188 : i32 to index
      %get3A_3190 = arith.constant 32 : index
      %get3A_3191 = tpu.vector_load %arg12[%get3A_3189, %get3A_3190] {strides = array<i32>} : memref<16x64xf32, #tpu.memory_space<vmem>>, vector<16xf32>,
      %add3A_3192 = arith.addf %get3A_3187, %get3A_3191 : vector<16xf32>
      %neg3A_3193 = arith.constant 0.000000e+00 : f32
      %neg3A_3194 = vector.broadcast %neg3A_3193 : f32 to vector<16xf32>
      %neg3A_3195 = arith.subf %neg3A_3194, %add3A_3192 : vector<16xf32>
      %exp3A_3196 = math.exp %neg3A_3195 : vector<16xf32>
      %add3A_3197 = arith.constant 1.000000e+00 : f32
      %add3A_3198 = vector.broadcast %add3A_3197 : f32 to vector<16xf32>
      %add3A_3199 = arith.addf %add3A_3198, %exp3A_3196 : vector<16xf32>
      %div3A_3200 = arith.constant 1.000000e+00 : f32
      %div3A_3201 = vector.broadcast %div3A_3200 : f32 to vector<16xf32>
      %div3A_3202 = arith.divf %div3A_3201, %add3A_3199 : vector<16xf32>
      %get3A_3203 = arith.constant 9 : i32
      %get3A_3204 = arith.index_cast %get3A_3203 : i32 to index
      %get3A_3205 = arith.constant 32 : index
      %get3A_3206 = tpu.vector_load %arg9[%get3A_3204, %get3A_3205] {strides = array<i32>} : memref<16x64xf32, #tpu.memory_space<vmem>>, vector<16xf32>,
      %get3A_3207 = arith.constant 9 : i32
      %get3A_3208 = arith.index_cast %get3A_3207 : i32 to index
      %get3A_3209 = arith.constant 32 : index
      %get3A_3210 = tpu.vector_load %arg10[%get3A_3208, %get3A_3209] {strides = array<i32>} : memref<16x64xf32, #tpu.memory_space<vmem>>, vector<16xf32>,
      %sub3A_3211 = arith.subf %get3A_3206, %get3A_3210 : vector<16xf32>
      %mul3A_3212 = arith.mulf %div3A_3202, %sub3A_3211 : vector<16xf32>
      %add3A_3213 = arith.addf %add3A_3183, %mul3A_3212 : vector<16xf32>
      %get3A_3214 = arith.constant 9 : i32
      %get3A_3215 = arith.index_cast %get3A_3214 : i32 to index
      %get3A_3216 = arith.constant 48 : index
      %get3A_3217 = tpu.vector_load %arg11[%get3A_3215, %get3A_3216] {strides = array<i32>} : memref<16x64xf32, #tpu.memory_space<vmem>>, vector<16xf32>,
      %get3A_3218 = arith.constant 9 : i32
      %get3A_3219 = arith.index_cast %get3A_3218 : i32 to index
      %get3A_3220 = arith.constant 48 : index
      %get3A_3221 = tpu.vector_load %arg12[%get3A_3219, %get3A_3220] {strides = array<i32>} : memref<16x64xf32, #tpu.memory_space<vmem>>, vector<16xf32>,
      %add3A_3222 = arith.addf %get3A_3217, %get3A_3221 : vector<16xf32>
      %neg3A_3223 = arith.constant 0.000000e+00 : f32
      %neg3A_3224 = vector.broadcast %neg3A_3223 : f32 to vector<16xf32>
      %neg3A_3225 = arith.subf %neg3A_3224, %add3A_3222 : vector<16xf32>
      %exp3A_3226 = math.exp %neg3A_3225 : vector<16xf32>
      %add3A_3227 = arith.constant 1.000000e+00 : f32
      %add3A_3228 = vector.broadcast %add3A_3227 : f32 to vector<16xf32>
      %add3A_3229 = arith.addf %add3A_3228, %exp3A_3226 : vector<16xf32>
      %div3A_3230 = arith.constant 1.000000e+00 : f32
      %div3A_3231 = vector.broadcast %div3A_3230 : f32 to vector<16xf32>
      %div3A_3232 = arith.divf %div3A_3231, %add3A_3229 : vector<16xf32>
      %get3A_3233 = arith.constant 9 : i32
      %get3A_3234 = arith.index_cast %get3A_3233 : i32 to index
      %get3A_3235 = arith.constant 48 : index
      %get3A_3236 = tpu.vector_load %arg9[%get3A_3234, %get3A_3235] {strides = array<i32>} : memref<16x64xf32, #tpu.memory_space<vmem>>, vector<16xf32>,
      %get3A_3237 = arith.constant 9 : i32
      %get3A_3238 = arith.index_cast %get3A_3237 : i32 to index
      %get3A_3239 = arith.constant 48 : index
      %get3A_3240 = tpu.vector_load %arg10[%get3A_3238, %get3A_3239] {strides = array<i32>} : memref<16x64xf32, #tpu.memory_space<vmem>>, vector<16xf32>,
      %sub3A_3241 = arith.subf %get3A_3236, %get3A_3240 : vector<16xf32>
      %mul3A_3242 = arith.mulf %div3A_3232, %sub3A_3241 : vector<16xf32>
      %add3A_3243 = arith.addf %add3A_3213, %mul3A_3242 : vector<16xf32>
      %eq3A_3244 = arith.constant 9 : i32
      %eq3A_3245 = vector.broadcast %eq3A_3244 : i32 to vector<16xi32>
      %eq3A_3246 = arith.cmpi eq, %iota3A, %eq3A_3245 : vector<16xi32>
      %reduce_sum3A_3247 = arith.constant true
      %reduce_sum3A_3248 = vector.broadcast %reduce_sum3A_3247 : i1 to vector<16xi1>
      %reduce_sum3A_3249 = tpu.scan <sum>, %add3A_3243 masked %reduce_sum3A_3248 : vector<16xf32>, vector<16xi1> -> vector<16xf32>
      %reduce_sum3A_3250 = vector.extract %reduce_sum3A_3249[15] : f32 from vector<16xf32>
      %broadcast_in_dim3A_3251 = vector.broadcast %reduce_sum3A_3250 : f32 to vector<16xf32>
      %select_n3A_3252 = arith.select %eq3A_3246, %broadcast_in_dim3A_3251, %select_n3A_3121 : vector<16xi1>, vector<16xf32>
      %broadcast_in_dim3A_3253 = arith.constant 0.000000e+00 : f32
      %broadcast_in_dim3A_3254 = vector.broadcast %broadcast_in_dim3A_3253 : f32 to vector<16xf32>
      %get3A_3255 = arith.constant 10 : i32
      %get3A_3256 = arith.index_cast %get3A_3255 : i32 to index
      %get3A_3257 = arith.constant 0 : index
      %get3A_3258 = tpu.vector_load %arg11[%get3A_3256, %get3A_3257] {strides = array<i32>} : memref<16x64xf32, #tpu.memory_space<vmem>>, vector<16xf32>,
      %get3A_3259 = arith.constant 10 : i32
      %get3A_3260 = arith.index_cast %get3A_3259 : i32 to index
      %get3A_3261 = arith.constant 0 : index
      %get3A_3262 = tpu.vector_load %arg12[%get3A_3260, %get3A_3261] {strides = array<i32>} : memref<16x64xf32, #tpu.memory_space<vmem>>, vector<16xf32>,
      %add3A_3263 = arith.addf %get3A_3258, %get3A_3262 : vector<16xf32>
      %neg3A_3264 = arith.constant 0.000000e+00 : f32
      %neg3A_3265 = vector.broadcast %neg3A_3264 : f32 to vector<16xf32>
      %neg3A_3266 = arith.subf %neg3A_3265, %add3A_3263 : vector<16xf32>
      %exp3A_3267 = math.exp %neg3A_3266 : vector<16xf32>
      %add3A_3268 = arith.constant 1.000000e+00 : f32
      %add3A_3269 = vector.broadcast %add3A_3268 : f32 to vector<16xf32>
      %add3A_3270 = arith.addf %add3A_3269, %exp3A_3267 : vector<16xf32>
      %div3A_3271 = arith.constant 1.000000e+00 : f32
      %div3A_3272 = vector.broadcast %div3A_3271 : f32 to vector<16xf32>
      %div3A_3273 = arith.divf %div3A_3272, %add3A_3270 : vector<16xf32>
      %get3A_3274 = arith.constant 10 : i32
      %get3A_3275 = arith.index_cast %get3A_3274 : i32 to index
      %get3A_3276 = arith.constant 0 : index
      %get3A_3277 = tpu.vector_load %arg9[%get3A_3275, %get3A_3276] {strides = array<i32>} : memref<16x64xf32, #tpu.memory_space<vmem>>, vector<16xf32>,
      %get3A_3278 = arith.constant 10 : i32
      %get3A_3279 = arith.index_cast %get3A_3278 : i32 to index
      %get3A_3280 = arith.constant 0 : index
      %get3A_3281 = tpu.vector_load %arg10[%get3A_3279, %get3A_3280] {strides = array<i32>} : memref<16x64xf32, #tpu.memory_space<vmem>>, vector<16xf32>,
      %sub3A_3282 = arith.subf %get3A_3277, %get3A_3281 : vector<16xf32>
      %mul3A_3283 = arith.mulf %div3A_3273, %sub3A_3282 : vector<16xf32>
      %add3A_3284 = arith.addf %broadcast_in_dim3A_3254, %mul3A_3283 : vector<16xf32>
      %get3A_3285 = arith.constant 10 : i32
      %get3A_3286 = arith.index_cast %get3A_3285 : i32 to index
      %get3A_3287 = arith.constant 16 : index
      %get3A_3288 = tpu.vector_load %arg11[%get3A_3286, %get3A_3287] {strides = array<i32>} : memref<16x64xf32, #tpu.memory_space<vmem>>, vector<16xf32>,
      %get3A_3289 = arith.constant 10 : i32
      %get3A_3290 = arith.index_cast %get3A_3289 : i32 to index
      %get3A_3291 = arith.constant 16 : index
      %get3A_3292 = tpu.vector_load %arg12[%get3A_3290, %get3A_3291] {strides = array<i32>} : memref<16x64xf32, #tpu.memory_space<vmem>>, vector<16xf32>,
      %add3A_3293 = arith.addf %get3A_3288, %get3A_3292 : vector<16xf32>
      %neg3A_3294 = arith.constant 0.000000e+00 : f32
      %neg3A_3295 = vector.broadcast %neg3A_3294 : f32 to vector<16xf32>
      %neg3A_3296 = arith.subf %neg3A_3295, %add3A_3293 : vector<16xf32>
      %exp3A_3297 = math.exp %neg3A_3296 : vector<16xf32>
      %add3A_3298 = arith.constant 1.000000e+00 : f32
      %add3A_3299 = vector.broadcast %add3A_3298 : f32 to vector<16xf32>
      %add3A_3300 = arith.addf %add3A_3299, %exp3A_3297 : vector<16xf32>
      %div3A_3301 = arith.constant 1.000000e+00 : f32
      %div3A_3302 = vector.broadcast %div3A_3301 : f32 to vector<16xf32>
      %div3A_3303 = arith.divf %div3A_3302, %add3A_3300 : vector<16xf32>
      %get3A_3304 = arith.constant 10 : i32
      %get3A_3305 = arith.index_cast %get3A_3304 : i32 to index
      %get3A_3306 = arith.constant 16 : index
      %get3A_3307 = tpu.vector_load %arg9[%get3A_3305, %get3A_3306] {strides = array<i32>} : memref<16x64xf32, #tpu.memory_space<vmem>>, vector<16xf32>,
      %get3A_3308 = arith.constant 10 : i32
      %get3A_3309 = arith.index_cast %get3A_3308 : i32 to index
      %get3A_3310 = arith.constant 16 : index
      %get3A_3311 = tpu.vector_load %arg10[%get3A_3309, %get3A_3310] {strides = array<i32>} : memref<16x64xf32, #tpu.memory_space<vmem>>, vector<16xf32>,
      %sub3A_3312 = arith.subf %get3A_3307, %get3A_3311 : vector<16xf32>
      %mul3A_3313 = arith.mulf %div3A_3303, %sub3A_3312 : vector<16xf32>
      %add3A_3314 = arith.addf %add3A_3284, %mul3A_3313 : vector<16xf32>
      %get3A_3315 = arith.constant 10 : i32
      %get3A_3316 = arith.index_cast %get3A_3315 : i32 to index
      %get3A_3317 = arith.constant 32 : index
      %get3A_3318 = tpu.vector_load %arg11[%get3A_3316, %get3A_3317] {strides = array<i32>} : memref<16x64xf32, #tpu.memory_space<vmem>>, vector<16xf32>,
      %get3A_3319 = arith.constant 10 : i32
      %get3A_3320 = arith.index_cast %get3A_3319 : i32 to index
      %get3A_3321 = arith.constant 32 : index
      %get3A_3322 = tpu.vector_load %arg12[%get3A_3320, %get3A_3321] {strides = array<i32>} : memref<16x64xf32, #tpu.memory_space<vmem>>, vector<16xf32>,
      %add3A_3323 = arith.addf %get3A_3318, %get3A_3322 : vector<16xf32>
      %neg3A_3324 = arith.constant 0.000000e+00 : f32
      %neg3A_3325 = vector.broadcast %neg3A_3324 : f32 to vector<16xf32>
      %neg3A_3326 = arith.subf %neg3A_3325, %add3A_3323 : vector<16xf32>
      %exp3A_3327 = math.exp %neg3A_3326 : vector<16xf32>
      %add3A_3328 = arith.constant 1.000000e+00 : f32
      %add3A_3329 = vector.broadcast %add3A_3328 : f32 to vector<16xf32>
      %add3A_3330 = arith.addf %add3A_3329, %exp3A_3327 : vector<16xf32>
      %div3A_3331 = arith.constant 1.000000e+00 : f32
      %div3A_3332 = vector.broadcast %div3A_3331 : f32 to vector<16xf32>
      %div3A_3333 = arith.divf %div3A_3332, %add3A_3330 : vector<16xf32>
      %get3A_3334 = arith.constant 10 : i32
      %get3A_3335 = arith.index_cast %get3A_3334 : i32 to index
      %get3A_3336 = arith.constant 32 : index
      %get3A_3337 = tpu.vector_load %arg9[%get3A_3335, %get3A_3336] {strides = array<i32>} : memref<16x64xf32, #tpu.memory_space<vmem>>, vector<16xf32>,
      %get3A_3338 = arith.constant 10 : i32
      %get3A_3339 = arith.index_cast %get3A_3338 : i32 to index
      %get3A_3340 = arith.constant 32 : index
      %get3A_3341 = tpu.vector_load %arg10[%get3A_3339, %get3A_3340] {strides = array<i32>} : memref<16x64xf32, #tpu.memory_space<vmem>>, vector<16xf32>,
      %sub3A_3342 = arith.subf %get3A_3337, %get3A_3341 : vector<16xf32>
      %mul3A_3343 = arith.mulf %div3A_3333, %sub3A_3342 : vector<16xf32>
      %add3A_3344 = arith.addf %add3A_3314, %mul3A_3343 : vector<16xf32>
      %get3A_3345 = arith.constant 10 : i32
      %get3A_3346 = arith.index_cast %get3A_3345 : i32 to index
      %get3A_3347 = arith.constant 48 : index
      %get3A_3348 = tpu.vector_load %arg11[%get3A_3346, %get3A_3347] {strides = array<i32>} : memref<16x64xf32, #tpu.memory_space<vmem>>, vector<16xf32>,
      %get3A_3349 = arith.constant 10 : i32
      %get3A_3350 = arith.index_cast %get3A_3349 : i32 to index
      %get3A_3351 = arith.constant 48 : index
      %get3A_3352 = tpu.vector_load %arg12[%get3A_3350, %get3A_3351] {strides = array<i32>} : memref<16x64xf32, #tpu.memory_space<vmem>>, vector<16xf32>,
      %add3A_3353 = arith.addf %get3A_3348, %get3A_3352 : vector<16xf32>
      %neg3A_3354 = arith.constant 0.000000e+00 : f32
      %neg3A_3355 = vector.broadcast %neg3A_3354 : f32 to vector<16xf32>
      %neg3A_3356 = arith.subf %neg3A_3355, %add3A_3353 : vector<16xf32>
      %exp3A_3357 = math.exp %neg3A_3356 : vector<16xf32>
      %add3A_3358 = arith.constant 1.000000e+00 : f32
      %add3A_3359 = vector.broadcast %add3A_3358 : f32 to vector<16xf32>
      %add3A_3360 = arith.addf %add3A_3359, %exp3A_3357 : vector<16xf32>
      %div3A_3361 = arith.constant 1.000000e+00 : f32
      %div3A_3362 = vector.broadcast %div3A_3361 : f32 to vector<16xf32>
      %div3A_3363 = arith.divf %div3A_3362, %add3A_3360 : vector<16xf32>
      %get3A_3364 = arith.constant 10 : i32
      %get3A_3365 = arith.index_cast %get3A_3364 : i32 to index
      %get3A_3366 = arith.constant 48 : index
      %get3A_3367 = tpu.vector_load %arg9[%get3A_3365, %get3A_3366] {strides = array<i32>} : memref<16x64xf32, #tpu.memory_space<vmem>>, vector<16xf32>,
      %get3A_3368 = arith.constant 10 : i32
      %get3A_3369 = arith.index_cast %get3A_3368 : i32 to index
      %get3A_3370 = arith.constant 48 : index
      %get3A_3371 = tpu.vector_load %arg10[%get3A_3369, %get3A_3370] {strides = array<i32>} : memref<16x64xf32, #tpu.memory_space<vmem>>, vector<16xf32>,
      %sub3A_3372 = arith.subf %get3A_3367, %get3A_3371 : vector<16xf32>
      %mul3A_3373 = arith.mulf %div3A_3363, %sub3A_3372 : vector<16xf32>
      %add3A_3374 = arith.addf %add3A_3344, %mul3A_3373 : vector<16xf32>
      %eq3A_3375 = arith.constant 10 : i32
      %eq3A_3376 = vector.broadcast %eq3A_3375 : i32 to vector<16xi32>
      %eq3A_3377 = arith.cmpi eq, %iota3A, %eq3A_3376 : vector<16xi32>
      %reduce_sum3A_3378 = arith.constant true
      %reduce_sum3A_3379 = vector.broadcast %reduce_sum3A_3378 : i1 to vector<16xi1>
      %reduce_sum3A_3380 = tpu.scan <sum>, %add3A_3374 masked %reduce_sum3A_3379 : vector<16xf32>, vector<16xi1> -> vector<16xf32>
      %reduce_sum3A_3381 = vector.extract %reduce_sum3A_3380[15] : f32 from vector<16xf32>
      %broadcast_in_dim3A_3382 = vector.broadcast %reduce_sum3A_3381 : f32 to vector<16xf32>
      %select_n3A_3383 = arith.select %eq3A_3377, %broadcast_in_dim3A_3382, %select_n3A_3252 : vector<16xi1>, vector<16xf32>
      %broadcast_in_dim3A_3384 = arith.constant 0.000000e+00 : f32
      %broadcast_in_dim3A_3385 = vector.broadcast %broadcast_in_dim3A_3384 : f32 to vector<16xf32>
      %get3A_3386 = arith.constant 11 : i32
      %get3A_3387 = arith.index_cast %get3A_3386 : i32 to index
      %get3A_3388 = arith.constant 0 : index
      %get3A_3389 = tpu.vector_load %arg11[%get3A_3387, %get3A_3388] {strides = array<i32>} : memref<16x64xf32, #tpu.memory_space<vmem>>, vector<16xf32>,
      %get3A_3390 = arith.constant 11 : i32
      %get3A_3391 = arith.index_cast %get3A_3390 : i32 to index
      %get3A_3392 = arith.constant 0 : index
      %get3A_3393 = tpu.vector_load %arg12[%get3A_3391, %get3A_3392] {strides = array<i32>} : memref<16x64xf32, #tpu.memory_space<vmem>>, vector<16xf32>,
      %add3A_3394 = arith.addf %get3A_3389, %get3A_3393 : vector<16xf32>
      %neg3A_3395 = arith.constant 0.000000e+00 : f32
      %neg3A_3396 = vector.broadcast %neg3A_3395 : f32 to vector<16xf32>
      %neg3A_3397 = arith.subf %neg3A_3396, %add3A_3394 : vector<16xf32>
      %exp3A_3398 = math.exp %neg3A_3397 : vector<16xf32>
      %add3A_3399 = arith.constant 1.000000e+00 : f32
      %add3A_3400 = vector.broadcast %add3A_3399 : f32 to vector<16xf32>
      %add3A_3401 = arith.addf %add3A_3400, %exp3A_3398 : vector<16xf32>
      %div3A_3402 = arith.constant 1.000000e+00 : f32
      %div3A_3403 = vector.broadcast %div3A_3402 : f32 to vector<16xf32>
      %div3A_3404 = arith.divf %div3A_3403, %add3A_3401 : vector<16xf32>
      %get3A_3405 = arith.constant 11 : i32
      %get3A_3406 = arith.index_cast %get3A_3405 : i32 to index
      %get3A_3407 = arith.constant 0 : index
      %get3A_3408 = tpu.vector_load %arg9[%get3A_3406, %get3A_3407] {strides = array<i32>} : memref<16x64xf32, #tpu.memory_space<vmem>>, vector<16xf32>,
      %get3A_3409 = arith.constant 11 : i32
      %get3A_3410 = arith.index_cast %get3A_3409 : i32 to index
      %get3A_3411 = arith.constant 0 : index
      %get3A_3412 = tpu.vector_load %arg10[%get3A_3410, %get3A_3411] {strides = array<i32>} : memref<16x64xf32, #tpu.memory_space<vmem>>, vector<16xf32>,
      %sub3A_3413 = arith.subf %get3A_3408, %get3A_3412 : vector<16xf32>
      %mul3A_3414 = arith.mulf %div3A_3404, %sub3A_3413 : vector<16xf32>
      %add3A_3415 = arith.addf %broadcast_in_dim3A_3385, %mul3A_3414 : vector<16xf32>
      %get3A_3416 = arith.constant 11 : i32
      %get3A_3417 = arith.index_cast %get3A_3416 : i32 to index
      %get3A_3418 = arith.constant 16 : index
      %get3A_3419 = tpu.vector_load %arg11[%get3A_3417, %get3A_3418] {strides = array<i32>} : memref<16x64xf32, #tpu.memory_space<vmem>>, vector<16xf32>,
      %get3A_3420 = arith.constant 11 : i32
      %get3A_3421 = arith.index_cast %get3A_3420 : i32 to index
      %get3A_3422 = arith.constant 16 : index
      %get3A_3423 = tpu.vector_load %arg12[%get3A_3421, %get3A_3422] {strides = array<i32>} : memref<16x64xf32, #tpu.memory_space<vmem>>, vector<16xf32>,
      %add3A_3424 = arith.addf %get3A_3419, %get3A_3423 : vector<16xf32>
      %neg3A_3425 = arith.constant 0.000000e+00 : f32
      %neg3A_3426 = vector.broadcast %neg3A_3425 : f32 to vector<16xf32>
      %neg3A_3427 = arith.subf %neg3A_3426, %add3A_3424 : vector<16xf32>
      %exp3A_3428 = math.exp %neg3A_3427 : vector<16xf32>
      %add3A_3429 = arith.constant 1.000000e+00 : f32
      %add3A_3430 = vector.broadcast %add3A_3429 : f32 to vector<16xf32>
      %add3A_3431 = arith.addf %add3A_3430, %exp3A_3428 : vector<16xf32>
      %div3A_3432 = arith.constant 1.000000e+00 : f32
      %div3A_3433 = vector.broadcast %div3A_3432 : f32 to vector<16xf32>
      %div3A_3434 = arith.divf %div3A_3433, %add3A_3431 : vector<16xf32>
      %get3A_3435 = arith.constant 11 : i32
      %get3A_3436 = arith.index_cast %get3A_3435 : i32 to index
      %get3A_3437 = arith.constant 16 : index
      %get3A_3438 = tpu.vector_load %arg9[%get3A_3436, %get3A_3437] {strides = array<i32>} : memref<16x64xf32, #tpu.memory_space<vmem>>, vector<16xf32>,
      %get3A_3439 = arith.constant 11 : i32
      %get3A_3440 = arith.index_cast %get3A_3439 : i32 to index
      %get3A_3441 = arith.constant 16 : index
      %get3A_3442 = tpu.vector_load %arg10[%get3A_3440, %get3A_3441] {strides = array<i32>} : memref<16x64xf32, #tpu.memory_space<vmem>>, vector<16xf32>,
      %sub3A_3443 = arith.subf %get3A_3438, %get3A_3442 : vector<16xf32>
      %mul3A_3444 = arith.mulf %div3A_3434, %sub3A_3443 : vector<16xf32>
      %add3A_3445 = arith.addf %add3A_3415, %mul3A_3444 : vector<16xf32>
      %get3A_3446 = arith.constant 11 : i32
      %get3A_3447 = arith.index_cast %get3A_3446 : i32 to index
      %get3A_3448 = arith.constant 32 : index
      %get3A_3449 = tpu.vector_load %arg11[%get3A_3447, %get3A_3448] {strides = array<i32>} : memref<16x64xf32, #tpu.memory_space<vmem>>, vector<16xf32>,
      %get3A_3450 = arith.constant 11 : i32
      %get3A_3451 = arith.index_cast %get3A_3450 : i32 to index
      %get3A_3452 = arith.constant 32 : index
      %get3A_3453 = tpu.vector_load %arg12[%get3A_3451, %get3A_3452] {strides = array<i32>} : memref<16x64xf32, #tpu.memory_space<vmem>>, vector<16xf32>,
      %add3A_3454 = arith.addf %get3A_3449, %get3A_3453 : vector<16xf32>
      %neg3A_3455 = arith.constant 0.000000e+00 : f32
      %neg3A_3456 = vector.broadcast %neg3A_3455 : f32 to vector<16xf32>
      %neg3A_3457 = arith.subf %neg3A_3456, %add3A_3454 : vector<16xf32>
      %exp3A_3458 = math.exp %neg3A_3457 : vector<16xf32>
      %add3A_3459 = arith.constant 1.000000e+00 : f32
      %add3A_3460 = vector.broadcast %add3A_3459 : f32 to vector<16xf32>
      %add3A_3461 = arith.addf %add3A_3460, %exp3A_3458 : vector<16xf32>
      %div3A_3462 = arith.constant 1.000000e+00 : f32
      %div3A_3463 = vector.broadcast %div3A_3462 : f32 to vector<16xf32>
      %div3A_3464 = arith.divf %div3A_3463, %add3A_3461 : vector<16xf32>
      %get3A_3465 = arith.constant 11 : i32
      %get3A_3466 = arith.index_cast %get3A_3465 : i32 to index
      %get3A_3467 = arith.constant 32 : index
      %get3A_3468 = tpu.vector_load %arg9[%get3A_3466, %get3A_3467] {strides = array<i32>} : memref<16x64xf32, #tpu.memory_space<vmem>>, vector<16xf32>,
      %get3A_3469 = arith.constant 11 : i32
      %get3A_3470 = arith.index_cast %get3A_3469 : i32 to index
      %get3A_3471 = arith.constant 32 : index
      %get3A_3472 = tpu.vector_load %arg10[%get3A_3470, %get3A_3471] {strides = array<i32>} : memref<16x64xf32, #tpu.memory_space<vmem>>, vector<16xf32>,
      %sub3A_3473 = arith.subf %get3A_3468, %get3A_3472 : vector<16xf32>
      %mul3A_3474 = arith.mulf %div3A_3464, %sub3A_3473 : vector<16xf32>
      %add3A_3475 = arith.addf %add3A_3445, %mul3A_3474 : vector<16xf32>
      %get3A_3476 = arith.constant 11 : i32
      %get3A_3477 = arith.index_cast %get3A_3476 : i32 to index
      %get3A_3478 = arith.constant 48 : index
      %get3A_3479 = tpu.vector_load %arg11[%get3A_3477, %get3A_3478] {strides = array<i32>} : memref<16x64xf32, #tpu.memory_space<vmem>>, vector<16xf32>,
      %get3A_3480 = arith.constant 11 : i32
      %get3A_3481 = arith.index_cast %get3A_3480 : i32 to index
      %get3A_3482 = arith.constant 48 : index
      %get3A_3483 = tpu.vector_load %arg12[%get3A_3481, %get3A_3482] {strides = array<i32>} : memref<16x64xf32, #tpu.memory_space<vmem>>, vector<16xf32>,
      %add3A_3484 = arith.addf %get3A_3479, %get3A_3483 : vector<16xf32>
      %neg3A_3485 = arith.constant 0.000000e+00 : f32
      %neg3A_3486 = vector.broadcast %neg3A_3485 : f32 to vector<16xf32>
      %neg3A_3487 = arith.subf %neg3A_3486, %add3A_3484 : vector<16xf32>
      %exp3A_3488 = math.exp %neg3A_3487 : vector<16xf32>
      %add3A_3489 = arith.constant 1.000000e+00 : f32
      %add3A_3490 = vector.broadcast %add3A_3489 : f32 to vector<16xf32>
      %add3A_3491 = arith.addf %add3A_3490, %exp3A_3488 : vector<16xf32>
      %div3A_3492 = arith.constant 1.000000e+00 : f32
      %div3A_3493 = vector.broadcast %div3A_3492 : f32 to vector<16xf32>
      %div3A_3494 = arith.divf %div3A_3493, %add3A_3491 : vector<16xf32>
      %get3A_3495 = arith.constant 11 : i32
      %get3A_3496 = arith.index_cast %get3A_3495 : i32 to index
      %get3A_3497 = arith.constant 48 : index
      %get3A_3498 = tpu.vector_load %arg9[%get3A_3496, %get3A_3497] {strides = array<i32>} : memref<16x64xf32, #tpu.memory_space<vmem>>, vector<16xf32>,
      %get3A_3499 = arith.constant 11 : i32
      %get3A_3500 = arith.index_cast %get3A_3499 : i32 to index
      %get3A_3501 = arith.constant 48 : index
      %get3A_3502 = tpu.vector_load %arg10[%get3A_3500, %get3A_3501] {strides = array<i32>} : memref<16x64xf32, #tpu.memory_space<vmem>>, vector<16xf32>,
      %sub3A_3503 = arith.subf %get3A_3498, %get3A_3502 : vector<16xf32>
      %mul3A_3504 = arith.mulf %div3A_3494, %sub3A_3503 : vector<16xf32>
      %add3A_3505 = arith.addf %add3A_3475, %mul3A_3504 : vector<16xf32>
      %eq3A_3506 = arith.constant 11 : i32
      %eq3A_3507 = vector.broadcast %eq3A_3506 : i32 to vector<16xi32>
      %eq3A_3508 = arith.cmpi eq, %iota3A, %eq3A_3507 : vector<16xi32>
      %reduce_sum3A_3509 = arith.constant true
      %reduce_sum3A_3510 = vector.broadcast %reduce_sum3A_3509 : i1 to vector<16xi1>
      %reduce_sum3A_3511 = tpu.scan <sum>, %add3A_3505 masked %reduce_sum3A_3510 : vector<16xf32>, vector<16xi1> -> vector<16xf32>
      %reduce_sum3A_3512 = vector.extract %reduce_sum3A_3511[15] : f32 from vector<16xf32>
      %broadcast_in_dim3A_3513 = vector.broadcast %reduce_sum3A_3512 : f32 to vector<16xf32>
      %select_n3A_3514 = arith.select %eq3A_3508, %broadcast_in_dim3A_3513, %select_n3A_3383 : vector<16xi1>, vector<16xf32>
      %broadcast_in_dim3A_3515 = arith.constant 0.000000e+00 : f32
      %broadcast_in_dim3A_3516 = vector.broadcast %broadcast_in_dim3A_3515 : f32 to vector<16xf32>
      %get3A_3517 = arith.constant 12 : i32
      %get3A_3518 = arith.index_cast %get3A_3517 : i32 to index
      %get3A_3519 = arith.constant 0 : index
      %get3A_3520 = tpu.vector_load %arg11[%get3A_3518, %get3A_3519] {strides = array<i32>} : memref<16x64xf32, #tpu.memory_space<vmem>>, vector<16xf32>,
      %get3A_3521 = arith.constant 12 : i32
      %get3A_3522 = arith.index_cast %get3A_3521 : i32 to index
      %get3A_3523 = arith.constant 0 : index
      %get3A_3524 = tpu.vector_load %arg12[%get3A_3522, %get3A_3523] {strides = array<i32>} : memref<16x64xf32, #tpu.memory_space<vmem>>, vector<16xf32>,
      %add3A_3525 = arith.addf %get3A_3520, %get3A_3524 : vector<16xf32>
      %neg3A_3526 = arith.constant 0.000000e+00 : f32
      %neg3A_3527 = vector.broadcast %neg3A_3526 : f32 to vector<16xf32>
      %neg3A_3528 = arith.subf %neg3A_3527, %add3A_3525 : vector<16xf32>
      %exp3A_3529 = math.exp %neg3A_3528 : vector<16xf32>
      %add3A_3530 = arith.constant 1.000000e+00 : f32
      %add3A_3531 = vector.broadcast %add3A_3530 : f32 to vector<16xf32>
      %add3A_3532 = arith.addf %add3A_3531, %exp3A_3529 : vector<16xf32>
      %div3A_3533 = arith.constant 1.000000e+00 : f32
      %div3A_3534 = vector.broadcast %div3A_3533 : f32 to vector<16xf32>
      %div3A_3535 = arith.divf %div3A_3534, %add3A_3532 : vector<16xf32>
      %get3A_3536 = arith.constant 12 : i32
      %get3A_3537 = arith.index_cast %get3A_3536 : i32 to index
      %get3A_3538 = arith.constant 0 : index
      %get3A_3539 = tpu.vector_load %arg9[%get3A_3537, %get3A_3538] {strides = array<i32>} : memref<16x64xf32, #tpu.memory_space<vmem>>, vector<16xf32>,
      %get3A_3540 = arith.constant 12 : i32
      %get3A_3541 = arith.index_cast %get3A_3540 : i32 to index
      %get3A_3542 = arith.constant 0 : index
      %get3A_3543 = tpu.vector_load %arg10[%get3A_3541, %get3A_3542] {strides = array<i32>} : memref<16x64xf32, #tpu.memory_space<vmem>>, vector<16xf32>,
      %sub3A_3544 = arith.subf %get3A_3539, %get3A_3543 : vector<16xf32>
      %mul3A_3545 = arith.mulf %div3A_3535, %sub3A_3544 : vector<16xf32>
      %add3A_3546 = arith.addf %broadcast_in_dim3A_3516, %mul3A_3545 : vector<16xf32>
      %get3A_3547 = arith.constant 12 : i32
      %get3A_3548 = arith.index_cast %get3A_3547 : i32 to index
      %get3A_3549 = arith.constant 16 : index
      %get3A_3550 = tpu.vector_load %arg11[%get3A_3548, %get3A_3549] {strides = array<i32>} : memref<16x64xf32, #tpu.memory_space<vmem>>, vector<16xf32>,
      %get3A_3551 = arith.constant 12 : i32
      %get3A_3552 = arith.index_cast %get3A_3551 : i32 to index
      %get3A_3553 = arith.constant 16 : index
      %get3A_3554 = tpu.vector_load %arg12[%get3A_3552, %get3A_3553] {strides = array<i32>} : memref<16x64xf32, #tpu.memory_space<vmem>>, vector<16xf32>,
      %add3A_3555 = arith.addf %get3A_3550, %get3A_3554 : vector<16xf32>
      %neg3A_3556 = arith.constant 0.000000e+00 : f32
      %neg3A_3557 = vector.broadcast %neg3A_3556 : f32 to vector<16xf32>
      %neg3A_3558 = arith.subf %neg3A_3557, %add3A_3555 : vector<16xf32>
      %exp3A_3559 = math.exp %neg3A_3558 : vector<16xf32>
      %add3A_3560 = arith.constant 1.000000e+00 : f32
      %add3A_3561 = vector.broadcast %add3A_3560 : f32 to vector<16xf32>
      %add3A_3562 = arith.addf %add3A_3561, %exp3A_3559 : vector<16xf32>
      %div3A_3563 = arith.constant 1.000000e+00 : f32
      %div3A_3564 = vector.broadcast %div3A_3563 : f32 to vector<16xf32>
      %div3A_3565 = arith.divf %div3A_3564, %add3A_3562 : vector<16xf32>
      %get3A_3566 = arith.constant 12 : i32
      %get3A_3567 = arith.index_cast %get3A_3566 : i32 to index
      %get3A_3568 = arith.constant 16 : index
      %get3A_3569 = tpu.vector_load %arg9[%get3A_3567, %get3A_3568] {strides = array<i32>} : memref<16x64xf32, #tpu.memory_space<vmem>>, vector<16xf32>,
      %get3A_3570 = arith.constant 12 : i32
      %get3A_3571 = arith.index_cast %get3A_3570 : i32 to index
      %get3A_3572 = arith.constant 16 : index
      %get3A_3573 = tpu.vector_load %arg10[%get3A_3571, %get3A_3572] {strides = array<i32>} : memref<16x64xf32, #tpu.memory_space<vmem>>, vector<16xf32>,
      %sub3A_3574 = arith.subf %get3A_3569, %get3A_3573 : vector<16xf32>
      %mul3A_3575 = arith.mulf %div3A_3565, %sub3A_3574 : vector<16xf32>
      %add3A_3576 = arith.addf %add3A_3546, %mul3A_3575 : vector<16xf32>
      %get3A_3577 = arith.constant 12 : i32
      %get3A_3578 = arith.index_cast %get3A_3577 : i32 to index
      %get3A_3579 = arith.constant 32 : index
      %get3A_3580 = tpu.vector_load %arg11[%get3A_3578, %get3A_3579] {strides = array<i32>} : memref<16x64xf32, #tpu.memory_space<vmem>>, vector<16xf32>,
      %get3A_3581 = arith.constant 12 : i32
      %get3A_3582 = arith.index_cast %get3A_3581 : i32 to index
      %get3A_3583 = arith.constant 32 : index
      %get3A_3584 = tpu.vector_load %arg12[%get3A_3582, %get3A_3583] {strides = array<i32>} : memref<16x64xf32, #tpu.memory_space<vmem>>, vector<16xf32>,
      %add3A_3585 = arith.addf %get3A_3580, %get3A_3584 : vector<16xf32>
      %neg3A_3586 = arith.constant 0.000000e+00 : f32
      %neg3A_3587 = vector.broadcast %neg3A_3586 : f32 to vector<16xf32>
      %neg3A_3588 = arith.subf %neg3A_3587, %add3A_3585 : vector<16xf32>
      %exp3A_3589 = math.exp %neg3A_3588 : vector<16xf32>
      %add3A_3590 = arith.constant 1.000000e+00 : f32
      %add3A_3591 = vector.broadcast %add3A_3590 : f32 to vector<16xf32>
      %add3A_3592 = arith.addf %add3A_3591, %exp3A_3589 : vector<16xf32>
      %div3A_3593 = arith.constant 1.000000e+00 : f32
      %div3A_3594 = vector.broadcast %div3A_3593 : f32 to vector<16xf32>
      %div3A_3595 = arith.divf %div3A_3594, %add3A_3592 : vector<16xf32>
      %get3A_3596 = arith.constant 12 : i32
      %get3A_3597 = arith.index_cast %get3A_3596 : i32 to index
      %get3A_3598 = arith.constant 32 : index
      %get3A_3599 = tpu.vector_load %arg9[%get3A_3597, %get3A_3598] {strides = array<i32>} : memref<16x64xf32, #tpu.memory_space<vmem>>, vector<16xf32>,
      %get3A_3600 = arith.constant 12 : i32
      %get3A_3601 = arith.index_cast %get3A_3600 : i32 to index
      %get3A_3602 = arith.constant 32 : index
      %get3A_3603 = tpu.vector_load %arg10[%get3A_3601, %get3A_3602] {strides = array<i32>} : memref<16x64xf32, #tpu.memory_space<vmem>>, vector<16xf32>,
      %sub3A_3604 = arith.subf %get3A_3599, %get3A_3603 : vector<16xf32>
      %mul3A_3605 = arith.mulf %div3A_3595, %sub3A_3604 : vector<16xf32>
      %add3A_3606 = arith.addf %add3A_3576, %mul3A_3605 : vector<16xf32>
      %get3A_3607 = arith.constant 12 : i32
      %get3A_3608 = arith.index_cast %get3A_3607 : i32 to index
      %get3A_3609 = arith.constant 48 : index
      %get3A_3610 = tpu.vector_load %arg11[%get3A_3608, %get3A_3609] {strides = array<i32>} : memref<16x64xf32, #tpu.memory_space<vmem>>, vector<16xf32>,
      %get3A_3611 = arith.constant 12 : i32
      %get3A_3612 = arith.index_cast %get3A_3611 : i32 to index
      %get3A_3613 = arith.constant 48 : index
      %get3A_3614 = tpu.vector_load %arg12[%get3A_3612, %get3A_3613] {strides = array<i32>} : memref<16x64xf32, #tpu.memory_space<vmem>>, vector<16xf32>,
      %add3A_3615 = arith.addf %get3A_3610, %get3A_3614 : vector<16xf32>
      %neg3A_3616 = arith.constant 0.000000e+00 : f32
      %neg3A_3617 = vector.broadcast %neg3A_3616 : f32 to vector<16xf32>
      %neg3A_3618 = arith.subf %neg3A_3617, %add3A_3615 : vector<16xf32>
      %exp3A_3619 = math.exp %neg3A_3618 : vector<16xf32>
      %add3A_3620 = arith.constant 1.000000e+00 : f32
      %add3A_3621 = vector.broadcast %add3A_3620 : f32 to vector<16xf32>
      %add3A_3622 = arith.addf %add3A_3621, %exp3A_3619 : vector<16xf32>
      %div3A_3623 = arith.constant 1.000000e+00 : f32
      %div3A_3624 = vector.broadcast %div3A_3623 : f32 to vector<16xf32>
      %div3A_3625 = arith.divf %div3A_3624, %add3A_3622 : vector<16xf32>
      %get3A_3626 = arith.constant 12 : i32
      %get3A_3627 = arith.index_cast %get3A_3626 : i32 to index
      %get3A_3628 = arith.constant 48 : index
      %get3A_3629 = tpu.vector_load %arg9[%get3A_3627, %get3A_3628] {strides = array<i32>} : memref<16x64xf32, #tpu.memory_space<vmem>>, vector<16xf32>,
      %get3A_3630 = arith.constant 12 : i32
      %get3A_3631 = arith.index_cast %get3A_3630 : i32 to index
      %get3A_3632 = arith.constant 48 : index
      %get3A_3633 = tpu.vector_load %arg10[%get3A_3631, %get3A_3632] {strides = array<i32>} : memref<16x64xf32, #tpu.memory_space<vmem>>, vector<16xf32>,
      %sub3A_3634 = arith.subf %get3A_3629, %get3A_3633 : vector<16xf32>
      %mul3A_3635 = arith.mulf %div3A_3625, %sub3A_3634 : vector<16xf32>
      %add3A_3636 = arith.addf %add3A_3606, %mul3A_3635 : vector<16xf32>
      %eq3A_3637 = arith.constant 12 : i32
      %eq3A_3638 = vector.broadcast %eq3A_3637 : i32 to vector<16xi32>
      %eq3A_3639 = arith.cmpi eq, %iota3A, %eq3A_3638 : vector<16xi32>
      %reduce_sum3A_3640 = arith.constant true
      %reduce_sum3A_3641 = vector.broadcast %reduce_sum3A_3640 : i1 to vector<16xi1>
      %reduce_sum3A_3642 = tpu.scan <sum>, %add3A_3636 masked %reduce_sum3A_3641 : vector<16xf32>, vector<16xi1> -> vector<16xf32>
      %reduce_sum3A_3643 = vector.extract %reduce_sum3A_3642[15] : f32 from vector<16xf32>
      %broadcast_in_dim3A_3644 = vector.broadcast %reduce_sum3A_3643 : f32 to vector<16xf32>
      %select_n3A_3645 = arith.select %eq3A_3639, %broadcast_in_dim3A_3644, %select_n3A_3514 : vector<16xi1>, vector<16xf32>
      %broadcast_in_dim3A_3646 = arith.constant 0.000000e+00 : f32
      %broadcast_in_dim3A_3647 = vector.broadcast %broadcast_in_dim3A_3646 : f32 to vector<16xf32>
      %get3A_3648 = arith.constant 13 : i32
      %get3A_3649 = arith.index_cast %get3A_3648 : i32 to index
      %get3A_3650 = arith.constant 0 : index
      %get3A_3651 = tpu.vector_load %arg11[%get3A_3649, %get3A_3650] {strides = array<i32>} : memref<16x64xf32, #tpu.memory_space<vmem>>, vector<16xf32>,
      %get3A_3652 = arith.constant 13 : i32
      %get3A_3653 = arith.index_cast %get3A_3652 : i32 to index
      %get3A_3654 = arith.constant 0 : index
      %get3A_3655 = tpu.vector_load %arg12[%get3A_3653, %get3A_3654] {strides = array<i32>} : memref<16x64xf32, #tpu.memory_space<vmem>>, vector<16xf32>,
      %add3A_3656 = arith.addf %get3A_3651, %get3A_3655 : vector<16xf32>
      %neg3A_3657 = arith.constant 0.000000e+00 : f32
      %neg3A_3658 = vector.broadcast %neg3A_3657 : f32 to vector<16xf32>
      %neg3A_3659 = arith.subf %neg3A_3658, %add3A_3656 : vector<16xf32>
      %exp3A_3660 = math.exp %neg3A_3659 : vector<16xf32>
      %add3A_3661 = arith.constant 1.000000e+00 : f32
      %add3A_3662 = vector.broadcast %add3A_3661 : f32 to vector<16xf32>
      %add3A_3663 = arith.addf %add3A_3662, %exp3A_3660 : vector<16xf32>
      %div3A_3664 = arith.constant 1.000000e+00 : f32
      %div3A_3665 = vector.broadcast %div3A_3664 : f32 to vector<16xf32>
      %div3A_3666 = arith.divf %div3A_3665, %add3A_3663 : vector<16xf32>
      %get3A_3667 = arith.constant 13 : i32
      %get3A_3668 = arith.index_cast %get3A_3667 : i32 to index
      %get3A_3669 = arith.constant 0 : index
      %get3A_3670 = tpu.vector_load %arg9[%get3A_3668, %get3A_3669] {strides = array<i32>} : memref<16x64xf32, #tpu.memory_space<vmem>>, vector<16xf32>,
      %get3A_3671 = arith.constant 13 : i32
      %get3A_3672 = arith.index_cast %get3A_3671 : i32 to index
      %get3A_3673 = arith.constant 0 : index
      %get3A_3674 = tpu.vector_load %arg10[%get3A_3672, %get3A_3673] {strides = array<i32>} : memref<16x64xf32, #tpu.memory_space<vmem>>, vector<16xf32>,
      %sub3A_3675 = arith.subf %get3A_3670, %get3A_3674 : vector<16xf32>
      %mul3A_3676 = arith.mulf %div3A_3666, %sub3A_3675 : vector<16xf32>
      %add3A_3677 = arith.addf %broadcast_in_dim3A_3647, %mul3A_3676 : vector<16xf32>
      %get3A_3678 = arith.constant 13 : i32
      %get3A_3679 = arith.index_cast %get3A_3678 : i32 to index
      %get3A_3680 = arith.constant 16 : index
      %get3A_3681 = tpu.vector_load %arg11[%get3A_3679, %get3A_3680] {strides = array<i32>} : memref<16x64xf32, #tpu.memory_space<vmem>>, vector<16xf32>,
      %get3A_3682 = arith.constant 13 : i32
      %get3A_3683 = arith.index_cast %get3A_3682 : i32 to index
      %get3A_3684 = arith.constant 16 : index
      %get3A_3685 = tpu.vector_load %arg12[%get3A_3683, %get3A_3684] {strides = array<i32>} : memref<16x64xf32, #tpu.memory_space<vmem>>, vector<16xf32>,
      %add3A_3686 = arith.addf %get3A_3681, %get3A_3685 : vector<16xf32>
      %neg3A_3687 = arith.constant 0.000000e+00 : f32
      %neg3A_3688 = vector.broadcast %neg3A_3687 : f32 to vector<16xf32>
      %neg3A_3689 = arith.subf %neg3A_3688, %add3A_3686 : vector<16xf32>
      %exp3A_3690 = math.exp %neg3A_3689 : vector<16xf32>
      %add3A_3691 = arith.constant 1.000000e+00 : f32
      %add3A_3692 = vector.broadcast %add3A_3691 : f32 to vector<16xf32>
      %add3A_3693 = arith.addf %add3A_3692, %exp3A_3690 : vector<16xf32>
      %div3A_3694 = arith.constant 1.000000e+00 : f32
      %div3A_3695 = vector.broadcast %div3A_3694 : f32 to vector<16xf32>
      %div3A_3696 = arith.divf %div3A_3695, %add3A_3693 : vector<16xf32>
      %get3A_3697 = arith.constant 13 : i32
      %get3A_3698 = arith.index_cast %get3A_3697 : i32 to index
      %get3A_3699 = arith.constant 16 : index
      %get3A_3700 = tpu.vector_load %arg9[%get3A_3698, %get3A_3699] {strides = array<i32>} : memref<16x64xf32, #tpu.memory_space<vmem>>, vector<16xf32>,
      %get3A_3701 = arith.constant 13 : i32
      %get3A_3702 = arith.index_cast %get3A_3701 : i32 to index
      %get3A_3703 = arith.constant 16 : index
      %get3A_3704 = tpu.vector_load %arg10[%get3A_3702, %get3A_3703] {strides = array<i32>} : memref<16x64xf32, #tpu.memory_space<vmem>>, vector<16xf32>,
      %sub3A_3705 = arith.subf %get3A_3700, %get3A_3704 : vector<16xf32>
      %mul3A_3706 = arith.mulf %div3A_3696, %sub3A_3705 : vector<16xf32>
      %add3A_3707 = arith.addf %add3A_3677, %mul3A_3706 : vector<16xf32>
      %get3A_3708 = arith.constant 13 : i32
      %get3A_3709 = arith.index_cast %get3A_3708 : i32 to index
      %get3A_3710 = arith.constant 32 : index
      %get3A_3711 = tpu.vector_load %arg11[%get3A_3709, %get3A_3710] {strides = array<i32>} : memref<16x64xf32, #tpu.memory_space<vmem>>, vector<16xf32>,
      %get3A_3712 = arith.constant 13 : i32
      %get3A_3713 = arith.index_cast %get3A_3712 : i32 to index
      %get3A_3714 = arith.constant 32 : index
      %get3A_3715 = tpu.vector_load %arg12[%get3A_3713, %get3A_3714] {strides = array<i32>} : memref<16x64xf32, #tpu.memory_space<vmem>>, vector<16xf32>,
      %add3A_3716 = arith.addf %get3A_3711, %get3A_3715 : vector<16xf32>
      %neg3A_3717 = arith.constant 0.000000e+00 : f32
      %neg3A_3718 = vector.broadcast %neg3A_3717 : f32 to vector<16xf32>
      %neg3A_3719 = arith.subf %neg3A_3718, %add3A_3716 : vector<16xf32>
      %exp3A_3720 = math.exp %neg3A_3719 : vector<16xf32>
      %add3A_3721 = arith.constant 1.000000e+00 : f32
      %add3A_3722 = vector.broadcast %add3A_3721 : f32 to vector<16xf32>
      %add3A_3723 = arith.addf %add3A_3722, %exp3A_3720 : vector<16xf32>
      %div3A_3724 = arith.constant 1.000000e+00 : f32
      %div3A_3725 = vector.broadcast %div3A_3724 : f32 to vector<16xf32>
      %div3A_3726 = arith.divf %div3A_3725, %add3A_3723 : vector<16xf32>
      %get3A_3727 = arith.constant 13 : i32
      %get3A_3728 = arith.index_cast %get3A_3727 : i32 to index
      %get3A_3729 = arith.constant 32 : index
      %get3A_3730 = tpu.vector_load %arg9[%get3A_3728, %get3A_3729] {strides = array<i32>} : memref<16x64xf32, #tpu.memory_space<vmem>>, vector<16xf32>,
      %get3A_3731 = arith.constant 13 : i32
      %get3A_3732 = arith.index_cast %get3A_3731 : i32 to index
      %get3A_3733 = arith.constant 32 : index
      %get3A_3734 = tpu.vector_load %arg10[%get3A_3732, %get3A_3733] {strides = array<i32>} : memref<16x64xf32, #tpu.memory_space<vmem>>, vector<16xf32>,
      %sub3A_3735 = arith.subf %get3A_3730, %get3A_3734 : vector<16xf32>
      %mul3A_3736 = arith.mulf %div3A_3726, %sub3A_3735 : vector<16xf32>
      %add3A_3737 = arith.addf %add3A_3707, %mul3A_3736 : vector<16xf32>
      %get3A_3738 = arith.constant 13 : i32
      %get3A_3739 = arith.index_cast %get3A_3738 : i32 to index
      %get3A_3740 = arith.constant 48 : index
      %get3A_3741 = tpu.vector_load %arg11[%get3A_3739, %get3A_3740] {strides = array<i32>} : memref<16x64xf32, #tpu.memory_space<vmem>>, vector<16xf32>,
      %get3A_3742 = arith.constant 13 : i32
      %get3A_3743 = arith.index_cast %get3A_3742 : i32 to index
      %get3A_3744 = arith.constant 48 : index
      %get3A_3745 = tpu.vector_load %arg12[%get3A_3743, %get3A_3744] {strides = array<i32>} : memref<16x64xf32, #tpu.memory_space<vmem>>, vector<16xf32>,
      %add3A_3746 = arith.addf %get3A_3741, %get3A_3745 : vector<16xf32>
      %neg3A_3747 = arith.constant 0.000000e+00 : f32
      %neg3A_3748 = vector.broadcast %neg3A_3747 : f32 to vector<16xf32>
      %neg3A_3749 = arith.subf %neg3A_3748, %add3A_3746 : vector<16xf32>
      %exp3A_3750 = math.exp %neg3A_3749 : vector<16xf32>
      %add3A_3751 = arith.constant 1.000000e+00 : f32
      %add3A_3752 = vector.broadcast %add3A_3751 : f32 to vector<16xf32>
      %add3A_3753 = arith.addf %add3A_3752, %exp3A_3750 : vector<16xf32>
      %div3A_3754 = arith.constant 1.000000e+00 : f32
      %div3A_3755 = vector.broadcast %div3A_3754 : f32 to vector<16xf32>
      %div3A_3756 = arith.divf %div3A_3755, %add3A_3753 : vector<16xf32>
      %get3A_3757 = arith.constant 13 : i32
      %get3A_3758 = arith.index_cast %get3A_3757 : i32 to index
      %get3A_3759 = arith.constant 48 : index
      %get3A_3760 = tpu.vector_load %arg9[%get3A_3758, %get3A_3759] {strides = array<i32>} : memref<16x64xf32, #tpu.memory_space<vmem>>, vector<16xf32>,
      %get3A_3761 = arith.constant 13 : i32
      %get3A_3762 = arith.index_cast %get3A_3761 : i32 to index
      %get3A_3763 = arith.constant 48 : index
      %get3A_3764 = tpu.vector_load %arg10[%get3A_3762, %get3A_3763] {strides = array<i32>} : memref<16x64xf32, #tpu.memory_space<vmem>>, vector<16xf32>,
      %sub3A_3765 = arith.subf %get3A_3760, %get3A_3764 : vector<16xf32>
      %mul3A_3766 = arith.mulf %div3A_3756, %sub3A_3765 : vector<16xf32>
      %add3A_3767 = arith.addf %add3A_3737, %mul3A_3766 : vector<16xf32>
      %eq3A_3768 = arith.constant 13 : i32
      %eq3A_3769 = vector.broadcast %eq3A_3768 : i32 to vector<16xi32>
      %eq3A_3770 = arith.cmpi eq, %iota3A, %eq3A_3769 : vector<16xi32>
      %reduce_sum3A_3771 = arith.constant true
      %reduce_sum3A_3772 = vector.broadcast %reduce_sum3A_3771 : i1 to vector<16xi1>
      %reduce_sum3A_3773 = tpu.scan <sum>, %add3A_3767 masked %reduce_sum3A_3772 : vector<16xf32>, vector<16xi1> -> vector<16xf32>
      %reduce_sum3A_3774 = vector.extract %reduce_sum3A_3773[15] : f32 from vector<16xf32>
      %broadcast_in_dim3A_3775 = vector.broadcast %reduce_sum3A_3774 : f32 to vector<16xf32>
      %select_n3A_3776 = arith.select %eq3A_3770, %broadcast_in_dim3A_3775, %select_n3A_3645 : vector<16xi1>, vector<16xf32>
      %broadcast_in_dim3A_3777 = arith.constant 0.000000e+00 : f32
      %broadcast_in_dim3A_3778 = vector.broadcast %broadcast_in_dim3A_3777 : f32 to vector<16xf32>
      %get3A_3779 = arith.constant 14 : i32
      %get3A_3780 = arith.index_cast %get3A_3779 : i32 to index
      %get3A_3781 = arith.constant 0 : index
      %get3A_3782 = tpu.vector_load %arg11[%get3A_3780, %get3A_3781] {strides = array<i32>} : memref<16x64xf32, #tpu.memory_space<vmem>>, vector<16xf32>,
      %get3A_3783 = arith.constant 14 : i32
      %get3A_3784 = arith.index_cast %get3A_3783 : i32 to index
      %get3A_3785 = arith.constant 0 : index
      %get3A_3786 = tpu.vector_load %arg12[%get3A_3784, %get3A_3785] {strides = array<i32>} : memref<16x64xf32, #tpu.memory_space<vmem>>, vector<16xf32>,
      %add3A_3787 = arith.addf %get3A_3782, %get3A_3786 : vector<16xf32>
      %neg3A_3788 = arith.constant 0.000000e+00 : f32
      %neg3A_3789 = vector.broadcast %neg3A_3788 : f32 to vector<16xf32>
      %neg3A_3790 = arith.subf %neg3A_3789, %add3A_3787 : vector<16xf32>
      %exp3A_3791 = math.exp %neg3A_3790 : vector<16xf32>
      %add3A_3792 = arith.constant 1.000000e+00 : f32
      %add3A_3793 = vector.broadcast %add3A_3792 : f32 to vector<16xf32>
      %add3A_3794 = arith.addf %add3A_3793, %exp3A_3791 : vector<16xf32>
      %div3A_3795 = arith.constant 1.000000e+00 : f32
      %div3A_3796 = vector.broadcast %div3A_3795 : f32 to vector<16xf32>
      %div3A_3797 = arith.divf %div3A_3796, %add3A_3794 : vector<16xf32>
      %get3A_3798 = arith.constant 14 : i32
      %get3A_3799 = arith.index_cast %get3A_3798 : i32 to index
      %get3A_3800 = arith.constant 0 : index
      %get3A_3801 = tpu.vector_load %arg9[%get3A_3799, %get3A_3800] {strides = array<i32>} : memref<16x64xf32, #tpu.memory_space<vmem>>, vector<16xf32>,
      %get3A_3802 = arith.constant 14 : i32
      %get3A_3803 = arith.index_cast %get3A_3802 : i32 to index
      %get3A_3804 = arith.constant 0 : index
      %get3A_3805 = tpu.vector_load %arg10[%get3A_3803, %get3A_3804] {strides = array<i32>} : memref<16x64xf32, #tpu.memory_space<vmem>>, vector<16xf32>,
      %sub3A_3806 = arith.subf %get3A_3801, %get3A_3805 : vector<16xf32>
      %mul3A_3807 = arith.mulf %div3A_3797, %sub3A_3806 : vector<16xf32>
      %add3A_3808 = arith.addf %broadcast_in_dim3A_3778, %mul3A_3807 : vector<16xf32>
      %get3A_3809 = arith.constant 14 : i32
      %get3A_3810 = arith.index_cast %get3A_3809 : i32 to index
      %get3A_3811 = arith.constant 16 : index
      %get3A_3812 = tpu.vector_load %arg11[%get3A_3810, %get3A_3811] {strides = array<i32>} : memref<16x64xf32, #tpu.memory_space<vmem>>, vector<16xf32>,
      %get3A_3813 = arith.constant 14 : i32
      %get3A_3814 = arith.index_cast %get3A_3813 : i32 to index
      %get3A_3815 = arith.constant 16 : index
      %get3A_3816 = tpu.vector_load %arg12[%get3A_3814, %get3A_3815] {strides = array<i32>} : memref<16x64xf32, #tpu.memory_space<vmem>>, vector<16xf32>,
      %add3A_3817 = arith.addf %get3A_3812, %get3A_3816 : vector<16xf32>
      %neg3A_3818 = arith.constant 0.000000e+00 : f32
      %neg3A_3819 = vector.broadcast %neg3A_3818 : f32 to vector<16xf32>
      %neg3A_3820 = arith.subf %neg3A_3819, %add3A_3817 : vector<16xf32>
      %exp3A_3821 = math.exp %neg3A_3820 : vector<16xf32>
      %add3A_3822 = arith.constant 1.000000e+00 : f32
      %add3A_3823 = vector.broadcast %add3A_3822 : f32 to vector<16xf32>
      %add3A_3824 = arith.addf %add3A_3823, %exp3A_3821 : vector<16xf32>
      %div3A_3825 = arith.constant 1.000000e+00 : f32
      %div3A_3826 = vector.broadcast %div3A_3825 : f32 to vector<16xf32>
      %div3A_3827 = arith.divf %div3A_3826, %add3A_3824 : vector<16xf32>
      %get3A_3828 = arith.constant 14 : i32
      %get3A_3829 = arith.index_cast %get3A_3828 : i32 to index
      %get3A_3830 = arith.constant 16 : index
      %get3A_3831 = tpu.vector_load %arg9[%get3A_3829, %get3A_3830] {strides = array<i32>} : memref<16x64xf32, #tpu.memory_space<vmem>>, vector<16xf32>,
      %get3A_3832 = arith.constant 14 : i32
      %get3A_3833 = arith.index_cast %get3A_3832 : i32 to index
      %get3A_3834 = arith.constant 16 : index
      %get3A_3835 = tpu.vector_load %arg10[%get3A_3833, %get3A_3834] {strides = array<i32>} : memref<16x64xf32, #tpu.memory_space<vmem>>, vector<16xf32>,
      %sub3A_3836 = arith.subf %get3A_3831, %get3A_3835 : vector<16xf32>
      %mul3A_3837 = arith.mulf %div3A_3827, %sub3A_3836 : vector<16xf32>
      %add3A_3838 = arith.addf %add3A_3808, %mul3A_3837 : vector<16xf32>
      %get3A_3839 = arith.constant 14 : i32
      %get3A_3840 = arith.index_cast %get3A_3839 : i32 to index
      %get3A_3841 = arith.constant 32 : index
      %get3A_3842 = tpu.vector_load %arg11[%get3A_3840, %get3A_3841] {strides = array<i32>} : memref<16x64xf32, #tpu.memory_space<vmem>>, vector<16xf32>,
      %get3A_3843 = arith.constant 14 : i32
      %get3A_3844 = arith.index_cast %get3A_3843 : i32 to index
      %get3A_3845 = arith.constant 32 : index
      %get3A_3846 = tpu.vector_load %arg12[%get3A_3844, %get3A_3845] {strides = array<i32>} : memref<16x64xf32, #tpu.memory_space<vmem>>, vector<16xf32>,
      %add3A_3847 = arith.addf %get3A_3842, %get3A_3846 : vector<16xf32>
      %neg3A_3848 = arith.constant 0.000000e+00 : f32
      %neg3A_3849 = vector.broadcast %neg3A_3848 : f32 to vector<16xf32>
      %neg3A_3850 = arith.subf %neg3A_3849, %add3A_3847 : vector<16xf32>
      %exp3A_3851 = math.exp %neg3A_3850 : vector<16xf32>
      %add3A_3852 = arith.constant 1.000000e+00 : f32
      %add3A_3853 = vector.broadcast %add3A_3852 : f32 to vector<16xf32>
      %add3A_3854 = arith.addf %add3A_3853, %exp3A_3851 : vector<16xf32>
      %div3A_3855 = arith.constant 1.000000e+00 : f32
      %div3A_3856 = vector.broadcast %div3A_3855 : f32 to vector<16xf32>
      %div3A_3857 = arith.divf %div3A_3856, %add3A_3854 : vector<16xf32>
      %get3A_3858 = arith.constant 14 : i32
      %get3A_3859 = arith.index_cast %get3A_3858 : i32 to index
      %get3A_3860 = arith.constant 32 : index
      %get3A_3861 = tpu.vector_load %arg9[%get3A_3859, %get3A_3860] {strides = array<i32>} : memref<16x64xf32, #tpu.memory_space<vmem>>, vector<16xf32>,
      %get3A_3862 = arith.constant 14 : i32
      %get3A_3863 = arith.index_cast %get3A_3862 : i32 to index
      %get3A_3864 = arith.constant 32 : index
      %get3A_3865 = tpu.vector_load %arg10[%get3A_3863, %get3A_3864] {strides = array<i32>} : memref<16x64xf32, #tpu.memory_space<vmem>>, vector<16xf32>,
      %sub3A_3866 = arith.subf %get3A_3861, %get3A_3865 : vector<16xf32>
      %mul3A_3867 = arith.mulf %div3A_3857, %sub3A_3866 : vector<16xf32>
      %add3A_3868 = arith.addf %add3A_3838, %mul3A_3867 : vector<16xf32>
      %get3A_3869 = arith.constant 14 : i32
      %get3A_3870 = arith.index_cast %get3A_3869 : i32 to index
      %get3A_3871 = arith.constant 48 : index
      %get3A_3872 = tpu.vector_load %arg11[%get3A_3870, %get3A_3871] {strides = array<i32>} : memref<16x64xf32, #tpu.memory_space<vmem>>, vector<16xf32>,
      %get3A_3873 = arith.constant 14 : i32
      %get3A_3874 = arith.index_cast %get3A_3873 : i32 to index
      %get3A_3875 = arith.constant 48 : index
      %get3A_3876 = tpu.vector_load %arg12[%get3A_3874, %get3A_3875] {strides = array<i32>} : memref<16x64xf32, #tpu.memory_space<vmem>>, vector<16xf32>,
      %add3A_3877 = arith.addf %get3A_3872, %get3A_3876 : vector<16xf32>
      %neg3A_3878 = arith.constant 0.000000e+00 : f32
      %neg3A_3879 = vector.broadcast %neg3A_3878 : f32 to vector<16xf32>
      %neg3A_3880 = arith.subf %neg3A_3879, %add3A_3877 : vector<16xf32>
      %exp3A_3881 = math.exp %neg3A_3880 : vector<16xf32>
      %add3A_3882 = arith.constant 1.000000e+00 : f32
      %add3A_3883 = vector.broadcast %add3A_3882 : f32 to vector<16xf32>
      %add3A_3884 = arith.addf %add3A_3883, %exp3A_3881 : vector<16xf32>
      %div3A_3885 = arith.constant 1.000000e+00 : f32
      %div3A_3886 = vector.broadcast %div3A_3885 : f32 to vector<16xf32>
      %div3A_3887 = arith.divf %div3A_3886, %add3A_3884 : vector<16xf32>
      %get3A_3888 = arith.constant 14 : i32
      %get3A_3889 = arith.index_cast %get3A_3888 : i32 to index
      %get3A_3890 = arith.constant 48 : index
      %get3A_3891 = tpu.vector_load %arg9[%get3A_3889, %get3A_3890] {strides = array<i32>} : memref<16x64xf32, #tpu.memory_space<vmem>>, vector<16xf32>,
      %get3A_3892 = arith.constant 14 : i32
      %get3A_3893 = arith.index_cast %get3A_3892 : i32 to index
      %get3A_3894 = arith.constant 48 : index
      %get3A_3895 = tpu.vector_load %arg10[%get3A_3893, %get3A_3894] {strides = array<i32>} : memref<16x64xf32, #tpu.memory_space<vmem>>, vector<16xf32>,
      %sub3A_3896 = arith.subf %get3A_3891, %get3A_3895 : vector<16xf32>
      %mul3A_3897 = arith.mulf %div3A_3887, %sub3A_3896 : vector<16xf32>
      %add3A_3898 = arith.addf %add3A_3868, %mul3A_3897 : vector<16xf32>
      %eq3A_3899 = arith.constant 14 : i32
      %eq3A_3900 = vector.broadcast %eq3A_3899 : i32 to vector<16xi32>
      %eq3A_3901 = arith.cmpi eq, %iota3A, %eq3A_3900 : vector<16xi32>
      %reduce_sum3A_3902 = arith.constant true
      %reduce_sum3A_3903 = vector.broadcast %reduce_sum3A_3902 : i1 to vector<16xi1>
      %reduce_sum3A_3904 = tpu.scan <sum>, %add3A_3898 masked %reduce_sum3A_3903 : vector<16xf32>, vector<16xi1> -> vector<16xf32>
      %reduce_sum3A_3905 = vector.extract %reduce_sum3A_3904[15] : f32 from vector<16xf32>
      %broadcast_in_dim3A_3906 = vector.broadcast %reduce_sum3A_3905 : f32 to vector<16xf32>
      %select_n3A_3907 = arith.select %eq3A_3901, %broadcast_in_dim3A_3906, %select_n3A_3776 : vector<16xi1>, vector<16xf32>
      %broadcast_in_dim3A_3908 = arith.constant 0.000000e+00 : f32
      %broadcast_in_dim3A_3909 = vector.broadcast %broadcast_in_dim3A_3908 : f32 to vector<16xf32>
      %get3A_3910 = arith.constant 15 : i32
      %get3A_3911 = arith.index_cast %get3A_3910 : i32 to index
      %get3A_3912 = arith.constant 0 : index
      %get3A_3913 = tpu.vector_load %arg11[%get3A_3911, %get3A_3912] {strides = array<i32>} : memref<16x64xf32, #tpu.memory_space<vmem>>, vector<16xf32>,
      %get3A_3914 = arith.constant 15 : i32
      %get3A_3915 = arith.index_cast %get3A_3914 : i32 to index
      %get3A_3916 = arith.constant 0 : index
      %get3A_3917 = tpu.vector_load %arg12[%get3A_3915, %get3A_3916] {strides = array<i32>} : memref<16x64xf32, #tpu.memory_space<vmem>>, vector<16xf32>,
      %add3A_3918 = arith.addf %get3A_3913, %get3A_3917 : vector<16xf32>
      %neg3A_3919 = arith.constant 0.000000e+00 : f32
      %neg3A_3920 = vector.broadcast %neg3A_3919 : f32 to vector<16xf32>
      %neg3A_3921 = arith.subf %neg3A_3920, %add3A_3918 : vector<16xf32>
      %exp3A_3922 = math.exp %neg3A_3921 : vector<16xf32>
      %add3A_3923 = arith.constant 1.000000e+00 : f32
      %add3A_3924 = vector.broadcast %add3A_3923 : f32 to vector<16xf32>
      %add3A_3925 = arith.addf %add3A_3924, %exp3A_3922 : vector<16xf32>
      %div3A_3926 = arith.constant 1.000000e+00 : f32
      %div3A_3927 = vector.broadcast %div3A_3926 : f32 to vector<16xf32>
      %div3A_3928 = arith.divf %div3A_3927, %add3A_3925 : vector<16xf32>
      %get3A_3929 = arith.constant 15 : i32
      %get3A_3930 = arith.index_cast %get3A_3929 : i32 to index
      %get3A_3931 = arith.constant 0 : index
      %get3A_3932 = tpu.vector_load %arg9[%get3A_3930, %get3A_3931] {strides = array<i32>} : memref<16x64xf32, #tpu.memory_space<vmem>>, vector<16xf32>,
      %get3A_3933 = arith.constant 15 : i32
      %get3A_3934 = arith.index_cast %get3A_3933 : i32 to index
      %get3A_3935 = arith.constant 0 : index
      %get3A_3936 = tpu.vector_load %arg10[%get3A_3934, %get3A_3935] {strides = array<i32>} : memref<16x64xf32, #tpu.memory_space<vmem>>, vector<16xf32>,
      %sub3A_3937 = arith.subf %get3A_3932, %get3A_3936 : vector<16xf32>
      %mul3A_3938 = arith.mulf %div3A_3928, %sub3A_3937 : vector<16xf32>
      %add3A_3939 = arith.addf %broadcast_in_dim3A_3909, %mul3A_3938 : vector<16xf32>
      %get3A_3940 = arith.constant 15 : i32
      %get3A_3941 = arith.index_cast %get3A_3940 : i32 to index
      %get3A_3942 = arith.constant 16 : index
      %get3A_3943 = tpu.vector_load %arg11[%get3A_3941, %get3A_3942] {strides = array<i32>} : memref<16x64xf32, #tpu.memory_space<vmem>>, vector<16xf32>,
      %get3A_3944 = arith.constant 15 : i32
      %get3A_3945 = arith.index_cast %get3A_3944 : i32 to index
      %get3A_3946 = arith.constant 16 : index
      %get3A_3947 = tpu.vector_load %arg12[%get3A_3945, %get3A_3946] {strides = array<i32>} : memref<16x64xf32, #tpu.memory_space<vmem>>, vector<16xf32>,
      %add3A_3948 = arith.addf %get3A_3943, %get3A_3947 : vector<16xf32>
      %neg3A_3949 = arith.constant 0.000000e+00 : f32
      %neg3A_3950 = vector.broadcast %neg3A_3949 : f32 to vector<16xf32>
      %neg3A_3951 = arith.subf %neg3A_3950, %add3A_3948 : vector<16xf32>
      %exp3A_3952 = math.exp %neg3A_3951 : vector<16xf32>
      %add3A_3953 = arith.constant 1.000000e+00 : f32
      %add3A_3954 = vector.broadcast %add3A_3953 : f32 to vector<16xf32>
      %add3A_3955 = arith.addf %add3A_3954, %exp3A_3952 : vector<16xf32>
      %div3A_3956 = arith.constant 1.000000e+00 : f32
      %div3A_3957 = vector.broadcast %div3A_3956 : f32 to vector<16xf32>
      %div3A_3958 = arith.divf %div3A_3957, %add3A_3955 : vector<16xf32>
      %get3A_3959 = arith.constant 15 : i32
      %get3A_3960 = arith.index_cast %get3A_3959 : i32 to index
      %get3A_3961 = arith.constant 16 : index
      %get3A_3962 = tpu.vector_load %arg9[%get3A_3960, %get3A_3961] {strides = array<i32>} : memref<16x64xf32, #tpu.memory_space<vmem>>, vector<16xf32>,
      %get3A_3963 = arith.constant 15 : i32
      %get3A_3964 = arith.index_cast %get3A_3963 : i32 to index
      %get3A_3965 = arith.constant 16 : index
      %get3A_3966 = tpu.vector_load %arg10[%get3A_3964, %get3A_3965] {strides = array<i32>} : memref<16x64xf32, #tpu.memory_space<vmem>>, vector<16xf32>,
      %sub3A_3967 = arith.subf %get3A_3962, %get3A_3966 : vector<16xf32>
      %mul3A_3968 = arith.mulf %div3A_3958, %sub3A_3967 : vector<16xf32>
      %add3A_3969 = arith.addf %add3A_3939, %mul3A_3968 : vector<16xf32>
      %get3A_3970 = arith.constant 15 : i32
      %get3A_3971 = arith.index_cast %get3A_3970 : i32 to index
      %get3A_3972 = arith.constant 32 : index
      %get3A_3973 = tpu.vector_load %arg11[%get3A_3971, %get3A_3972] {strides = array<i32>} : memref<16x64xf32, #tpu.memory_space<vmem>>, vector<16xf32>,
      %get3A_3974 = arith.constant 15 : i32
      %get3A_3975 = arith.index_cast %get3A_3974 : i32 to index
      %get3A_3976 = arith.constant 32 : index
      %get3A_3977 = tpu.vector_load %arg12[%get3A_3975, %get3A_3976] {strides = array<i32>} : memref<16x64xf32, #tpu.memory_space<vmem>>, vector<16xf32>,
      %add3A_3978 = arith.addf %get3A_3973, %get3A_3977 : vector<16xf32>
      %neg3A_3979 = arith.constant 0.000000e+00 : f32
      %neg3A_3980 = vector.broadcast %neg3A_3979 : f32 to vector<16xf32>
      %neg3A_3981 = arith.subf %neg3A_3980, %add3A_3978 : vector<16xf32>
      %exp3A_3982 = math.exp %neg3A_3981 : vector<16xf32>
      %add3A_3983 = arith.constant 1.000000e+00 : f32
      %add3A_3984 = vector.broadcast %add3A_3983 : f32 to vector<16xf32>
      %add3A_3985 = arith.addf %add3A_3984, %exp3A_3982 : vector<16xf32>
      %div3A_3986 = arith.constant 1.000000e+00 : f32
      %div3A_3987 = vector.broadcast %div3A_3986 : f32 to vector<16xf32>
      %div3A_3988 = arith.divf %div3A_3987, %add3A_3985 : vector<16xf32>
      %get3A_3989 = arith.constant 15 : i32
      %get3A_3990 = arith.index_cast %get3A_3989 : i32 to index
      %get3A_3991 = arith.constant 32 : index
      %get3A_3992 = tpu.vector_load %arg9[%get3A_3990, %get3A_3991] {strides = array<i32>} : memref<16x64xf32, #tpu.memory_space<vmem>>, vector<16xf32>,
      %get3A_3993 = arith.constant 15 : i32
      %get3A_3994 = arith.index_cast %get3A_3993 : i32 to index
      %get3A_3995 = arith.constant 32 : index
      %get3A_3996 = tpu.vector_load %arg10[%get3A_3994, %get3A_3995] {strides = array<i32>} : memref<16x64xf32, #tpu.memory_space<vmem>>, vector<16xf32>,
      %sub3A_3997 = arith.subf %get3A_3992, %get3A_3996 : vector<16xf32>
      %mul3A_3998 = arith.mulf %div3A_3988, %sub3A_3997 : vector<16xf32>
      %add3A_3999 = arith.addf %add3A_3969, %mul3A_3998 : vector<16xf32>
      %get3A_4000 = arith.constant 15 : i32
      %get3A_4001 = arith.index_cast %get3A_4000 : i32 to index
      %get3A_4002 = arith.constant 48 : index
      %get3A_4003 = tpu.vector_load %arg11[%get3A_4001, %get3A_4002] {strides = array<i32>} : memref<16x64xf32, #tpu.memory_space<vmem>>, vector<16xf32>,
      %get3A_4004 = arith.constant 15 : i32
      %get3A_4005 = arith.index_cast %get3A_4004 : i32 to index
      %get3A_4006 = arith.constant 48 : index
      %get3A_4007 = tpu.vector_load %arg12[%get3A_4005, %get3A_4006] {strides = array<i32>} : memref<16x64xf32, #tpu.memory_space<vmem>>, vector<16xf32>,
      %add3A_4008 = arith.addf %get3A_4003, %get3A_4007 : vector<16xf32>
      %neg3A_4009 = arith.constant 0.000000e+00 : f32
      %neg3A_4010 = vector.broadcast %neg3A_4009 : f32 to vector<16xf32>
      %neg3A_4011 = arith.subf %neg3A_4010, %add3A_4008 : vector<16xf32>
      %exp3A_4012 = math.exp %neg3A_4011 : vector<16xf32>
      %add3A_4013 = arith.constant 1.000000e+00 : f32
      %add3A_4014 = vector.broadcast %add3A_4013 : f32 to vector<16xf32>
      %add3A_4015 = arith.addf %add3A_4014, %exp3A_4012 : vector<16xf32>
      %div3A_4016 = arith.constant 1.000000e+00 : f32
      %div3A_4017 = vector.broadcast %div3A_4016 : f32 to vector<16xf32>
      %div3A_4018 = arith.divf %div3A_4017, %add3A_4015 : vector<16xf32>
      %get3A_4019 = arith.constant 15 : i32
      %get3A_4020 = arith.index_cast %get3A_4019 : i32 to index
      %get3A_4021 = arith.constant 48 : index
      %get3A_4022 = tpu.vector_load %arg9[%get3A_4020, %get3A_4021] {strides = array<i32>} : memref<16x64xf32, #tpu.memory_space<vmem>>, vector<16xf32>,
      %get3A_4023 = arith.constant 15 : i32
      %get3A_4024 = arith.index_cast %get3A_4023 : i32 to index
      %get3A_4025 = arith.constant 48 : index
      %get3A_4026 = tpu.vector_load %arg10[%get3A_4024, %get3A_4025] {strides = array<i32>} : memref<16x64xf32, #tpu.memory_space<vmem>>, vector<16xf32>,
      %sub3A_4027 = arith.subf %get3A_4022, %get3A_4026 : vector<16xf32>
      %mul3A_4028 = arith.mulf %div3A_4018, %sub3A_4027 : vector<16xf32>
      %add3A_4029 = arith.addf %add3A_3999, %mul3A_4028 : vector<16xf32>
      %eq3A_4030 = arith.constant 15 : i32
      %eq3A_4031 = vector.broadcast %eq3A_4030 : i32 to vector<16xi32>
      %eq3A_4032 = arith.cmpi eq, %iota3A, %eq3A_4031 : vector<16xi32>
      %reduce_sum3A_4033 = arith.constant true
      %reduce_sum3A_4034 = vector.broadcast %reduce_sum3A_4033 : i1 to vector<16xi1>
      %reduce_sum3A_4035 = tpu.scan <sum>, %add3A_4029 masked %reduce_sum3A_4034 : vector<16xf32>, vector<16xi1> -> vector<16xf32>
      %reduce_sum3A_4036 = vector.extract %reduce_sum3A_4035[15] : f32 from vector<16xf32>
      %broadcast_in_dim3A_4037 = vector.broadcast %reduce_sum3A_4036 : f32 to vector<16xf32>
      %select_n3A_4038 = arith.select %eq3A_4032, %broadcast_in_dim3A_4037, %select_n3A_3907 : vector<16xi1>, vector<16xf32>
      %mul3A_4039 = arith.constant 16 : i32
      %mul3A_4040 = arith.muli %scan3A_8, %mul3A_4039 : i32
      %swap3A = arith.index_cast %mul3A_4040 : i32 to index
      %swap3A_4041 = tpu.vector_load %arg13[%swap3A] {strides = array<i32>} : memref<512xf32, #tpu.memory_space<vmem>>, vector<16xf32>,
      tpu.vector_store %arg13[%swap3A], %select_n3A_4038 {strides = array<i32>} : memref<512xf32, #tpu.memory_space<vmem>>, vector<16xf32>,
    }
    %scan3A_7 = arith.constant 32 : i32
    "tpu.region"() ({
      %run_scoped3A = tpu.sem_alloc : memref<!tpu.dma_semaphore, #tpu.memory_space<semaphore_mem>>
      %dma_start3A = tpu.memref_slice %arg6[%mul3A_2] : memref<16384xf32, #tpu.memory_space<hbm>> -> memref<512xf32, #tpu.memory_space<hbm>>
      %dma_start3A_8 = tpu.memref_slice %arg6[%mul3A_2] : memref<16384xf32, #tpu.memory_space<hbm>> -> memref<512xf32, #tpu.memory_space<hbm>>
      tpu.enqueue_dma source(%arg13 : memref<512xf32, #tpu.memory_space<vmem>>) target(%dma_start3A_8 : memref<512xf32, #tpu.memory_space<hbm>>) target_semaphore(%run_scoped3A : memref<!tpu.dma_semaphore, #tpu.memory_space<semaphore_mem>>)
      %dma_wait3A = tpu.memref_slice %arg6[%mul3A_2] : memref<16384xf32, #tpu.memory_space<hbm>> -> memref<512xf32, #tpu.memory_space<hbm>>
      %dma_wait3A_9 = tpu.memref_slice %arg6[%mul3A_2] : memref<16384xf32, #tpu.memory_space<hbm>> -> memref<512xf32, #tpu.memory_space<hbm>>
      tpu.wait_dma2 semaphore(%run_scoped3A : memref<!tpu.dma_semaphore, #tpu.memory_space<semaphore_mem>>) src(%arg13 : memref<512xf32, #tpu.memory_space<vmem>>) dst(%dma_wait3A_9 : memref<512xf32, #tpu.memory_space<hbm>>)
      tpu.yield
    }) : () -> ()
    return
  }
}

</mosaic_0001>

<sc_bundles>
// kernel: kernel.3.cloned.1.call-start
scs
__scs_entry_jumppad:
0x0: {  	(pc) =	sbr.rel $0x88, $3  }
0x1: {  	(tag) =	ssettag $0x0;
	lr =	simm.s32 $0x1  }
0x2: {  	[smem:$0x3F9D] =	sst lr;
	_ =	strace $0xD0000000  }
0x3: {  	_ = 	snop  }
0x4: {  	_ = 	snop  }
0x5: {  	_ = 	snop  }
0x6: {  	_ = 	snop  }
0x7: {  	_ = 	snop  }
__scs_overlays_trampoline_lowered:
0x8: {  	[smem:$0x3FAC] =	sst s0  }
0x9: {  	[smem:$0x3FAD] =	sst s1  }
0xa: {  	[smem:$0x3FAE] =	sst s2  }
0xb: {  	[smem:$0x3FAF] =	sst s3  }
0xc: {  	[smem:$0x3FB0] =	sst s4  }
0xd: {  	[smem:$0x3FB1] =	sst s5  }
0xe: {  	[smem:$0x3FB2] =	sst s6  }
0xf: {  	[smem:$0x3FB3] =	sst s7  }
0x10: {  	[smem:$0x3FB4] =	sst s8  }
0x11: {  	[smem:$0x3FB5] =	sst s9;
	s0 =	simm.s32 @!p0 $0x0  }
0x12: {  	s1 =	sld [smem:$0x3F9B];
	s0 =	simm.s32 @p0 $0x1  }
0x13: {  	[smem:$0x3FB6] =	sst s0;
	s0 =	simm.s32 @!p1 $0x0  }
0x14: {  	s2 =	sld [smem:$0x3F9A];
	s0 =	simm.s32 @p1 $0x1  }
0x15: {  	[smem:$0x3FB7] =	sst s0;
	s0 =	simm.s32 @!p2 $0x0  }
0x16: {  	s3 =	sld [smem:$0x3FDB];
	s0 =	simm.s32 @p2 $0x1  }
0x17: {  	s4 =	simm.s32 $0x1BF5;
	[smem:$0x3FB9] =	sst s0  }
0x18: {  	s0 =	sld [smem:$0x3F9C];
	_ =	swait.ge [sflag:s4], $0x0  }
0x19: {  	s7 =	sld [smem:$0x3F9D]  }
0x1a: {  	s8 =	sadd.s32 $0xFFFFE003, lr  }
0x1b: {  	s9 =	sadd.s32 $0xFFFFFEF7, lr;
	s5 =	simm.s32 $0xFFFFFFFF;
	p2 =	slt.u32 s8, $0xFFFFF086  }
0x1c: {  	p1 =	slt.u32 s9, $0xF7A;
	s5 =	simm.s32 @!p2 $0x0  }
0x1d: {  	s5 =	simm.s32 @p1 $0x1;
	p0 =	seq.s32 s7, s2  }
0x1e: {  	s7 =	smul.u32 @!p0 $0xF7A, s2;
	p2 =	seq.s32 @!p0 s5, $0x0  }
0x1f: {  	s9 =	smul.u32 $0xF7A, s1;
	s8 =	simm.s32 @!p0 $0x1BF5;
	p2 =	por !p2, p0  }
0x20: {  	[sflag:s8] =	ssyncset.s32 @!p0 $0xFFFFF086;
	s6 =	sadd.s32 @!p0 s3, s7;
	s7 =	simm.s32 @!p0 $0x108  }
0x21: {  	s3 =	sadd.s32 s3, s9;
	s6 =	sadd.s32 @!p0 $0x88, s6;
	s7 =	simm.s32 @p2 $0x1082  }
0x22: {  	[simem:s7], [sflag:s8] =	dma.local @!p0 [hbm:s6], $0xF7A  }
0x23: {  	s9 =	sor.u32 $0xD0000000, s2;
	s6 =	simm.s32 $0x108;
	_ =	swait.ge @!p0 [sflag:s8], $0x0  }
0x24: {  	s3 =	sadd.s32 $0x88, s3;
	s6 =	simm.s32 @!p1 $0x1082;
	[sflag:s4] =	ssyncset.s32 $0xFFFFF086  }
0x25: {  	[simem:s6], [sflag:s4] =	dma.local [hbm:s3], $0xF7A  }
0x26: {  	[smem:$0x3F9D] =	sst s1;
	(tag) =	ssettag s2;
	_ =	strace s9  }
0x27: {  	s1 =	sld [smem:$0x3FAD]  }
0x28: {  	s2 =	sld [smem:$0x3FAE]  }
0x29: {  	s4 =	sld [smem:$0x3FB0]  }
0x2a: {  	p0 =	seq.s32 s5, $0x0;
	s5 =	sld [smem:$0x3FB1]  }
0x2b: {  	s6 =	sld [smem:$0x3FB2]  }
0x2c: {  	s7 =	sld [smem:$0x3FB3]  }
0x2d: {  	s3 =	simm.s32 $0x108;
	s8 =	sld [smem:$0x3FB4]  }
0x2e: {  	s3 =	simm.s32 @!p0 $0x1082;
	s9 =	sld [smem:$0x3FB5]  }
0x2f: {  	lr =	sadd.s32 s0, s3;
	s0 =	sld [smem:$0x3FAC]  }
0x30: {  	s3 =	sld [smem:$0x3FAF]  }
0x31: {  	[smem:$0x3FB8] =	sst s10  }
0x32: {  	s10 =	sld [smem:$0x3FB6];
	_ =	sdelay $0x3  }
0x33: {  	p0 =	seq.s32 s10, $0x1;
	s10 =	sld [smem:$0x3FB8];
	_ =	sdelay $0x3  }
0x34: {  	[smem:$0x3FB8] =	sst s10  }
0x35: {  	s10 =	sld [smem:$0x3FB7];
	_ =	sdelay $0x3  }
0x36: {  	p1 =	seq.s32 s10, $0x1;
	s10 =	sld [smem:$0x3FB8];
	_ =	sdelay $0x3  }
0x37: {  	[smem:$0x3FB8] =	sst s10  }
0x38: {  	s10 =	sld [smem:$0x3FB9]  }
0x39: {  	_ = 	snop;
	(pc) =	sbr.ind lr, $3  }
0x3a: {  	_ = 	snop  }
0x3b: {  	_ = 	snop  }
0x3c: {  	p2 =	seq.s32 s10, $0x1;
	s10 =	sld [smem:$0x3FB8]  }
0x3d: {  	_ =	shalt  }
0x3e: {  	_ =	shalt  }
0x3f: {  	_ =	shalt  }
0x40: {  	_ =	shalt  }
0x41: {  	_ =	shalt  }
0x42: {  	_ =	shalt  }
0x43: {  	_ =	shalt  }
0x44: {  	_ =	shalt  }
0x45: {  	_ =	shalt  }
0x46: {  	_ =	shalt  }
0x47: {  	_ =	shalt  }
0x48: {  	_ =	shalt  }
0x49: {  	_ =	shalt  }
0x4a: {  	_ =	shalt  }
0x4b: {  	_ =	shalt  }
0x4c: {  	_ =	shalt  }
0x4d: {  	_ =	shalt  }
0x4e: {  	_ =	shalt  }
0x4f: {  	_ =	shalt  }
0x50: {  	_ =	shalt  }
0x51: {  	_ =	shalt  }
0x52: {  	_ =	shalt  }
0x53: {  	_ =	shalt  }
0x54: {  	_ =	shalt  }
0x55: {  	_ =	shalt  }
0x56: {  	_ =	shalt  }
0x57: {  	_ =	shalt  }
0x58: {  	_ =	shalt  }
0x59: {  	_ =	shalt  }
0x5a: {  	_ =	shalt  }
0x5b: {  	_ =	shalt  }
0x5c: {  	_ =	shalt  }
0x5d: {  	_ =	shalt  }
0x5e: {  	_ =	shalt  }
0x5f: {  	_ =	shalt  }
0x60: {  	_ =	shalt  }
0x61: {  	_ =	shalt  }
0x62: {  	_ =	shalt  }
0x63: {  	_ =	shalt  }
0x64: {  	_ =	shalt  }
0x65: {  	_ =	shalt  }
0x66: {  	_ =	shalt  }
0x67: {  	_ =	shalt  }
0x68: {  	_ =	shalt  }
0x69: {  	_ =	shalt  }
0x6a: {  	_ =	shalt  }
0x6b: {  	_ =	shalt  }
0x6c: {  	_ =	shalt  }
0x6d: {  	_ =	shalt  }
0x6e: {  	_ =	shalt  }
0x6f: {  	_ =	shalt  }
0x70: {  	_ =	shalt  }
0x71: {  	_ =	shalt  }
0x72: {  	_ =	shalt  }
0x73: {  	_ =	shalt  }
0x74: {  	_ =	shalt  }
0x75: {  	_ =	shalt  }
0x76: {  	_ =	shalt  }
0x77: {  	_ =	shalt  }
0x78: {  	_ =	shalt  }
0x79: {  	_ =	shalt  }
0x7a: {  	_ =	shalt  }
0x7b: {  	_ =	shalt  }
0x7c: {  	_ =	shalt  }
0x7d: {  	_ =	shalt  }
0x7e: {  	_ =	shalt  }
0x7f: {  	_ =	shalt  }
0x80: {  	_ =	shalt  }
0x81: {  	_ =	shalt  }
0x82: {  	_ =	shalt  }
0x83: {  	_ =	shalt  }
0x84: {  	_ =	shalt  }
0x85: {  	_ =	shalt  }
0x86: {  	_ =	shalt  }
0x87: {  	_ =	shalt  }
.Lfunc_end0:
.L_simem_size_0:
called_computation_lowered:
.L_overlay_start_0:
0x88: {  	s2 =	sld [smem:$0x3FD9]  }
0x89: {  	s3 =	sld [smem:$0x3FFE];
	_ =	sdelay $0x1  }
0x8a: {  	s1 =	srdreg.scid  }
0x8b: {  	s0 =	sand.u32 $0x1, s1  }
0x8c: {  	s17 =	sshll.u32 s0, $0xA;
	s2 =	sadd.s32 s3, s2  }
0x8d: {  	s2 =	sadd.s32 s2, s17  }
0x8e: {  	[smem:$0x3FC4] =	sst s2  }
0x8f: {  	_ = 	snop  }
0x90: {  	s2 =	sld [smem:$0x3FC9]  }
0x91: {  	s18 =	sld [smem:$0x3FC8]  }
0x92: {  	s4 =	sld [smem:$0x3FD0];
	(tm) =	ssettm $0x1  }
0x93: {  	s5 =	sld [smem:$0x3FFB];
	_ =	sdelay $0x3  }
0x94: {  	_ =	strace s5  }
0x95: {  	s5 =	sld [smem:$0x3FFC];
	_ =	sdelay $0x3  }
0x96: {  	_ =	strace s5  }
0x97: {  	s5 =	sld [smem:$0x3FFD];
	_ =	sdelay $0x3  }
0x98: {  	_ =	strace s5  }
0x99: {  	_ =	strace $0x8FFFFFFF  }
0x9a: {  	s19 =	sld [smem:$0x3FDB];
	_ =	sdelay $0x1  }
0x9b: {  	s6 =	simm.s32 $_scs_section_size  }
0x9c: {  	s7 =	simm.s32 $_size__tile_overlayer_lowered;
	s8 =	simm.s32 $_tile_overlayer_lowered  }
0x9d: {  	s22 =	simm.s32 $0x1BFF;
	s21 =	sshll.u32 s8, $0x1;
	s5 =	sadd.s32 s6, s19  }
0x9e: {  	s9 =	simm.s32 $0x0;
	s20 =	sshll.u32 s7, $0x1;
	s7 =	sadd.s32 s21, s5  }
0x9f: {  	[timem:s9], [sflag:s22] =	dma.local [hbm:s7], s20  }
0xa0: {  	_ =	swait.ge [sflag:s22], s20  }
0xa1: {  	s6 =	ssub.s32 $0x0, s20;
	[sflag:s22] =	ssyncset.done $0x0  }
0xa2: {  	[sflag:s22] =	ssyncadd.s32 s6;
	_ =	sdelay $0x1  }
0xa3: {  	s23 =	simm.s32 $0x1B8B  }
0xa4: {  	_ =	swait.ge [sflag:s23], $0x1  }
0xa5: {  	[sflag:s23] =	ssyncset.done $0x0  }
0xa6: {  	s25 =	simm.s32 $0x1B8E;
	s24 =	sld [smem:$0x3FFE];
	[sflag:s23] =	ssyncadd.s32 $0xFFFFFFFF  }
0xa7: {  	s26 =	simm.s32 $execute0_lowered;
	[smem:$0x3FD2] =	sst s25  }
0xa8: {  	s7 =	sshll.u32 s26, $0x1;
	_ =	strace $0x80000046;
	[dreg:$0x1] =	wrdreg $0xFFFFFFFF  }
0xa9: {  	s28 =	simm.s32 $_size_execute0_lowered;
	s5 =	sadd.s32 s5, s7;
	[dreg:$0x0] =	wrdreg $0x0  }
0xaa: {  	s7 =	sshll.u32 s28, $0x1;
	[dreg:$0x2] =	wrdreg s5  }
0xab: {  	[dreg:$0x3] =	wrdreg s7  }
0xac: {  	[dreg:$0x4] =	wrdreg $0xC0  }
0xad: {  	_ =	task [dreg:s9], $0x5FFFF  }
0xae: {  	[dreg:$0x1] =	wrdreg $0xFFFFFFFF  }
0xaf: {  	[dreg:$0x0] =	wrdreg $0x60  }
0xb0: {  	[dreg:$0x2] =	wrdreg s2  }
0xb1: {  	[dreg:$0x3] =	wrdreg s18  }
0xb2: {  	[dreg:$0x4] =	wrdreg s24  }
0xb3: {  	[dreg:$0x5] =	wrdreg s4  }
0xb4: {  	[dreg:$0x6] =	wrdreg $0x9  }
0xb5: {  	_ =	task.clear_ibuf [dreg:s9], $0x7FFFF;
	_ =	strace $0x90000046  }
0xb6: {  	s29 =	simm.s32 $0x9;
	_ =	strace $0x80000048  }
0xb7: {  	_ =	swait.ge [sflag:s29], $0x1  }
0xb8: {  	[sflag:s29] =	ssyncadd.s32 $0xFFFFFFFF  }
0xb9: {  	_ =	strace $0x90000048  }
0xba: {  	_ =	sfence  }
0xbb: {  	s30 =	sld [smem:$0x0];
	_ =	sdelay $0x2  }
0xbc: {  	s31 =	sshll.u32 s1, $0xD;
	s1 =	sshrl.u32 s1, $0x2  }
0xbd: {  	s3 =	sand.u32 $0x4000, s31;
	s1 =	sadd.s32 s1, s30  }
0xbe: {  	s0 =	sor.u32 s3, s0;
	s1 =	sshll.u32 s1, $0x11  }
0xbf: {  	s0 =	sor.u32 s1, s0  }
0xc0: {  	s0 =	sadd.s32 $0x8F2B, s0  }
0xc1: {  	[sflag:s0] =	ssyncadd.remote.s32 $0x1  }
0xc2: {  	_ =	sfence.sel $0xFFFF  }
0xc3: {  	[dreg:$0x0] =	wrdreg $0xFFFFFFFF;
	(pc) =	sbr.abs _section_cstart, $3  }
0xc4: {  	[dreg:$0x1] =	wrdreg $0xFFFFFFFF  }
0xc5: {  	_ =	task.clear_ibuf [dreg:s9], $0x2FFFF;
	_ =	strace $0x9FFFFFFF  }
0xc6: {  	(tm) =	ssettm $0x7FFFFFFF  }
0xc7: {  	_ =	shalt  }
tec
execute0_lowered:
.L_overlay_start_1:
0x0: {  	(tag) =	ssettag $0x1  }
0x1: {  	s5 =	rddreg [dreg:$0x0]  }
0x2: {  	s6 =	rddreg [dreg:$0x1]  }
0x3: {  	s3 =	rddreg [dreg:$0x2]  }
0x4: {  	s7 =	rddreg [dreg:$0x3]  }
0x5: {  	s0 =	rddreg [dreg:$0x4];
	s1 =	simm.s32 $0x0  }
0x6: {  	s2 =	simm.s32 $0x400;
	[smem:$0x7FF] =	sst s1  }
0x7: {  	s17 =	simm.s32 $0xC00;
	_ =	strace $0x80000047;
	[dreg:$0x5] =	wrdreg s2  }
0x8: {  	s18 =	simm.s32 $0x1400;
	[dreg:$0x6] =	wrdreg s17  }
0x9: {  	s19 =	simm.s32 $0x1C00;
	[dreg:$0x7] =	wrdreg s18  }
0xa: {  	s20 =	simm.s32 $0x480;
	[dreg:$0x8] =	wrdreg s19  }
0xb: {  	s21 =	simm.s32 $0xC80;
	[dreg:$0x9] =	wrdreg s20  }
0xc: {  	s22 =	simm.s32 $0x1480;
	[dreg:$0xa] =	wrdreg s21  }
0xd: {  	s23 =	simm.s32 $0x1C80;
	[dreg:$0xb] =	wrdreg s22  }
0xe: {  	s24 =	simm.s32 $0x500;
	[dreg:$0xc] =	wrdreg s23  }
0xf: {  	s25 =	simm.s32 $0xD00;
	[dreg:$0xd] =	wrdreg s24  }
0x10: {  	s26 =	simm.s32 $0x1500;
	[dreg:$0xe] =	wrdreg s25  }
0x11: {  	s28 =	simm.s32 $0x1D00;
	[dreg:$0xf] =	wrdreg s26  }
0x12: {  	s29 =	simm.s32 $0x580;
	[dreg:$0x10] =	wrdreg s28  }
0x13: {  	s30 =	simm.s32 $0xD80;
	[dreg:$0x11] =	wrdreg s29  }
0x14: {  	s31 =	simm.s32 $0x1580;
	[dreg:$0x12] =	wrdreg s30  }
0x15: {  	s4 =	simm.s32 $0x1D80;
	[dreg:$0x13] =	wrdreg s31  }
0x16: {  	s8 =	simm.s32 $0x600;
	[dreg:$0x14] =	wrdreg s4  }
0x17: {  	s9 =	simm.s32 $0xE00;
	[dreg:$0x15] =	wrdreg s8  }
0x18: {  	s10 =	simm.s32 $0x1600;
	[dreg:$0x16] =	wrdreg s9  }
0x19: {  	s11 =	simm.s32 $0x1E00;
	[dreg:$0x17] =	wrdreg s10  }
0x1a: {  	s12 =	simm.s32 $0x680;
	[dreg:$0x18] =	wrdreg s11  }
0x1b: {  	s13 =	simm.s32 $0xE80;
	[dreg:$0x19] =	wrdreg s12  }
0x1c: {  	s14 =	simm.s32 $0x1680;
	[dreg:$0x1a] =	wrdreg s13  }
0x1d: {  	s15 =	simm.s32 $0x1E80;
	[dreg:$0x1b] =	wrdreg s14  }
0x1e: {  	s16 =	simm.s32 $0x700;
	[dreg:$0x1c] =	wrdreg s15  }
0x1f: {  	[dreg:$0x1d] =	wrdreg s16;
	s17 =	simm.s32 $0xF00  }
0x20: {  	s18 =	simm.s32 $0x1700;
	[dreg:$0x1e] =	wrdreg s17  }
0x21: {  	s19 =	simm.s32 $0x1F00;
	[dreg:$0x1f] =	wrdreg s18  }
0x22: {  	s20 =	simm.s32 $0x780;
	[smem:$0x7D9] =	sst s19  }
0x23: {  	s21 =	simm.s32 $0xF80;
	[smem:$0x7DA] =	sst s20  }
0x24: {  	s22 =	simm.s32 $0x1780;
	[smem:$0x7DB] =	sst s21  }
0x25: {  	s23 =	simm.s32 $0x1F80;
	[smem:$0x7DC] =	sst s22  }
0x26: {  	s24 =	simm.s32 $0x800;
	[smem:$0x7DD] =	sst s23  }
0x27: {  	s25 =	simm.s32 $0x1000;
	[smem:$0x7DE] =	sst s24  }
0x28: {  	s26 =	simm.s32 $0x1800;
	[smem:$0x7DF] =	sst s25  }
0x29: {  	s28 =	simm.s32 $0x2000;
	[smem:$0x7E0] =	sst s26  }
0x2a: {  	s29 =	simm.s32 $0x880;
	[smem:$0x7E1] =	sst s28  }
0x2b: {  	s30 =	simm.s32 $0x1080;
	[smem:$0x7E2] =	sst s29  }
0x2c: {  	s31 =	simm.s32 $0x1880;
	[smem:$0x7E3] =	sst s30  }
0x2d: {  	s4 =	simm.s32 $0x2080;
	[smem:$0x7E4] =	sst s31  }
0x2e: {  	s8 =	simm.s32 $0x900;
	[smem:$0x7E5] =	sst s4  }
0x2f: {  	s9 =	simm.s32 $0x1100;
	[smem:$0x7E6] =	sst s8  }
0x30: {  	s10 =	simm.s32 $0x1900;
	[smem:$0x7E7] =	sst s9  }
0x31: {  	s11 =	simm.s32 $0x2100;
	[smem:$0x7E8] =	sst s10  }
0x32: {  	s12 =	simm.s32 $0x980;
	[smem:$0x7E9] =	sst s11  }
0x33: {  	s13 =	simm.s32 $0x1180;
	[smem:$0x7EA] =	sst s12  }
0x34: {  	s14 =	simm.s32 $0x1980;
	[smem:$0x7EB] =	sst s13  }
0x35: {  	s15 =	simm.s32 $0x2180;
	[smem:$0x7EC] =	sst s14  }
0x36: {  	s16 =	simm.s32 $0x1200;
	[smem:$0x7ED] =	sst s15  }
0x37: {  	s4 =	simm.s32 $0xA00;
	[smem:$0x7EF] =	sst s16  }
0x38: {  	s17 =	simm.s32 $0x1A00;
	[smem:$0x7EE] =	sst s4  }
0x39: {  	s9 =	simm.s32 $0x2200;
	[smem:$0x7F0] =	sst s17  }
0x3a: {  	s18 =	simm.s32 $0xA80;
	[smem:$0x7F1] =	sst s9  }
0x3b: {  	vm1 =	vmmov $0x3;
	v0 =	vimm.s32 $0x0;
	s19 =	simm.s32 $0x1280;
	[smem:$0x7F2] =	sst s18  }
0x3c: {  	v52 =	vimm.s32 $0x0;
	v0 =	vsel vm1, $0xFFFFFFFF, v0;
	vm1 =	vmmov $0x7;
	s20 =	simm.s32 $0x1A80;
	[smem:$0x7F3] =	sst s19  }
0x3d: {  	v53 =	vimm.s32 $0x0;
	s2 =	sadd.s32 $0x400, s3;
	[tilespmem:$0x1FF30] =	vst v0;
	v0 =	vsel vm1, $0xFFFFFFFF, v52;
	vm1 =	vmmov $0xf;
	s21 =	simm.s32 $0x2280;
	[smem:$0x7F4] =	sst s20  }
0x3e: {  	v54 =	vimm.s32 $0x0;
	s3 =	sadd.s32 $0xF42800, s3;
	s22 =	simm.s32 $0xB00;
	[tilespmem:$0x1FF40] =	vst v0;
	v0 =	vsel vm1, $0xFFFFFFFF, v53;
	vm1 =	vmmov $0x1f;
	[smem:$0x7F5] =	sst s21  }
0x3f: {  	v55 =	vimm.s32 $0x0;
	s8 =	srdreg.scid;
	s24 =	simm.s32 $0x1300;
	[smem:$0x7F6] =	sst s22;
	[tilespmem:$0x1FF50] =	vst v0;
	v0 =	vsel vm1, $0xFFFFFFFF, v54;
	vm1 =	vmmov $0x3f  }
0x40: {  	v56 =	vimm.s32 $0x0;
	s25 =	simm.s32 $0x1B00;
	s26 =	simm.s32 $0x2300;
	[smem:$0x7F7] =	sst s24;
	[tilespmem:$0x1FF60] =	vst v0;
	v0 =	vsel vm1, $0xFFFFFFFF, v55;
	vm1 =	vmmov $0x7f  }
0x41: {  	v57 =	vimm.s32 $0x0;
	s28 =	simm.s32 $0xB80;
	s29 =	simm.s32 $0x1380;
	[smem:$0x7F8] =	sst s25;
	[tilespmem:$0x1FF70] =	vst v0;
	v0 =	vsel vm1, $0xFFFFFFFF, v56;
	vm1 =	vmmov $0xff  }
0x42: {  	v58 =	vimm.s32 $0x0;
	s30 =	simm.s32 $0x1B80;
	s31 =	simm.s32 $0x2380;
	[smem:$0x7F9] =	sst s26;
	[tilespmem:$0x1FF80] =	vst v0;
	v0 =	vsel vm1, $0xFFFFFFFF, v57;
	vm1 =	vmmov $0x1ff  }
0x43: {  	v59 =	vimm.s32 $0x0;
	s12 =	simm.s32 $0x2400;
	s13 =	simm.s32 $0x0;
	[smem:$0x7FA] =	sst s28;
	[tilespmem:$0x1FF90] =	vst v0;
	v0 =	vsel vm1, $0xFFFFFFFF, v58;
	vm1 =	vmmov $0x3ff  }
0x44: {  	v60 =	vimm.s32 $0x0;
	s4 =	stileid.u32;
	s8 =	sand.u32 $0x1, s8;
	[smem:$0x7FB] =	sst s29;
	[tilespmem:$0x1FFA0] =	vst v0;
	v0 =	vsel vm1, $0xFFFFFFFF, v59;
	vm1 =	vmmov $0x7ff  }
0x45: {  	v61 =	vimm.s32 $0x0;
	[smem:$0x7FC] =	sst s30;
	s9 =	simm.s32 $0x2;
	s10 =	ssub.s32 $0x2, s8;
	[tilespmem:$0x1FFB0] =	vst v0;
	v0 =	vsel vm1, $0xFFFFFFFF, v60;
	vm1 =	vmmov $0xfff  }
0x46: {  	v62 =	vimm.s32 $0x0;
	s23 =	sshll.u32 s4, $0x7;
	s8 =	sshll.u32 s8, $0x6;
	s11 =	sshrl.u32 s10, $0x1;
	[tilespmem:$0x1FFC0] =	vst v0;
	v0 =	vsel vm1, $0xFFFFFFFF, v61;
	vm1 =	vmmov $0x1fff  }
0x47: {  	v63 =	vimm.s32 $0x0;
	[smem:$0x7FD] =	sst s31;
	s8 =	sor.u32 s8, s23;
	s10 =	ssub.s32 s10, s11;
	[tilespmem:$0x1FFD0] =	vst v0;
	v0 =	vsel vm1, $0xFFFFFFFF, v62;
	vm1 =	vmmov $0x3fff  }
0x48: {  	s5 =	sadd.s32 s5, s8;
	s6 =	sadd.s32 s6, s8;
	s7 =	sadd.s32 s7, s8;
	[tilespmem:$0x1FFE0] =	vst v0;
	v0 =	vsel vm1, $0xFFFFFFFF, v63  }
0x49: {  	vm0 =	vmmov $0x1;
	vm15 =	vmmov $0x7fff;
	s11 =	simm.s32 $0x1;
	s8 =	smax.u32 s10, $0x1;
	s10 =	simm.s32 $0x200;
	[tilespmem:$0x1FFF0] =	vst v0  }
.LBB2_1:
0x4a: {  	[tilespmem:s1], [sflag:$0x2] =	stream.linear.gather [hbm4b:s5+s1], $0x200, $0x38;
	[tilespmem:$0x2600] =	vst v63  }
0x4b: {  	_ =	swait.ge [sflag:s9], $0x200  }
0x4c: {  	[sflag:s9] =	ssyncset.done $0x0  }
0x4d: {  	[sflag:s9] =	ssyncadd.s32 $0xFFFFFE00  }
0x4e: {  	[tilespmem:s10], [sflag:$0x2] =	stream.linear.gather [hbm4b:s6+s1], $0x200, $0x38;
	[tilespmem:$0x2600] =	vst v63  }
0x4f: {  	_ =	swait.ge [sflag:s9], $0x200  }
0x50: {  	v0 =	vld [tilespmem:$0x1FF30]  }
0x51: {  	v52 =	vld [tilespmem:$0x1FF40]  }
0x52: {  	v53 =	vld [tilespmem:$0x1FF50]  }
0x53: {  	v54 =	vld [tilespmem:$0x1FF60]  }
0x54: {  	v55 =	vld [tilespmem:$0x1FF70]  }
0x55: {  	v56 =	vld [tilespmem:$0x1FF80]  }
0x56: {  	v57 =	vld [tilespmem:$0x1FF90]  }
0x57: {  	v58 =	vld [tilespmem:$0x1FFA0]  }
0x58: {  	v59 =	vld [tilespmem:$0x1FFB0]  }
0x59: {  	v60 =	vld [tilespmem:$0x1FFC0]  }
0x5a: {  	v61 =	vld [tilespmem:$0x1FFD0]  }
0x5b: {  	v62 =	vld [tilespmem:$0x1FFE0]  }
0x5c: {  	v63 =	vld [tilespmem:$0x1FFF0]  }
0x5d: {  	vm14 =	vnez.u8 v0  }
0x5e: {  	vm1 =	vnez.u8 v52;
	vm2 =	vnez.u8 v53;
	vm3 =	vnez.u8 v54  }
0x5f: {  	vm4 =	vnez.u8 v55;
	vm5 =	vnez.u8 v56;
	vm6 =	vnez.u8 v57  }
0x60: {  	[sflag:s9] =	ssyncset.done $0x0;
	vm7 =	vnez.u8 v58;
	vm8 =	vnez.u8 v59;
	vm9 =	vnez.u8 v60  }
0x61: {  	s14 =	simm.s32 $0x0;
	[sflag:s9] =	ssyncadd.s32 $0xFFFFFE00;
	vm10 =	vnez.u8 v61;
	vm11 =	vnez.u8 v62;
	vm12 =	vnez.u8 v63  }
.LBB2_2:
0x62: {  	s15 =	sshra.s32 s14, $0x2  }
0x63: {  	v1 =	vld [tilespmem:s15+$0x200]  }
0x64: {  	v0 =	vld [tilespmem:s15+$0x0];
	_ =	sdelay $0x3  }
0x65: {  	v2 =	vnsel vm0, $0x0, v1  }
0x66: {  	v9 =	vnsel vm0, $0x0, v0;
	(xrf0) =	vadd.scan.msk.s32 $0xffff, v2  }
0x67: {  	(xrf0) =	vadd.scan.msk.s32 $0xffff, v9;
	_ =	sdelay $0x4  }
0x68: {  	v10, _, _ =	vpop (xrf0)  }
0x69: {  	vm13 =	vcmask $0x308;
	(v2sf) =	vpush v10, $0xF;
	v11, _, _ =	vpop (xrf0)  }
0x6a: {  	v12 =	vsel vm13, $0x0, v1;
	(v2sf) =	vpush v11, $0xF  }
0x6b: {  	(xrf0) =	vadd.scan.msk.s32 $0xffff, v12;
	_ =	sdelay $0x5  }
0x6c: {  	v13 =	vsel vm13, $0x0, v0;
	v14, _, _ =	vpop (xrf0)  }
0x6d: {  	(xrf0) =	vadd.scan.msk.s32 $0xffff, v13;
	(v2sf) =	vpush v14, $0xF;
	_ =	sdelay $0x5  }
0x6e: {  	v15, _, _ =	vpop (xrf0);
	s16 =	spop (v2sf)  }
0x6f: {  	s16 =	sshll.u32 s16, $0x4;
	s23 =	spop (v2sf);
	(v2sf) =	vpush v15, $0xF  }
0x70: {  	s16 =	sand.u32 $0x1FFFFFF0, s16  }
0x71: {  	s17 =	rddreg [dreg:$0x5];
	s18 =	sadd.s32 s2, s16  }
0x72: {  	vm13 =	vcmask $0x70C;
	[tilespmem:s17], [sflag:$0x1] =	stream.linear.gather [hbm4b:s18+s1], $0x80, $0x38;
	[tilespmem:$0x2600] =	vst v63  }
0x73: {  	v16 =	vsel vm13, $0x0, v1;
	s17 =	sshll.u32 s23, $0x4  }
0x74: {  	(xrf0) =	vadd.scan.msk.s32 $0xffff, v16;
	s17 =	sand.u32 $0x1FFFFFF0, s17  }
0x75: {  	s24 =	rddreg [dreg:$0x6];
	s19 =	sadd.s32 s2, s17  }
0x76: {  	v17 =	vsel vm13, $0x0, v0;
	[tilespmem:s24], [sflag:$0x1] =	stream.linear.gather [hbm4b:s19+s1], $0x80, $0x38;
	[tilespmem:$0x2600] =	vst v63  }
0x77: {  	s25 =	rddreg [dreg:$0x7];
	(xrf0) =	vadd.scan.msk.s32 $0xffff, v17;
	s16 =	sadd.s32 s3, s16;
	s29 =	spop (v2sf)  }
0x78: {  	[tilespmem:s25], [sflag:$0x1] =	stream.linear.gather [hbm4b:s16+s1], $0x80, $0x38;
	[tilespmem:$0x2600] =	vst v63  }
0x79: {  	s16 =	sshll.u32 s29, $0x4  }
0x7a: {  	s26 =	rddreg [dreg:$0x8];
	v18, _, _ =	vpop (xrf0);
	s28 =	sadd.s32 s3, s17;
	s16 =	sand.u32 $0x1FFFFFF0, s16  }
0x7b: {  	(v2sf) =	vpush v18, $0xF;
	[tilespmem:s26], [sflag:$0x1] =	stream.linear.gather [hbm4b:s28+s1], $0x80, $0x38;
	[tilespmem:$0x2600] =	vst v63  }
0x7c: {  	s30 =	rddreg [dreg:$0x9];
	s31 =	sadd.s32 s2, s16  }
0x7d: {  	v19, _, _ =	vpop (xrf0);
	[tilespmem:s30], [sflag:$0x1] =	stream.linear.gather [hbm4b:s31+s1], $0x80, $0x38;
	[tilespmem:$0x2600] =	vst v63  }
0x7e: {  	s19 =	spop (v2sf);
	(v2sf) =	vpush v19, $0xF  }
0x7f: {  	s17 =	sshll.u32 s19, $0x4  }
0x80: {  	s17 =	sand.u32 $0x1FFFFFF0, s17  }
0x81: {  	s20 =	rddreg [dreg:$0xa];
	vm13 =	vcmask $0xB10;
	s21 =	sadd.s32 s2, s17  }
0x82: {  	v20 =	vsel vm13, $0x0, v1;
	[tilespmem:s20], [sflag:$0x1] =	stream.linear.gather [hbm4b:s21+s1], $0x80, $0x38;
	[tilespmem:$0x2600] =	vst v63  }
0x83: {  	s22 =	rddreg [dreg:$0xb];
	(xrf0) =	vadd.scan.msk.s32 $0xffff, v20;
	_ =	sdelay $0x1  }
0x84: {  	v21 =	vsel vm13, $0x0, v0  }
0x85: {  	(xrf0) =	vadd.scan.msk.s32 $0xffff, v21;
	_ =	sdelay $0x2  }
0x86: {  	v22, _, _ =	vpop (xrf0)  }
0x87: {  	s25 =	spop (v2sf);
	(v2sf) =	vpush v22, $0xF;
	_ =	sdelay $0x1  }
0x88: {  	v23, _, _ =	vpop (xrf0)  }
0x89: {  	s29 =	spop (v2sf);
	(v2sf) =	vpush v23, $0xF;
	_ =	sdelay $0x2  }
0x8a: {  	vm13 =	vcmask $0xF14  }
0x8b: {  	v24 =	vsel vm13, $0x0, v1  }
0x8c: {  	(xrf0) =	vadd.scan.msk.s32 $0xffff, v24;
	_ =	sdelay $0x1  }
0x8d: {  	v25 =	vsel vm13, $0x0, v0  }
0x8e: {  	s16 =	sadd.s32 s3, s16;
	(xrf0) =	vadd.scan.msk.s32 $0xffff, v25  }
0x8f: {  	[tilespmem:s22], [sflag:$0x1] =	stream.linear.gather [hbm4b:s16+s1], $0x80, $0x38;
	[tilespmem:$0x2600] =	vst v63  }
0x90: {  	s24 =	sadd.s32 s3, s17;
	s23 =	rddreg [dreg:$0xc];
	s16 =	sshll.u32 s25, $0x4  }
0x91: {  	[tilespmem:s23], [sflag:$0x1] =	stream.linear.gather [hbm4b:s24+s1], $0x80, $0x38;
	v26, _, _ =	vpop (xrf0);
	[tilespmem:$0x2600] =	vst v63  }
0x92: {  	s16 =	sand.u32 $0x1FFFFFF0, s16;
	s23 =	spop (v2sf);
	(v2sf) =	vpush v26, $0xF  }
0x93: {  	s26 =	rddreg [dreg:$0xd];
	s28 =	sadd.s32 s2, s16  }
0x94: {  	[tilespmem:s26], [sflag:$0x1] =	stream.linear.gather [hbm4b:s28+s1], $0x80, $0x38;
	v27, _, _ =	vpop (xrf0);
	[tilespmem:$0x2600] =	vst v63  }
0x95: {  	s26 =	spop (v2sf);
	(v2sf) =	vpush v27, $0xF;
	_ =	sdelay $0x2  }
0x96: {  	vm13 =	vcmask $0x1318  }
0x97: {  	v28 =	vsel vm13, $0x0, v1  }
0x98: {  	(xrf0) =	vadd.scan.msk.s32 $0xffff, v28  }
0x99: {  	s17 =	sshll.u32 s29, $0x4  }
0x9a: {  	v29 =	vsel vm13, $0x0, v0;
	s17 =	sand.u32 $0x1FFFFFF0, s17  }
0x9b: {  	s30 =	rddreg [dreg:$0xe];
	s31 =	sadd.s32 s2, s17;
	(xrf0) =	vadd.scan.msk.s32 $0xffff, v29  }
0x9c: {  	[tilespmem:s30], [sflag:$0x1] =	stream.linear.gather [hbm4b:s31+s1], $0x80, $0x38;
	[tilespmem:$0x2600] =	vst v63  }
0x9d: {  	s20 =	rddreg [dreg:$0xf];
	s16 =	sadd.s32 s3, s16  }
0x9e: {  	[tilespmem:s20], [sflag:$0x1] =	stream.linear.gather [hbm4b:s16+s1], $0x80, $0x38;
	v30, _, _ =	vpop (xrf0);
	[tilespmem:$0x2600] =	vst v63  }
0x9f: {  	s19 =	spop (v2sf);
	(v2sf) =	vpush v30, $0xF  }
0xa0: {  	s21 =	rddreg [dreg:$0x10];
	s22 =	sadd.s32 s3, s17  }
0xa1: {  	[tilespmem:s21], [sflag:$0x1] =	stream.linear.gather [hbm4b:s22+s1], $0x80, $0x38;
	v31, _, _ =	vpop (xrf0);
	[tilespmem:$0x2600] =	vst v63  }
0xa2: {  	s22 =	spop (v2sf);
	(v2sf) =	vpush v31, $0xF;
	_ =	sdelay $0x2  }
0xa3: {  	vm13 =	vcmask $0x171C  }
0xa4: {  	v32 =	vsel vm13, $0x0, v1;
	s16 =	sshll.u32 s23, $0x4  }
0xa5: {  	(xrf0) =	vadd.scan.msk.s32 $0xffff, v32;
	s16 =	sand.u32 $0x1FFFFFF0, s16  }
0xa6: {  	s24 =	rddreg [dreg:$0x11];
	s25 =	sadd.s32 s2, s16  }
0xa7: {  	v33 =	vsel vm13, $0x0, v0;
	[tilespmem:s24], [sflag:$0x1] =	stream.linear.gather [hbm4b:s25+s1], $0x80, $0x38;
	[tilespmem:$0x2600] =	vst v63  }
0xa8: {  	(xrf0) =	vadd.scan.msk.s32 $0xffff, v33;
	s17 =	sshll.u32 s26, $0x4  }
0xa9: {  	s17 =	sand.u32 $0x1FFFFFF0, s17  }
0xaa: {  	s28 =	rddreg [dreg:$0x12];
	s29 =	sadd.s32 s2, s17  }
0xab: {  	v34, _, _ =	vpop (xrf0);
	[tilespmem:s28], [sflag:$0x1] =	stream.linear.gather [hbm4b:s29+s1], $0x80, $0x38;
	[tilespmem:$0x2600] =	vst v63  }
0xac: {  	s29 =	spop (v2sf);
	(v2sf) =	vpush v34, $0xF  }
0xad: {  	s30 =	rddreg [dreg:$0x13];
	s16 =	sadd.s32 s3, s16  }
0xae: {  	v35, _, _ =	vpop (xrf0);
	[tilespmem:s30], [sflag:$0x1] =	stream.linear.gather [hbm4b:s16+s1], $0x80, $0x38;
	[tilespmem:$0x2600] =	vst v63  }
0xaf: {  	s16 =	sshll.u32 s19, $0x4;
	s19 =	spop (v2sf);
	(v2sf) =	vpush v35, $0xF  }
0xb0: {  	s31 =	rddreg [dreg:$0x14];
	s18 =	sadd.s32 s3, s17  }
0xb1: {  	vm13 =	vcmask $0x1B20;
	[tilespmem:s31], [sflag:$0x1] =	stream.linear.gather [hbm4b:s18+s1], $0x80, $0x38;
	[tilespmem:$0x2600] =	vst v63  }
0xb2: {  	v36 =	vsel vm13, $0x0, v1;
	s16 =	sand.u32 $0x1FFFFFF0, s16  }
0xb3: {  	s20 =	rddreg [dreg:$0x15];
	(xrf0) =	vadd.scan.msk.s32 $0xffff, v36;
	s21 =	sadd.s32 s2, s16  }
0xb4: {  	[tilespmem:s20], [sflag:$0x1] =	stream.linear.gather [hbm4b:s21+s1], $0x80, $0x38;
	[tilespmem:$0x2600] =	vst v63  }
0xb5: {  	s17 =	sshll.u32 s22, $0x4  }
0xb6: {  	v37 =	vsel vm13, $0x0, v0;
	s17 =	sand.u32 $0x1FFFFFF0, s17  }
0xb7: {  	s23 =	rddreg [dreg:$0x16];
	(xrf0) =	vadd.scan.msk.s32 $0xffff, v37;
	s24 =	sadd.s32 s2, s17  }
0xb8: {  	[tilespmem:s23], [sflag:$0x1] =	stream.linear.gather [hbm4b:s24+s1], $0x80, $0x38;
	[tilespmem:$0x2600] =	vst v63  }
0xb9: {  	s25 =	rddreg [dreg:$0x17];
	s16 =	sadd.s32 s3, s16  }
0xba: {  	v38, _, _ =	vpop (xrf0);
	[tilespmem:s25], [sflag:$0x1] =	stream.linear.gather [hbm4b:s16+s1], $0x80, $0x38;
	[tilespmem:$0x2600] =	vst v63  }
0xbb: {  	s26 =	rddreg [dreg:$0x18];
	s28 =	sadd.s32 s3, s17;
	s25 =	spop (v2sf);
	(v2sf) =	vpush v38, $0xF  }
0xbc: {  	[tilespmem:s26], [sflag:$0x1] =	stream.linear.gather [hbm4b:s28+s1], $0x80, $0x38;
	[tilespmem:$0x2600] =	vst v63  }
0xbd: {  	v39, _, _ =	vpop (xrf0);
	s16 =	sshll.u32 s29, $0x4  }
0xbe: {  	s16 =	sand.u32 $0x1FFFFFF0, s16;
	s29 =	spop (v2sf);
	(v2sf) =	vpush v39, $0xF  }
0xbf: {  	s30 =	rddreg [dreg:$0x19];
	s31 =	sadd.s32 s2, s16  }
0xc0: {  	[tilespmem:s30], [sflag:$0x1] =	stream.linear.gather [hbm4b:s31+s1], $0x80, $0x38;
	[tilespmem:$0x2600] =	vst v63  }
0xc1: {  	vm13 =	vcmask $0x1F24;
	s17 =	sshll.u32 s19, $0x4  }
0xc2: {  	v40 =	vsel vm13, $0x0, v1;
	s17 =	sand.u32 $0x1FFFFFF0, s17  }
0xc3: {  	(xrf0) =	vadd.scan.msk.s32 $0xffff, v40;
	s20 =	rddreg [dreg:$0x1a];
	s21 =	sadd.s32 s2, s17  }
0xc4: {  	v41 =	vsel vm13, $0x0, v0;
	[tilespmem:s20], [sflag:$0x1] =	stream.linear.gather [hbm4b:s21+s1], $0x80, $0x38;
	[tilespmem:$0x2600] =	vst v63  }
0xc5: {  	(xrf0) =	vadd.scan.msk.s32 $0xffff, v41;
	s22 =	rddreg [dreg:$0x1b];
	s16 =	sadd.s32 s3, s16  }
0xc6: {  	[tilespmem:s22], [sflag:$0x1] =	stream.linear.gather [hbm4b:s16+s1], $0x80, $0x38;
	[tilespmem:$0x2600] =	vst v63  }
0xc7: {  	s23 =	rddreg [dreg:$0x1c];
	s24 =	sadd.s32 s3, s17  }
0xc8: {  	[tilespmem:s23], [sflag:$0x1] =	stream.linear.gather [hbm4b:s24+s1], $0x80, $0x38;
	[tilespmem:$0x2600] =	vst v63  }
0xc9: {  	v42, _, _ =	vpop (xrf0);
	s16 =	sshll.u32 s25, $0x4  }
0xca: {  	s16 =	sand.u32 $0x1FFFFFF0, s16;
	s23 =	spop (v2sf);
	(v2sf) =	vpush v42, $0xF  }
0xcb: {  	s26 =	rddreg [dreg:$0x1d];
	s28 =	sadd.s32 s2, s16  }
0xcc: {  	v43, _, _ =	vpop (xrf0);
	[tilespmem:s26], [sflag:$0x1] =	stream.linear.gather [hbm4b:s28+s1], $0x80, $0x38;
	[tilespmem:$0x2600] =	vst v63  }
0xcd: {  	s26 =	spop (v2sf);
	(v2sf) =	vpush v43, $0xF;
	_ =	sdelay $0x2  }
0xce: {  	vm13 =	vcmask $0x2328  }
0xcf: {  	v44 =	vsel vm13, $0x0, v1;
	s17 =	sshll.u32 s29, $0x4  }
0xd0: {  	(xrf0) =	vadd.scan.msk.s32 $0xffff, v44;
	s30 =	rddreg [dreg:$0x1e];
	s17 =	sand.u32 $0x1FFFFFF0, s17  }
0xd1: {  	s20 =	rddreg [dreg:$0x1f];
	s31 =	sadd.s32 s2, s17  }
0xd2: {  	v45 =	vsel vm13, $0x0, v0;
	[tilespmem:s30], [sflag:$0x1] =	stream.linear.gather [hbm4b:s31+s1], $0x80, $0x38;
	[tilespmem:$0x2600] =	vst v63  }
0xd3: {  	(xrf0) =	vadd.scan.msk.s32 $0xffff, v45;
	s21 =	sld [smem:$0x7D9];
	s16 =	sadd.s32 s3, s16  }
0xd4: {  	[tilespmem:s20], [sflag:$0x1] =	stream.linear.gather [hbm4b:s16+s1], $0x80, $0x38;
	[tilespmem:$0x2600] =	vst v63  }
0xd5: {  	s22 =	sadd.s32 s3, s17  }
0xd6: {  	v46, _, _ =	vpop (xrf0);
	[tilespmem:s21], [sflag:$0x1] =	stream.linear.gather [hbm4b:s22+s1], $0x80, $0x38;
	[tilespmem:$0x2600] =	vst v63  }
0xd7: {  	s19 =	spop (v2sf);
	(v2sf) =	vpush v46, $0xF  }
0xd8: {  	s24 =	sld [smem:$0x7DA];
	s16 =	sshll.u32 s23, $0x4  }
0xd9: {  	v47, _, _ =	vpop (xrf0);
	s16 =	sand.u32 $0x1FFFFFF0, s16  }
0xda: {  	s25 =	sadd.s32 s2, s16;
	s22 =	spop (v2sf);
	(v2sf) =	vpush v47, $0xF  }
0xdb: {  	[tilespmem:s24], [sflag:$0x1] =	stream.linear.gather [hbm4b:s25+s1], $0x80, $0x38;
	[tilespmem:$0x2600] =	vst v63  }
0xdc: {  	vm13 =	vcmask $0x272C;
	s28 =	sld [smem:$0x7DB];
	s17 =	sshll.u32 s26, $0x4  }
0xdd: {  	v48 =	vsel vm13, $0x0, v1;
	s17 =	sand.u32 $0x1FFFFFF0, s17  }
0xde: {  	(xrf0) =	vadd.scan.msk.s32 $0xffff, v48;
	s30 =	sld [smem:$0x7DC];
	s29 =	sadd.s32 s2, s17  }
0xdf: {  	[tilespmem:s28], [sflag:$0x1] =	stream.linear.gather [hbm4b:s29+s1], $0x80, $0x38;
	[tilespmem:$0x2600] =	vst v63  }
0xe0: {  	s31 =	sld [smem:$0x7DD];
	s16 =	sadd.s32 s3, s16  }
0xe1: {  	v49 =	vsel vm13, $0x0, v0;
	[tilespmem:s30], [sflag:$0x1] =	stream.linear.gather [hbm4b:s16+s1], $0x80, $0x38;
	[tilespmem:$0x2600] =	vst v63  }
0xe2: {  	(xrf0) =	vadd.scan.msk.s32 $0xffff, v49;
	s18 =	sadd.s32 s3, s17  }
0xe3: {  	[tilespmem:s31], [sflag:$0x1] =	stream.linear.gather [hbm4b:s18+s1], $0x80, $0x38;
	[tilespmem:$0x2600] =	vst v63  }
0xe4: {  	s20 =	sld [smem:$0x7DE];
	s16 =	sshll.u32 s19, $0x4  }
0xe5: {  	v50, _, _ =	vpop (xrf0);
	s16 =	sand.u32 $0x1FFFFFF0, s16  }
0xe6: {  	s21 =	sadd.s32 s2, s16;
	s29 =	spop (v2sf);
	(v2sf) =	vpush v50, $0xF  }
0xe7: {  	[tilespmem:s20], [sflag:$0x1] =	stream.linear.gather [hbm4b:s21+s1], $0x80, $0x38;
	[tilespmem:$0x2600] =	vst v63  }
0xe8: {  	v51, _, _ =	vpop (xrf0);
	s23 =	sld [smem:$0x7DF];
	s17 =	sshll.u32 s22, $0x4  }
0xe9: {  	s17 =	sand.u32 $0x1FFFFFF0, s17;
	s19 =	spop (v2sf);
	(v2sf) =	vpush v51, $0xF  }
0xea: {  	s25 =	sld [smem:$0x7E0];
	s24 =	sadd.s32 s2, s17  }
0xeb: {  	[tilespmem:s23], [sflag:$0x1] =	stream.linear.gather [hbm4b:s24+s1], $0x80, $0x38;
	[tilespmem:$0x2600] =	vst v63  }
0xec: {  	vm13 =	vcmask $0x2B30;
	s26 =	sld [smem:$0x7E1];
	s16 =	sadd.s32 s3, s16  }
0xed: {  	v52 =	vsel vm13, $0x0, v1;
	[tilespmem:s25], [sflag:$0x1] =	stream.linear.gather [hbm4b:s16+s1], $0x80, $0x38;
	[tilespmem:$0x2600] =	vst v63  }
0xee: {  	(xrf0) =	vadd.scan.msk.s32 $0xffff, v52;
	s28 =	sadd.s32 s3, s17  }
0xef: {  	[tilespmem:s26], [sflag:$0x1] =	stream.linear.gather [hbm4b:s28+s1], $0x80, $0x38;
	[tilespmem:$0x2600] =	vst v63  }
0xf0: {  	v53 =	vsel vm13, $0x0, v0;
	s30 =	sld [smem:$0x7E2];
	s16 =	sshll.u32 s29, $0x4  }
0xf1: {  	(xrf0) =	vadd.scan.msk.s32 $0xffff, v53;
	s16 =	sand.u32 $0x1FFFFFF0, s16  }
0xf2: {  	s31 =	sadd.s32 s2, s16  }
0xf3: {  	[tilespmem:s30], [sflag:$0x1] =	stream.linear.gather [hbm4b:s31+s1], $0x80, $0x38;
	[tilespmem:$0x2600] =	vst v63  }
0xf4: {  	v54, _, _ =	vpop (xrf0);
	s20 =	sld [smem:$0x7E3];
	s17 =	sshll.u32 s19, $0x4  }
0xf5: {  	s17 =	sand.u32 $0x1FFFFFF0, s17;
	s25 =	spop (v2sf);
	(v2sf) =	vpush v54, $0xF  }
0xf6: {  	s22 =	sld [smem:$0x7E4];
	s21 =	sadd.s32 s2, s17  }
0xf7: {  	v55, _, _ =	vpop (xrf0);
	[tilespmem:s20], [sflag:$0x1] =	stream.linear.gather [hbm4b:s21+s1], $0x80, $0x38;
	[tilespmem:$0x2600] =	vst v63  }
0xf8: {  	s23 =	sld [smem:$0x7E5];
	s16 =	sadd.s32 s3, s16;
	s29 =	spop (v2sf);
	(v2sf) =	vpush v55, $0xF  }
0xf9: {  	[tilespmem:s22], [sflag:$0x1] =	stream.linear.gather [hbm4b:s16+s1], $0x80, $0x38;
	[tilespmem:$0x2600] =	vst v63  }
0xfa: {  	s24 =	sadd.s32 s3, s17  }
0xfb: {  	vm13 =	vcmask $0x2F34;
	[tilespmem:s23], [sflag:$0x1] =	stream.linear.gather [hbm4b:s24+s1], $0x80, $0x38;
	[tilespmem:$0x2600] =	vst v63  }
0xfc: {  	v56 =	vsel vm13, $0x0, v1;
	s26 =	sld [smem:$0x7E6];
	s16 =	sshll.u32 s25, $0x4  }
0xfd: {  	(xrf0) =	vadd.scan.msk.s32 $0xffff, v56;
	s16 =	sand.u32 $0x1FFFFFF0, s16  }
0xfe: {  	s28 =	sadd.s32 s2, s16  }
0xff: {  	v57 =	vsel vm13, $0x0, v0;
	[tilespmem:s26], [sflag:$0x1] =	stream.linear.gather [hbm4b:s28+s1], $0x80, $0x38;
	[tilespmem:$0x2600] =	vst v63  }
0x100: {  	(xrf0) =	vadd.scan.msk.s32 $0xffff, v57;
	s30 =	sld [smem:$0x7E7];
	s17 =	sshll.u32 s29, $0x4  }
0x101: {  	s17 =	sand.u32 $0x1FFFFFF0, s17  }
0x102: {  	s20 =	sld [smem:$0x7E8];
	s31 =	sadd.s32 s2, s17  }
0x103: {  	v58, _, _ =	vpop (xrf0);
	[tilespmem:s30], [sflag:$0x1] =	stream.linear.gather [hbm4b:s31+s1], $0x80, $0x38;
	[tilespmem:$0x2600] =	vst v63  }
0x104: {  	s23 =	spop (v2sf);
	(v2sf) =	vpush v58, $0xF  }
0x105: {  	s21 =	sld [smem:$0x7E9];
	s16 =	sadd.s32 s3, s16  }
0x106: {  	v59, _, _ =	vpop (xrf0);
	[tilespmem:s20], [sflag:$0x1] =	stream.linear.gather [hbm4b:s16+s1], $0x80, $0x38;
	[tilespmem:$0x2600] =	vst v63  }
0x107: {  	s22 =	sadd.s32 s3, s17;
	s26 =	spop (v2sf);
	(v2sf) =	vpush v59, $0xF  }
0x108: {  	[tilespmem:s21], [sflag:$0x1] =	stream.linear.gather [hbm4b:s22+s1], $0x80, $0x38;
	[tilespmem:$0x2600] =	vst v63  }
0x109: {  	vm13 =	vcmask $0x3338;
	s24 =	sld [smem:$0x7EA];
	s16 =	sshll.u32 s23, $0x4  }
0x10a: {  	v60 =	vsel vm13, $0x0, v1;
	s16 =	sand.u32 $0x1FFFFFF0, s16  }
0x10b: {  	(xrf0) =	vadd.scan.msk.s32 $0xffff, v60;
	s25 =	sadd.s32 s2, s16  }
0x10c: {  	[tilespmem:s24], [sflag:$0x1] =	stream.linear.gather [hbm4b:s25+s1], $0x80, $0x38;
	[tilespmem:$0x2600] =	vst v63  }
0x10d: {  	s28 =	sld [smem:$0x7EB];
	s17 =	sshll.u32 s26, $0x4  }
0x10e: {  	v61 =	vsel vm13, $0x0, v0;
	s17 =	sand.u32 $0x1FFFFFF0, s17  }
0x10f: {  	(xrf0) =	vadd.scan.msk.s32 $0xffff, v61;
	s30 =	sld [smem:$0x7EC];
	s29 =	sadd.s32 s2, s17  }
0x110: {  	[tilespmem:s28], [sflag:$0x1] =	stream.linear.gather [hbm4b:s29+s1], $0x80, $0x38;
	[tilespmem:$0x2600] =	vst v63  }
0x111: {  	vm13 =	vcmask $0x373C;
	s31 =	sld [smem:$0x7ED];
	s16 =	sadd.s32 s3, s16  }
0x112: {  	v4 =	vsel vm13, $0x0, v1;
	v62, _, _ =	vpop (xrf0);
	[tilespmem:s30], [sflag:$0x1] =	stream.linear.gather [hbm4b:s16+s1], $0x80, $0x38;
	[tilespmem:$0x2600] =	vst v63  }
0x113: {  	(xrf0) =	vadd.scan.msk.s32 $0xffff, v4;
	s18 =	spop (v2sf);
	(v2sf) =	vpush v62, $0xF  }
0x114: {  	s17 =	sadd.s32 s3, s17  }
0x115: {  	v63, _, _ =	vpop (xrf0);
	[tilespmem:s31], [sflag:$0x1] =	stream.linear.gather [hbm4b:s17+s1], $0x80, $0x38;
	[tilespmem:$0x2600] =	vst v63  }
0x116: {  	s19 =	sld [smem:$0x7EE];
	s16 =	sshll.u32 s18, $0x4;
	s21 =	spop (v2sf);
	(v2sf) =	vpush v63, $0xF  }
0x117: {  	s16 =	sand.u32 $0x1FFFFFF0, s16  }
0x118: {  	s20 =	sadd.s32 s2, s16  }
0x119: {  	v6, _, _ =	vpop (xrf0);
	[tilespmem:s19], [sflag:$0x1] =	stream.linear.gather [hbm4b:s20+s1], $0x80, $0x38;
	[tilespmem:$0x2600] =	vst v63  }
0x11a: {  	v5 =	vsel vm13, $0x0, v0;
	s22 =	sld [smem:$0x7EF];
	s17 =	sshll.u32 s21, $0x4;
	(v2sf) =	vpush v6, $0xF  }
0x11b: {  	v1 =	vsel vm15, $0x0, v1;
	(xrf0) =	vadd.scan.msk.s32 $0xffff, v5;
	s17 =	sand.u32 $0x1FFFFFF0, s17  }
0x11c: {  	(xrf0) =	vadd.scan.msk.s32 $0xffff, v1;
	s20 =	sld [smem:$0x7F0];
	s23 =	sadd.s32 s2, s17  }
0x11d: {  	[tilespmem:s22], [sflag:$0x1] =	stream.linear.gather [hbm4b:s23+s1], $0x80, $0x38;
	[tilespmem:$0x2600] =	vst v63  }
0x11e: {  	s24 =	sld [smem:$0x7F1];
	s16 =	sadd.s32 s3, s16  }
0x11f: {  	[tilespmem:s20], [sflag:$0x1] =	stream.linear.gather [hbm4b:s16+s1], $0x80, $0x38;
	[tilespmem:$0x2600] =	vst v63  }
0x120: {  	s17 =	sadd.s32 s3, s17  }
0x121: {  	[tilespmem:s24], [sflag:$0x1] =	stream.linear.gather [hbm4b:s17+s1], $0x80, $0x38;
	[tilespmem:$0x2600] =	vst v63  }
0x122: {  	v0 =	vsel vm15, $0x0, v0;
	v7, _, _ =	vpop (xrf0);
	s25 =	spop (v2sf)  }
0x123: {  	v1, _, _ =	vpop (xrf0);
	(xrf0) =	vadd.scan.msk.s32 $0xffff, v0;
	s26 =	sld [smem:$0x7F2];
	(v2sf) =	vpush v7, $0xF;
	s16 =	sshll.u32 s25, $0x4  }
0x124: {  	s16 =	sand.u32 $0x1FFFFFF0, s16  }
0x125: {  	s28 =	sadd.s32 s2, s16;
	s29 =	spop (v2sf)  }
0x126: {  	[tilespmem:s26], [sflag:$0x1] =	stream.linear.gather [hbm4b:s28+s1], $0x80, $0x38;
	[tilespmem:$0x2600] =	vst v63  }
0x127: {  	s30 =	sld [smem:$0x7F3];
	s17 =	sshll.u32 s29, $0x4  }
0x128: {  	(v2sf) =	vpush v1, $0xF;
	s17 =	sand.u32 $0x1FFFFFF0, s17  }
0x129: {  	v0, _, _ =	vpop (xrf0);
	s20 =	sld [smem:$0x7F4];
	s23 =	spop (v2sf);
	s31 =	sadd.s32 s2, s17  }
0x12a: {  	(v2sf) =	vpush v0, $0xF;
	[tilespmem:s30], [sflag:$0x1] =	stream.linear.gather [hbm4b:s31+s1], $0x80, $0x38;
	[tilespmem:$0x2600] =	vst v63  }
0x12b: {  	s21 =	sld [smem:$0x7F5];
	s16 =	sadd.s32 s3, s16  }
0x12c: {  	[tilespmem:s20], [sflag:$0x1] =	stream.linear.gather [hbm4b:s16+s1], $0x80, $0x38;
	[tilespmem:$0x2600] =	vst v63  }
0x12d: {  	s16 =	sshll.u32 s23, $0x4  }
0x12e: {  	s24 =	sld [smem:$0x7F6];
	s22 =	sadd.s32 s3, s17;
	s16 =	sand.u32 $0x1FFFFFF0, s16  }
0x12f: {  	[tilespmem:s21], [sflag:$0x1] =	stream.linear.gather [hbm4b:s22+s1], $0x80, $0x38;
	[tilespmem:$0x2600] =	vst v63  }
0x130: {  	s26 =	sadd.s32 s2, s16  }
0x131: {  	[tilespmem:s24], [sflag:$0x1] =	stream.linear.gather [hbm4b:s26+s1], $0x80, $0x38;
	[tilespmem:$0x2600] =	vst v63  }
0x132: {  	s25 =	spop (v2sf)  }
0x133: {  	s29 =	sld [smem:$0x7F7];
	s28 =	sshll.u32 s25, $0x4  }
0x134: {  	s31 =	sld [smem:$0x7F8];
	s17 =	sand.u32 $0x1FFFFFF0, s28  }
0x135: {  	s23 =	sld [smem:$0x7FA];
	s30 =	sadd.s32 s2, s17  }
0x136: {  	[tilespmem:s29], [sflag:$0x1] =	stream.linear.gather [hbm4b:s30+s1], $0x80, $0x38;
	[tilespmem:$0x2600] =	vst v63  }
0x137: {  	s16 =	sadd.s32 s3, s16;
	s21 =	sld [smem:$0x7F9];
	s22 =	spop (v2sf)  }
0x138: {  	[tilespmem:s31], [sflag:$0x1] =	stream.linear.gather [hbm4b:s16+s1], $0x80, $0x38;
	[tilespmem:$0x2600] =	vst v63  }
0x139: {  	s17 =	sadd.s32 s3, s17;
	s25 =	spop (v2sf);
	s16 =	sshll.u32 s22, $0x4  }
0x13a: {  	[tilespmem:s21], [sflag:$0x1] =	stream.linear.gather [hbm4b:s17+s1], $0x80, $0x38;
	[tilespmem:$0x2600] =	vst v63  }
0x13b: {  	s16 =	sand.u32 $0x1FFFFFF0, s16;
	s17 =	sshll.u32 s25, $0x4  }
0x13c: {  	s26 =	sld [smem:$0x7FB];
	s24 =	sadd.s32 s2, s16;
	s17 =	sand.u32 $0x1FFFFFF0, s17  }
0x13d: {  	[tilespmem:s23], [sflag:$0x1] =	stream.linear.gather [hbm4b:s24+s1], $0x80, $0x38;
	[tilespmem:$0x2600] =	vst v63  }
0x13e: {  	s29 =	sld [smem:$0x7FC];
	s28 =	sadd.s32 s2, s17  }
0x13f: {  	[tilespmem:s26], [sflag:$0x1] =	stream.linear.gather [hbm4b:s28+s1], $0x80, $0x38;
	[tilespmem:$0x2600] =	vst v63  }
0x140: {  	s30 =	sld [smem:$0x7FD];
	s16 =	sadd.s32 s3, s16  }
0x141: {  	[tilespmem:s29], [sflag:$0x1] =	stream.linear.gather [hbm4b:s16+s1], $0x80, $0x38;
	[tilespmem:$0x2600] =	vst v63  }
0x142: {  	s31 =	sadd.s32 s3, s17  }
0x143: {  	[tilespmem:s30], [sflag:$0x1] =	stream.linear.gather [hbm4b:s31+s1], $0x80, $0x38;
	[tilespmem:$0x2600] =	vst v63  }
0x144: {  	_ =	swait.ge [sflag:s11], $0x80  }
0x145: {  	[sflag:s11] =	ssyncset.done $0x0  }
0x146: {  	[sflag:s11] =	ssyncadd.s32 $0xFFFFFF80  }
0x147: {  	_ =	swait.ge [sflag:s11], $0x80  }
0x148: {  	[sflag:s11] =	ssyncset.done $0x0  }
0x149: {  	[sflag:s11] =	ssyncadd.s32 $0xFFFFFF80  }
0x14a: {  	_ =	swait.ge [sflag:s11], $0x80  }
0x14b: {  	[sflag:s11] =	ssyncset.done $0x0  }
0x14c: {  	[sflag:s11] =	ssyncadd.s32 $0xFFFFFF80  }
0x14d: {  	_ =	swait.ge [sflag:s11], $0x80  }
0x14e: {  	[sflag:s11] =	ssyncset.done $0x0  }
0x14f: {  	[sflag:s11] =	ssyncadd.s32 $0xFFFFFF80  }
0x150: {  	_ =	swait.ge [sflag:s11], $0x80  }
0x151: {  	[sflag:s11] =	ssyncset.done $0x0  }
0x152: {  	[sflag:s11] =	ssyncadd.s32 $0xFFFFFF80  }
0x153: {  	_ =	swait.ge [sflag:s11], $0x80  }
0x154: {  	[sflag:s11] =	ssyncset.done $0x0  }
0x155: {  	[sflag:s11] =	ssyncadd.s32 $0xFFFFFF80  }
0x156: {  	_ =	swait.ge [sflag:s11], $0x80  }
0x157: {  	[sflag:s11] =	ssyncset.done $0x0  }
0x158: {  	[sflag:s11] =	ssyncadd.s32 $0xFFFFFF80  }
0x159: {  	_ =	swait.ge [sflag:s11], $0x80  }
0x15a: {  	[sflag:s11] =	ssyncset.done $0x0  }
0x15b: {  	[sflag:s11] =	ssyncadd.s32 $0xFFFFFF80  }
0x15c: {  	_ =	swait.ge [sflag:s11], $0x80  }
0x15d: {  	[sflag:s11] =	ssyncset.done $0x0  }
0x15e: {  	[sflag:s11] =	ssyncadd.s32 $0xFFFFFF80  }
0x15f: {  	_ =	swait.ge [sflag:s11], $0x80  }
0x160: {  	[sflag:s11] =	ssyncset.done $0x0  }
0x161: {  	[sflag:s11] =	ssyncadd.s32 $0xFFFFFF80  }
0x162: {  	_ =	swait.ge [sflag:s11], $0x80  }
0x163: {  	[sflag:s11] =	ssyncset.done $0x0  }
0x164: {  	[sflag:s11] =	ssyncadd.s32 $0xFFFFFF80  }
0x165: {  	_ =	swait.ge [sflag:s11], $0x80  }
0x166: {  	[sflag:s11] =	ssyncset.done $0x0  }
0x167: {  	[sflag:s11] =	ssyncadd.s32 $0xFFFFFF80  }
0x168: {  	_ =	swait.ge [sflag:s11], $0x80  }
0x169: {  	[sflag:s11] =	ssyncset.done $0x0  }
0x16a: {  	[sflag:s11] =	ssyncadd.s32 $0xFFFFFF80  }
0x16b: {  	_ =	swait.ge [sflag:s11], $0x80  }
0x16c: {  	[sflag:s11] =	ssyncset.done $0x0  }
0x16d: {  	[sflag:s11] =	ssyncadd.s32 $0xFFFFFF80  }
0x16e: {  	_ =	swait.ge [sflag:s11], $0x80  }
0x16f: {  	[sflag:s11] =	ssyncset.done $0x0  }
0x170: {  	[sflag:s11] =	ssyncadd.s32 $0xFFFFFF80  }
0x171: {  	_ =	swait.ge [sflag:s11], $0x80  }
0x172: {  	[sflag:s11] =	ssyncset.done $0x0  }
0x173: {  	[sflag:s11] =	ssyncadd.s32 $0xFFFFFF80  }
0x174: {  	_ =	swait.ge [sflag:s11], $0x80  }
0x175: {  	[sflag:s11] =	ssyncset.done $0x0  }
0x176: {  	[sflag:s11] =	ssyncadd.s32 $0xFFFFFF80  }
0x177: {  	_ =	swait.ge [sflag:s11], $0x80  }
0x178: {  	[sflag:s11] =	ssyncset.done $0x0  }
0x179: {  	[sflag:s11] =	ssyncadd.s32 $0xFFFFFF80  }
0x17a: {  	_ =	swait.ge [sflag:s11], $0x80  }
0x17b: {  	[sflag:s11] =	ssyncset.done $0x0  }
0x17c: {  	[sflag:s11] =	ssyncadd.s32 $0xFFFFFF80  }
0x17d: {  	_ =	swait.ge [sflag:s11], $0x80  }
0x17e: {  	[sflag:s11] =	ssyncset.done $0x0  }
0x17f: {  	[sflag:s11] =	ssyncadd.s32 $0xFFFFFF80  }
0x180: {  	_ =	swait.ge [sflag:s11], $0x80  }
0x181: {  	[sflag:s11] =	ssyncset.done $0x0  }
0x182: {  	[sflag:s11] =	ssyncadd.s32 $0xFFFFFF80  }
0x183: {  	_ =	swait.ge [sflag:s11], $0x80  }
0x184: {  	[sflag:s11] =	ssyncset.done $0x0  }
0x185: {  	[sflag:s11] =	ssyncadd.s32 $0xFFFFFF80  }
0x186: {  	_ =	swait.ge [sflag:s11], $0x80  }
0x187: {  	[sflag:s11] =	ssyncset.done $0x0  }
0x188: {  	[sflag:s11] =	ssyncadd.s32 $0xFFFFFF80  }
0x189: {  	_ =	swait.ge [sflag:s11], $0x80  }
0x18a: {  	[sflag:s11] =	ssyncset.done $0x0  }
0x18b: {  	[sflag:s11] =	ssyncadd.s32 $0xFFFFFF80  }
0x18c: {  	_ =	swait.ge [sflag:s11], $0x80  }
0x18d: {  	[sflag:s11] =	ssyncset.done $0x0  }
0x18e: {  	[sflag:s11] =	ssyncadd.s32 $0xFFFFFF80  }
0x18f: {  	_ =	swait.ge [sflag:s11], $0x80  }
0x190: {  	[sflag:s11] =	ssyncset.done $0x0  }
0x191: {  	[sflag:s11] =	ssyncadd.s32 $0xFFFFFF80  }
0x192: {  	_ =	swait.ge [sflag:s11], $0x80  }
0x193: {  	[sflag:s11] =	ssyncset.done $0x0  }
0x194: {  	[sflag:s11] =	ssyncadd.s32 $0xFFFFFF80  }
0x195: {  	_ =	swait.ge [sflag:s11], $0x80  }
0x196: {  	[sflag:s11] =	ssyncset.done $0x0  }
0x197: {  	[sflag:s11] =	ssyncadd.s32 $0xFFFFFF80  }
0x198: {  	_ =	swait.ge [sflag:s11], $0x80  }
0x199: {  	[sflag:s11] =	ssyncset.done $0x0  }
0x19a: {  	[sflag:s11] =	ssyncadd.s32 $0xFFFFFF80  }
0x19b: {  	_ =	swait.ge [sflag:s11], $0x80  }
0x19c: {  	[sflag:s11] =	ssyncset.done $0x0  }
0x19d: {  	[sflag:s11] =	ssyncadd.s32 $0xFFFFFF80  }
0x19e: {  	_ =	swait.ge [sflag:s11], $0x80  }
0x19f: {  	[sflag:s11] =	ssyncset.done $0x0  }
0x1a0: {  	[sflag:s11] =	ssyncadd.s32 $0xFFFFFF80  }
0x1a1: {  	_ =	swait.ge [sflag:s11], $0x80  }
0x1a2: {  	[sflag:s11] =	ssyncset.done $0x0  }
0x1a3: {  	[sflag:s11] =	ssyncadd.s32 $0xFFFFFF80  }
0x1a4: {  	_ =	swait.ge [sflag:s11], $0x80  }
0x1a5: {  	[sflag:s11] =	ssyncset.done $0x0  }
0x1a6: {  	[sflag:s11] =	ssyncadd.s32 $0xFFFFFF80  }
0x1a7: {  	_ =	swait.ge [sflag:s11], $0x80  }
0x1a8: {  	[sflag:s11] =	ssyncset.done $0x0  }
0x1a9: {  	[sflag:s11] =	ssyncadd.s32 $0xFFFFFF80  }
0x1aa: {  	_ =	swait.ge [sflag:s11], $0x80  }
0x1ab: {  	[sflag:s11] =	ssyncset.done $0x0  }
0x1ac: {  	[sflag:s11] =	ssyncadd.s32 $0xFFFFFF80  }
0x1ad: {  	_ =	swait.ge [sflag:s11], $0x80  }
0x1ae: {  	[sflag:s11] =	ssyncset.done $0x0  }
0x1af: {  	[sflag:s11] =	ssyncadd.s32 $0xFFFFFF80  }
0x1b0: {  	_ =	swait.ge [sflag:s11], $0x80  }
0x1b1: {  	[sflag:s11] =	ssyncset.done $0x0  }
0x1b2: {  	[sflag:s11] =	ssyncadd.s32 $0xFFFFFF80  }
0x1b3: {  	_ =	swait.ge [sflag:s11], $0x80  }
0x1b4: {  	[sflag:s11] =	ssyncset.done $0x0  }
0x1b5: {  	[sflag:s11] =	ssyncadd.s32 $0xFFFFFF80  }
0x1b6: {  	_ =	swait.ge [sflag:s11], $0x80  }
0x1b7: {  	[sflag:s11] =	ssyncset.done $0x0  }
0x1b8: {  	[sflag:s11] =	ssyncadd.s32 $0xFFFFFF80  }
0x1b9: {  	_ =	swait.ge [sflag:s11], $0x80  }
0x1ba: {  	[sflag:s11] =	ssyncset.done $0x0  }
0x1bb: {  	[sflag:s11] =	ssyncadd.s32 $0xFFFFFF80  }
0x1bc: {  	_ =	swait.ge [sflag:s11], $0x80  }
0x1bd: {  	[sflag:s11] =	ssyncset.done $0x0  }
0x1be: {  	[sflag:s11] =	ssyncadd.s32 $0xFFFFFF80  }
0x1bf: {  	_ =	swait.ge [sflag:s11], $0x80  }
0x1c0: {  	[sflag:s11] =	ssyncset.done $0x0  }
0x1c1: {  	[sflag:s11] =	ssyncadd.s32 $0xFFFFFF80  }
0x1c2: {  	_ =	swait.ge [sflag:s11], $0x80  }
0x1c3: {  	[sflag:s11] =	ssyncset.done $0x0  }
0x1c4: {  	[sflag:s11] =	ssyncadd.s32 $0xFFFFFF80  }
0x1c5: {  	_ =	swait.ge [sflag:s11], $0x80  }
0x1c6: {  	[sflag:s11] =	ssyncset.done $0x0  }
0x1c7: {  	[sflag:s11] =	ssyncadd.s32 $0xFFFFFF80  }
0x1c8: {  	_ =	swait.ge [sflag:s11], $0x80  }
0x1c9: {  	[sflag:s11] =	ssyncset.done $0x0  }
0x1ca: {  	[sflag:s11] =	ssyncadd.s32 $0xFFFFFF80  }
0x1cb: {  	_ =	swait.ge [sflag:s11], $0x80  }
0x1cc: {  	[sflag:s11] =	ssyncset.done $0x0  }
0x1cd: {  	[sflag:s11] =	ssyncadd.s32 $0xFFFFFF80  }
0x1ce: {  	_ =	swait.ge [sflag:s11], $0x80  }
0x1cf: {  	[sflag:s11] =	ssyncset.done $0x0  }
0x1d0: {  	[sflag:s11] =	ssyncadd.s32 $0xFFFFFF80  }
0x1d1: {  	_ =	swait.ge [sflag:s11], $0x80  }
0x1d2: {  	[sflag:s11] =	ssyncset.done $0x0  }
0x1d3: {  	[sflag:s11] =	ssyncadd.s32 $0xFFFFFF80  }
0x1d4: {  	_ =	swait.ge [sflag:s11], $0x80  }
0x1d5: {  	[sflag:s11] =	ssyncset.done $0x0  }
0x1d6: {  	[sflag:s11] =	ssyncadd.s32 $0xFFFFFF80  }
0x1d7: {  	_ =	swait.ge [sflag:s11], $0x80  }
0x1d8: {  	[sflag:s11] =	ssyncset.done $0x0  }
0x1d9: {  	[sflag:s11] =	ssyncadd.s32 $0xFFFFFF80  }
0x1da: {  	_ =	swait.ge [sflag:s11], $0x80  }
0x1db: {  	[sflag:s11] =	ssyncset.done $0x0  }
0x1dc: {  	[sflag:s11] =	ssyncadd.s32 $0xFFFFFF80  }
0x1dd: {  	_ =	swait.ge [sflag:s11], $0x80  }
0x1de: {  	[sflag:s11] =	ssyncset.done $0x0  }
0x1df: {  	[sflag:s11] =	ssyncadd.s32 $0xFFFFFF80  }
0x1e0: {  	_ =	swait.ge [sflag:s11], $0x80  }
0x1e1: {  	[sflag:s11] =	ssyncset.done $0x0  }
0x1e2: {  	[sflag:s11] =	ssyncadd.s32 $0xFFFFFF80  }
0x1e3: {  	_ =	swait.ge [sflag:s11], $0x80  }
0x1e4: {  	[sflag:s11] =	ssyncset.done $0x0  }
0x1e5: {  	[sflag:s11] =	ssyncadd.s32 $0xFFFFFF80  }
0x1e6: {  	_ =	swait.ge [sflag:s11], $0x80  }
0x1e7: {  	[sflag:s11] =	ssyncset.done $0x0  }
0x1e8: {  	[sflag:s11] =	ssyncadd.s32 $0xFFFFFF80  }
0x1e9: {  	_ =	swait.ge [sflag:s11], $0x80  }
0x1ea: {  	[sflag:s11] =	ssyncset.done $0x0  }
0x1eb: {  	[sflag:s11] =	ssyncadd.s32 $0xFFFFFF80  }
0x1ec: {  	_ =	swait.ge [sflag:s11], $0x80  }
0x1ed: {  	[sflag:s11] =	ssyncset.done $0x0  }
0x1ee: {  	[sflag:s11] =	ssyncadd.s32 $0xFFFFFF80  }
0x1ef: {  	_ =	swait.ge [sflag:s11], $0x80  }
0x1f0: {  	[sflag:s11] =	ssyncset.done $0x0  }
0x1f1: {  	[sflag:s11] =	ssyncadd.s32 $0xFFFFFF80  }
0x1f2: {  	_ =	swait.ge [sflag:s11], $0x80  }
0x1f3: {  	[sflag:s11] =	ssyncset.done $0x0  }
0x1f4: {  	[sflag:s11] =	ssyncadd.s32 $0xFFFFFF80  }
0x1f5: {  	_ =	swait.ge [sflag:s11], $0x80  }
0x1f6: {  	[sflag:s11] =	ssyncset.done $0x0  }
0x1f7: {  	[sflag:s11] =	ssyncadd.s32 $0xFFFFFF80  }
0x1f8: {  	_ =	swait.ge [sflag:s11], $0x80  }
0x1f9: {  	[sflag:s11] =	ssyncset.done $0x0  }
0x1fa: {  	[sflag:s11] =	ssyncadd.s32 $0xFFFFFF80  }
0x1fb: {  	_ =	swait.ge [sflag:s11], $0x80  }
0x1fc: {  	[sflag:s11] =	ssyncset.done $0x0  }
0x1fd: {  	[sflag:s11] =	ssyncadd.s32 $0xFFFFFF80  }
0x1fe: {  	_ =	swait.ge [sflag:s11], $0x80  }
0x1ff: {  	[sflag:s11] =	ssyncset.done $0x0  }
0x200: {  	[sflag:s11] =	ssyncadd.s32 $0xFFFFFF80  }
0x201: {  	_ =	swait.ge [sflag:s11], $0x80  }
0x202: {  	[sflag:s11] =	ssyncset.done $0x0  }
0x203: {  	[sflag:s11] =	ssyncadd.s32 $0xFFFFFF80  }
0x204: {  	v8 =	vld [tilespmem:$0x1400]  }
0x205: {  	v9 =	vld [tilespmem:$0x1C00];
	_ =	sdelay $0x4  }
0x206: {  	v0 =	vadd.f32 v9, v8;
	_ =	sdelay $0x1  }
0x207: {  	v0 =	vsub.f32 $0.0e+00, v0;
	_ =	sdelay $0x1  }
0x208: {  	v0 =	vmul.f32 $1.442695020e+00, v0;
	_ =	sdelay $0x1  }
0x209: {  	(erf) = vpow2.f32 v0  }
0x20a: {  	v10 =	vld [tilespmem:$0x1410]  }
0x20b: {  	v11 =	vld [tilespmem:$0x1C10];
	_ =	sdelay $0x4  }
0x20c: {  	v0 =	vadd.f32 v11, v10;
	_ =	sdelay $0x1  }
0x20d: {  	v0 =	vsub.f32 $0.0e+00, v0;
	v12 =	vpop (erf)  }
0x20e: {  	v1 =	vadd.f32 $1.000000000e+00, v12  }
0x20f: {  	v0 =	vmul.f32 $1.442695020e+00, v0  }
0x210: {  	(erf) = vrcp.f32 v1  }
0x211: {  	(erf) = vpow2.f32 v0  }
0x212: {  	v13 =	vld [tilespmem:$0x1420]  }
0x213: {  	v14 =	vld [tilespmem:$0x1C20];
	_ =	sdelay $0x4  }
0x214: {  	v0 =	vadd.f32 v14, v13  }
0x215: {  	v15 =	vpop (erf)  }
0x216: {  	v0 =	vsub.f32 $0.0e+00, v0;
	v16 =	vpop (erf)  }
0x217: {  	v2 =	vadd.f32 $1.000000000e+00, v16  }
0x218: {  	v0 =	vmul.f32 $1.442695020e+00, v0  }
0x219: {  	(erf) = vrcp.f32 v2  }
0x21a: {  	(erf) = vpow2.f32 v0  }
0x21b: {  	v17 =	vld [tilespmem:$0x1430]  }
0x21c: {  	v18 =	vld [tilespmem:$0x1C30];
	_ =	sdelay $0x4  }
0x21d: {  	v0 =	vadd.f32 v18, v17  }
0x21e: {  	v19 =	vpop (erf)  }
0x21f: {  	v0 =	vsub.f32 $0.0e+00, v0;
	v3 =	vpop (erf)  }
0x220: {  	v3 =	vadd.f32 $1.000000000e+00, v3  }
0x221: {  	v0 =	vmul.f32 $1.442695020e+00, v0  }
0x222: {  	(erf) = vrcp.f32 v3  }
0x223: {  	(erf) = vpow2.f32 v0  }
0x224: {  	v20 =	vld [tilespmem:$0x1480]  }
0x225: {  	v21 =	vld [tilespmem:$0x1C80];
	_ =	sdelay $0x4  }
0x226: {  	v0 =	vadd.f32 v21, v20  }
0x227: {  	v5 =	vpop (erf)  }
0x228: {  	v0 =	vsub.f32 $0.0e+00, v0;
	v7 =	vpop (erf)  }
0x229: {  	v7 =	vadd.f32 $1.000000000e+00, v7  }
0x22a: {  	v0 =	vmul.f32 $1.442695020e+00, v0  }
0x22b: {  	v4 =	vld [tilespmem:$0x400];
	(erf) = vrcp.f32 v7  }
0x22c: {  	v6 =	vld [tilespmem:$0xC00];
	(erf) = vpow2.f32 v0  }
0x22d: {  	v25 =	vld [tilespmem:$0x1490]  }
0x22e: {  	v27 =	vld [tilespmem:$0x1C90]  }
0x22f: {  	v22 =	vld [tilespmem:$0xC10]  }
0x230: {  	v23 =	vld [tilespmem:$0xC20]  }
0x231: {  	v8 =	vld [tilespmem:$0x410]  }
0x232: {  	v9 =	vld [tilespmem:$0x420]  }
0x233: {  	v0 =	vadd.f32 v27, v25  }
0x234: {  	v24 =	vld [tilespmem:$0x430];
	v4 =	vsub.f32 v4, v6;
	v30 =	vpop (erf)  }
0x235: {  	v10 =	vld [tilespmem:$0xC30];
	v0 =	vsub.f32 $0.0e+00, v0;
	v32 =	vpop (erf)  }
0x236: {  	v1 =	vmul.f32 v15, v4;
	v3 =	vsub.f32 v8, v22;
	v33 =	vadd.f32 $1.000000000e+00, v32  }
0x237: {  	v26 =	vsub.f32 v9, v23;
	v0 =	vmul.f32 $1.442695020e+00, v0  }
0x238: {  	v1 =	vadd.f32 $0.0e+00, v1;
	v2 =	vmul.f32 v19, v3;
	(erf) = vrcp.f32 v33  }
0x239: {  	(erf) = vpow2.f32 v0  }
0x23a: {  	v38 =	vld [tilespmem:$0x14A0];
	v29 =	vsub.f32 v24, v10;
	v1 =	vadd.f32 v2, v1;
	v28 =	vmul.f32 v5, v26  }
0x23b: {  	v39 =	vld [tilespmem:$0x1CA0]  }
0x23c: {  	v1 =	vadd.f32 v28, v1;
	v31 =	vmul.f32 v30, v29;
	_ =	sdelay $0x1  }
0x23d: {  	v1 =	vadd.f32 v31, v1;
	_ =	sdelay $0x1  }
0x23e: {  	(xrf2) =	vadd.scan.msk.f32 $0xffff, v1;
	v1 =	vadd.f32 v39, v38  }
0x23f: {  	v36 =	vpop (erf)  }
0x240: {  	v1 =	vsub.f32 $0.0e+00, v1;
	v37 =	vpop (erf)  }
0x241: {  	v0 =	vadd.f32 $1.000000000e+00, v37  }
0x242: {  	v1 =	vmul.f32 $1.442695020e+00, v1  }
0x243: {  	(erf) = vrcp.f32 v0  }
0x244: {  	(erf) = vpow2.f32 v1  }
0x245: {  	v40 =	vld [tilespmem:$0x14B0]  }
0x246: {  	v41 =	vld [tilespmem:$0x1CB0];
	_ =	sdelay $0x4  }
0x247: {  	v0 =	vadd.f32 v41, v40  }
0x248: {  	v42 =	vpop (erf)  }
0x249: {  	v0 =	vsub.f32 $0.0e+00, v0;
	v43 =	vpop (erf)  }
0x24a: {  	v1 =	vadd.f32 $1.000000000e+00, v43  }
0x24b: {  	v0 =	vmul.f32 $1.442695020e+00, v0  }
0x24c: {  	(erf) = vrcp.f32 v1  }
0x24d: {  	(erf) = vpow2.f32 v0  }
0x24e: {  	v44 =	vld [tilespmem:$0x1500]  }
0x24f: {  	v45 =	vld [tilespmem:$0x1D00];
	_ =	sdelay $0x4  }
0x250: {  	v0 =	vadd.f32 v45, v44  }
0x251: {  	v46 =	vpop (erf)  }
0x252: {  	v0 =	vsub.f32 $0.0e+00, v0;
	v47 =	vpop (erf)  }
0x253: {  	v1 =	vadd.f32 $1.000000000e+00, v47  }
0x254: {  	v0 =	vmul.f32 $1.442695020e+00, v0  }
0x255: {  	(erf) = vrcp.f32 v1  }
0x256: {  	(erf) = vpow2.f32 v0  }
0x257: {  	v48 =	vld [tilespmem:$0x1510]  }
0x258: {  	v49 =	vld [tilespmem:$0x1D10];
	_ =	sdelay $0x4  }
0x259: {  	v0 =	vadd.f32 v49, v48  }
0x25a: {  	v50 =	vpop (erf)  }
0x25b: {  	v0 =	vsub.f32 $0.0e+00, v0;
	v51 =	vpop (erf)  }
0x25c: {  	v1 =	vadd.f32 $1.000000000e+00, v51  }
0x25d: {  	v0 =	vmul.f32 $1.442695020e+00, v0  }
0x25e: {  	(erf) = vrcp.f32 v1  }
0x25f: {  	(erf) = vpow2.f32 v0  }
0x260: {  	v52 =	vld [tilespmem:$0x1520]  }
0x261: {  	v53 =	vld [tilespmem:$0x1D20];
	_ =	sdelay $0x4  }
0x262: {  	v0 =	vadd.f32 v53, v52  }
0x263: {  	v54 =	vpop (erf)  }
0x264: {  	v0 =	vsub.f32 $0.0e+00, v0;
	v55 =	vpop (erf)  }
0x265: {  	v1 =	vadd.f32 $1.000000000e+00, v55  }
0x266: {  	v0 =	vmul.f32 $1.442695020e+00, v0  }
0x267: {  	(erf) = vrcp.f32 v1  }
0x268: {  	(erf) = vpow2.f32 v0  }
0x269: {  	v56 =	vld [tilespmem:$0x1530]  }
0x26a: {  	v57 =	vld [tilespmem:$0x1D30];
	_ =	sdelay $0x4  }
0x26b: {  	v0 =	vadd.f32 v57, v56  }
0x26c: {  	v58 =	vpop (erf)  }
0x26d: {  	v0 =	vsub.f32 $0.0e+00, v0;
	v60 =	vpop (erf)  }
0x26e: {  	v1 =	vadd.f32 $1.000000000e+00, v60  }
0x26f: {  	v0 =	vmul.f32 $1.442695020e+00, v0  }
0x270: {  	(erf) = vrcp.f32 v1  }
0x271: {  	(erf) = vpow2.f32 v0  }
0x272: {  	v61 =	vld [tilespmem:$0x1580]  }
0x273: {  	v62 =	vld [tilespmem:$0x1D80];
	_ =	sdelay $0x4  }
0x274: {  	v0 =	vadd.f32 v62, v61  }
0x275: {  	v63 =	vpop (erf)  }
0x276: {  	v0 =	vsub.f32 $0.0e+00, v0;
	v4 =	vpop (erf)  }
0x277: {  	v1 =	vadd.f32 $1.000000000e+00, v4  }
0x278: {  	v0 =	vmul.f32 $1.442695020e+00, v0  }
0x279: {  	(erf) = vrcp.f32 v1  }
0x27a: {  	(erf) = vpow2.f32 v0  }
0x27b: {  	v6 =	vld [tilespmem:$0x1D90]  }
0x27c: {  	v5 =	vld [tilespmem:$0x1590];
	_ =	sdelay $0x4  }
0x27d: {  	v0 =	vadd.f32 v6, v5  }
0x27e: {  	v7 =	vpop (erf)  }
0x27f: {  	v0 =	vsub.f32 $0.0e+00, v0;
	v8 =	vpop (erf)  }
0x280: {  	v1 =	vadd.f32 $1.000000000e+00, v8  }
0x281: {  	v0 =	vmul.f32 $1.442695020e+00, v0  }
0x282: {  	(erf) = vrcp.f32 v1  }
0x283: {  	(erf) = vpow2.f32 v0  }
0x284: {  	v9 =	vld [tilespmem:$0x15A0]  }
0x285: {  	v10 =	vld [tilespmem:$0x1DA0];
	_ =	sdelay $0x4  }
0x286: {  	v0 =	vadd.f32 v10, v9  }
0x287: {  	v11 =	vpop (erf)  }
0x288: {  	v0 =	vsub.f32 $0.0e+00, v0;
	v12 =	vpop (erf)  }
0x289: {  	v1 =	vadd.f32 $1.000000000e+00, v12  }
0x28a: {  	v0 =	vmul.f32 $1.442695020e+00, v0  }
0x28b: {  	(erf) = vrcp.f32 v1  }
0x28c: {  	(erf) = vpow2.f32 v0  }
0x28d: {  	v13 =	vld [tilespmem:$0x15B0]  }
0x28e: {  	v14 =	vld [tilespmem:$0x1DB0];
	_ =	sdelay $0x4  }
0x28f: {  	v0 =	vadd.f32 v14, v13  }
0x290: {  	v15 =	vpop (erf)  }
0x291: {  	v0 =	vsub.f32 $0.0e+00, v0;
	v16 =	vpop (erf)  }
0x292: {  	v1 =	vadd.f32 $1.000000000e+00, v16  }
0x293: {  	v0 =	vmul.f32 $1.442695020e+00, v0  }
0x294: {  	(erf) = vrcp.f32 v1  }
0x295: {  	(erf) = vpow2.f32 v0  }
0x296: {  	v17 =	vld [tilespmem:$0x1600]  }
0x297: {  	v18 =	vld [tilespmem:$0x1E00];
	_ =	sdelay $0x4  }
0x298: {  	v0 =	vadd.f32 v18, v17  }
0x299: {  	v19 =	vpop (erf)  }
0x29a: {  	v0 =	vsub.f32 $0.0e+00, v0;
	v20 =	vpop (erf)  }
0x29b: {  	v1 =	vadd.f32 $1.000000000e+00, v20  }
0x29c: {  	v0 =	vmul.f32 $1.442695020e+00, v0  }
0x29d: {  	(erf) = vrcp.f32 v1  }
0x29e: {  	(erf) = vpow2.f32 v0  }
0x29f: {  	v22 =	vld [tilespmem:$0x1E10]  }
0x2a0: {  	v21 =	vld [tilespmem:$0x1610];
	_ =	sdelay $0x4  }
0x2a1: {  	v0 =	vadd.f32 v22, v21  }
0x2a2: {  	v23 =	vpop (erf)  }
0x2a3: {  	v0 =	vsub.f32 $0.0e+00, v0;
	v24 =	vpop (erf)  }
0x2a4: {  	v1 =	vadd.f32 $1.000000000e+00, v24  }
0x2a5: {  	v0 =	vmul.f32 $1.442695020e+00, v0  }
0x2a6: {  	(erf) = vrcp.f32 v1  }
0x2a7: {  	(erf) = vpow2.f32 v0  }
0x2a8: {  	v26 =	vld [tilespmem:$0x1E20]  }
0x2a9: {  	v25 =	vld [tilespmem:$0x1620];
	_ =	sdelay $0x4  }
0x2aa: {  	v0 =	vadd.f32 v26, v25  }
0x2ab: {  	v27 =	vpop (erf)  }
0x2ac: {  	v0 =	vsub.f32 $0.0e+00, v0;
	v28 =	vpop (erf)  }
0x2ad: {  	v1 =	vadd.f32 $1.000000000e+00, v28  }
0x2ae: {  	v0 =	vmul.f32 $1.442695020e+00, v0  }
0x2af: {  	(erf) = vrcp.f32 v1  }
0x2b0: {  	(erf) = vpow2.f32 v0  }
0x2b1: {  	v29 =	vld [tilespmem:$0x1630]  }
0x2b2: {  	v30 =	vld [tilespmem:$0x1E30];
	_ =	sdelay $0x2  }
0x2b3: {  	v35 =	vld [tilespmem:$0x480];
	_ =	sdelay $0x1  }
0x2b4: {  	v0 =	vadd.f32 v30, v29  }
0x2b5: {  	v31 =	vpop (erf)  }
0x2b6: {  	v0 =	vsub.f32 $0.0e+00, v0;
	v32 =	vpop (erf)  }
0x2b7: {  	[tilespmem:$0x1FBE0] =	vst v35;
	v1 =	vadd.f32 $1.000000000e+00, v32  }
0x2b8: {  	[tilespmem:$0x1FBF0] =	vst v36;
	v34, _, _ =	vpop (xrf2);
	v0 =	vmul.f32 $1.442695020e+00, v0  }
0x2b9: {  	[tilespmem:$0x1FF20] =	vst v34;
	(erf) = vrcp.f32 v1  }
0x2ba: {  	[tilespmem:$0x1FC00] =	vst v42;
	(erf) = vpow2.f32 v0  }
0x2bb: {  	v33 =	vld [tilespmem:$0x1680];
	[tilespmem:$0x1FC10] =	vst v46  }
0x2bc: {  	v34 =	vld [tilespmem:$0x1E80];
	[tilespmem:$0x1FC30] =	vst v50  }
0x2bd: {  	[tilespmem:$0x1FC20] =	vst v54  }
0x2be: {  	[tilespmem:$0x1FC40] =	vst v58  }
0x2bf: {  	[tilespmem:$0x1FC50] =	vst v63  }
0x2c0: {  	[tilespmem:$0x1FC80] =	vst v7  }
0x2c1: {  	[tilespmem:$0x1FC60] =	vst v11;
	v0 =	vadd.f32 v34, v33  }
0x2c2: {  	[tilespmem:$0x1FC70] =	vst v15;
	v35 =	vpop (erf)  }
0x2c3: {  	[tilespmem:$0x1FC90] =	vst v19;
	v0 =	vsub.f32 $0.0e+00, v0;
	v36 =	vpop (erf)  }
0x2c4: {  	[tilespmem:$0x1FCB0] =	vst v23;
	v1 =	vadd.f32 $1.000000000e+00, v36  }
0x2c5: {  	[tilespmem:$0x1FCA0] =	vst v27;
	v0 =	vmul.f32 $1.442695020e+00, v0  }
0x2c6: {  	[tilespmem:$0x1FCC0] =	vst v31;
	(erf) = vrcp.f32 v1  }
0x2c7: {  	v59 =	vld [tilespmem:$0xC80];
	[tilespmem:$0x1FCE0] =	vst v35;
	(erf) = vpow2.f32 v0  }
0x2c8: {  	v0 =	vld [tilespmem:$0x1690]  }
0x2c9: {  	v37 =	vld [tilespmem:$0x1E90];
	_ =	sdelay $0x4  }
0x2ca: {  	v0 =	vadd.f32 v37, v0  }
0x2cb: {  	v38 =	vpop (erf)  }
0x2cc: {  	v0 =	vsub.f32 $0.0e+00, v0;
	v39 =	vpop (erf)  }
0x2cd: {  	v1 =	vadd.f32 $1.000000000e+00, v39  }
0x2ce: {  	v0 =	vmul.f32 $1.442695020e+00, v0  }
0x2cf: {  	(erf) = vrcp.f32 v1  }
0x2d0: {  	(erf) = vpow2.f32 v0  }
0x2d1: {  	v40 =	vld [tilespmem:$0x16A0]  }
0x2d2: {  	v41 =	vld [tilespmem:$0x1EA0];
	_ =	sdelay $0x4  }
0x2d3: {  	v0 =	vadd.f32 v41, v40  }
0x2d4: {  	v42 =	vpop (erf)  }
0x2d5: {  	v0 =	vsub.f32 $0.0e+00, v0;
	v43 =	vpop (erf)  }
0x2d6: {  	v1 =	vadd.f32 $1.000000000e+00, v43  }
0x2d7: {  	v0 =	vmul.f32 $1.442695020e+00, v0  }
0x2d8: {  	(erf) = vrcp.f32 v1  }
0x2d9: {  	(erf) = vpow2.f32 v0  }
0x2da: {  	v44 =	vld [tilespmem:$0x16B0]  }
0x2db: {  	v45 =	vld [tilespmem:$0x1EB0];
	_ =	sdelay $0x4  }
0x2dc: {  	v0 =	vadd.f32 v45, v44  }
0x2dd: {  	v46 =	vpop (erf)  }
0x2de: {  	v0 =	vsub.f32 $0.0e+00, v0;
	v47 =	vpop (erf)  }
0x2df: {  	v1 =	vadd.f32 $1.000000000e+00, v47  }
0x2e0: {  	v0 =	vmul.f32 $1.442695020e+00, v0  }
0x2e1: {  	(erf) = vrcp.f32 v1  }
0x2e2: {  	(erf) = vpow2.f32 v0  }
0x2e3: {  	v48 =	vld [tilespmem:$0x1700]  }
0x2e4: {  	v49 =	vld [tilespmem:$0x1F00];
	_ =	sdelay $0x4  }
0x2e5: {  	v0 =	vadd.f32 v49, v48  }
0x2e6: {  	v50 =	vpop (erf)  }
0x2e7: {  	v0 =	vsub.f32 $0.0e+00, v0;
	v51 =	vpop (erf)  }
0x2e8: {  	v1 =	vadd.f32 $1.000000000e+00, v51  }
0x2e9: {  	v0 =	vmul.f32 $1.442695020e+00, v0  }
0x2ea: {  	(erf) = vrcp.f32 v1  }
0x2eb: {  	(erf) = vpow2.f32 v0  }
0x2ec: {  	v52 =	vld [tilespmem:$0x1710]  }
0x2ed: {  	v53 =	vld [tilespmem:$0x1F10];
	_ =	sdelay $0x4  }
0x2ee: {  	v0 =	vadd.f32 v53, v52  }
0x2ef: {  	v54 =	vpop (erf)  }
0x2f0: {  	v0 =	vsub.f32 $0.0e+00, v0;
	v55 =	vpop (erf)  }
0x2f1: {  	v1 =	vadd.f32 $1.000000000e+00, v55  }
0x2f2: {  	v0 =	vmul.f32 $1.442695020e+00, v0  }
0x2f3: {  	(erf) = vrcp.f32 v1  }
0x2f4: {  	(erf) = vpow2.f32 v0  }
0x2f5: {  	v56 =	vld [tilespmem:$0x1720]  }
0x2f6: {  	v57 =	vld [tilespmem:$0x1F20];
	_ =	sdelay $0x4  }
0x2f7: {  	v0 =	vadd.f32 v57, v56  }
0x2f8: {  	v58 =	vpop (erf)  }
0x2f9: {  	v0 =	vsub.f32 $0.0e+00, v0;
	v60 =	vpop (erf)  }
0x2fa: {  	v1 =	vadd.f32 $1.000000000e+00, v60  }
0x2fb: {  	v0 =	vmul.f32 $1.442695020e+00, v0  }
0x2fc: {  	(erf) = vrcp.f32 v1  }
0x2fd: {  	(erf) = vpow2.f32 v0  }
0x2fe: {  	v61 =	vld [tilespmem:$0x1730]  }
0x2ff: {  	v62 =	vld [tilespmem:$0x1F30];
	_ =	sdelay $0x4  }
0x300: {  	v0 =	vadd.f32 v62, v61  }
0x301: {  	v63 =	vpop (erf)  }
0x302: {  	v0 =	vsub.f32 $0.0e+00, v0;
	v4 =	vpop (erf)  }
0x303: {  	v1 =	vadd.f32 $1.000000000e+00, v4  }
0x304: {  	v0 =	vmul.f32 $1.442695020e+00, v0  }
0x305: {  	(erf) = vrcp.f32 v1  }
0x306: {  	(erf) = vpow2.f32 v0  }
0x307: {  	v5 =	vld [tilespmem:$0x1780]  }
0x308: {  	v6 =	vld [tilespmem:$0x1F80];
	_ =	sdelay $0x4  }
0x309: {  	v0 =	vadd.f32 v6, v5  }
0x30a: {  	v7 =	vpop (erf)  }
0x30b: {  	v0 =	vsub.f32 $0.0e+00, v0;
	v8 =	vpop (erf)  }
0x30c: {  	v1 =	vadd.f32 $1.000000000e+00, v8  }
0x30d: {  	v0 =	vmul.f32 $1.442695020e+00, v0  }
0x30e: {  	(erf) = vrcp.f32 v1  }
0x30f: {  	(erf) = vpow2.f32 v0  }
0x310: {  	v9 =	vld [tilespmem:$0x1790]  }
0x311: {  	v10 =	vld [tilespmem:$0x1F90];
	_ =	sdelay $0x4  }
0x312: {  	v0 =	vadd.f32 v10, v9  }
0x313: {  	v11 =	vpop (erf)  }
0x314: {  	v0 =	vsub.f32 $0.0e+00, v0;
	v12 =	vpop (erf)  }
0x315: {  	v1 =	vadd.f32 $1.000000000e+00, v12  }
0x316: {  	v0 =	vmul.f32 $1.442695020e+00, v0  }
0x317: {  	(erf) = vrcp.f32 v1  }
0x318: {  	(erf) = vpow2.f32 v0  }
0x319: {  	v13 =	vld [tilespmem:$0x17A0]  }
0x31a: {  	v14 =	vld [tilespmem:$0x1FA0];
	_ =	sdelay $0x4  }
0x31b: {  	v0 =	vadd.f32 v14, v13  }
0x31c: {  	v15 =	vpop (erf)  }
0x31d: {  	v0 =	vsub.f32 $0.0e+00, v0;
	v16 =	vpop (erf)  }
0x31e: {  	v1 =	vadd.f32 $1.000000000e+00, v16  }
0x31f: {  	v0 =	vmul.f32 $1.442695020e+00, v0  }
0x320: {  	(erf) = vrcp.f32 v1  }
0x321: {  	(erf) = vpow2.f32 v0  }
0x322: {  	v17 =	vld [tilespmem:$0x17B0]  }
0x323: {  	v18 =	vld [tilespmem:$0x1FB0];
	_ =	sdelay $0x4  }
0x324: {  	v0 =	vadd.f32 v18, v17  }
0x325: {  	v19 =	vpop (erf)  }
0x326: {  	v0 =	vsub.f32 $0.0e+00, v0;
	v20 =	vpop (erf)  }
0x327: {  	v1 =	vadd.f32 $1.000000000e+00, v20  }
0x328: {  	v0 =	vmul.f32 $1.442695020e+00, v0  }
0x329: {  	(erf) = vrcp.f32 v1  }
0x32a: {  	(erf) = vpow2.f32 v0  }
0x32b: {  	v21 =	vld [tilespmem:$0x1800]  }
0x32c: {  	v22 =	vld [tilespmem:$0x2000];
	_ =	sdelay $0x4  }
0x32d: {  	v0 =	vadd.f32 v22, v21  }
0x32e: {  	v23 =	vpop (erf)  }
0x32f: {  	v0 =	vsub.f32 $0.0e+00, v0;
	v24 =	vpop (erf)  }
0x330: {  	v1 =	vadd.f32 $1.000000000e+00, v24  }
0x331: {  	v0 =	vmul.f32 $1.442695020e+00, v0  }
0x332: {  	(erf) = vrcp.f32 v1  }
0x333: {  	(erf) = vpow2.f32 v0  }
0x334: {  	v25 =	vld [tilespmem:$0x1810]  }
0x335: {  	v26 =	vld [tilespmem:$0x2010];
	_ =	sdelay $0x4  }
0x336: {  	v0 =	vadd.f32 v26, v25  }
0x337: {  	v27 =	vpop (erf)  }
0x338: {  	v0 =	vsub.f32 $0.0e+00, v0;
	v28 =	vpop (erf)  }
0x339: {  	v1 =	vadd.f32 $1.000000000e+00, v28  }
0x33a: {  	v0 =	vmul.f32 $1.442695020e+00, v0  }
0x33b: {  	(erf) = vrcp.f32 v1  }
0x33c: {  	(erf) = vpow2.f32 v0  }
0x33d: {  	v29 =	vld [tilespmem:$0x1820]  }
0x33e: {  	v30 =	vld [tilespmem:$0x2020];
	_ =	sdelay $0x4  }
0x33f: {  	v0 =	vadd.f32 v30, v29  }
0x340: {  	v31 =	vpop (erf)  }
0x341: {  	v0 =	vsub.f32 $0.0e+00, v0;
	v32 =	vpop (erf)  }
0x342: {  	v1 =	vadd.f32 $1.000000000e+00, v32  }
0x343: {  	v0 =	vmul.f32 $1.442695020e+00, v0  }
0x344: {  	(erf) = vrcp.f32 v1  }
0x345: {  	(erf) = vpow2.f32 v0  }
0x346: {  	v33 =	vld [tilespmem:$0x1830]  }
0x347: {  	v34 =	vld [tilespmem:$0x2030];
	_ =	sdelay $0x4  }
0x348: {  	v0 =	vadd.f32 v34, v33  }
0x349: {  	v35 =	vpop (erf)  }
0x34a: {  	v0 =	vsub.f32 $0.0e+00, v0;
	v36 =	vpop (erf)  }
0x34b: {  	v1 =	vadd.f32 $1.000000000e+00, v36  }
0x34c: {  	v0 =	vmul.f32 $1.442695020e+00, v0  }
0x34d: {  	(erf) = vrcp.f32 v1  }
0x34e: {  	(erf) = vpow2.f32 v0  }
0x34f: {  	v37 =	vld [tilespmem:$0x1880]  }
0x350: {  	[tilespmem:$0x1FD10] =	vst v38;
	v38 =	vld [tilespmem:$0x2080];
	_ =	sdelay $0x4  }
0x351: {  	v0 =	vadd.f32 v38, v37  }
0x352: {  	v39 =	vpop (erf)  }
0x353: {  	v0 =	vsub.f32 $0.0e+00, v0;
	v40 =	vpop (erf)  }
0x354: {  	v1 =	vadd.f32 $1.000000000e+00, v40  }
0x355: {  	v0 =	vmul.f32 $1.442695020e+00, v0  }
0x356: {  	(erf) = vrcp.f32 v1  }
0x357: {  	(erf) = vpow2.f32 v0  }
0x358: {  	v41 =	vld [tilespmem:$0x1890]  }
0x359: {  	[tilespmem:$0x1FCD0] =	vst v42;
	v42 =	vld [tilespmem:$0x2090];
	_ =	sdelay $0x4  }
0x35a: {  	v0 =	vadd.f32 v42, v41  }
0x35b: {  	v43 =	vpop (erf)  }
0x35c: {  	v0 =	vsub.f32 $0.0e+00, v0;
	v44 =	vpop (erf)  }
0x35d: {  	v1 =	vadd.f32 $1.000000000e+00, v44  }
0x35e: {  	v0 =	vmul.f32 $1.442695020e+00, v0  }
0x35f: {  	(erf) = vrcp.f32 v1  }
0x360: {  	(erf) = vpow2.f32 v0  }
0x361: {  	v45 =	vld [tilespmem:$0x18A0]  }
0x362: {  	[tilespmem:$0x1FCF0] =	vst v46;
	v46 =	vld [tilespmem:$0x20A0];
	_ =	sdelay $0x4  }
0x363: {  	v0 =	vadd.f32 v46, v45  }
0x364: {  	v47 =	vpop (erf)  }
0x365: {  	v0 =	vsub.f32 $0.0e+00, v0;
	v48 =	vpop (erf)  }
0x366: {  	v1 =	vadd.f32 $1.000000000e+00, v48  }
0x367: {  	v0 =	vmul.f32 $1.442695020e+00, v0  }
0x368: {  	(erf) = vrcp.f32 v1  }
0x369: {  	(erf) = vpow2.f32 v0  }
0x36a: {  	v49 =	vld [tilespmem:$0x18B0]  }
0x36b: {  	[tilespmem:$0x1FD00] =	vst v50;
	v50 =	vld [tilespmem:$0x20B0];
	_ =	sdelay $0x4  }
0x36c: {  	v0 =	vadd.f32 v50, v49  }
0x36d: {  	v51 =	vpop (erf)  }
0x36e: {  	v0 =	vsub.f32 $0.0e+00, v0;
	v52 =	vpop (erf)  }
0x36f: {  	v1 =	vadd.f32 $1.000000000e+00, v52  }
0x370: {  	v0 =	vmul.f32 $1.442695020e+00, v0  }
0x371: {  	(erf) = vrcp.f32 v1  }
0x372: {  	(erf) = vpow2.f32 v0  }
0x373: {  	v53 =	vld [tilespmem:$0x1900]  }
0x374: {  	[tilespmem:$0x1FD40] =	vst v54;
	v54 =	vld [tilespmem:$0x2100];
	_ =	sdelay $0x4  }
0x375: {  	v0 =	vadd.f32 v54, v53  }
0x376: {  	v55 =	vpop (erf)  }
0x377: {  	v0 =	vsub.f32 $0.0e+00, v0;
	v56 =	vpop (erf)  }
0x378: {  	v1 =	vadd.f32 $1.000000000e+00, v56  }
0x379: {  	v0 =	vmul.f32 $1.442695020e+00, v0  }
0x37a: {  	(erf) = vrcp.f32 v1  }
0x37b: {  	(erf) = vpow2.f32 v0  }
0x37c: {  	v57 =	vld [tilespmem:$0x1910]  }
0x37d: {  	[tilespmem:$0x1FD20] =	vst v58;
	v58 =	vld [tilespmem:$0x2110];
	_ =	sdelay $0x4  }
0x37e: {  	v0 =	vadd.f32 v58, v57  }
0x37f: {  	v60 =	vpop (erf)  }
0x380: {  	v0 =	vsub.f32 $0.0e+00, v0;
	v61 =	vpop (erf)  }
0x381: {  	v1 =	vadd.f32 $1.000000000e+00, v61  }
0x382: {  	v0 =	vmul.f32 $1.442695020e+00, v0  }
0x383: {  	(erf) = vrcp.f32 v1  }
0x384: {  	(erf) = vpow2.f32 v0  }
0x385: {  	v62 =	vld [tilespmem:$0x1920]  }
0x386: {  	[tilespmem:$0x1FD30] =	vst v63;
	v63 =	vld [tilespmem:$0x2120];
	_ =	sdelay $0x4  }
0x387: {  	v0 =	vadd.f32 v63, v62  }
0x388: {  	v4 =	vpop (erf)  }
0x389: {  	v0 =	vsub.f32 $0.0e+00, v0;
	v5 =	vpop (erf)  }
0x38a: {  	v1 =	vadd.f32 $1.000000000e+00, v5  }
0x38b: {  	v0 =	vmul.f32 $1.442695020e+00, v0  }
0x38c: {  	(erf) = vrcp.f32 v1  }
0x38d: {  	(erf) = vpow2.f32 v0  }
0x38e: {  	v6 =	vld [tilespmem:$0x1930]  }
0x38f: {  	[tilespmem:$0x1FD60] =	vst v7;
	v7 =	vld [tilespmem:$0x2130];
	_ =	sdelay $0x4  }
0x390: {  	v0 =	vadd.f32 v7, v6  }
0x391: {  	v8 =	vpop (erf)  }
0x392: {  	v0 =	vsub.f32 $0.0e+00, v0;
	v9 =	vpop (erf)  }
0x393: {  	v1 =	vadd.f32 $1.000000000e+00, v9  }
0x394: {  	v0 =	vmul.f32 $1.442695020e+00, v0  }
0x395: {  	(erf) = vrcp.f32 v1  }
0x396: {  	(erf) = vpow2.f32 v0  }
0x397: {  	v10 =	vld [tilespmem:$0x1980]  }
0x398: {  	[tilespmem:$0x1FD80] =	vst v11;
	v11 =	vld [tilespmem:$0x2180];
	_ =	sdelay $0x4  }
0x399: {  	v0 =	vadd.f32 v11, v10  }
0x39a: {  	v12 =	vpop (erf)  }
0x39b: {  	v0 =	vsub.f32 $0.0e+00, v0;
	v13 =	vpop (erf)  }
0x39c: {  	v1 =	vadd.f32 $1.000000000e+00, v13  }
0x39d: {  	v0 =	vmul.f32 $1.442695020e+00, v0  }
0x39e: {  	(erf) = vrcp.f32 v1  }
0x39f: {  	(erf) = vpow2.f32 v0  }
0x3a0: {  	v14 =	vld [tilespmem:$0x1990]  }
0x3a1: {  	[tilespmem:$0x1FD50] =	vst v15;
	v15 =	vld [tilespmem:$0x2190];
	_ =	sdelay $0x4  }
0x3a2: {  	v0 =	vadd.f32 v15, v14  }
0x3a3: {  	v16 =	vpop (erf)  }
0x3a4: {  	v0 =	vsub.f32 $0.0e+00, v0;
	v17 =	vpop (erf)  }
0x3a5: {  	v1 =	vadd.f32 $1.000000000e+00, v17  }
0x3a6: {  	v0 =	vmul.f32 $1.442695020e+00, v0  }
0x3a7: {  	(erf) = vrcp.f32 v1  }
0x3a8: {  	(erf) = vpow2.f32 v0  }
0x3a9: {  	v18 =	vld [tilespmem:$0x19A0]  }
0x3aa: {  	[tilespmem:$0x1FD70] =	vst v19;
	v19 =	vld [tilespmem:$0x21A0];
	_ =	sdelay $0x4  }
0x3ab: {  	v0 =	vadd.f32 v19, v18  }
0x3ac: {  	v20 =	vpop (erf)  }
0x3ad: {  	v0 =	vsub.f32 $0.0e+00, v0;
	v21 =	vpop (erf)  }
0x3ae: {  	v1 =	vadd.f32 $1.000000000e+00, v21  }
0x3af: {  	v0 =	vmul.f32 $1.442695020e+00, v0  }
0x3b0: {  	(erf) = vrcp.f32 v1  }
0x3b1: {  	(erf) = vpow2.f32 v0  }
0x3b2: {  	v22 =	vld [tilespmem:$0x19B0]  }
0x3b3: {  	[tilespmem:$0x1FD90] =	vst v23;
	v23 =	vld [tilespmem:$0x21B0];
	_ =	sdelay $0x4  }
0x3b4: {  	v0 =	vadd.f32 v23, v22  }
0x3b5: {  	v24 =	vpop (erf)  }
0x3b6: {  	v0 =	vsub.f32 $0.0e+00, v0;
	v25 =	vpop (erf)  }
0x3b7: {  	v1 =	vadd.f32 $1.000000000e+00, v25  }
0x3b8: {  	v0 =	vmul.f32 $1.442695020e+00, v0  }
0x3b9: {  	(erf) = vrcp.f32 v1  }
0x3ba: {  	(erf) = vpow2.f32 v0  }
0x3bb: {  	v26 =	vld [tilespmem:$0x1A00]  }
0x3bc: {  	[tilespmem:$0x1FDF0] =	vst v27;
	v27 =	vld [tilespmem:$0x2200];
	_ =	sdelay $0x4  }
0x3bd: {  	v0 =	vadd.f32 v27, v26  }
0x3be: {  	v28 =	vpop (erf)  }
0x3bf: {  	v0 =	vsub.f32 $0.0e+00, v0;
	v29 =	vpop (erf)  }
0x3c0: {  	v1 =	vadd.f32 $1.000000000e+00, v29  }
0x3c1: {  	v0 =	vmul.f32 $1.442695020e+00, v0  }
0x3c2: {  	(erf) = vrcp.f32 v1  }
0x3c3: {  	(erf) = vpow2.f32 v0  }
0x3c4: {  	v30 =	vld [tilespmem:$0x1A10]  }
0x3c5: {  	[tilespmem:$0x1FDA0] =	vst v31;
	v31 =	vld [tilespmem:$0x2210];
	_ =	sdelay $0x4  }
0x3c6: {  	v0 =	vadd.f32 v31, v30  }
0x3c7: {  	v32 =	vpop (erf)  }
0x3c8: {  	v0 =	vsub.f32 $0.0e+00, v0;
	v33 =	vpop (erf)  }
0x3c9: {  	v1 =	vadd.f32 $1.000000000e+00, v33  }
0x3ca: {  	v0 =	vmul.f32 $1.442695020e+00, v0  }
0x3cb: {  	(erf) = vrcp.f32 v1  }
0x3cc: {  	(erf) = vpow2.f32 v0  }
0x3cd: {  	v34 =	vld [tilespmem:$0x1A20]  }
0x3ce: {  	[tilespmem:$0x1FDB0] =	vst v35;
	v35 =	vld [tilespmem:$0x2220];
	_ =	sdelay $0x4  }
0x3cf: {  	v0 =	vadd.f32 v35, v34  }
0x3d0: {  	v36 =	vpop (erf)  }
0x3d1: {  	v0 =	vsub.f32 $0.0e+00, v0;
	v37 =	vpop (erf)  }
0x3d2: {  	v1 =	vadd.f32 $1.000000000e+00, v37  }
0x3d3: {  	v0 =	vmul.f32 $1.442695020e+00, v0  }
0x3d4: {  	(erf) = vrcp.f32 v1  }
0x3d5: {  	(erf) = vpow2.f32 v0  }
0x3d6: {  	v38 =	vld [tilespmem:$0x1A30]  }
0x3d7: {  	[tilespmem:$0x1FDD0] =	vst v39;
	v39 =	vld [tilespmem:$0x2230];
	_ =	sdelay $0x4  }
0x3d8: {  	v0 =	vadd.f32 v39, v38  }
0x3d9: {  	v40 =	vpop (erf)  }
0x3da: {  	v0 =	vsub.f32 $0.0e+00, v0;
	v41 =	vpop (erf)  }
0x3db: {  	v1 =	vadd.f32 $1.000000000e+00, v41  }
0x3dc: {  	v0 =	vmul.f32 $1.442695020e+00, v0  }
0x3dd: {  	(erf) = vrcp.f32 v1  }
0x3de: {  	(erf) = vpow2.f32 v0  }
0x3df: {  	v42 =	vld [tilespmem:$0x1A80]  }
0x3e0: {  	[tilespmem:$0x1FE00] =	vst v43;
	v43 =	vld [tilespmem:$0x2280];
	_ =	sdelay $0x4  }
0x3e1: {  	v0 =	vadd.f32 v43, v42  }
0x3e2: {  	v44 =	vpop (erf)  }
0x3e3: {  	v0 =	vsub.f32 $0.0e+00, v0;
	v45 =	vpop (erf)  }
0x3e4: {  	v1 =	vadd.f32 $1.000000000e+00, v45  }
0x3e5: {  	v0 =	vmul.f32 $1.442695020e+00, v0  }
0x3e6: {  	(erf) = vrcp.f32 v1  }
0x3e7: {  	(erf) = vpow2.f32 v0  }
0x3e8: {  	v46 =	vld [tilespmem:$0x1A90]  }
0x3e9: {  	[tilespmem:$0x1FDC0] =	vst v47;
	v47 =	vld [tilespmem:$0x2290];
	_ =	sdelay $0x4  }
0x3ea: {  	v0 =	vadd.f32 v47, v46  }
0x3eb: {  	v48 =	vpop (erf)  }
0x3ec: {  	v0 =	vsub.f32 $0.0e+00, v0;
	v49 =	vpop (erf)  }
0x3ed: {  	v1 =	vadd.f32 $1.000000000e+00, v49  }
0x3ee: {  	v0 =	vmul.f32 $1.442695020e+00, v0  }
0x3ef: {  	v3 =	vld [tilespmem:$0xD00];
	(erf) = vrcp.f32 v1  }
0x3f0: {  	v2 =	vld [tilespmem:$0x2320];
	(erf) = vpow2.f32 v0  }
0x3f1: {  	v50 =	vld [tilespmem:$0x1AA0]  }
0x3f2: {  	[tilespmem:$0x1FDE0] =	vst v51;
	v51 =	vld [tilespmem:$0x22A0]  }
0x3f3: {  	v54 =	vld [tilespmem:$0x1AB0]  }
0x3f4: {  	[tilespmem:$0x1FE10] =	vst v55;
	v55 =	vld [tilespmem:$0x22B0]  }
0x3f5: {  	v58 =	vld [tilespmem:$0x1B10]  }
0x3f6: {  	[tilespmem:$0x1FE70] =	vst v60;
	v60 =	vld [tilespmem:$0x6B0]  }
0x3f7: {  	v61 =	vld [tilespmem:$0x730];
	v0 =	vadd.f32 v51, v50  }
0x3f8: {  	[tilespmem:$0x1FE20] =	vst v4;
	v4 =	vld [tilespmem:$0x500];
	v52 =	vpop (erf)  }
0x3f9: {  	v63 =	vld [tilespmem:$0x630];
	v0 =	vsub.f32 $0.0e+00, v0;
	v53 =	vpop (erf)  }
0x3fa: {  	v5 =	vld [tilespmem:$0xC90];
	v1 =	vadd.f32 $1.000000000e+00, v53  }
0x3fb: {  	v6 =	vld [tilespmem:$0xD80];
	v0 =	vmul.f32 $1.442695020e+00, v0  }
0x3fc: {  	v7 =	vld [tilespmem:$0xD90];
	(erf) = vrcp.f32 v1  }
0x3fd: {  	v3 =	vsub.f32 v4, v3;
	v4 =	vld [tilespmem:$0x2380];
	(erf) = vpow2.f32 v0  }
0x3fe: {  	v10 =	vld [tilespmem:$0x490]  }
0x3ff: {  	[tilespmem:$0x1FE30] =	vst v8;
	v8 =	vld [tilespmem:$0xD10]  }
0x400: {  	[tilespmem:$0x1FE40] =	vst v12;
	v12 =	vld [tilespmem:$0x1B00]  }
0x401: {  	v13 =	vld [tilespmem:$0x2300]  }
0x402: {  	v11 =	vld [tilespmem:$0xD20]  }
0x403: {  	v5 =	vsub.f32 v10, v5;
	v10 =	vld [tilespmem:$0x1FC00]  }
0x404: {  	v14 =	vld [tilespmem:$0x4A0];
	v0 =	vadd.f32 v55, v54  }
0x405: {  	v15 =	vld [tilespmem:$0x580];
	v56 =	vpop (erf)  }
0x406: {  	v13 =	vadd.f32 v13, v12;
	v12 =	vld [tilespmem:$0xE00];
	v0 =	vsub.f32 $0.0e+00, v0;
	v57 =	vpop (erf)  }
0x407: {  	[tilespmem:$0x1FE80] =	vst v16;
	v16 =	vld [tilespmem:$0x510];
	v9 =	vadd.f32 $1.000000000e+00, v57  }
0x408: {  	v17 =	vld [tilespmem:$0xCA0];
	v0 =	vmul.f32 $1.442695020e+00, v0  }
0x409: {  	v19 =	vld [tilespmem:$0x4B0];
	(erf) = vrcp.f32 v9  }
0x40a: {  	v18 =	vld [tilespmem:$0xCB0];
	(erf) = vpow2.f32 v0  }
0x40b: {  	[tilespmem:$0x1FE50] =	vst v20;
	v20 =	vld [tilespmem:$0x520]  }
0x40c: {  	v8 =	vsub.f32 v16, v8;
	v16 =	vld [tilespmem:$0x1FC40]  }
0x40d: {  	v14 =	vsub.f32 v14, v17;
	v17 =	vld [tilespmem:$0x1FC10]  }
0x40e: {  	v21 =	vld [tilespmem:$0x680]  }
0x40f: {  	v22 =	vld [tilespmem:$0x600]  }
0x410: {  	v11 =	vsub.f32 v20, v11;
	v20 =	vld [tilespmem:$0x1080]  }
0x411: {  	[tilespmem:$0x1FE60] =	vst v24;
	v24 =	vld [tilespmem:$0xE90]  }
0x412: {  	v25 =	vld [tilespmem:$0xEA0];
	v54 =	vpop (erf)  }
0x413: {  	v13 =	vsub.f32 $0.0e+00, v13;
	v26 =	vld [tilespmem:$0xDA0];
	v23 =	vpop (erf)  }
0x414: {  	v27 =	vld [tilespmem:$0x2310];
	v23 =	vadd.f32 $1.000000000e+00, v23  }
0x415: {  	v13 =	vmul.f32 $1.442695020e+00, v13;
	[tilespmem:$0x1FE90] =	vst v28;
	v28 =	vld [tilespmem:$0x6A0]  }
0x416: {  	v29 =	vld [tilespmem:$0xE10];
	(erf) = vrcp.f32 v23  }
0x417: {  	v31 =	vld [tilespmem:$0x5A0];
	(erf) = vpow2.f32 v13  }
0x418: {  	[tilespmem:$0x1FEC0] =	vst v32;
	v32 =	vld [tilespmem:$0x610]  }
0x419: {  	v30 =	vld [tilespmem:$0x690]  }
0x41a: {  	v33 =	vld [tilespmem:$0x780]  }
0x41b: {  	v35 =	vld [tilespmem:$0x620]  }
0x41c: {  	v34 =	vld [tilespmem:$0xE20]  }
0x41d: {  	v32 =	vsub.f32 v32, v29;
	v29 =	vld [tilespmem:$0x1120]  }
0x41e: {  	[tilespmem:$0x1FEA0] =	vst v36;
	v36 =	vld [tilespmem:$0xD30];
	v23 =	vadd.f32 v27, v58  }
0x41f: {  	v37 =	vld [tilespmem:$0xF00];
	v62 =	vpop (erf)  }
0x420: {  	v41 =	vld [tilespmem:$0x530];
	v23 =	vsub.f32 $0.0e+00, v23;
	v0 =	vpop (erf)  }
0x421: {  	v38 =	vld [tilespmem:$0xDB0];
	v27 =	vadd.f32 $1.000000000e+00, v0  }
0x422: {  	[tilespmem:$0x1FEB0] =	vst v40;
	v40 =	vld [tilespmem:$0x700];
	v23 =	vmul.f32 $1.442695020e+00, v23  }
0x423: {  	v42 =	vld [tilespmem:$0x5B0];
	(erf) = vrcp.f32 v27  }
0x424: {  	v43 =	vld [tilespmem:$0x1B30];
	(erf) = vpow2.f32 v23  }
0x425: {  	v36 =	vsub.f32 v41, v36;
	v41 =	vld [tilespmem:$0x1FC70]  }
0x426: {  	v1 =	vld [tilespmem:$0x1B20]  }
0x427: {  	v46 =	vld [tilespmem:$0xFA0]  }
0x428: {  	[tilespmem:$0x1FF00] =	vst v48;
	v48 =	vld [tilespmem:$0x7A0]  }
0x429: {  	v49 =	vld [tilespmem:$0xF20]  }
0x42a: {  	v51 =	vld [tilespmem:$0xE30]  }
0x42b: {  	v50 =	vld [tilespmem:$0x720];
	v27 =	vadd.f32 v2, v1  }
0x42c: {  	[tilespmem:$0x1FEE0] =	vst v44;
	v44 =	vld [tilespmem:$0x2330];
	v55 =	vpop (erf)  }
0x42d: {  	v45 =	vld [tilespmem:$0xF10];
	v27 =	vsub.f32 $0.0e+00, v27;
	v39 =	vpop (erf)  }
0x42e: {  	v47 =	vld [tilespmem:$0x710];
	v39 =	vadd.f32 $1.000000000e+00, v39  }
0x42f: {  	v48 =	vsub.f32 v48, v46;
	v46 =	vld [tilespmem:$0x1FE30];
	v27 =	vmul.f32 $1.442695020e+00, v27  }
0x430: {  	v63 =	vsub.f32 v63, v51;
	v51 =	vsub.f32 v50, v49;
	v50 =	vld [tilespmem:$0x1FD80];
	(erf) = vrcp.f32 v39  }
0x431: {  	[tilespmem:$0x1FED0] =	vst v52;
	v52 =	vld [tilespmem:$0xEB0];
	(erf) = vpow2.f32 v27  }
0x432: {  	v9 =	vld [tilespmem:$0x590]  }
0x433: {  	v53 =	vld [tilespmem:$0xF30]  }
0x434: {  	v57 =	vld [tilespmem:$0x7B0]  }
0x435: {  	v0 =	vld [tilespmem:$0x1FBE0]  }
0x436: {  	v43 =	vadd.f32 v44, v43;
	v13 =	vld [tilespmem:$0xE80]  }
0x437: {  	v7 =	vsub.f32 v9, v7;
	v2 =	vld [tilespmem:$0x1FBF0]  }
0x438: {  	v9 =	vld [tilespmem:$0x1090]  }
0x439: {  	v42 =	vsub.f32 v42, v38;
	[tilespmem:$0x1FEF0] =	vst v56;
	v7 =	vmul.f32 v41, v7;
	v41 =	vld [tilespmem:$0x1FC90];
	v56 =	vpop (erf)  }
0x43a: {  	v44 =	vsub.f32 $0.0e+00, v43;
	v58 =	vld [tilespmem:$0xFB0];
	v59 =	vsub.f32 v0, v59;
	v43 =	vpop (erf)  }
0x43b: {  	v38 =	vsub.f32 v21, v13;
	v13 =	vld [tilespmem:$0x900];
	v0 =	vadd.f32 $1.000000000e+00, v43  }
0x43c: {  	v21 =	vld [tilespmem:$0x930];
	v1 =	vmul.f32 $1.442695020e+00, v44;
	v2 =	vmul.f32 v2, v59  }
0x43d: {  	[tilespmem:$0x1FF10] =	vst v62;
	v62 =	vld [tilespmem:$0x800];
	(erf) = vrcp.f32 v0  }
0x43e: {  	v23 =	vld [tilespmem:$0xF80];
	v2 =	vadd.f32 $0.0e+00, v2;
	(erf) = vpow2.f32 v1;
	v1 =	vmul.f32 v10, v5  }
0x43f: {  	v39 =	vld [tilespmem:$0x790]  }
0x440: {  	v1 =	vadd.f32 v1, v2;
	v2 =	vmul.f32 v17, v14;
	v17 =	vsub.f32 v19, v18;
	v19 =	vld [tilespmem:$0x1FC30]  }
0x441: {  	v18 =	vld [tilespmem:$0x1FC20]  }
0x442: {  	v10 =	vld [tilespmem:$0x1B80]  }
0x443: {  	v27 =	vld [tilespmem:$0xF90]  }
0x444: {  	v44 =	vld [tilespmem:$0x810]  }
0x445: {  	v59 =	vld [tilespmem:$0x820];
	v1 =	vadd.f32 v2, v1;
	v2 =	vmul.f32 v19, v17  }
0x446: {  	v23 =	vsub.f32 v33, v23;
	v33 =	vld [tilespmem:$0x990];
	v18 =	vmul.f32 v18, v3  }
0x447: {  	v17 =	vadd.f32 v2, v1;
	v1 =	vadd.f32 v4, v10;
	v10 =	vld [tilespmem:$0x1FC50]  }
0x448: {  	v8 =	vmul.f32 v16, v8;
	v27 =	vsub.f32 v39, v27;
	v39 =	vld [tilespmem:$0x1200];
	v16 =	vadd.f32 $0.0e+00, v18  }
0x449: {  	v0 =	vld [tilespmem:$0x1010]  }
0x44a: {  	v2 =	vadd.f32 v8, v16;
	v16 =	vld [tilespmem:$0x1FC60]  }
0x44b: {  	v5 =	vld [tilespmem:$0x1020]  }
0x44c: {  	v43 =	vld [tilespmem:$0x1000];
	v4 =	vmul.f32 v10, v11  }
0x44d: {  	v6 =	vsub.f32 v15, v6;
	v14 =	vld [tilespmem:$0x830];
	v19 =	vpop (erf)  }
0x44e: {  	v0 =	vsub.f32 v44, v0;
	v44 =	vld [tilespmem:$0xA10];
	v15 =	vpop (erf);
	v2 =	vadd.f32 v4, v2  }
0x44f: {  	v4 =	vmul.f32 v16, v6;
	v6 =	vadd.f32 $1.000000000e+00, v15;
	v15 =	vsub.f32 v31, v26;
	v31 =	vld [tilespmem:$0x1FC80]  }
0x450: {  	v5 =	vsub.f32 v59, v5;
	v59 =	vld [tilespmem:$0x23B0]  }
0x451: {  	v3 =	vld [tilespmem:$0x1030];
	v1 =	vsub.f32 $0.0e+00, v1  }
0x452: {  	v18 =	vld [tilespmem:$0x880];
	v4 =	vadd.f32 $0.0e+00, v4  }
0x453: {  	v8 =	vld [tilespmem:$0x890];
	v1 =	vmul.f32 $1.442695020e+00, v1;
	(erf) = vrcp.f32 v6  }
0x454: {  	v11 =	vld [tilespmem:$0x8A0];
	v6 =	vmul.f32 v31, v36;
	v36 =	vadd.f32 v7, v4;
	v4 =	vmul.f32 v41, v15  }
0x455: {  	v10 =	vsub.f32 v22, v12;
	v12 =	vld [tilespmem:$0x10B0]  }
0x456: {  	(erf) = vpow2.f32 v1;
	v1 =	vadd.f32 v4, v36;
	v36 =	vld [tilespmem:$0x1FCB0]  }
0x457: {  	v22 =	vld [tilespmem:$0x1B90]  }
0x458: {  	v16 =	vld [tilespmem:$0x10A0]  }
0x459: {  	v31 =	vld [tilespmem:$0x1FCA0]  }
0x45a: {  	v26 =	vld [tilespmem:$0x8B0]  }
0x45b: {  	v4 =	vmul.f32 v36, v42;
	v42 =	vsub.f32 v35, v34;
	v35 =	vld [tilespmem:$0x1FCD0]  }
0x45c: {  	v8 =	vsub.f32 v8, v9;
	v9 =	vld [tilespmem:$0x1220]  }
0x45d: {  	v41 =	vld [tilespmem:$0x1FCC0]  }
0x45e: {  	v11 =	vsub.f32 v11, v16;
	v16 =	vld [tilespmem:$0x1230];
	v15 =	vadd.f32 v6, v2;
	v2 =	vmul.f32 v31, v10  }
0x45f: {  	v10 =	vld [tilespmem:$0x2390]  }
0x460: {  	v34 =	vadd.f32 $0.0e+00, v2;
	v2 =	vadd.f32 v4, v1;
	v1 =	vmul.f32 v35, v38;
	v38 =	vld [tilespmem:$0x1FCE0]  }
0x461: {  	v31 =	vld [tilespmem:$0x1100]  }
0x462: {  	v6 =	vmul.f32 v41, v32;
	v41 =	vsub.f32 v28, v25;
	v25 =	vld [tilespmem:$0x1110]  }
0x463: {  	v36 =	vsub.f32 v30, v24;
	v24 =	vld [tilespmem:$0x910]  }
0x464: {  	v6 =	vadd.f32 v6, v34;
	v34 =	vld [tilespmem:$0x1130]  }
0x465: {  	v7 =	vmul.f32 v38, v42;
	v42 =	vld [tilespmem:$0x1FCF0]  }
0x466: {  	v10 =	vadd.f32 v10, v22;
	v22 =	vld [tilespmem:$0x920]  }
0x467: {  	v35 =	vld [tilespmem:$0x1FD00]  }
0x468: {  	v38 =	vld [tilespmem:$0x1FD10]  }
0x469: {  	v13 =	vsub.f32 v13, v31;
	v31 =	vsub.f32 v24, v25;
	v24 =	vld [tilespmem:$0xA90]  }
0x46a: {  	v4 =	vmul.f32 v42, v36;
	v42 =	vsub.f32 v47, v45;
	v47 =	vld [tilespmem:$0x1FD30]  }
0x46b: {  	v45 =	vsub.f32 v60, v52;
	v52 =	vld [tilespmem:$0x1FD40]  }
0x46c: {  	v60 =	vld [tilespmem:$0x1FD50]  }
0x46d: {  	v1 =	vadd.f32 $0.0e+00, v1;
	v6 =	vadd.f32 v7, v6;
	v7 =	vpop (erf);
	v28 =	vmul.f32 v38, v63;
	v63 =	vld [tilespmem:$0x23A0]  }
0x46e: {  	v36 =	vpop (erf);
	v38 =	vld [tilespmem:$0xA00]  }
0x46f: {  	v30 =	vadd.f32 $1.000000000e+00, v36;
	v1 =	vadd.f32 v4, v1;
	v4 =	vmul.f32 v35, v41;
	v35 =	vld [tilespmem:$0x980]  }
0x470: {  	v10 =	vsub.f32 $0.0e+00, v10;
	v41 =	vld [tilespmem:$0x1FD20]  }
0x471: {  	v37 =	vsub.f32 v40, v37;
	(erf) = vrcp.f32 v30;
	v30 =	vld [tilespmem:$0x1180]  }
0x472: {  	v40 =	vmul.f32 $1.442695020e+00, v10;
	v1 =	vadd.f32 v4, v1;
	v4 =	vmul.f32 v47, v42;
	v42 =	vld [tilespmem:$0x1FD60]  }
0x473: {  	v36 =	vmul.f32 v52, v45;
	v52 =	vld [tilespmem:$0x1FD90]  }
0x474: {  	(erf) = vpow2.f32 v40;
	v40 =	vld [tilespmem:$0x1190]  }
0x475: {  	v47 =	vld [tilespmem:$0x1FD70]  }
0x476: {  	v10 =	vmul.f32 v41, v37;
	v37 =	vld [tilespmem:$0x1BA0]  }
0x477: {  	v32 =	vmul.f32 v42, v51;
	v42 =	vld [tilespmem:$0x9A0]  }
0x478: {  	v45 =	vsub.f32 v61, v53;
	v53 =	vmul.f32 v52, v48;
	v48 =	vld [tilespmem:$0x1FDA0]  }
0x479: {  	v23 =	vmul.f32 v60, v23;
	v52 =	vld [tilespmem:$0x1FDD0]  }
0x47a: {  	v10 =	vadd.f32 $0.0e+00, v10;
	v51 =	vmul.f32 v50, v45;
	v45 =	vld [tilespmem:$0x1290]  }
0x47b: {  	v23 =	vadd.f32 $0.0e+00, v23;
	v27 =	vmul.f32 v47, v27;
	v47 =	vsub.f32 v35, v30;
	v35 =	vld [tilespmem:$0x1FEA0]  }
0x47c: {  	v10 =	vadd.f32 v4, v10;
	v60 =	vadd.f32 v63, v37;
	v37 =	vld [tilespmem:$0x11B0]  }
0x47d: {  	v63 =	vsub.f32 v57, v58;
	v57 =	vld [tilespmem:$0x1FDE0]  }
0x47e: {  	v23 =	vadd.f32 v27, v23;
	v49 =	vadd.f32 v32, v10;
	v32 =	vld [tilespmem:$0x11A0]  }
0x47f: {  	v10 =	vadd.f32 v36, v1;
	v36 =	vld [tilespmem:$0x9B0]  }
0x480: {  	v4 =	vadd.f32 v28, v6;
	v6 =	vpop (erf);
	v23 =	vadd.f32 v53, v23;
	v53 =	vld [tilespmem:$0x1BB0]  }
0x481: {  	v61 =	vsub.f32 v62, v43;
	v62 =	vpop (erf);
	v28 =	vsub.f32 $0.0e+00, v60;
	v60 =	vld [tilespmem:$0x1FDF0]  }
0x482: {  	v41 =	vadd.f32 $1.000000000e+00, v62;
	v62 =	vld [tilespmem:$0x1FE10]  }
0x483: {  	v1 =	vadd.f32 v51, v49;
	v49 =	vld [tilespmem:$0x1FDB0]  }
0x484: {  	v51 =	vld [tilespmem:$0x1FDC0]  }
0x485: {  	v27 =	vmul.f32 v48, v61;
	v61 =	vld [tilespmem:$0x1FE00]  }
0x486: {  	v5 =	vmul.f32 v52, v5;
	v52 =	vld [tilespmem:$0x1FE50]  }
0x487: {  	v43 =	vsub.f32 v22, v29;
	v22 =	vsub.f32 v24, v45;
	v45 =	vld [tilespmem:$0x1FEE0]  }
0x488: {  	v50 =	vmul.f32 $1.442695020e+00, v28;
	v28 =	vld [tilespmem:$0x1210]  }
0x489: {  	(erf) = vrcp.f32 v41;
	v41 =	vld [tilespmem:$0xA20]  }
0x48a: {  	v8 =	vmul.f32 v57, v8;
	v57 =	vld [tilespmem:$0x1FE70]  }
0x48b: {  	(erf) = vpow2.f32 v50;
	v50 =	vsub.f32 v33, v40;
	v33 =	vld [tilespmem:$0xB10]  }
0x48c: {  	v40 =	vld [tilespmem:$0xB30]  }
0x48d: {  	v32 =	vsub.f32 v42, v32;
	v42 =	vld [tilespmem:$0x1FED0]  }
0x48e: {  	v18 =	vsub.f32 v18, v20;
	v20 =	vmul.f32 v60, v63;
	v63 =	vsub.f32 v26, v12;
	v26 =	vld [tilespmem:$0xAB0]  }
0x48f: {  	v3 =	vsub.f32 v14, v3;
	v14 =	vadd.f32 v59, v53;
	v53 =	vld [tilespmem:$0x1FE60]  }
0x490: {  	v59 =	vld [tilespmem:$0x1300]  }
0x491: {  	v60 =	vld [tilespmem:$0x1FE90]  }
0x492: {  	v11 =	vmul.f32 v62, v11;
	v62 =	vld [tilespmem:$0x1310]  }
0x493: {  	v0 =	vmul.f32 v49, v0;
	v49 =	vld [tilespmem:$0x1FE40]  }
0x494: {  	v27 =	vadd.f32 $0.0e+00, v27;
	v18 =	vmul.f32 v51, v18;
	v51 =	vld [tilespmem:$0x12A0]  }
0x495: {  	v3 =	vmul.f32 v61, v3;
	v61 =	vsub.f32 v38, v39;
	v38 =	vld [tilespmem:$0x1320]  }
0x496: {  	v20 =	vadd.f32 v20, v23;
	v23 =	vmul.f32 v46, v31;
	v46 =	vld [tilespmem:$0xB80];
	v0 =	vadd.f32 v0, v27  }
0x497: {  	v58 =	vadd.f32 $0.0e+00, v18;
	v27 =	vld [tilespmem:$0x1FE20]  }
0x498: {  	v0 =	vadd.f32 v5, v0;
	v5 =	vld [tilespmem:$0xA30];
	v25 =	vpop (erf)  }
0x499: {  	v14 =	vsub.f32 $0.0e+00, v14;
	v8 =	vadd.f32 v8, v58;
	v58 =	vld [tilespmem:$0x1FE80];
	v48 =	vpop (erf)  }
0x49a: {  	v18 =	vmul.f32 v49, v43;
	v49 =	vld [tilespmem:$0x1380];
	v29 =	vadd.f32 $1.000000000e+00, v48  }
0x49b: {  	v21 =	vsub.f32 v21, v34;
	v14 =	vmul.f32 $1.442695020e+00, v14;
	v0 =	vadd.f32 v3, v0;
	v3 =	vld [tilespmem:$0xA80]  }
0x49c: {  	v37 =	vsub.f32 v36, v37;
	v12 =	vmul.f32 v27, v13;
	v13 =	vld [tilespmem:$0x1280];
	(erf) = vrcp.f32 v29  }
0x49d: {  	v43 =	vld [tilespmem:$0x1330];
	v8 =	vadd.f32 v11, v8;
	v11 =	vmul.f32 v57, v63;
	(erf) = vpow2.f32 v14  }
0x49e: {  	v28 =	vsub.f32 v44, v28;
	v27 =	vld [tilespmem:$0xAA0];
	v12 =	vadd.f32 $0.0e+00, v12  }
0x49f: {  	v39 =	vld [tilespmem:$0x1FEB0];
	v9 =	vsub.f32 v41, v9;
	v8 =	vadd.f32 v11, v8  }
0x4a0: {  	v41 =	vld [tilespmem:$0x1FEC0];
	v5 =	vsub.f32 v5, v16;
	v12 =	vadd.f32 v23, v12;
	v23 =	vmul.f32 v52, v47  }
0x4a1: {  	v30 =	vmul.f32 v53, v50;
	v16 =	vsub.f32 v46, v49;
	v47 =	vld [tilespmem:$0x1FEF0];
	v3 =	vsub.f32 v3, v13  }
0x4a2: {  	v14 =	vld [tilespmem:$0xB00];
	v23 =	vadd.f32 $0.0e+00, v23;
	v12 =	vadd.f32 v18, v12;
	v18 =	vmul.f32 v58, v21  }
0x4a3: {  	v31 =	vsub.f32 v40, v43;
	v52 =	vld [tilespmem:$0xB90];
	v48 =	vsub.f32 v27, v51;
	v3 =	vmul.f32 v42, v3  }
0x4a4: {  	v58 =	vld [tilespmem:$0x1390];
	v23 =	vadd.f32 v30, v23;
	v30 =	vmul.f32 v60, v32;
	v11 =	vadd.f32 v18, v12  }
0x4a5: {  	v9 =	vmul.f32 v45, v9;
	v29 =	vld [tilespmem:$0x12B0];
	v12 =	vsub.f32 v33, v62;
	v3 =	vadd.f32 $0.0e+00, v3;
	v44 =	vpop (erf)  }
0x4a6: {  	(xrf2) =	vadd.scan.msk.f32 $0xffff, v17;
	v51 =	vld [tilespmem:$0x1FF00];
	v17 =	vmul.f32 v47, v22;
	v63 =	vadd.f32 v30, v23;
	v23 =	vmul.f32 v35, v61;
	v50 =	vpop (erf)  }
0x4a7: {  	(xrf2) =	vadd.scan.msk.f32 $0xffff, v15;
	v28 =	vmul.f32 v39, v28;
	v14 =	vsub.f32 v14, v59;
	v30 =	vld [tilespmem:$0xB20];
	v53 =	vadd.f32 $1.000000000e+00, v50  }
0x4a8: {  	v32 =	vmul.f32 v41, v37;
	v60 =	vld [tilespmem:$0xBA0];
	v3 =	vadd.f32 v17, v3;
	v23 =	vadd.f32 $0.0e+00, v23  }
0x4a9: {  	(xrf2) =	vadd.scan.msk.f32 $0xffff, v2;
	v62 =	vld [tilespmem:$0x13A0];
	v61 =	vmul.f32 v55, v14;
	v15 =	vsub.f32 v52, v58;
	(erf) = vrcp.f32 v53  }
0x4aa: {  	(xrf2) =	vadd.scan.msk.f32 $0xffff, v4;
	v6 =	vmul.f32 v6, v16;
	v59 =	vadd.f32 v32, v63;
	v23 =	vadd.f32 v28, v23;
	v28 =	vld [tilespmem:$0x1FF10]  }
0x4ab: {  	(xrf2) =	vadd.scan.msk.f32 $0xffff, v10;
	v27 =	vld [tilespmem:$0x13B0];
	v57 =	vmul.f32 v54, v48;
	v63 =	vsub.f32 v26, v29;
	v4 =	vadd.f32 $0.0e+00, v61  }
0x4ac: {  	(xrf2) =	vadd.scan.msk.f32 $0xffff, v1;
	v22 =	vld [tilespmem:$0xBB0];
	v26 =	vsub.f32 v30, v38;
	v9 =	vadd.f32 v9, v23;
	v23 =	vmul.f32 v56, v12  }
0x4ad: {  	(xrf2) =	vadd.scan.msk.f32 $0xffff, v20;
	v40 =	vld [tilespmem:$0x1FF20];
	v6 =	vadd.f32 $0.0e+00, v6;
	v5 =	vmul.f32 v51, v5;
	v3 =	vadd.f32 v57, v3  }
0x4ae: {  	(xrf2) =	vadd.scan.msk.f32 $0xffff, v0;
	v32 =	vmul.f32 v25, v15;
	v30 =	vmul.f32 v19, v26;
	v29 =	vadd.f32 v23, v4  }
0x4af: {  	(xrf2) =	vadd.scan.msk.f32 $0xffff, v8;
	v5 =	vadd.f32 v5, v9;
	v9 =	vsub.f32 v60, v62;
	v10 =	vmul.f32 v28, v63  }
0x4b0: {  	v34, _, _ =	vpop (xrf2);
	v33 =	vmul.f32 v7, v31;
	(xrf2) =	vadd.scan.msk.f32 $0xffff, v11;
	v36 =	vadd.f32 v32, v6;
	v0 =	vadd.f32 v30, v29  }
0x4b1: {  	v39, _, _ =	vpop (xrf2);
	(xrf2) =	vadd.scan.msk.f32 $0xffff, v59;
	v38 =	vsub.f32 v22, v27;
	v37 =	vmul.f32 v44, v9;
	v3 =	vadd.f32 v10, v3  }
0x4b2: {  	v4 =	vbroadcast v34, $0xF;
	v9 =	vbroadcast v40, $0xF;
	(xrf2) =	vadd.scan.msk.f32 $0xffff, v5;
	v0 =	vadd.f32 v33, v0;
	v41 =	vpop (erf)  }
0x4b3: {  	v43 =	vbroadcast v39, $0xF;
	v42, _, _ =	vpop (xrf2);
	v2 =	vadd.f32 v37, v36;
	(xrf2) =	vadd.scan.msk.f32 $0xffff, v3;
	v1 =	vmul.f32 v41, v38  }
0x4b4: {  	v5 =	vbroadcast v42, $0xF;
	v44, _, _ =	vpop (xrf2);
	v4 =	vsel vm0, v9, v4;
	(xrf2) =	vadd.scan.msk.f32 $0xffff, v0  }
0x4b5: {  	v45, _, _ =	vpop (xrf2);
	v46 =	vbroadcast v44, $0xF;
	v3 =	vsel vm14, v4, v43;
	v1 =	vadd.f32 v1, v2  }
0x4b6: {  	v47, _, _ =	vpop (xrf2);
	v3 =	vsel vm1, v3, v5;
	v0 =	vbroadcast v45, $0xF  }
0x4b7: {  	v48, _, _ =	vpop (xrf2);
	v3 =	vsel vm2, v3, v46;
	v2 =	vbroadcast v47, $0xF;
	(xrf2) =	vadd.scan.msk.f32 $0xffff, v1  }
0x4b8: {  	v49, _, _ =	vpop (xrf2);
	v50 =	vbroadcast v48, $0xF;
	v0 =	vsel vm3, v3, v0  }
0x4b9: {  	v51, _, _ =	vpop (xrf2);
	v0 =	vsel vm4, v0, v2;
	v1 =	vbroadcast v49, $0xF  }
0x4ba: {  	v52, _, _ =	vpop (xrf2);
	v53 =	vbroadcast v51, $0xF;
	v0 =	vsel vm5, v0, v50  }
0x4bb: {  	v54, _, _ =	vpop (xrf2);
	v55 =	vbroadcast v52, $0xF;
	v0 =	vsel vm6, v0, v1  }
0x4bc: {  	v57 =	vbroadcast v54, $0xF;
	v56, _, _ =	vpop (xrf2);
	v0 =	vsel vm7, v0, v53  }
0x4bd: {  	v59 =	vbroadcast v56, $0xF;
	v58, _, _ =	vpop (xrf2);
	v0 =	vsel vm8, v0, v55  }
0x4be: {  	p0 =	sne.s32 s14, $0x7C0;
	v60, _, _ =	vpop (xrf2);
	v61 =	vbroadcast v58, $0xF;
	v0 =	vsel vm9, v0, v57  }
.Ltmp0:
0x4bf: {  	v62 =	vbroadcast v60, $0xF;
	v0 =	vsel vm10, v0, v59;
	(pc) =	sbr.rel @p0 .LBB2_2-.Ltmp0, $4  }
0x4c0: {  	v0 =	vsel vm11, v0, v61  }
0x4c1: {  	v0 =	vsel vm12, v0, v62;
	v63, _, _ =	vpop (xrf2)  }
0x4c2: {  	v0 =	vsel vm15, v0, v63  }
0x4c3: {  	s14 =	sadd.s32 $0x40, s14;
	[tilespmem:s15+$0x2400] =	vst v0  }
0x4c4: {  	s13 =	sadd.s32 $0x1, s13  }
0x4c5: {  	p0 =	sne.s32 s13, s8  }
.Ltmp1:
0x4c6: {  	_ = 	snop;
	(pc) =	sbr.rel @p0 .LBB2_1-.Ltmp1, $4  }
0x4c7: {  	[hbm4b:s7+s1] =	stream.linear.scatter [tilespmem:s12], [sflag:$0x2], $0x200, $0x38;
	[tilespmem:$0x2600] =	vst v63  }
0x4c8: {  	_ =	swait.ge [sflag:s9], $0x200  }
0x4c9: {  	[sflag:s9] =	ssyncset.done $0x0  }
0x4ca: {  	[sflag:s9] =	ssyncadd.s32 $0xFFFFFE00  }
0x4cb: {  	_ =	sfence.sel $0x180000  }
0x4cc: {  	[bflag:$0x0] =	sbarrier.arrive $0xFFFF  }
0x4cd: {  	p0 =	sne.s32 s4, $0x0;
	_ =	strace $0x90000047  }
0x4ce: {  	s0 =	sadd.s32 @!p0 $0x100000, s0;
	[bflag:$0x2] =	sbarrier.arrive $0xFFFF  }
0x4cf: {  	[sflag:s0] =	ssyncadd.tile.s32 @!p0 $0x1;
	_ =	shalt  }
.Lfunc_end2:
_tile_overlayer_lowered:
.L_overlay_start_2:
0x4d0: {  	(tag) =	ssettag $0x2  }
0x4d1: {  	s0 =	rddreg [dreg:$0x0];
	s2 =	stileid.u32  }
0x4d2: {  	s1 =	rddreg [dreg:$0x1];
	p0 =	sne.s32 s2, $0x0  }
0x4d3: {  	s3 =	rddreg [dreg:$0x2];
	[bflag:$0x3] =	sbarrier.arrive $0xFFFF;
	s2 =	simm.s32 @!p0 $0x1C02  }
0x4d4: {  	[timem:s3], [sflag:s2] =	dma.local @!p0 [hbm:s0], s1  }
0x4d5: {  	s0 =	simm.s32 @!p0 $0x2  }
0x4d6: {  	_ =	swait.ge @!p0 [sflag:s0], s1  }
0x4d7: {  	s1 =	ssub.s32 @!p0 $0x0, s1;
	[sflag:s0] =	ssyncset.done @!p0 $0x0  }
0x4d8: {  	[sflag:s0] =	ssyncadd.s32 @!p0 s1  }
0x4d9: {  	[bflag:$0x3] =	sbarrier.arrive $0xFFFF  }
0x4da: {  	_ =	shalt  }

</sc_bundles>
